<compile_context>
chip_gen: v7x
topology: tpu7x:2x2x1
jax: 0.10.2.dev20260603
libtpu: 0.0.44.dev20260713+nightly
codegen_flags: <defaults>
</compile_context>

<pallas_src>
import functools

import jax
import jax.numpy as jnp
from jax import lax
from jax.experimental import pallas as pl
from jax.experimental.pallas import tpu as pltpu
from jax.experimental.pallas import tpu_sc as plsc

N = 10000
E = 320000
D = 128
NC, NS, LANES = 2, 16, 16
CHUNK = 96
NCHUNKS = 6 * ((E // NS // CHUNK + 6) // 6)
EPT = NCHUNKS * CHUNK
EPAD = EPT * NS
NACC = 10240
STRIPE = NACC // NS
DUMMY = N


def _make_agg(with_hist: bool):
    mesh = plsc.VectorSubcoreMesh(
        core_axis_name="c", subcore_axis_name="s",
        num_cores=NC, num_subcores=NS)

    out_type = [jax.ShapeDtypeStruct((NC, NACC, D), jnp.float32)]
    scratch = [
        pltpu.VMEM((6, CHUNK), jnp.int32),
        pltpu.VMEM((6, CHUNK), jnp.int32),
        pltpu.VMEM((3, CHUNK, D), jnp.float32),
        pltpu.VMEM_SHARED((NACC, D), jnp.float32),
        pltpu.SemaphoreType.DMA((3,)),
        pltpu.SemaphoreType.DMA((3,)),
        pltpu.SemaphoreType.DMA((6,)),
    ]
    if with_hist:
        out_type.append(jax.ShapeDtypeStruct((NC, NS, NACC), jnp.float32))
        scratch.append(pltpu.VMEM((NACC,), jnp.float32))

    @functools.partial(
        pl.kernel, out_type=out_type, mesh=mesh, scratch_types=scratch,
        compiler_params=pltpu.CompilerParams(needs_layout_passes=False))
    def agg(tbl, srcs, dsts, zeros, out, *rest):
        if with_hist:
            hist_out, idxs_v, idxd_v, rows_v, acc, sg, ss, si, hist_v = rest
        else:
            idxs_v, idxd_v, rows_v, acc, sg, ss, si = rest
        c = lax.axis_index("c")
        s = lax.axis_index("s")
        stripe = pl.ds(s * STRIPE, STRIPE)

        def fetch_idx(g, q):
            pltpu.async_copy(srcs.at[c, s, g], idxs_v.at[q], si.at[q])
            pltpu.async_copy(dsts.at[c, s, g], idxd_v.at[q], si.at[q])

        def drain_idx(q):
            pltpu.make_async_copy(srcs.at[c, s, 0], idxs_v.at[q],
                                  si.at[q]).wait()
            pltpu.make_async_copy(dsts.at[c, s, 0], idxd_v.at[q],
                                  si.at[q]).wait()

        def start_gather(q, r):
            pltpu.async_copy(tbl.at[idxs_v.at[q]], rows_v.at[r], sg.at[r])

        def wait_gather(r):
            pltpu.make_async_copy(tbl.at[pl.ds(0, CHUNK)], rows_v.at[r],
                                  sg.at[r]).wait()

        def drain_scatter(r):
            pltpu.make_async_copy(tbl.at[pl.ds(0, CHUNK)], rows_v.at[r],
                                  ss.at[r]).wait()

        fetch_idx(0, 0)
        fetch_idx(1, 1)
        fetch_idx(2, 2)
        pltpu.sync_copy(zeros.at[stripe], acc.at[stripe])
        if with_hist:
            zvec = jnp.zeros((LANES,), jnp.float32)

            def hzero(i, carry):
                hist_v[pl.ds(i * LANES, LANES)] = zvec
                return carry

            lax.fori_loop(0, NACC // LANES, hzero, 0)
        drain_idx(0)
        start_gather(0, 0)
        drain_idx(1)
        start_gather(1, 1)
        plsc.subcore_barrier()
        onev = jnp.ones((LANES,), jnp.float32)

        def body(i, carry):
            for j in range(6):
                g = 6 * i + j
                r = j % 3
                wait_gather(r)
                pltpu.async_copy(rows_v.at[r], acc.at[idxd_v.at[j]],
                                 ss.at[r], add=True)

                @pl.when(g >= 1)
                def _():
                    drain_scatter((j + 2) % 3)

                @pl.when(g + 2 < NCHUNKS)
                def _():
                    drain_idx((j + 2) % 6)
                    start_gather((j + 2) % 6, (j + 2) % 3)

                @pl.when(g + 3 < NCHUNKS)
                def _():
                    fetch_idx(g + 3, (j + 3) % 6)

                if with_hist:
                    for k in range(CHUNK // LANES):
                        idx = idxd_v[j, pl.ds(k * LANES, LANES)]
                        plsc.addupdate_scatter(hist_v, [idx], onev)
            return carry

        lax.fori_loop(0, NCHUNKS // 6, body, 0)
        drain_scatter((NCHUNKS - 1) % 3)

        if with_hist:
            pltpu.sync_copy(hist_v, hist_out.at[c, s])
        plsc.subcore_barrier()
        pltpu.sync_copy(acc.at[stripe], out.at[c, stripe])

    return agg


_agg_hist = _make_agg(True)
_agg_plain = _make_agg(False)


ROWS_BLK = 512


def _mm_body(relu, sum_ref, hist_ref, x_ref, wl_ref, wr_ref, b_ref, o_ref):
    cnt = jnp.sum(hist_ref[0], axis=0)[:, None]
    mean = sum_ref[0] / jnp.maximum(cnt, 1.0)
    r = (jnp.dot(mean, wl_ref[0], preferred_element_type=jnp.float32)
         + jnp.dot(x_ref[0], wr_ref[0], preferred_element_type=jnp.float32)
         + b_ref[0])
    o_ref[0] = jnp.maximum(r, 0.0) if relu else r


def _sage_dense(summed, hist, x, wl, wr, b, relu):
    grid = (NC, NACC // ROWS_BLK)
    rowspec = pl.BlockSpec((1, ROWS_BLK, D), lambda t, i: (t, i, 0))
    return pl.pallas_call(
        functools.partial(_mm_body, relu),
        grid=grid,
        in_specs=[rowspec,
                  pl.BlockSpec((1, NS, ROWS_BLK), lambda t, i: (t, 0, i)),
                  rowspec,
                  pl.BlockSpec((1, D, D), lambda t, i: (t, 0, 0)),
                  pl.BlockSpec((1, D, D), lambda t, i: (t, 0, 0)),
                  pl.BlockSpec((1, 1, D), lambda t, i: (t, 0, 0))],
        out_specs=rowspec,
        out_shape=jax.ShapeDtypeStruct((NC, NACC, D), jnp.float32),
    )(summed, hist, x, wl, wr, b)


def _prep_edges(src, dst):
    pad = EPAD - E
    srcp = jnp.concatenate([src.astype(jnp.int32),
                            jnp.zeros((pad,), jnp.int32)])
    dstp = jnp.concatenate([dst.astype(jnp.int32),
                            jnp.full((pad,), DUMMY, jnp.int32)])
    return (srcp.reshape(NS, NCHUNKS, CHUNK), dstp.reshape(NS, NCHUNKS, CHUNK))


def kernel(x_user, x_repo, edge_index_stars, edge_index_rev_stars,
           W1s_l, b1s_l, W1s_r, W1r_l, b1r_l, W1r_r,
           W2s_l, b2s_l, W2s_r, W2r_l, b2r_l, W2r_r):
    src_r, dst_r = _prep_edges(edge_index_rev_stars[0] + NACC,
                               edge_index_rev_stars[1])
    src_s, dst_s = _prep_edges(edge_index_stars[0], edge_index_stars[1])
    srcs = jnp.stack([src_r, src_s])
    dsts = jnp.stack([dst_r, dst_s])

    rowpad = jnp.zeros((NACC - N, D), jnp.float32)
    tbl1 = jnp.concatenate([x_user, rowpad, x_repo, rowpad])
    zeros = jnp.zeros((NACC, D), jnp.float32)

    summed1, hist = _agg_hist(tbl1, srcs, dsts, zeros)
    x_pad = tbl1.reshape(NC, NACC, D)
    wl1 = jnp.stack([W1r_l, W1s_l])
    wr1 = jnp.stack([W1r_r, W1s_r])
    b1 = jnp.stack([b1r_l, b1s_l])[:, None, :]
    h = _sage_dense(summed1, hist, x_pad, wl1, wr1, b1, relu=True)

    tbl2 = h.reshape(NC * NACC, D)
    summed2, = _agg_plain(tbl2, srcs, dsts, zeros)

    wl2 = jnp.stack([W2r_l, W2s_l])
    wr2 = jnp.stack([W2r_r, W2s_r])
    b2 = jnp.stack([b2r_l, b2s_l])[:, None, :]
    out = _sage_dense(summed2, hist, h, wl2, wr2, b2, relu=False)
    return (out[0, :N], out[1, :N])

# --- scband reference (transcript-rebuilt; emitter-appended) ---
"""Pipeline reference for scband-hetero-gnn-64527588655555 (READ-ONLY COPY).

The authoritative reference and input builder live on the scoring server;
editing this copy changes nothing except your own understanding.
"""

import jax, jax.numpy as jnp
import numpy as np

N_USER = 10000
N_REPO = 10000
E = 320000
D_IN = 128
D_HID = 128
D_OUT = 128


def setup_inputs(seed: int = 0) -> dict:
    key = jax.random.key(seed)
    ks = jax.random.split(key, 20)
    inp = {}
    inp['x_user'] = jax.random.normal(ks[0], (N_USER, D_IN), dtype=jnp.float32)
    inp['x_repo'] = jax.random.normal(ks[1], (N_REPO, D_IN), dtype=jnp.float32)
    # row 0 = src indices, row 1 = dst indices
    inp['edge_index_stars'] = jax.random.randint(ks[2], (2, E), 0, N_USER)      # user -> repo
    inp['edge_index_rev_stars'] = jax.random.randint(ks[3], (2, E), 0, N_REPO)  # repo -> user
    s = 0.05
    # conv1, edge type ('user','stars','repo'): SAGEConv(D_IN -> D_HID)
    inp['W1s_l'] = jax.random.normal(ks[4], (D_IN, D_HID), dtype=jnp.float32) * s
    inp['b1s_l'] = jnp.zeros((D_HID,), dtype=jnp.float32)
    inp['W1s_r'] = jax.random.normal(ks[5], (D_IN, D_HID), dtype=jnp.float32) * s
    # conv1, edge type ('repo','rev_stars','user')
    inp['W1r_l'] = jax.random.normal(ks[6], (D_IN, D_HID), dtype=jnp.float32) * s
    inp['b1r_l'] = jnp.zeros((D_HID,), dtype=jnp.float32)
    inp['W1r_r'] = jax.random.normal(ks[7], (D_IN, D_HID), dtype=jnp.float32) * s
    # conv2, edge type ('user','stars','repo'): SAGEConv(D_HID -> D_OUT)
    inp['W2s_l'] = jax.random.normal(ks[8], (D_HID, D_OUT), dtype=jnp.float32) * s
    inp['b2s_l'] = jnp.zeros((D_OUT,), dtype=jnp.float32)
    inp['W2s_r'] = jax.random.normal(ks[9], (D_HID, D_OUT), dtype=jnp.float32) * s
    # conv2, edge type ('repo','rev_stars','user')
    inp['W2r_l'] = jax.random.normal(ks[10], (D_HID, D_OUT), dtype=jnp.float32) * s
    inp['b2r_l'] = jnp.zeros((D_OUT,), dtype=jnp.float32)
    inp['W2r_r'] = jax.random.normal(ks[11], (D_HID, D_OUT), dtype=jnp.float32) * s
    return inp


def _sage(x_src, x_dst, edge_index, W_l, b_l, W_r, n_dst):
    # PyG SAGEConv (bipartite): out = lin_l(mean_{j in N(i)} x_src[j]) + lin_r(x_dst[i])
    src = edge_index[0]
    dst = edge_index[1]
    msg = jnp.take(x_src, src, axis=0)
    summed = jax.ops.segment_sum(msg, dst, num_segments=n_dst)
    cnt = jax.ops.segment_sum(jnp.ones((edge_index.shape[1], 1), dtype=x_src.dtype), dst, num_segments=n_dst)
    mean = summed / jnp.clip(cnt, 1.0)
    return mean @ W_l + b_l + x_dst @ W_r


def reference(x_user, x_repo, edge_index_stars, edge_index_rev_stars,
              W1s_l, b1s_l, W1s_r, W1r_l, b1r_l, W1r_r,
              W2s_l, b2s_l, W2s_r, W2r_l, b2r_l, W2r_r):
    # conv1 (HeteroConv aggr='sum'; each dst type has exactly one edge type)
    h_repo = _sage(x_user, x_repo, edge_index_stars, W1s_l, b1s_l, W1s_r, N_REPO)
    h_user = _sage(x_repo, x_user, edge_index_rev_stars, W1r_l, b1r_l, W1r_r, N_USER)
    h_repo = jax.nn.relu(h_repo)
    h_user = jax.nn.relu(h_user)
    # conv2
    out_repo = _sage(h_user, h_repo, edge_index_stars, W2s_l, b2s_l, W2s_r, N_REPO)
    out_user = _sage(h_repo, h_user, edge_index_rev_stars, W2r_l, b2r_l, W2r_r, N_USER)
    return (out_user, out_repo)

if __name__ == "__main__":
    import jax
    _d = setup_inputs()
    print(jax.jit(kernel)(*tuple(_d.values())))

</pallas_src>

<mosaic_0001>
#map = affine_map<(d0, d1) -> (0, 0)>
#map1 = affine_map<(d0, d1) -> (0, 0, 0, 0)>
#map2 = affine_map<(d0, d1) -> (0, 0, 0)>
module attributes {stable_mosaic.version = 14 : i64} {
  func.func @agg(%arg0: i32, %arg1: i32, %arg2: memref<20480x128xf32, #tpu.memory_space<hbm>>, %arg3: memref<2x16x210x96xi32, #tpu.memory_space<hbm>>, %arg4: memref<2x16x210x96xi32, #tpu.memory_space<hbm>>, %arg5: memref<10240x128xf32, #tpu.memory_space<hbm>>, %arg6: memref<2x10240x128xf32, #tpu.memory_space<hbm>>, %arg7: memref<6x96xi32, #tpu.memory_space<vmem>>, %arg8: memref<6x96xi32, #tpu.memory_space<vmem>>, %arg9: memref<3x96x128xf32, #tpu.memory_space<vmem>>, %arg10: memref<10240x128xf32, #tpu.memory_space<vmem_shared>>, %arg11: memref<3x!tpu.dma_semaphore, #tpu.memory_space<semaphore_mem>>, %arg12: memref<3x!tpu.dma_semaphore, #tpu.memory_space<semaphore_mem>>, %arg13: memref<6x!tpu.dma_semaphore, #tpu.memory_space<semaphore_mem>>) attributes {dimension_semantics = [#tpu.dimension_semantics<core_parallel>, #tpu.dimension_semantics<subcore_parallel>], iteration_bounds = array<i64: 2, 16>, scalar_prefetch = 0 : i64, scratch_operands = 7 : i64, tpu.core_type = #tpu.core_type<sc_vector_subcore>, window_params = [{transform_indices = #map}, {transform_indices = #map1}, {transform_indices = #map1}, {transform_indices = #map}, {transform_indices = #map2}]} {
    %mul3A = arith.constant 640 : i32
    %mul3A_0 = arith.muli %arg1, %mul3A : i32
    %dma_start3A = arith.constant 0 : i32
    %dma_start3A_1 = arith.constant 0 : i32
    %dma_start3A_2 = arith.constant 0 : i32
    %dma_start3A_3 = arith.constant 0 : i32
    %dma_start3A_4 = tpu.memref_slice %arg7[%dma_start3A_1, %dma_start3A_3] : memref<6x96xi32, #tpu.memory_space<vmem>> -> memref<1x96xi32, #tpu.memory_space<vmem>>
    %dma_start3A_5 = tpu.memref_squeeze %dma_start3A_4 : memref<1x96xi32, #tpu.memory_space<vmem>> -> memref<96xi32, #tpu.memory_space<vmem>>
    %dma_start3A_6 = arith.constant 0 : i32
    %dma_start3A_7 = tpu.memref_slice %arg3[%arg0, %arg1, %dma_start3A, %dma_start3A_6] : memref<2x16x210x96xi32, #tpu.memory_space<hbm>> -> memref<1x1x1x96xi32, #tpu.memory_space<hbm>>
    %dma_start3A_8 = tpu.memref_squeeze %dma_start3A_7 : memref<1x1x1x96xi32, #tpu.memory_space<hbm>> -> memref<96xi32, #tpu.memory_space<hbm>>
    %dma_start3A_9 = tpu.memref_slice %arg13[%dma_start3A_2] : memref<6x!tpu.dma_semaphore, #tpu.memory_space<semaphore_mem>> -> memref<1x!tpu.dma_semaphore, #tpu.memory_space<semaphore_mem>>
    %dma_start3A_10 = tpu.memref_squeeze %dma_start3A_9 : memref<1x!tpu.dma_semaphore, #tpu.memory_space<semaphore_mem>> -> memref<!tpu.dma_semaphore, #tpu.memory_space<semaphore_mem>>
    %dma_start3A_11 = arith.constant 0 : i32
    %dma_start3A_12 = tpu.memref_slice %arg7[%dma_start3A_1, %dma_start3A_11] : memref<6x96xi32, #tpu.memory_space<vmem>> -> memref<1x96xi32, #tpu.memory_space<vmem>>
    %dma_start3A_13 = tpu.memref_squeeze %dma_start3A_12 : memref<1x96xi32, #tpu.memory_space<vmem>> -> memref<96xi32, #tpu.memory_space<vmem>>
    %dma_start3A_14 = arith.constant 0 : i32
    %dma_start3A_15 = tpu.memref_slice %arg3[%arg0, %arg1, %dma_start3A, %dma_start3A_14] : memref<2x16x210x96xi32, #tpu.memory_space<hbm>> -> memref<1x1x1x96xi32, #tpu.memory_space<hbm>>
    %dma_start3A_16 = tpu.memref_squeeze %dma_start3A_15 : memref<1x1x1x96xi32, #tpu.memory_space<hbm>> -> memref<96xi32, #tpu.memory_space<hbm>>
    tpu.enqueue_dma source(%dma_start3A_16 : memref<96xi32, #tpu.memory_space<hbm>>) target(%dma_start3A_13 : memref<96xi32, #tpu.memory_space<vmem>>) target_semaphore(%dma_start3A_10 : memref<!tpu.dma_semaphore, #tpu.memory_space<semaphore_mem>>)
    %dma_start3A_17 = arith.constant 0 : i32
    %dma_start3A_18 = arith.constant 0 : i32
    %dma_start3A_19 = arith.constant 0 : i32
    %dma_start3A_20 = arith.constant 0 : i32
    %dma_start3A_21 = tpu.memref_slice %arg8[%dma_start3A_18, %dma_start3A_20] : memref<6x96xi32, #tpu.memory_space<vmem>> -> memref<1x96xi32, #tpu.memory_space<vmem>>
    %dma_start3A_22 = tpu.memref_squeeze %dma_start3A_21 : memref<1x96xi32, #tpu.memory_space<vmem>> -> memref<96xi32, #tpu.memory_space<vmem>>
    %dma_start3A_23 = arith.constant 0 : i32
    %dma_start3A_24 = tpu.memref_slice %arg4[%arg0, %arg1, %dma_start3A_17, %dma_start3A_23] : memref<2x16x210x96xi32, #tpu.memory_space<hbm>> -> memref<1x1x1x96xi32, #tpu.memory_space<hbm>>
    %dma_start3A_25 = tpu.memref_squeeze %dma_start3A_24 : memref<1x1x1x96xi32, #tpu.memory_space<hbm>> -> memref<96xi32, #tpu.memory_space<hbm>>
    %dma_start3A_26 = tpu.memref_slice %arg13[%dma_start3A_19] : memref<6x!tpu.dma_semaphore, #tpu.memory_space<semaphore_mem>> -> memref<1x!tpu.dma_semaphore, #tpu.memory_space<semaphore_mem>>
    %dma_start3A_27 = tpu.memref_squeeze %dma_start3A_26 : memref<1x!tpu.dma_semaphore, #tpu.memory_space<semaphore_mem>> -> memref<!tpu.dma_semaphore, #tpu.memory_space<semaphore_mem>>
    %dma_start3A_28 = arith.constant 0 : i32
    %dma_start3A_29 = tpu.memref_slice %arg8[%dma_start3A_18, %dma_start3A_28] : memref<6x96xi32, #tpu.memory_space<vmem>> -> memref<1x96xi32, #tpu.memory_space<vmem>>
    %dma_start3A_30 = tpu.memref_squeeze %dma_start3A_29 : memref<1x96xi32, #tpu.memory_space<vmem>> -> memref<96xi32, #tpu.memory_space<vmem>>
    %dma_start3A_31 = arith.constant 0 : i32
    %dma_start3A_32 = tpu.memref_slice %arg4[%arg0, %arg1, %dma_start3A_17, %dma_start3A_31] : memref<2x16x210x96xi32, #tpu.memory_space<hbm>> -> memref<1x1x1x96xi32, #tpu.memory_space<hbm>>
    %dma_start3A_33 = tpu.memref_squeeze %dma_start3A_32 : memref<1x1x1x96xi32, #tpu.memory_space<hbm>> -> memref<96xi32, #tpu.memory_space<hbm>>
    tpu.enqueue_dma source(%dma_start3A_33 : memref<96xi32, #tpu.memory_space<hbm>>) target(%dma_start3A_30 : memref<96xi32, #tpu.memory_space<vmem>>) target_semaphore(%dma_start3A_27 : memref<!tpu.dma_semaphore, #tpu.memory_space<semaphore_mem>>)
    %dma_start3A_34 = arith.constant 1 : i32
    %dma_start3A_35 = arith.constant 1 : i32
    %dma_start3A_36 = arith.constant 1 : i32
    %dma_start3A_37 = arith.constant 0 : i32
    %dma_start3A_38 = tpu.memref_slice %arg7[%dma_start3A_35, %dma_start3A_37] : memref<6x96xi32, #tpu.memory_space<vmem>> -> memref<1x96xi32, #tpu.memory_space<vmem>>
    %dma_start3A_39 = tpu.memref_squeeze %dma_start3A_38 : memref<1x96xi32, #tpu.memory_space<vmem>> -> memref<96xi32, #tpu.memory_space<vmem>>
    %dma_start3A_40 = arith.constant 0 : i32
    %dma_start3A_41 = tpu.memref_slice %arg3[%arg0, %arg1, %dma_start3A_34, %dma_start3A_40] : memref<2x16x210x96xi32, #tpu.memory_space<hbm>> -> memref<1x1x1x96xi32, #tpu.memory_space<hbm>>
    %dma_start3A_42 = tpu.memref_squeeze %dma_start3A_41 : memref<1x1x1x96xi32, #tpu.memory_space<hbm>> -> memref<96xi32, #tpu.memory_space<hbm>>
    %dma_start3A_43 = tpu.memref_slice %arg13[%dma_start3A_36] : memref<6x!tpu.dma_semaphore, #tpu.memory_space<semaphore_mem>> -> memref<1x!tpu.dma_semaphore, #tpu.memory_space<semaphore_mem>>
    %dma_start3A_44 = tpu.memref_squeeze %dma_start3A_43 : memref<1x!tpu.dma_semaphore, #tpu.memory_space<semaphore_mem>> -> memref<!tpu.dma_semaphore, #tpu.memory_space<semaphore_mem>>
    %dma_start3A_45 = arith.constant 0 : i32
    %dma_start3A_46 = tpu.memref_slice %arg7[%dma_start3A_35, %dma_start3A_45] : memref<6x96xi32, #tpu.memory_space<vmem>> -> memref<1x96xi32, #tpu.memory_space<vmem>>
    %dma_start3A_47 = tpu.memref_squeeze %dma_start3A_46 : memref<1x96xi32, #tpu.memory_space<vmem>> -> memref<96xi32, #tpu.memory_space<vmem>>
    %dma_start3A_48 = arith.constant 0 : i32
    %dma_start3A_49 = tpu.memref_slice %arg3[%arg0, %arg1, %dma_start3A_34, %dma_start3A_48] : memref<2x16x210x96xi32, #tpu.memory_space<hbm>> -> memref<1x1x1x96xi32, #tpu.memory_space<hbm>>
    %dma_start3A_50 = tpu.memref_squeeze %dma_start3A_49 : memref<1x1x1x96xi32, #tpu.memory_space<hbm>> -> memref<96xi32, #tpu.memory_space<hbm>>
    tpu.enqueue_dma source(%dma_start3A_50 : memref<96xi32, #tpu.memory_space<hbm>>) target(%dma_start3A_47 : memref<96xi32, #tpu.memory_space<vmem>>) target_semaphore(%dma_start3A_44 : memref<!tpu.dma_semaphore, #tpu.memory_space<semaphore_mem>>)
    %dma_start3A_51 = arith.constant 1 : i32
    %dma_start3A_52 = arith.constant 1 : i32
    %dma_start3A_53 = arith.constant 1 : i32
    %dma_start3A_54 = arith.constant 0 : i32
    %dma_start3A_55 = tpu.memref_slice %arg8[%dma_start3A_52, %dma_start3A_54] : memref<6x96xi32, #tpu.memory_space<vmem>> -> memref<1x96xi32, #tpu.memory_space<vmem>>
    %dma_start3A_56 = tpu.memref_squeeze %dma_start3A_55 : memref<1x96xi32, #tpu.memory_space<vmem>> -> memref<96xi32, #tpu.memory_space<vmem>>
    %dma_start3A_57 = arith.constant 0 : i32
    %dma_start3A_58 = tpu.memref_slice %arg4[%arg0, %arg1, %dma_start3A_51, %dma_start3A_57] : memref<2x16x210x96xi32, #tpu.memory_space<hbm>> -> memref<1x1x1x96xi32, #tpu.memory_space<hbm>>
    %dma_start3A_59 = tpu.memref_squeeze %dma_start3A_58 : memref<1x1x1x96xi32, #tpu.memory_space<hbm>> -> memref<96xi32, #tpu.memory_space<hbm>>
    %dma_start3A_60 = tpu.memref_slice %arg13[%dma_start3A_53] : memref<6x!tpu.dma_semaphore, #tpu.memory_space<semaphore_mem>> -> memref<1x!tpu.dma_semaphore, #tpu.memory_space<semaphore_mem>>
    %dma_start3A_61 = tpu.memref_squeeze %dma_start3A_60 : memref<1x!tpu.dma_semaphore, #tpu.memory_space<semaphore_mem>> -> memref<!tpu.dma_semaphore, #tpu.memory_space<semaphore_mem>>
    %dma_start3A_62 = arith.constant 0 : i32
    %dma_start3A_63 = tpu.memref_slice %arg8[%dma_start3A_52, %dma_start3A_62] : memref<6x96xi32, #tpu.memory_space<vmem>> -> memref<1x96xi32, #tpu.memory_space<vmem>>
    %dma_start3A_64 = tpu.memref_squeeze %dma_start3A_63 : memref<1x96xi32, #tpu.memory_space<vmem>> -> memref<96xi32, #tpu.memory_space<vmem>>
    %dma_start3A_65 = arith.constant 0 : i32
    %dma_start3A_66 = tpu.memref_slice %arg4[%arg0, %arg1, %dma_start3A_51, %dma_start3A_65] : memref<2x16x210x96xi32, #tpu.memory_space<hbm>> -> memref<1x1x1x96xi32, #tpu.memory_space<hbm>>
    %dma_start3A_67 = tpu.memref_squeeze %dma_start3A_66 : memref<1x1x1x96xi32, #tpu.memory_space<hbm>> -> memref<96xi32, #tpu.memory_space<hbm>>
    tpu.enqueue_dma source(%dma_start3A_67 : memref<96xi32, #tpu.memory_space<hbm>>) target(%dma_start3A_64 : memref<96xi32, #tpu.memory_space<vmem>>) target_semaphore(%dma_start3A_61 : memref<!tpu.dma_semaphore, #tpu.memory_space<semaphore_mem>>)
    %dma_start3A_68 = arith.constant 2 : i32
    %dma_start3A_69 = arith.constant 2 : i32
    %dma_start3A_70 = arith.constant 2 : i32
    %dma_start3A_71 = arith.constant 0 : i32
    %dma_start3A_72 = tpu.memref_slice %arg7[%dma_start3A_69, %dma_start3A_71] : memref<6x96xi32, #tpu.memory_space<vmem>> -> memref<1x96xi32, #tpu.memory_space<vmem>>
    %dma_start3A_73 = tpu.memref_squeeze %dma_start3A_72 : memref<1x96xi32, #tpu.memory_space<vmem>> -> memref<96xi32, #tpu.memory_space<vmem>>
    %dma_start3A_74 = arith.constant 0 : i32
    %dma_start3A_75 = tpu.memref_slice %arg3[%arg0, %arg1, %dma_start3A_68, %dma_start3A_74] : memref<2x16x210x96xi32, #tpu.memory_space<hbm>> -> memref<1x1x1x96xi32, #tpu.memory_space<hbm>>
    %dma_start3A_76 = tpu.memref_squeeze %dma_start3A_75 : memref<1x1x1x96xi32, #tpu.memory_space<hbm>> -> memref<96xi32, #tpu.memory_space<hbm>>
    %dma_start3A_77 = tpu.memref_slice %arg13[%dma_start3A_70] : memref<6x!tpu.dma_semaphore, #tpu.memory_space<semaphore_mem>> -> memref<1x!tpu.dma_semaphore, #tpu.memory_space<semaphore_mem>>
    %dma_start3A_78 = tpu.memref_squeeze %dma_start3A_77 : memref<1x!tpu.dma_semaphore, #tpu.memory_space<semaphore_mem>> -> memref<!tpu.dma_semaphore, #tpu.memory_space<semaphore_mem>>
    %dma_start3A_79 = arith.constant 0 : i32
    %dma_start3A_80 = tpu.memref_slice %arg7[%dma_start3A_69, %dma_start3A_79] : memref<6x96xi32, #tpu.memory_space<vmem>> -> memref<1x96xi32, #tpu.memory_space<vmem>>
    %dma_start3A_81 = tpu.memref_squeeze %dma_start3A_80 : memref<1x96xi32, #tpu.memory_space<vmem>> -> memref<96xi32, #tpu.memory_space<vmem>>
    %dma_start3A_82 = arith.constant 0 : i32
    %dma_start3A_83 = tpu.memref_slice %arg3[%arg0, %arg1, %dma_start3A_68, %dma_start3A_82] : memref<2x16x210x96xi32, #tpu.memory_space<hbm>> -> memref<1x1x1x96xi32, #tpu.memory_space<hbm>>
    %dma_start3A_84 = tpu.memref_squeeze %dma_start3A_83 : memref<1x1x1x96xi32, #tpu.memory_space<hbm>> -> memref<96xi32, #tpu.memory_space<hbm>>
    tpu.enqueue_dma source(%dma_start3A_84 : memref<96xi32, #tpu.memory_space<hbm>>) target(%dma_start3A_81 : memref<96xi32, #tpu.memory_space<vmem>>) target_semaphore(%dma_start3A_78 : memref<!tpu.dma_semaphore, #tpu.memory_space<semaphore_mem>>)
    %dma_start3A_85 = arith.constant 2 : i32
    %dma_start3A_86 = arith.constant 2 : i32
    %dma_start3A_87 = arith.constant 2 : i32
    %dma_start3A_88 = arith.constant 0 : i32
    %dma_start3A_89 = tpu.memref_slice %arg8[%dma_start3A_86, %dma_start3A_88] : memref<6x96xi32, #tpu.memory_space<vmem>> -> memref<1x96xi32, #tpu.memory_space<vmem>>
    %dma_start3A_90 = tpu.memref_squeeze %dma_start3A_89 : memref<1x96xi32, #tpu.memory_space<vmem>> -> memref<96xi32, #tpu.memory_space<vmem>>
    %dma_start3A_91 = arith.constant 0 : i32
    %dma_start3A_92 = tpu.memref_slice %arg4[%arg0, %arg1, %dma_start3A_85, %dma_start3A_91] : memref<2x16x210x96xi32, #tpu.memory_space<hbm>> -> memref<1x1x1x96xi32, #tpu.memory_space<hbm>>
    %dma_start3A_93 = tpu.memref_squeeze %dma_start3A_92 : memref<1x1x1x96xi32, #tpu.memory_space<hbm>> -> memref<96xi32, #tpu.memory_space<hbm>>
    %dma_start3A_94 = tpu.memref_slice %arg13[%dma_start3A_87] : memref<6x!tpu.dma_semaphore, #tpu.memory_space<semaphore_mem>> -> memref<1x!tpu.dma_semaphore, #tpu.memory_space<semaphore_mem>>
    %dma_start3A_95 = tpu.memref_squeeze %dma_start3A_94 : memref<1x!tpu.dma_semaphore, #tpu.memory_space<semaphore_mem>> -> memref<!tpu.dma_semaphore, #tpu.memory_space<semaphore_mem>>
    %dma_start3A_96 = arith.constant 0 : i32
    %dma_start3A_97 = tpu.memref_slice %arg8[%dma_start3A_86, %dma_start3A_96] : memref<6x96xi32, #tpu.memory_space<vmem>> -> memref<1x96xi32, #tpu.memory_space<vmem>>
    %dma_start3A_98 = tpu.memref_squeeze %dma_start3A_97 : memref<1x96xi32, #tpu.memory_space<vmem>> -> memref<96xi32, #tpu.memory_space<vmem>>
    %dma_start3A_99 = arith.constant 0 : i32
    %dma_start3A_100 = tpu.memref_slice %arg4[%arg0, %arg1, %dma_start3A_85, %dma_start3A_99] : memref<2x16x210x96xi32, #tpu.memory_space<hbm>> -> memref<1x1x1x96xi32, #tpu.memory_space<hbm>>
    %dma_start3A_101 = tpu.memref_squeeze %dma_start3A_100 : memref<1x1x1x96xi32, #tpu.memory_space<hbm>> -> memref<96xi32, #tpu.memory_space<hbm>>
    tpu.enqueue_dma source(%dma_start3A_101 : memref<96xi32, #tpu.memory_space<hbm>>) target(%dma_start3A_98 : memref<96xi32, #tpu.memory_space<vmem>>) target_semaphore(%dma_start3A_95 : memref<!tpu.dma_semaphore, #tpu.memory_space<semaphore_mem>>)
    "tpu.region"() ({
      %run_scoped3A = tpu.sem_alloc : memref<!tpu.dma_semaphore, #tpu.memory_space<semaphore_mem>>
      %dma_start3A_224 = arith.constant 0 : i32
      %dma_start3A_225 = tpu.memref_slice %arg10[%mul3A_0, %dma_start3A_224] : memref<10240x128xf32, #tpu.memory_space<vmem_shared>> -> memref<640x128xf32, #tpu.memory_space<vmem_shared>>
      %dma_start3A_226 = arith.constant 0 : i32
      %dma_start3A_227 = tpu.memref_slice %arg5[%mul3A_0, %dma_start3A_226] : memref<10240x128xf32, #tpu.memory_space<hbm>> -> memref<640x128xf32, #tpu.memory_space<hbm>>
      tpu.enqueue_dma source(%dma_start3A_227 : memref<640x128xf32, #tpu.memory_space<hbm>>) target(%dma_start3A_225 : memref<640x128xf32, #tpu.memory_space<vmem_shared>>) target_semaphore(%run_scoped3A : memref<!tpu.dma_semaphore, #tpu.memory_space<semaphore_mem>>)
      %dma_wait3A_228 = arith.constant 0 : i32
      %dma_wait3A_229 = tpu.memref_slice %arg10[%mul3A_0, %dma_wait3A_228] : memref<10240x128xf32, #tpu.memory_space<vmem_shared>> -> memref<640x128xf32, #tpu.memory_space<vmem_shared>>
      %dma_wait3A_230 = arith.constant 0 : i32
      %dma_wait3A_231 = tpu.memref_slice %arg5[%mul3A_0, %dma_wait3A_230] : memref<10240x128xf32, #tpu.memory_space<hbm>> -> memref<640x128xf32, #tpu.memory_space<hbm>>
      tpu.wait_dma2 semaphore(%run_scoped3A : memref<!tpu.dma_semaphore, #tpu.memory_space<semaphore_mem>>) src(%dma_wait3A_231 : memref<640x128xf32, #tpu.memory_space<hbm>>) dst(%dma_wait3A_229 : memref<640x128xf32, #tpu.memory_space<vmem_shared>>)
      tpu.yield
    }) : () -> ()
    %dma_wait3A = arith.constant 0 : i32
    %dma_wait3A_102 = arith.constant 0 : i32
    %dma_wait3A_103 = arith.constant 0 : i32
    %dma_wait3A_104 = arith.constant 0 : i32
    %dma_wait3A_105 = tpu.memref_slice %arg7[%dma_wait3A_102, %dma_wait3A_104] : memref<6x96xi32, #tpu.memory_space<vmem>> -> memref<1x96xi32, #tpu.memory_space<vmem>>
    %dma_wait3A_106 = tpu.memref_squeeze %dma_wait3A_105 : memref<1x96xi32, #tpu.memory_space<vmem>> -> memref<96xi32, #tpu.memory_space<vmem>>
    %dma_wait3A_107 = arith.constant 0 : i32
    %dma_wait3A_108 = tpu.memref_slice %arg3[%arg0, %arg1, %dma_wait3A, %dma_wait3A_107] : memref<2x16x210x96xi32, #tpu.memory_space<hbm>> -> memref<1x1x1x96xi32, #tpu.memory_space<hbm>>
    %dma_wait3A_109 = tpu.memref_squeeze %dma_wait3A_108 : memref<1x1x1x96xi32, #tpu.memory_space<hbm>> -> memref<96xi32, #tpu.memory_space<hbm>>
    %dma_wait3A_110 = tpu.memref_slice %arg13[%dma_wait3A_103] : memref<6x!tpu.dma_semaphore, #tpu.memory_space<semaphore_mem>> -> memref<1x!tpu.dma_semaphore, #tpu.memory_space<semaphore_mem>>
    %dma_wait3A_111 = tpu.memref_squeeze %dma_wait3A_110 : memref<1x!tpu.dma_semaphore, #tpu.memory_space<semaphore_mem>> -> memref<!tpu.dma_semaphore, #tpu.memory_space<semaphore_mem>>
    %dma_wait3A_112 = arith.constant 0 : i32
    %dma_wait3A_113 = tpu.memref_slice %arg7[%dma_wait3A_102, %dma_wait3A_112] : memref<6x96xi32, #tpu.memory_space<vmem>> -> memref<1x96xi32, #tpu.memory_space<vmem>>
    %dma_wait3A_114 = tpu.memref_squeeze %dma_wait3A_113 : memref<1x96xi32, #tpu.memory_space<vmem>> -> memref<96xi32, #tpu.memory_space<vmem>>
    %dma_wait3A_115 = arith.constant 0 : i32
    %dma_wait3A_116 = tpu.memref_slice %arg3[%arg0, %arg1, %dma_wait3A, %dma_wait3A_115] : memref<2x16x210x96xi32, #tpu.memory_space<hbm>> -> memref<1x1x1x96xi32, #tpu.memory_space<hbm>>
    %dma_wait3A_117 = tpu.memref_squeeze %dma_wait3A_116 : memref<1x1x1x96xi32, #tpu.memory_space<hbm>> -> memref<96xi32, #tpu.memory_space<hbm>>
    tpu.wait_dma2 semaphore(%dma_wait3A_111 : memref<!tpu.dma_semaphore, #tpu.memory_space<semaphore_mem>>) src(%dma_wait3A_117 : memref<96xi32, #tpu.memory_space<hbm>>) dst(%dma_wait3A_114 : memref<96xi32, #tpu.memory_space<vmem>>)
    %dma_wait3A_118 = arith.constant 0 : i32
    %dma_wait3A_119 = arith.constant 0 : i32
    %dma_wait3A_120 = arith.constant 0 : i32
    %dma_wait3A_121 = arith.constant 0 : i32
    %dma_wait3A_122 = tpu.memref_slice %arg8[%dma_wait3A_119, %dma_wait3A_121] : memref<6x96xi32, #tpu.memory_space<vmem>> -> memref<1x96xi32, #tpu.memory_space<vmem>>
    %dma_wait3A_123 = tpu.memref_squeeze %dma_wait3A_122 : memref<1x96xi32, #tpu.memory_space<vmem>> -> memref<96xi32, #tpu.memory_space<vmem>>
    %dma_wait3A_124 = arith.constant 0 : i32
    %dma_wait3A_125 = tpu.memref_slice %arg4[%arg0, %arg1, %dma_wait3A_118, %dma_wait3A_124] : memref<2x16x210x96xi32, #tpu.memory_space<hbm>> -> memref<1x1x1x96xi32, #tpu.memory_space<hbm>>
    %dma_wait3A_126 = tpu.memref_squeeze %dma_wait3A_125 : memref<1x1x1x96xi32, #tpu.memory_space<hbm>> -> memref<96xi32, #tpu.memory_space<hbm>>
    %dma_wait3A_127 = tpu.memref_slice %arg13[%dma_wait3A_120] : memref<6x!tpu.dma_semaphore, #tpu.memory_space<semaphore_mem>> -> memref<1x!tpu.dma_semaphore, #tpu.memory_space<semaphore_mem>>
    %dma_wait3A_128 = tpu.memref_squeeze %dma_wait3A_127 : memref<1x!tpu.dma_semaphore, #tpu.memory_space<semaphore_mem>> -> memref<!tpu.dma_semaphore, #tpu.memory_space<semaphore_mem>>
    %dma_wait3A_129 = arith.constant 0 : i32
    %dma_wait3A_130 = tpu.memref_slice %arg8[%dma_wait3A_119, %dma_wait3A_129] : memref<6x96xi32, #tpu.memory_space<vmem>> -> memref<1x96xi32, #tpu.memory_space<vmem>>
    %dma_wait3A_131 = tpu.memref_squeeze %dma_wait3A_130 : memref<1x96xi32, #tpu.memory_space<vmem>> -> memref<96xi32, #tpu.memory_space<vmem>>
    %dma_wait3A_132 = arith.constant 0 : i32
    %dma_wait3A_133 = tpu.memref_slice %arg4[%arg0, %arg1, %dma_wait3A_118, %dma_wait3A_132] : memref<2x16x210x96xi32, #tpu.memory_space<hbm>> -> memref<1x1x1x96xi32, #tpu.memory_space<hbm>>
    %dma_wait3A_134 = tpu.memref_squeeze %dma_wait3A_133 : memref<1x1x1x96xi32, #tpu.memory_space<hbm>> -> memref<96xi32, #tpu.memory_space<hbm>>
    tpu.wait_dma2 semaphore(%dma_wait3A_128 : memref<!tpu.dma_semaphore, #tpu.memory_space<semaphore_mem>>) src(%dma_wait3A_134 : memref<96xi32, #tpu.memory_space<hbm>>) dst(%dma_wait3A_131 : memref<96xi32, #tpu.memory_space<vmem>>)
    %dma_start3A_135 = arith.constant 0 : i32
    %dma_start3A_136 = arith.constant 0 : i32
    %dma_start3A_137 = arith.constant 0 : i32
    %dma_start3A_138 = arith.constant 0 : i32
    %dma_start3A_139 = arith.constant 0 : i32
    %dma_start3A_140 = tpu.memref_slice %arg9[%dma_start3A_136, %dma_start3A_138, %dma_start3A_139] : memref<3x96x128xf32, #tpu.memory_space<vmem>> -> memref<1x96x128xf32, #tpu.memory_space<vmem>>
    %dma_start3A_141 = tpu.memref_squeeze %dma_start3A_140 : memref<1x96x128xf32, #tpu.memory_space<vmem>> -> memref<96x128xf32, #tpu.memory_space<vmem>>
    %dma_start3A_142 = arith.constant 0 : i32
    %dma_start3A_143 = tpu.memref_slice %arg7[%dma_start3A_135, %dma_start3A_142] : memref<6x96xi32, #tpu.memory_space<vmem>> -> memref<1x96xi32, #tpu.memory_space<vmem>>
    %dma_start3A_144 = tpu.memref_squeeze %dma_start3A_143 : memref<1x96xi32, #tpu.memory_space<vmem>> -> memref<96xi32, #tpu.memory_space<vmem>>
    %dma_start3A_145 = arith.constant 0 : i32
    %dma_start3A_146 = arith.constant 0 : i32
    %dma_start3A_147 = tpu.memref_slice %arg2[%dma_start3A_145, %dma_start3A_146] : memref<20480x128xf32, #tpu.memory_space<hbm>> -> memref<20480x128xf32, #tpu.memory_space<hbm>>
    %dma_start3A_148 = tpu.memref_slice %arg11[%dma_start3A_137] : memref<3x!tpu.dma_semaphore, #tpu.memory_space<semaphore_mem>> -> memref<1x!tpu.dma_semaphore, #tpu.memory_space<semaphore_mem>>
    %dma_start3A_149 = tpu.memref_squeeze %dma_start3A_148 : memref<1x!tpu.dma_semaphore, #tpu.memory_space<semaphore_mem>> -> memref<!tpu.dma_semaphore, #tpu.memory_space<semaphore_mem>>
    tpu.enqueue_indirect_dma source(%dma_start3A_147 : memref<20480x128xf32, #tpu.memory_space<hbm>>) target(%dma_start3A_141 : memref<96x128xf32, #tpu.memory_space<vmem>>) offsets(%dma_start3A_144 : memref<96xi32, #tpu.memory_space<vmem>>) semaphore(%dma_start3A_149 : memref<!tpu.dma_semaphore, #tpu.memory_space<semaphore_mem>>)
    %dma_wait3A_150 = arith.constant 0 : i32
    %dma_wait3A_151 = arith.constant 1 : i32
    %dma_wait3A_152 = arith.constant 1 : i32
    %dma_wait3A_153 = arith.constant 0 : i32
    %dma_wait3A_154 = tpu.memref_slice %arg7[%dma_wait3A_151, %dma_wait3A_153] : memref<6x96xi32, #tpu.memory_space<vmem>> -> memref<1x96xi32, #tpu.memory_space<vmem>>
    %dma_wait3A_155 = tpu.memref_squeeze %dma_wait3A_154 : memref<1x96xi32, #tpu.memory_space<vmem>> -> memref<96xi32, #tpu.memory_space<vmem>>
    %dma_wait3A_156 = arith.constant 0 : i32
    %dma_wait3A_157 = tpu.memref_slice %arg3[%arg0, %arg1, %dma_wait3A_150, %dma_wait3A_156] : memref<2x16x210x96xi32, #tpu.memory_space<hbm>> -> memref<1x1x1x96xi32, #tpu.memory_space<hbm>>
    %dma_wait3A_158 = tpu.memref_squeeze %dma_wait3A_157 : memref<1x1x1x96xi32, #tpu.memory_space<hbm>> -> memref<96xi32, #tpu.memory_space<hbm>>
    %dma_wait3A_159 = tpu.memref_slice %arg13[%dma_wait3A_152] : memref<6x!tpu.dma_semaphore, #tpu.memory_space<semaphore_mem>> -> memref<1x!tpu.dma_semaphore, #tpu.memory_space<semaphore_mem>>
    %dma_wait3A_160 = tpu.memref_squeeze %dma_wait3A_159 : memref<1x!tpu.dma_semaphore, #tpu.memory_space<semaphore_mem>> -> memref<!tpu.dma_semaphore, #tpu.memory_space<semaphore_mem>>
    %dma_wait3A_161 = arith.constant 0 : i32
    %dma_wait3A_162 = tpu.memref_slice %arg7[%dma_wait3A_151, %dma_wait3A_161] : memref<6x96xi32, #tpu.memory_space<vmem>> -> memref<1x96xi32, #tpu.memory_space<vmem>>
    %dma_wait3A_163 = tpu.memref_squeeze %dma_wait3A_162 : memref<1x96xi32, #tpu.memory_space<vmem>> -> memref<96xi32, #tpu.memory_space<vmem>>
    %dma_wait3A_164 = arith.constant 0 : i32
    %dma_wait3A_165 = tpu.memref_slice %arg3[%arg0, %arg1, %dma_wait3A_150, %dma_wait3A_164] : memref<2x16x210x96xi32, #tpu.memory_space<hbm>> -> memref<1x1x1x96xi32, #tpu.memory_space<hbm>>
    %dma_wait3A_166 = tpu.memref_squeeze %dma_wait3A_165 : memref<1x1x1x96xi32, #tpu.memory_space<hbm>> -> memref<96xi32, #tpu.memory_space<hbm>>
    tpu.wait_dma2 semaphore(%dma_wait3A_160 : memref<!tpu.dma_semaphore, #tpu.memory_space<semaphore_mem>>) src(%dma_wait3A_166 : memref<96xi32, #tpu.memory_space<hbm>>) dst(%dma_wait3A_163 : memref<96xi32, #tpu.memory_space<vmem>>)
    %dma_wait3A_167 = arith.constant 0 : i32
    %dma_wait3A_168 = arith.constant 1 : i32
    %dma_wait3A_169 = arith.constant 1 : i32
    %dma_wait3A_170 = arith.constant 0 : i32
    %dma_wait3A_171 = tpu.memref_slice %arg8[%dma_wait3A_168, %dma_wait3A_170] : memref<6x96xi32, #tpu.memory_space<vmem>> -> memref<1x96xi32, #tpu.memory_space<vmem>>
    %dma_wait3A_172 = tpu.memref_squeeze %dma_wait3A_171 : memref<1x96xi32, #tpu.memory_space<vmem>> -> memref<96xi32, #tpu.memory_space<vmem>>
    %dma_wait3A_173 = arith.constant 0 : i32
    %dma_wait3A_174 = tpu.memref_slice %arg4[%arg0, %arg1, %dma_wait3A_167, %dma_wait3A_173] : memref<2x16x210x96xi32, #tpu.memory_space<hbm>> -> memref<1x1x1x96xi32, #tpu.memory_space<hbm>>
    %dma_wait3A_175 = tpu.memref_squeeze %dma_wait3A_174 : memref<1x1x1x96xi32, #tpu.memory_space<hbm>> -> memref<96xi32, #tpu.memory_space<hbm>>
    %dma_wait3A_176 = tpu.memref_slice %arg13[%dma_wait3A_169] : memref<6x!tpu.dma_semaphore, #tpu.memory_space<semaphore_mem>> -> memref<1x!tpu.dma_semaphore, #tpu.memory_space<semaphore_mem>>
    %dma_wait3A_177 = tpu.memref_squeeze %dma_wait3A_176 : memref<1x!tpu.dma_semaphore, #tpu.memory_space<semaphore_mem>> -> memref<!tpu.dma_semaphore, #tpu.memory_space<semaphore_mem>>
    %dma_wait3A_178 = arith.constant 0 : i32
    %dma_wait3A_179 = tpu.memref_slice %arg8[%dma_wait3A_168, %dma_wait3A_178] : memref<6x96xi32, #tpu.memory_space<vmem>> -> memref<1x96xi32, #tpu.memory_space<vmem>>
    %dma_wait3A_180 = tpu.memref_squeeze %dma_wait3A_179 : memref<1x96xi32, #tpu.memory_space<vmem>> -> memref<96xi32, #tpu.memory_space<vmem>>
    %dma_wait3A_181 = arith.constant 0 : i32
    %dma_wait3A_182 = tpu.memref_slice %arg4[%arg0, %arg1, %dma_wait3A_167, %dma_wait3A_181] : memref<2x16x210x96xi32, #tpu.memory_space<hbm>> -> memref<1x1x1x96xi32, #tpu.memory_space<hbm>>
    %dma_wait3A_183 = tpu.memref_squeeze %dma_wait3A_182 : memref<1x1x1x96xi32, #tpu.memory_space<hbm>> -> memref<96xi32, #tpu.memory_space<hbm>>
    tpu.wait_dma2 semaphore(%dma_wait3A_177 : memref<!tpu.dma_semaphore, #tpu.memory_space<semaphore_mem>>) src(%dma_wait3A_183 : memref<96xi32, #tpu.memory_space<hbm>>) dst(%dma_wait3A_180 : memref<96xi32, #tpu.memory_space<vmem>>)
    %dma_start3A_184 = arith.constant 1 : i32
    %dma_start3A_185 = arith.constant 1 : i32
    %dma_start3A_186 = arith.constant 1 : i32
    %dma_start3A_187 = arith.constant 0 : i32
    %dma_start3A_188 = arith.constant 0 : i32
    %dma_start3A_189 = tpu.memref_slice %arg9[%dma_start3A_185, %dma_start3A_187, %dma_start3A_188] : memref<3x96x128xf32, #tpu.memory_space<vmem>> -> memref<1x96x128xf32, #tpu.memory_space<vmem>>
    %dma_start3A_190 = tpu.memref_squeeze %dma_start3A_189 : memref<1x96x128xf32, #tpu.memory_space<vmem>> -> memref<96x128xf32, #tpu.memory_space<vmem>>
    %dma_start3A_191 = arith.constant 0 : i32
    %dma_start3A_192 = tpu.memref_slice %arg7[%dma_start3A_184, %dma_start3A_191] : memref<6x96xi32, #tpu.memory_space<vmem>> -> memref<1x96xi32, #tpu.memory_space<vmem>>
    %dma_start3A_193 = tpu.memref_squeeze %dma_start3A_192 : memref<1x96xi32, #tpu.memory_space<vmem>> -> memref<96xi32, #tpu.memory_space<vmem>>
    %dma_start3A_194 = arith.constant 0 : i32
    %dma_start3A_195 = arith.constant 0 : i32
    %dma_start3A_196 = tpu.memref_slice %arg2[%dma_start3A_194, %dma_start3A_195] : memref<20480x128xf32, #tpu.memory_space<hbm>> -> memref<20480x128xf32, #tpu.memory_space<hbm>>
    %dma_start3A_197 = tpu.memref_slice %arg11[%dma_start3A_186] : memref<3x!tpu.dma_semaphore, #tpu.memory_space<semaphore_mem>> -> memref<1x!tpu.dma_semaphore, #tpu.memory_space<semaphore_mem>>
    %dma_start3A_198 = tpu.memref_squeeze %dma_start3A_197 : memref<1x!tpu.dma_semaphore, #tpu.memory_space<semaphore_mem>> -> memref<!tpu.dma_semaphore, #tpu.memory_space<semaphore_mem>>
    tpu.enqueue_indirect_dma source(%dma_start3A_196 : memref<20480x128xf32, #tpu.memory_space<hbm>>) target(%dma_start3A_190 : memref<96x128xf32, #tpu.memory_space<vmem>>) offsets(%dma_start3A_193 : memref<96xi32, #tpu.memory_space<vmem>>) semaphore(%dma_start3A_198 : memref<!tpu.dma_semaphore, #tpu.memory_space<semaphore_mem>>)
    %barrier3A = arith.constant 0 : index
    tpu.barrier barrier_id(%barrier3A)
    %broadcast_in_dim3A = arith.constant 1.000000e+00 : f32
    %broadcast_in_dim3A_199 = vector.broadcast %broadcast_in_dim3A : f32 to vector<16xf32>
    %scan3A = arith.constant 0 : i32
    %scan3A_200 = arith.constant 0 : i32
    %scan3A_201 = arith.constant 35 : i32
    %scan3A_202 = arith.addi %scan3A_200, %scan3A_201 : i32
    %scan3A_203 = arith.constant 1 : i32
    scf.for %scan3A_224 = %scan3A_200 to %scan3A_202 step %scan3A_203  : i32 {
      %mul3A_225 = arith.constant 6 : i32
      %mul3A_226 = arith.muli %mul3A_225, %scan3A_224 : i32
      %add3A = arith.constant 0 : i32
      %add3A_227 = arith.addi %mul3A_226, %add3A : i32
      %dma_wait3A_228 = arith.constant 0 : i32
      %dma_wait3A_229 = arith.constant 0 : i32
      %dma_wait3A_230 = arith.constant 0 : i32
      %dma_wait3A_231 = arith.constant 0 : i32
      %dma_wait3A_232 = tpu.memref_slice %arg9[%dma_wait3A_228, %dma_wait3A_230, %dma_wait3A_231] : memref<3x96x128xf32, #tpu.memory_space<vmem>> -> memref<1x96x128xf32, #tpu.memory_space<vmem>>
      %dma_wait3A_233 = tpu.memref_squeeze %dma_wait3A_232 : memref<1x96x128xf32, #tpu.memory_space<vmem>> -> memref<96x128xf32, #tpu.memory_space<vmem>>
      %dma_wait3A_234 = arith.constant 0 : i32
      %dma_wait3A_235 = arith.constant 0 : i32
      %dma_wait3A_236 = tpu.memref_slice %arg2[%dma_wait3A_234, %dma_wait3A_235] : memref<20480x128xf32, #tpu.memory_space<hbm>> -> memref<96x128xf32, #tpu.memory_space<hbm>>
      %dma_wait3A_237 = tpu.memref_slice %arg11[%dma_wait3A_229] : memref<3x!tpu.dma_semaphore, #tpu.memory_space<semaphore_mem>> -> memref<1x!tpu.dma_semaphore, #tpu.memory_space<semaphore_mem>>
      %dma_wait3A_238 = tpu.memref_squeeze %dma_wait3A_237 : memref<1x!tpu.dma_semaphore, #tpu.memory_space<semaphore_mem>> -> memref<!tpu.dma_semaphore, #tpu.memory_space<semaphore_mem>>
      %dma_wait3A_239 = arith.constant 0 : i32
      %dma_wait3A_240 = arith.constant 0 : i32
      %dma_wait3A_241 = tpu.memref_slice %arg9[%dma_wait3A_228, %dma_wait3A_239, %dma_wait3A_240] : memref<3x96x128xf32, #tpu.memory_space<vmem>> -> memref<1x96x128xf32, #tpu.memory_space<vmem>>
      %dma_wait3A_242 = tpu.memref_squeeze %dma_wait3A_241 : memref<1x96x128xf32, #tpu.memory_space<vmem>> -> memref<96x128xf32, #tpu.memory_space<vmem>>
      %dma_wait3A_243 = arith.constant 0 : i32
      %dma_wait3A_244 = arith.constant 0 : i32
      %dma_wait3A_245 = tpu.memref_slice %arg2[%dma_wait3A_243, %dma_wait3A_244] : memref<20480x128xf32, #tpu.memory_space<hbm>> -> memref<96x128xf32, #tpu.memory_space<hbm>>
      tpu.wait_dma2 semaphore(%dma_wait3A_238 : memref<!tpu.dma_semaphore, #tpu.memory_space<semaphore_mem>>) src(%dma_wait3A_245 : memref<96x128xf32, #tpu.memory_space<hbm>>) dst(%dma_wait3A_242 : memref<96x128xf32, #tpu.memory_space<vmem>>)
      %dma_start3A_246 = arith.constant 0 : i32
      %dma_start3A_247 = arith.constant 0 : i32
      %dma_start3A_248 = arith.constant 0 : i32
      %dma_start3A_249 = arith.constant 0 : i32
      %dma_start3A_250 = arith.constant 0 : i32
      %dma_start3A_251 = tpu.memref_slice %arg9[%dma_start3A_246, %dma_start3A_249, %dma_start3A_250] : memref<3x96x128xf32, #tpu.memory_space<vmem>> -> memref<1x96x128xf32, #tpu.memory_space<vmem>>
      %dma_start3A_252 = tpu.memref_squeeze %dma_start3A_251 : memref<1x96x128xf32, #tpu.memory_space<vmem>> -> memref<96x128xf32, #tpu.memory_space<vmem>>
      %dma_start3A_253 = arith.constant 0 : i32
      %dma_start3A_254 = tpu.memref_slice %arg8[%dma_start3A_247, %dma_start3A_253] : memref<6x96xi32, #tpu.memory_space<vmem>> -> memref<1x96xi32, #tpu.memory_space<vmem>>
      %dma_start3A_255 = tpu.memref_squeeze %dma_start3A_254 : memref<1x96xi32, #tpu.memory_space<vmem>> -> memref<96xi32, #tpu.memory_space<vmem>>
      %dma_start3A_256 = arith.constant 0 : i32
      %dma_start3A_257 = arith.constant 0 : i32
      %dma_start3A_258 = tpu.memref_slice %arg10[%dma_start3A_256, %dma_start3A_257] : memref<10240x128xf32, #tpu.memory_space<vmem_shared>> -> memref<10240x128xf32, #tpu.memory_space<vmem_shared>>
      %dma_start3A_259 = tpu.memref_slice %arg12[%dma_start3A_248] : memref<3x!tpu.dma_semaphore, #tpu.memory_space<semaphore_mem>> -> memref<1x!tpu.dma_semaphore, #tpu.memory_space<semaphore_mem>>
      %dma_start3A_260 = tpu.memref_squeeze %dma_start3A_259 : memref<1x!tpu.dma_semaphore, #tpu.memory_space<semaphore_mem>> -> memref<!tpu.dma_semaphore, #tpu.memory_space<semaphore_mem>>
      tpu.enqueue_indirect_dma source(%dma_start3A_252 : memref<96x128xf32, #tpu.memory_space<vmem>>) target(%dma_start3A_258 : memref<10240x128xf32, #tpu.memory_space<vmem_shared>>) offsets(%dma_start3A_255 : memref<96xi32, #tpu.memory_space<vmem>>) semaphore(%dma_start3A_260 : memref<!tpu.dma_semaphore, #tpu.memory_space<semaphore_mem>>) {add = true}
      %ge3A = arith.constant 1 : i32
      %ge3A_261 = arith.cmpi sge, %add3A_227, %ge3A : i32
      %convert_element_type3A = arith.extui %ge3A_261 : i1 to i32
      %cond3A = arith.constant 0 : i32
      %cond3A_262 = arith.cmpi ne, %convert_element_type3A, %cond3A : i32
      scf.if %cond3A_262 {
        %dma_wait3A_556 = arith.constant 2 : i32
        %dma_wait3A_557 = arith.constant 2 : i32
        %dma_wait3A_558 = arith.constant 0 : i32
        %dma_wait3A_559 = arith.constant 0 : i32
        %dma_wait3A_560 = tpu.memref_slice %arg9[%dma_wait3A_556, %dma_wait3A_558, %dma_wait3A_559] : memref<3x96x128xf32, #tpu.memory_space<vmem>> -> memref<1x96x128xf32, #tpu.memory_space<vmem>>
        %dma_wait3A_561 = tpu.memref_squeeze %dma_wait3A_560 : memref<1x96x128xf32, #tpu.memory_space<vmem>> -> memref<96x128xf32, #tpu.memory_space<vmem>>
        %dma_wait3A_562 = arith.constant 0 : i32
        %dma_wait3A_563 = arith.constant 0 : i32
        %dma_wait3A_564 = tpu.memref_slice %arg2[%dma_wait3A_562, %dma_wait3A_563] : memref<20480x128xf32, #tpu.memory_space<hbm>> -> memref<96x128xf32, #tpu.memory_space<hbm>>
        %dma_wait3A_565 = tpu.memref_slice %arg12[%dma_wait3A_557] : memref<3x!tpu.dma_semaphore, #tpu.memory_space<semaphore_mem>> -> memref<1x!tpu.dma_semaphore, #tpu.memory_space<semaphore_mem>>
        %dma_wait3A_566 = tpu.memref_squeeze %dma_wait3A_565 : memref<1x!tpu.dma_semaphore, #tpu.memory_space<semaphore_mem>> -> memref<!tpu.dma_semaphore, #tpu.memory_space<semaphore_mem>>
        %dma_wait3A_567 = arith.constant 0 : i32
        %dma_wait3A_568 = arith.constant 0 : i32
        %dma_wait3A_569 = tpu.memref_slice %arg9[%dma_wait3A_556, %dma_wait3A_567, %dma_wait3A_568] : memref<3x96x128xf32, #tpu.memory_space<vmem>> -> memref<1x96x128xf32, #tpu.memory_space<vmem>>
        %dma_wait3A_570 = tpu.memref_squeeze %dma_wait3A_569 : memref<1x96x128xf32, #tpu.memory_space<vmem>> -> memref<96x128xf32, #tpu.memory_space<vmem>>
        %dma_wait3A_571 = arith.constant 0 : i32
        %dma_wait3A_572 = arith.constant 0 : i32
        %dma_wait3A_573 = tpu.memref_slice %arg2[%dma_wait3A_571, %dma_wait3A_572] : memref<20480x128xf32, #tpu.memory_space<hbm>> -> memref<96x128xf32, #tpu.memory_space<hbm>>
        tpu.wait_dma2 semaphore(%dma_wait3A_566 : memref<!tpu.dma_semaphore, #tpu.memory_space<semaphore_mem>>) src(%dma_wait3A_573 : memref<96x128xf32, #tpu.memory_space<hbm>>) dst(%dma_wait3A_570 : memref<96x128xf32, #tpu.memory_space<vmem>>)
      } else {
      }
      %add3A_263 = arith.constant 2 : i32
      %add3A_264 = arith.addi %add3A_227, %add3A_263 : i32
      %lt3A = arith.constant 210 : i32
      %lt3A_265 = arith.cmpi slt, %add3A_264, %lt3A : i32
      %convert_element_type3A_266 = arith.extui %lt3A_265 : i1 to i32
      %cond3A_267 = arith.constant 0 : i32
      %cond3A_268 = arith.cmpi ne, %convert_element_type3A_266, %cond3A_267 : i32
      scf.if %cond3A_268 {
        %dma_wait3A_556 = arith.constant 0 : i32
        %dma_wait3A_557 = arith.constant 2 : i32
        %dma_wait3A_558 = arith.constant 2 : i32
        %dma_wait3A_559 = arith.constant 0 : i32
        %dma_wait3A_560 = tpu.memref_slice %arg7[%dma_wait3A_557, %dma_wait3A_559] : memref<6x96xi32, #tpu.memory_space<vmem>> -> memref<1x96xi32, #tpu.memory_space<vmem>>
        %dma_wait3A_561 = tpu.memref_squeeze %dma_wait3A_560 : memref<1x96xi32, #tpu.memory_space<vmem>> -> memref<96xi32, #tpu.memory_space<vmem>>
        %dma_wait3A_562 = arith.constant 0 : i32
        %dma_wait3A_563 = tpu.memref_slice %arg3[%arg0, %arg1, %dma_wait3A_556, %dma_wait3A_562] : memref<2x16x210x96xi32, #tpu.memory_space<hbm>> -> memref<1x1x1x96xi32, #tpu.memory_space<hbm>>
        %dma_wait3A_564 = tpu.memref_squeeze %dma_wait3A_563 : memref<1x1x1x96xi32, #tpu.memory_space<hbm>> -> memref<96xi32, #tpu.memory_space<hbm>>
        %dma_wait3A_565 = tpu.memref_slice %arg13[%dma_wait3A_558] : memref<6x!tpu.dma_semaphore, #tpu.memory_space<semaphore_mem>> -> memref<1x!tpu.dma_semaphore, #tpu.memory_space<semaphore_mem>>
        %dma_wait3A_566 = tpu.memref_squeeze %dma_wait3A_565 : memref<1x!tpu.dma_semaphore, #tpu.memory_space<semaphore_mem>> -> memref<!tpu.dma_semaphore, #tpu.memory_space<semaphore_mem>>
        %dma_wait3A_567 = arith.constant 0 : i32
        %dma_wait3A_568 = tpu.memref_slice %arg7[%dma_wait3A_557, %dma_wait3A_567] : memref<6x96xi32, #tpu.memory_space<vmem>> -> memref<1x96xi32, #tpu.memory_space<vmem>>
        %dma_wait3A_569 = tpu.memref_squeeze %dma_wait3A_568 : memref<1x96xi32, #tpu.memory_space<vmem>> -> memref<96xi32, #tpu.memory_space<vmem>>
        %dma_wait3A_570 = arith.constant 0 : i32
        %dma_wait3A_571 = tpu.memref_slice %arg3[%arg0, %arg1, %dma_wait3A_556, %dma_wait3A_570] : memref<2x16x210x96xi32, #tpu.memory_space<hbm>> -> memref<1x1x1x96xi32, #tpu.memory_space<hbm>>
        %dma_wait3A_572 = tpu.memref_squeeze %dma_wait3A_571 : memref<1x1x1x96xi32, #tpu.memory_space<hbm>> -> memref<96xi32, #tpu.memory_space<hbm>>
        tpu.wait_dma2 semaphore(%dma_wait3A_566 : memref<!tpu.dma_semaphore, #tpu.memory_space<semaphore_mem>>) src(%dma_wait3A_572 : memref<96xi32, #tpu.memory_space<hbm>>) dst(%dma_wait3A_569 : memref<96xi32, #tpu.memory_space<vmem>>)
        %dma_wait3A_573 = arith.constant 0 : i32
        %dma_wait3A_574 = arith.constant 2 : i32
        %dma_wait3A_575 = arith.constant 2 : i32
        %dma_wait3A_576 = arith.constant 0 : i32
        %dma_wait3A_577 = tpu.memref_slice %arg8[%dma_wait3A_574, %dma_wait3A_576] : memref<6x96xi32, #tpu.memory_space<vmem>> -> memref<1x96xi32, #tpu.memory_space<vmem>>
        %dma_wait3A_578 = tpu.memref_squeeze %dma_wait3A_577 : memref<1x96xi32, #tpu.memory_space<vmem>> -> memref<96xi32, #tpu.memory_space<vmem>>
        %dma_wait3A_579 = arith.constant 0 : i32
        %dma_wait3A_580 = tpu.memref_slice %arg4[%arg0, %arg1, %dma_wait3A_573, %dma_wait3A_579] : memref<2x16x210x96xi32, #tpu.memory_space<hbm>> -> memref<1x1x1x96xi32, #tpu.memory_space<hbm>>
        %dma_wait3A_581 = tpu.memref_squeeze %dma_wait3A_580 : memref<1x1x1x96xi32, #tpu.memory_space<hbm>> -> memref<96xi32, #tpu.memory_space<hbm>>
        %dma_wait3A_582 = tpu.memref_slice %arg13[%dma_wait3A_575] : memref<6x!tpu.dma_semaphore, #tpu.memory_space<semaphore_mem>> -> memref<1x!tpu.dma_semaphore, #tpu.memory_space<semaphore_mem>>
        %dma_wait3A_583 = tpu.memref_squeeze %dma_wait3A_582 : memref<1x!tpu.dma_semaphore, #tpu.memory_space<semaphore_mem>> -> memref<!tpu.dma_semaphore, #tpu.memory_space<semaphore_mem>>
        %dma_wait3A_584 = arith.constant 0 : i32
        %dma_wait3A_585 = tpu.memref_slice %arg8[%dma_wait3A_574, %dma_wait3A_584] : memref<6x96xi32, #tpu.memory_space<vmem>> -> memref<1x96xi32, #tpu.memory_space<vmem>>
        %dma_wait3A_586 = tpu.memref_squeeze %dma_wait3A_585 : memref<1x96xi32, #tpu.memory_space<vmem>> -> memref<96xi32, #tpu.memory_space<vmem>>
        %dma_wait3A_587 = arith.constant 0 : i32
        %dma_wait3A_588 = tpu.memref_slice %arg4[%arg0, %arg1, %dma_wait3A_573, %dma_wait3A_587] : memref<2x16x210x96xi32, #tpu.memory_space<hbm>> -> memref<1x1x1x96xi32, #tpu.memory_space<hbm>>
        %dma_wait3A_589 = tpu.memref_squeeze %dma_wait3A_588 : memref<1x1x1x96xi32, #tpu.memory_space<hbm>> -> memref<96xi32, #tpu.memory_space<hbm>>
        tpu.wait_dma2 semaphore(%dma_wait3A_583 : memref<!tpu.dma_semaphore, #tpu.memory_space<semaphore_mem>>) src(%dma_wait3A_589 : memref<96xi32, #tpu.memory_space<hbm>>) dst(%dma_wait3A_586 : memref<96xi32, #tpu.memory_space<vmem>>)
        %dma_start3A_590 = arith.constant 2 : i32
        %dma_start3A_591 = arith.constant 2 : i32
        %dma_start3A_592 = arith.constant 2 : i32
        %dma_start3A_593 = arith.constant 0 : i32
        %dma_start3A_594 = arith.constant 0 : i32
        %dma_start3A_595 = tpu.memref_slice %arg9[%dma_start3A_591, %dma_start3A_593, %dma_start3A_594] : memref<3x96x128xf32, #tpu.memory_space<vmem>> -> memref<1x96x128xf32, #tpu.memory_space<vmem>>
        %dma_start3A_596 = tpu.memref_squeeze %dma_start3A_595 : memref<1x96x128xf32, #tpu.memory_space<vmem>> -> memref<96x128xf32, #tpu.memory_space<vmem>>
        %dma_start3A_597 = arith.constant 0 : i32
        %dma_start3A_598 = tpu.memref_slice %arg7[%dma_start3A_590, %dma_start3A_597] : memref<6x96xi32, #tpu.memory_space<vmem>> -> memref<1x96xi32, #tpu.memory_space<vmem>>
        %dma_start3A_599 = tpu.memref_squeeze %dma_start3A_598 : memref<1x96xi32, #tpu.memory_space<vmem>> -> memref<96xi32, #tpu.memory_space<vmem>>
        %dma_start3A_600 = arith.constant 0 : i32
        %dma_start3A_601 = arith.constant 0 : i32
        %dma_start3A_602 = tpu.memref_slice %arg2[%dma_start3A_600, %dma_start3A_601] : memref<20480x128xf32, #tpu.memory_space<hbm>> -> memref<20480x128xf32, #tpu.memory_space<hbm>>
        %dma_start3A_603 = tpu.memref_slice %arg11[%dma_start3A_592] : memref<3x!tpu.dma_semaphore, #tpu.memory_space<semaphore_mem>> -> memref<1x!tpu.dma_semaphore, #tpu.memory_space<semaphore_mem>>
        %dma_start3A_604 = tpu.memref_squeeze %dma_start3A_603 : memref<1x!tpu.dma_semaphore, #tpu.memory_space<semaphore_mem>> -> memref<!tpu.dma_semaphore, #tpu.memory_space<semaphore_mem>>
        tpu.enqueue_indirect_dma source(%dma_start3A_602 : memref<20480x128xf32, #tpu.memory_space<hbm>>) target(%dma_start3A_596 : memref<96x128xf32, #tpu.memory_space<vmem>>) offsets(%dma_start3A_599 : memref<96xi32, #tpu.memory_space<vmem>>) semaphore(%dma_start3A_604 : memref<!tpu.dma_semaphore, #tpu.memory_space<semaphore_mem>>)
      } else {
      }
      %add3A_269 = arith.constant 3 : i32
      %add3A_270 = arith.addi %add3A_227, %add3A_269 : i32
      %lt3A_271 = arith.constant 210 : i32
      %lt3A_272 = arith.cmpi slt, %add3A_270, %lt3A_271 : i32
      %convert_element_type3A_273 = arith.extui %lt3A_272 : i1 to i32
      %cond3A_274 = arith.constant 0 : i32
      %cond3A_275 = arith.cmpi ne, %convert_element_type3A_273, %cond3A_274 : i32
      scf.if %cond3A_275 {
        %add3A_556 = arith.constant 3 : i32
        %add3A_557 = arith.addi %add3A_227, %add3A_556 : i32
        %dma_start3A_558 = arith.constant 3 : i32
        %dma_start3A_559 = arith.constant 3 : i32
        %dma_start3A_560 = arith.constant 0 : i32
        %dma_start3A_561 = tpu.memref_slice %arg7[%dma_start3A_558, %dma_start3A_560] : memref<6x96xi32, #tpu.memory_space<vmem>> -> memref<1x96xi32, #tpu.memory_space<vmem>>
        %dma_start3A_562 = tpu.memref_squeeze %dma_start3A_561 : memref<1x96xi32, #tpu.memory_space<vmem>> -> memref<96xi32, #tpu.memory_space<vmem>>
        %dma_start3A_563 = arith.constant 0 : i32
        %dma_start3A_564 = tpu.memref_slice %arg3[%arg0, %arg1, %add3A_557, %dma_start3A_563] : memref<2x16x210x96xi32, #tpu.memory_space<hbm>> -> memref<1x1x1x96xi32, #tpu.memory_space<hbm>>
        %dma_start3A_565 = tpu.memref_squeeze %dma_start3A_564 : memref<1x1x1x96xi32, #tpu.memory_space<hbm>> -> memref<96xi32, #tpu.memory_space<hbm>>
        %dma_start3A_566 = tpu.memref_slice %arg13[%dma_start3A_559] : memref<6x!tpu.dma_semaphore, #tpu.memory_space<semaphore_mem>> -> memref<1x!tpu.dma_semaphore, #tpu.memory_space<semaphore_mem>>
        %dma_start3A_567 = tpu.memref_squeeze %dma_start3A_566 : memref<1x!tpu.dma_semaphore, #tpu.memory_space<semaphore_mem>> -> memref<!tpu.dma_semaphore, #tpu.memory_space<semaphore_mem>>
        %dma_start3A_568 = arith.constant 0 : i32
        %dma_start3A_569 = tpu.memref_slice %arg7[%dma_start3A_558, %dma_start3A_568] : memref<6x96xi32, #tpu.memory_space<vmem>> -> memref<1x96xi32, #tpu.memory_space<vmem>>
        %dma_start3A_570 = tpu.memref_squeeze %dma_start3A_569 : memref<1x96xi32, #tpu.memory_space<vmem>> -> memref<96xi32, #tpu.memory_space<vmem>>
        %dma_start3A_571 = arith.constant 0 : i32
        %dma_start3A_572 = tpu.memref_slice %arg3[%arg0, %arg1, %add3A_557, %dma_start3A_571] : memref<2x16x210x96xi32, #tpu.memory_space<hbm>> -> memref<1x1x1x96xi32, #tpu.memory_space<hbm>>
        %dma_start3A_573 = tpu.memref_squeeze %dma_start3A_572 : memref<1x1x1x96xi32, #tpu.memory_space<hbm>> -> memref<96xi32, #tpu.memory_space<hbm>>
        tpu.enqueue_dma source(%dma_start3A_573 : memref<96xi32, #tpu.memory_space<hbm>>) target(%dma_start3A_570 : memref<96xi32, #tpu.memory_space<vmem>>) target_semaphore(%dma_start3A_567 : memref<!tpu.dma_semaphore, #tpu.memory_space<semaphore_mem>>)
        %dma_start3A_574 = arith.constant 3 : i32
        %dma_start3A_575 = arith.constant 3 : i32
        %dma_start3A_576 = arith.constant 0 : i32
        %dma_start3A_577 = tpu.memref_slice %arg8[%dma_start3A_574, %dma_start3A_576] : memref<6x96xi32, #tpu.memory_space<vmem>> -> memref<1x96xi32, #tpu.memory_space<vmem>>
        %dma_start3A_578 = tpu.memref_squeeze %dma_start3A_577 : memref<1x96xi32, #tpu.memory_space<vmem>> -> memref<96xi32, #tpu.memory_space<vmem>>
        %dma_start3A_579 = arith.constant 0 : i32
        %dma_start3A_580 = tpu.memref_slice %arg4[%arg0, %arg1, %add3A_557, %dma_start3A_579] : memref<2x16x210x96xi32, #tpu.memory_space<hbm>> -> memref<1x1x1x96xi32, #tpu.memory_space<hbm>>
        %dma_start3A_581 = tpu.memref_squeeze %dma_start3A_580 : memref<1x1x1x96xi32, #tpu.memory_space<hbm>> -> memref<96xi32, #tpu.memory_space<hbm>>
        %dma_start3A_582 = tpu.memref_slice %arg13[%dma_start3A_575] : memref<6x!tpu.dma_semaphore, #tpu.memory_space<semaphore_mem>> -> memref<1x!tpu.dma_semaphore, #tpu.memory_space<semaphore_mem>>
        %dma_start3A_583 = tpu.memref_squeeze %dma_start3A_582 : memref<1x!tpu.dma_semaphore, #tpu.memory_space<semaphore_mem>> -> memref<!tpu.dma_semaphore, #tpu.memory_space<semaphore_mem>>
        %dma_start3A_584 = arith.constant 0 : i32
        %dma_start3A_585 = tpu.memref_slice %arg8[%dma_start3A_574, %dma_start3A_584] : memref<6x96xi32, #tpu.memory_space<vmem>> -> memref<1x96xi32, #tpu.memory_space<vmem>>
        %dma_start3A_586 = tpu.memref_squeeze %dma_start3A_585 : memref<1x96xi32, #tpu.memory_space<vmem>> -> memref<96xi32, #tpu.memory_space<vmem>>
        %dma_start3A_587 = arith.constant 0 : i32
        %dma_start3A_588 = tpu.memref_slice %arg4[%arg0, %arg1, %add3A_557, %dma_start3A_587] : memref<2x16x210x96xi32, #tpu.memory_space<hbm>> -> memref<1x1x1x96xi32, #tpu.memory_space<hbm>>
        %dma_start3A_589 = tpu.memref_squeeze %dma_start3A_588 : memref<1x1x1x96xi32, #tpu.memory_space<hbm>> -> memref<96xi32, #tpu.memory_space<hbm>>
        tpu.enqueue_dma source(%dma_start3A_589 : memref<96xi32, #tpu.memory_space<hbm>>) target(%dma_start3A_586 : memref<96xi32, #tpu.memory_space<vmem>>) target_semaphore(%dma_start3A_583 : memref<!tpu.dma_semaphore, #tpu.memory_space<semaphore_mem>>)
      } else {
      }
      %mul3A_276 = arith.constant 6 : i32
      %mul3A_277 = arith.muli %mul3A_276, %scan3A_224 : i32
      %add3A_278 = arith.constant 1 : i32
      %add3A_279 = arith.addi %mul3A_277, %add3A_278 : i32
      %dma_wait3A_280 = arith.constant 1 : i32
      %dma_wait3A_281 = arith.constant 1 : i32
      %dma_wait3A_282 = arith.constant 0 : i32
      %dma_wait3A_283 = arith.constant 0 : i32
      %dma_wait3A_284 = tpu.memref_slice %arg9[%dma_wait3A_280, %dma_wait3A_282, %dma_wait3A_283] : memref<3x96x128xf32, #tpu.memory_space<vmem>> -> memref<1x96x128xf32, #tpu.memory_space<vmem>>
      %dma_wait3A_285 = tpu.memref_squeeze %dma_wait3A_284 : memref<1x96x128xf32, #tpu.memory_space<vmem>> -> memref<96x128xf32, #tpu.memory_space<vmem>>
      %dma_wait3A_286 = arith.constant 0 : i32
      %dma_wait3A_287 = arith.constant 0 : i32
      %dma_wait3A_288 = tpu.memref_slice %arg2[%dma_wait3A_286, %dma_wait3A_287] : memref<20480x128xf32, #tpu.memory_space<hbm>> -> memref<96x128xf32, #tpu.memory_space<hbm>>
      %dma_wait3A_289 = tpu.memref_slice %arg11[%dma_wait3A_281] : memref<3x!tpu.dma_semaphore, #tpu.memory_space<semaphore_mem>> -> memref<1x!tpu.dma_semaphore, #tpu.memory_space<semaphore_mem>>
      %dma_wait3A_290 = tpu.memref_squeeze %dma_wait3A_289 : memref<1x!tpu.dma_semaphore, #tpu.memory_space<semaphore_mem>> -> memref<!tpu.dma_semaphore, #tpu.memory_space<semaphore_mem>>
      %dma_wait3A_291 = arith.constant 0 : i32
      %dma_wait3A_292 = arith.constant 0 : i32
      %dma_wait3A_293 = tpu.memref_slice %arg9[%dma_wait3A_280, %dma_wait3A_291, %dma_wait3A_292] : memref<3x96x128xf32, #tpu.memory_space<vmem>> -> memref<1x96x128xf32, #tpu.memory_space<vmem>>
      %dma_wait3A_294 = tpu.memref_squeeze %dma_wait3A_293 : memref<1x96x128xf32, #tpu.memory_space<vmem>> -> memref<96x128xf32, #tpu.memory_space<vmem>>
      %dma_wait3A_295 = arith.constant 0 : i32
      %dma_wait3A_296 = arith.constant 0 : i32
      %dma_wait3A_297 = tpu.memref_slice %arg2[%dma_wait3A_295, %dma_wait3A_296] : memref<20480x128xf32, #tpu.memory_space<hbm>> -> memref<96x128xf32, #tpu.memory_space<hbm>>
      tpu.wait_dma2 semaphore(%dma_wait3A_290 : memref<!tpu.dma_semaphore, #tpu.memory_space<semaphore_mem>>) src(%dma_wait3A_297 : memref<96x128xf32, #tpu.memory_space<hbm>>) dst(%dma_wait3A_294 : memref<96x128xf32, #tpu.memory_space<vmem>>)
      %dma_start3A_298 = arith.constant 1 : i32
      %dma_start3A_299 = arith.constant 1 : i32
      %dma_start3A_300 = arith.constant 1 : i32
      %dma_start3A_301 = arith.constant 0 : i32
      %dma_start3A_302 = arith.constant 0 : i32
      %dma_start3A_303 = tpu.memref_slice %arg9[%dma_start3A_298, %dma_start3A_301, %dma_start3A_302] : memref<3x96x128xf32, #tpu.memory_space<vmem>> -> memref<1x96x128xf32, #tpu.memory_space<vmem>>
      %dma_start3A_304 = tpu.memref_squeeze %dma_start3A_303 : memref<1x96x128xf32, #tpu.memory_space<vmem>> -> memref<96x128xf32, #tpu.memory_space<vmem>>
      %dma_start3A_305 = arith.constant 0 : i32
      %dma_start3A_306 = tpu.memref_slice %arg8[%dma_start3A_299, %dma_start3A_305] : memref<6x96xi32, #tpu.memory_space<vmem>> -> memref<1x96xi32, #tpu.memory_space<vmem>>
      %dma_start3A_307 = tpu.memref_squeeze %dma_start3A_306 : memref<1x96xi32, #tpu.memory_space<vmem>> -> memref<96xi32, #tpu.memory_space<vmem>>
      %dma_start3A_308 = arith.constant 0 : i32
      %dma_start3A_309 = arith.constant 0 : i32
      %dma_start3A_310 = tpu.memref_slice %arg10[%dma_start3A_308, %dma_start3A_309] : memref<10240x128xf32, #tpu.memory_space<vmem_shared>> -> memref<10240x128xf32, #tpu.memory_space<vmem_shared>>
      %dma_start3A_311 = tpu.memref_slice %arg12[%dma_start3A_300] : memref<3x!tpu.dma_semaphore, #tpu.memory_space<semaphore_mem>> -> memref<1x!tpu.dma_semaphore, #tpu.memory_space<semaphore_mem>>
      %dma_start3A_312 = tpu.memref_squeeze %dma_start3A_311 : memref<1x!tpu.dma_semaphore, #tpu.memory_space<semaphore_mem>> -> memref<!tpu.dma_semaphore, #tpu.memory_space<semaphore_mem>>
      tpu.enqueue_indirect_dma source(%dma_start3A_304 : memref<96x128xf32, #tpu.memory_space<vmem>>) target(%dma_start3A_310 : memref<10240x128xf32, #tpu.memory_space<vmem_shared>>) offsets(%dma_start3A_307 : memref<96xi32, #tpu.memory_space<vmem>>) semaphore(%dma_start3A_312 : memref<!tpu.dma_semaphore, #tpu.memory_space<semaphore_mem>>) {add = true}
      %ge3A_313 = arith.constant 1 : i32
      %ge3A_314 = arith.cmpi sge, %add3A_279, %ge3A_313 : i32
      %convert_element_type3A_315 = arith.extui %ge3A_314 : i1 to i32
      %cond3A_316 = arith.constant 0 : i32
      %cond3A_317 = arith.cmpi ne, %convert_element_type3A_315, %cond3A_316 : i32
      scf.if %cond3A_317 {
        %dma_wait3A_556 = arith.constant 0 : i32
        %dma_wait3A_557 = arith.constant 0 : i32
        %dma_wait3A_558 = arith.constant 0 : i32
        %dma_wait3A_559 = arith.constant 0 : i32
        %dma_wait3A_560 = tpu.memref_slice %arg9[%dma_wait3A_556, %dma_wait3A_558, %dma_wait3A_559] : memref<3x96x128xf32, #tpu.memory_space<vmem>> -> memref<1x96x128xf32, #tpu.memory_space<vmem>>
        %dma_wait3A_561 = tpu.memref_squeeze %dma_wait3A_560 : memref<1x96x128xf32, #tpu.memory_space<vmem>> -> memref<96x128xf32, #tpu.memory_space<vmem>>
        %dma_wait3A_562 = arith.constant 0 : i32
        %dma_wait3A_563 = arith.constant 0 : i32
        %dma_wait3A_564 = tpu.memref_slice %arg2[%dma_wait3A_562, %dma_wait3A_563] : memref<20480x128xf32, #tpu.memory_space<hbm>> -> memref<96x128xf32, #tpu.memory_space<hbm>>
        %dma_wait3A_565 = tpu.memref_slice %arg12[%dma_wait3A_557] : memref<3x!tpu.dma_semaphore, #tpu.memory_space<semaphore_mem>> -> memref<1x!tpu.dma_semaphore, #tpu.memory_space<semaphore_mem>>
        %dma_wait3A_566 = tpu.memref_squeeze %dma_wait3A_565 : memref<1x!tpu.dma_semaphore, #tpu.memory_space<semaphore_mem>> -> memref<!tpu.dma_semaphore, #tpu.memory_space<semaphore_mem>>
        %dma_wait3A_567 = arith.constant 0 : i32
        %dma_wait3A_568 = arith.constant 0 : i32
        %dma_wait3A_569 = tpu.memref_slice %arg9[%dma_wait3A_556, %dma_wait3A_567, %dma_wait3A_568] : memref<3x96x128xf32, #tpu.memory_space<vmem>> -> memref<1x96x128xf32, #tpu.memory_space<vmem>>
        %dma_wait3A_570 = tpu.memref_squeeze %dma_wait3A_569 : memref<1x96x128xf32, #tpu.memory_space<vmem>> -> memref<96x128xf32, #tpu.memory_space<vmem>>
        %dma_wait3A_571 = arith.constant 0 : i32
        %dma_wait3A_572 = arith.constant 0 : i32
        %dma_wait3A_573 = tpu.memref_slice %arg2[%dma_wait3A_571, %dma_wait3A_572] : memref<20480x128xf32, #tpu.memory_space<hbm>> -> memref<96x128xf32, #tpu.memory_space<hbm>>
        tpu.wait_dma2 semaphore(%dma_wait3A_566 : memref<!tpu.dma_semaphore, #tpu.memory_space<semaphore_mem>>) src(%dma_wait3A_573 : memref<96x128xf32, #tpu.memory_space<hbm>>) dst(%dma_wait3A_570 : memref<96x128xf32, #tpu.memory_space<vmem>>)
      } else {
      }
      %add3A_318 = arith.constant 2 : i32
      %add3A_319 = arith.addi %add3A_279, %add3A_318 : i32
      %lt3A_320 = arith.constant 210 : i32
      %lt3A_321 = arith.cmpi slt, %add3A_319, %lt3A_320 : i32
      %convert_element_type3A_322 = arith.extui %lt3A_321 : i1 to i32
      %cond3A_323 = arith.constant 0 : i32
      %cond3A_324 = arith.cmpi ne, %convert_element_type3A_322, %cond3A_323 : i32
      scf.if %cond3A_324 {
        %dma_wait3A_556 = arith.constant 0 : i32
        %dma_wait3A_557 = arith.constant 3 : i32
        %dma_wait3A_558 = arith.constant 3 : i32
        %dma_wait3A_559 = arith.constant 0 : i32
        %dma_wait3A_560 = tpu.memref_slice %arg7[%dma_wait3A_557, %dma_wait3A_559] : memref<6x96xi32, #tpu.memory_space<vmem>> -> memref<1x96xi32, #tpu.memory_space<vmem>>
        %dma_wait3A_561 = tpu.memref_squeeze %dma_wait3A_560 : memref<1x96xi32, #tpu.memory_space<vmem>> -> memref<96xi32, #tpu.memory_space<vmem>>
        %dma_wait3A_562 = arith.constant 0 : i32
        %dma_wait3A_563 = tpu.memref_slice %arg3[%arg0, %arg1, %dma_wait3A_556, %dma_wait3A_562] : memref<2x16x210x96xi32, #tpu.memory_space<hbm>> -> memref<1x1x1x96xi32, #tpu.memory_space<hbm>>
        %dma_wait3A_564 = tpu.memref_squeeze %dma_wait3A_563 : memref<1x1x1x96xi32, #tpu.memory_space<hbm>> -> memref<96xi32, #tpu.memory_space<hbm>>
        %dma_wait3A_565 = tpu.memref_slice %arg13[%dma_wait3A_558] : memref<6x!tpu.dma_semaphore, #tpu.memory_space<semaphore_mem>> -> memref<1x!tpu.dma_semaphore, #tpu.memory_space<semaphore_mem>>
        %dma_wait3A_566 = tpu.memref_squeeze %dma_wait3A_565 : memref<1x!tpu.dma_semaphore, #tpu.memory_space<semaphore_mem>> -> memref<!tpu.dma_semaphore, #tpu.memory_space<semaphore_mem>>
        %dma_wait3A_567 = arith.constant 0 : i32
        %dma_wait3A_568 = tpu.memref_slice %arg7[%dma_wait3A_557, %dma_wait3A_567] : memref<6x96xi32, #tpu.memory_space<vmem>> -> memref<1x96xi32, #tpu.memory_space<vmem>>
        %dma_wait3A_569 = tpu.memref_squeeze %dma_wait3A_568 : memref<1x96xi32, #tpu.memory_space<vmem>> -> memref<96xi32, #tpu.memory_space<vmem>>
        %dma_wait3A_570 = arith.constant 0 : i32
        %dma_wait3A_571 = tpu.memref_slice %arg3[%arg0, %arg1, %dma_wait3A_556, %dma_wait3A_570] : memref<2x16x210x96xi32, #tpu.memory_space<hbm>> -> memref<1x1x1x96xi32, #tpu.memory_space<hbm>>
        %dma_wait3A_572 = tpu.memref_squeeze %dma_wait3A_571 : memref<1x1x1x96xi32, #tpu.memory_space<hbm>> -> memref<96xi32, #tpu.memory_space<hbm>>
        tpu.wait_dma2 semaphore(%dma_wait3A_566 : memref<!tpu.dma_semaphore, #tpu.memory_space<semaphore_mem>>) src(%dma_wait3A_572 : memref<96xi32, #tpu.memory_space<hbm>>) dst(%dma_wait3A_569 : memref<96xi32, #tpu.memory_space<vmem>>)
        %dma_wait3A_573 = arith.constant 0 : i32
        %dma_wait3A_574 = arith.constant 3 : i32
        %dma_wait3A_575 = arith.constant 3 : i32
        %dma_wait3A_576 = arith.constant 0 : i32
        %dma_wait3A_577 = tpu.memref_slice %arg8[%dma_wait3A_574, %dma_wait3A_576] : memref<6x96xi32, #tpu.memory_space<vmem>> -> memref<1x96xi32, #tpu.memory_space<vmem>>
        %dma_wait3A_578 = tpu.memref_squeeze %dma_wait3A_577 : memref<1x96xi32, #tpu.memory_space<vmem>> -> memref<96xi32, #tpu.memory_space<vmem>>
        %dma_wait3A_579 = arith.constant 0 : i32
        %dma_wait3A_580 = tpu.memref_slice %arg4[%arg0, %arg1, %dma_wait3A_573, %dma_wait3A_579] : memref<2x16x210x96xi32, #tpu.memory_space<hbm>> -> memref<1x1x1x96xi32, #tpu.memory_space<hbm>>
        %dma_wait3A_581 = tpu.memref_squeeze %dma_wait3A_580 : memref<1x1x1x96xi32, #tpu.memory_space<hbm>> -> memref<96xi32, #tpu.memory_space<hbm>>
        %dma_wait3A_582 = tpu.memref_slice %arg13[%dma_wait3A_575] : memref<6x!tpu.dma_semaphore, #tpu.memory_space<semaphore_mem>> -> memref<1x!tpu.dma_semaphore, #tpu.memory_space<semaphore_mem>>
        %dma_wait3A_583 = tpu.memref_squeeze %dma_wait3A_582 : memref<1x!tpu.dma_semaphore, #tpu.memory_space<semaphore_mem>> -> memref<!tpu.dma_semaphore, #tpu.memory_space<semaphore_mem>>
        %dma_wait3A_584 = arith.constant 0 : i32
        %dma_wait3A_585 = tpu.memref_slice %arg8[%dma_wait3A_574, %dma_wait3A_584] : memref<6x96xi32, #tpu.memory_space<vmem>> -> memref<1x96xi32, #tpu.memory_space<vmem>>
        %dma_wait3A_586 = tpu.memref_squeeze %dma_wait3A_585 : memref<1x96xi32, #tpu.memory_space<vmem>> -> memref<96xi32, #tpu.memory_space<vmem>>
        %dma_wait3A_587 = arith.constant 0 : i32
        %dma_wait3A_588 = tpu.memref_slice %arg4[%arg0, %arg1, %dma_wait3A_573, %dma_wait3A_587] : memref<2x16x210x96xi32, #tpu.memory_space<hbm>> -> memref<1x1x1x96xi32, #tpu.memory_space<hbm>>
        %dma_wait3A_589 = tpu.memref_squeeze %dma_wait3A_588 : memref<1x1x1x96xi32, #tpu.memory_space<hbm>> -> memref<96xi32, #tpu.memory_space<hbm>>
        tpu.wait_dma2 semaphore(%dma_wait3A_583 : memref<!tpu.dma_semaphore, #tpu.memory_space<semaphore_mem>>) src(%dma_wait3A_589 : memref<96xi32, #tpu.memory_space<hbm>>) dst(%dma_wait3A_586 : memref<96xi32, #tpu.memory_space<vmem>>)
        %dma_start3A_590 = arith.constant 3 : i32
        %dma_start3A_591 = arith.constant 0 : i32
        %dma_start3A_592 = arith.constant 0 : i32
        %dma_start3A_593 = arith.constant 0 : i32
        %dma_start3A_594 = arith.constant 0 : i32
        %dma_start3A_595 = tpu.memref_slice %arg9[%dma_start3A_591, %dma_start3A_593, %dma_start3A_594] : memref<3x96x128xf32, #tpu.memory_space<vmem>> -> memref<1x96x128xf32, #tpu.memory_space<vmem>>
        %dma_start3A_596 = tpu.memref_squeeze %dma_start3A_595 : memref<1x96x128xf32, #tpu.memory_space<vmem>> -> memref<96x128xf32, #tpu.memory_space<vmem>>
        %dma_start3A_597 = arith.constant 0 : i32
        %dma_start3A_598 = tpu.memref_slice %arg7[%dma_start3A_590, %dma_start3A_597] : memref<6x96xi32, #tpu.memory_space<vmem>> -> memref<1x96xi32, #tpu.memory_space<vmem>>
        %dma_start3A_599 = tpu.memref_squeeze %dma_start3A_598 : memref<1x96xi32, #tpu.memory_space<vmem>> -> memref<96xi32, #tpu.memory_space<vmem>>
        %dma_start3A_600 = arith.constant 0 : i32
        %dma_start3A_601 = arith.constant 0 : i32
        %dma_start3A_602 = tpu.memref_slice %arg2[%dma_start3A_600, %dma_start3A_601] : memref<20480x128xf32, #tpu.memory_space<hbm>> -> memref<20480x128xf32, #tpu.memory_space<hbm>>
        %dma_start3A_603 = tpu.memref_slice %arg11[%dma_start3A_592] : memref<3x!tpu.dma_semaphore, #tpu.memory_space<semaphore_mem>> -> memref<1x!tpu.dma_semaphore, #tpu.memory_space<semaphore_mem>>
        %dma_start3A_604 = tpu.memref_squeeze %dma_start3A_603 : memref<1x!tpu.dma_semaphore, #tpu.memory_space<semaphore_mem>> -> memref<!tpu.dma_semaphore, #tpu.memory_space<semaphore_mem>>
        tpu.enqueue_indirect_dma source(%dma_start3A_602 : memref<20480x128xf32, #tpu.memory_space<hbm>>) target(%dma_start3A_596 : memref<96x128xf32, #tpu.memory_space<vmem>>) offsets(%dma_start3A_599 : memref<96xi32, #tpu.memory_space<vmem>>) semaphore(%dma_start3A_604 : memref<!tpu.dma_semaphore, #tpu.memory_space<semaphore_mem>>)
      } else {
      }
      %add3A_325 = arith.constant 3 : i32
      %add3A_326 = arith.addi %add3A_279, %add3A_325 : i32
      %lt3A_327 = arith.constant 210 : i32
      %lt3A_328 = arith.cmpi slt, %add3A_326, %lt3A_327 : i32
      %convert_element_type3A_329 = arith.extui %lt3A_328 : i1 to i32
      %cond3A_330 = arith.constant 0 : i32
      %cond3A_331 = arith.cmpi ne, %convert_element_type3A_329, %cond3A_330 : i32
      scf.if %cond3A_331 {
        %add3A_556 = arith.constant 3 : i32
        %add3A_557 = arith.addi %add3A_279, %add3A_556 : i32
        %dma_start3A_558 = arith.constant 4 : i32
        %dma_start3A_559 = arith.constant 4 : i32
        %dma_start3A_560 = arith.constant 0 : i32
        %dma_start3A_561 = tpu.memref_slice %arg7[%dma_start3A_558, %dma_start3A_560] : memref<6x96xi32, #tpu.memory_space<vmem>> -> memref<1x96xi32, #tpu.memory_space<vmem>>
        %dma_start3A_562 = tpu.memref_squeeze %dma_start3A_561 : memref<1x96xi32, #tpu.memory_space<vmem>> -> memref<96xi32, #tpu.memory_space<vmem>>
        %dma_start3A_563 = arith.constant 0 : i32
        %dma_start3A_564 = tpu.memref_slice %arg3[%arg0, %arg1, %add3A_557, %dma_start3A_563] : memref<2x16x210x96xi32, #tpu.memory_space<hbm>> -> memref<1x1x1x96xi32, #tpu.memory_space<hbm>>
        %dma_start3A_565 = tpu.memref_squeeze %dma_start3A_564 : memref<1x1x1x96xi32, #tpu.memory_space<hbm>> -> memref<96xi32, #tpu.memory_space<hbm>>
        %dma_start3A_566 = tpu.memref_slice %arg13[%dma_start3A_559] : memref<6x!tpu.dma_semaphore, #tpu.memory_space<semaphore_mem>> -> memref<1x!tpu.dma_semaphore, #tpu.memory_space<semaphore_mem>>
        %dma_start3A_567 = tpu.memref_squeeze %dma_start3A_566 : memref<1x!tpu.dma_semaphore, #tpu.memory_space<semaphore_mem>> -> memref<!tpu.dma_semaphore, #tpu.memory_space<semaphore_mem>>
        %dma_start3A_568 = arith.constant 0 : i32
        %dma_start3A_569 = tpu.memref_slice %arg7[%dma_start3A_558, %dma_start3A_568] : memref<6x96xi32, #tpu.memory_space<vmem>> -> memref<1x96xi32, #tpu.memory_space<vmem>>
        %dma_start3A_570 = tpu.memref_squeeze %dma_start3A_569 : memref<1x96xi32, #tpu.memory_space<vmem>> -> memref<96xi32, #tpu.memory_space<vmem>>
        %dma_start3A_571 = arith.constant 0 : i32
        %dma_start3A_572 = tpu.memref_slice %arg3[%arg0, %arg1, %add3A_557, %dma_start3A_571] : memref<2x16x210x96xi32, #tpu.memory_space<hbm>> -> memref<1x1x1x96xi32, #tpu.memory_space<hbm>>
        %dma_start3A_573 = tpu.memref_squeeze %dma_start3A_572 : memref<1x1x1x96xi32, #tpu.memory_space<hbm>> -> memref<96xi32, #tpu.memory_space<hbm>>
        tpu.enqueue_dma source(%dma_start3A_573 : memref<96xi32, #tpu.memory_space<hbm>>) target(%dma_start3A_570 : memref<96xi32, #tpu.memory_space<vmem>>) target_semaphore(%dma_start3A_567 : memref<!tpu.dma_semaphore, #tpu.memory_space<semaphore_mem>>)
        %dma_start3A_574 = arith.constant 4 : i32
        %dma_start3A_575 = arith.constant 4 : i32
        %dma_start3A_576 = arith.constant 0 : i32
        %dma_start3A_577 = tpu.memref_slice %arg8[%dma_start3A_574, %dma_start3A_576] : memref<6x96xi32, #tpu.memory_space<vmem>> -> memref<1x96xi32, #tpu.memory_space<vmem>>
        %dma_start3A_578 = tpu.memref_squeeze %dma_start3A_577 : memref<1x96xi32, #tpu.memory_space<vmem>> -> memref<96xi32, #tpu.memory_space<vmem>>
        %dma_start3A_579 = arith.constant 0 : i32
        %dma_start3A_580 = tpu.memref_slice %arg4[%arg0, %arg1, %add3A_557, %dma_start3A_579] : memref<2x16x210x96xi32, #tpu.memory_space<hbm>> -> memref<1x1x1x96xi32, #tpu.memory_space<hbm>>
        %dma_start3A_581 = tpu.memref_squeeze %dma_start3A_580 : memref<1x1x1x96xi32, #tpu.memory_space<hbm>> -> memref<96xi32, #tpu.memory_space<hbm>>
        %dma_start3A_582 = tpu.memref_slice %arg13[%dma_start3A_575] : memref<6x!tpu.dma_semaphore, #tpu.memory_space<semaphore_mem>> -> memref<1x!tpu.dma_semaphore, #tpu.memory_space<semaphore_mem>>
        %dma_start3A_583 = tpu.memref_squeeze %dma_start3A_582 : memref<1x!tpu.dma_semaphore, #tpu.memory_space<semaphore_mem>> -> memref<!tpu.dma_semaphore, #tpu.memory_space<semaphore_mem>>
        %dma_start3A_584 = arith.constant 0 : i32
        %dma_start3A_585 = tpu.memref_slice %arg8[%dma_start3A_574, %dma_start3A_584] : memref<6x96xi32, #tpu.memory_space<vmem>> -> memref<1x96xi32, #tpu.memory_space<vmem>>
        %dma_start3A_586 = tpu.memref_squeeze %dma_start3A_585 : memref<1x96xi32, #tpu.memory_space<vmem>> -> memref<96xi32, #tpu.memory_space<vmem>>
        %dma_start3A_587 = arith.constant 0 : i32
        %dma_start3A_588 = tpu.memref_slice %arg4[%arg0, %arg1, %add3A_557, %dma_start3A_587] : memref<2x16x210x96xi32, #tpu.memory_space<hbm>> -> memref<1x1x1x96xi32, #tpu.memory_space<hbm>>
        %dma_start3A_589 = tpu.memref_squeeze %dma_start3A_588 : memref<1x1x1x96xi32, #tpu.memory_space<hbm>> -> memref<96xi32, #tpu.memory_space<hbm>>
        tpu.enqueue_dma source(%dma_start3A_589 : memref<96xi32, #tpu.memory_space<hbm>>) target(%dma_start3A_586 : memref<96xi32, #tpu.memory_space<vmem>>) target_semaphore(%dma_start3A_583 : memref<!tpu.dma_semaphore, #tpu.memory_space<semaphore_mem>>)
      } else {
      }
      %mul3A_332 = arith.constant 6 : i32
      %mul3A_333 = arith.muli %mul3A_332, %scan3A_224 : i32
      %add3A_334 = arith.constant 2 : i32
      %add3A_335 = arith.addi %mul3A_333, %add3A_334 : i32
      %dma_wait3A_336 = arith.constant 2 : i32
      %dma_wait3A_337 = arith.constant 2 : i32
      %dma_wait3A_338 = arith.constant 0 : i32
      %dma_wait3A_339 = arith.constant 0 : i32
      %dma_wait3A_340 = tpu.memref_slice %arg9[%dma_wait3A_336, %dma_wait3A_338, %dma_wait3A_339] : memref<3x96x128xf32, #tpu.memory_space<vmem>> -> memref<1x96x128xf32, #tpu.memory_space<vmem>>
      %dma_wait3A_341 = tpu.memref_squeeze %dma_wait3A_340 : memref<1x96x128xf32, #tpu.memory_space<vmem>> -> memref<96x128xf32, #tpu.memory_space<vmem>>
      %dma_wait3A_342 = arith.constant 0 : i32
      %dma_wait3A_343 = arith.constant 0 : i32
      %dma_wait3A_344 = tpu.memref_slice %arg2[%dma_wait3A_342, %dma_wait3A_343] : memref<20480x128xf32, #tpu.memory_space<hbm>> -> memref<96x128xf32, #tpu.memory_space<hbm>>
      %dma_wait3A_345 = tpu.memref_slice %arg11[%dma_wait3A_337] : memref<3x!tpu.dma_semaphore, #tpu.memory_space<semaphore_mem>> -> memref<1x!tpu.dma_semaphore, #tpu.memory_space<semaphore_mem>>
      %dma_wait3A_346 = tpu.memref_squeeze %dma_wait3A_345 : memref<1x!tpu.dma_semaphore, #tpu.memory_space<semaphore_mem>> -> memref<!tpu.dma_semaphore, #tpu.memory_space<semaphore_mem>>
      %dma_wait3A_347 = arith.constant 0 : i32
      %dma_wait3A_348 = arith.constant 0 : i32
      %dma_wait3A_349 = tpu.memref_slice %arg9[%dma_wait3A_336, %dma_wait3A_347, %dma_wait3A_348] : memref<3x96x128xf32, #tpu.memory_space<vmem>> -> memref<1x96x128xf32, #tpu.memory_space<vmem>>
      %dma_wait3A_350 = tpu.memref_squeeze %dma_wait3A_349 : memref<1x96x128xf32, #tpu.memory_space<vmem>> -> memref<96x128xf32, #tpu.memory_space<vmem>>
      %dma_wait3A_351 = arith.constant 0 : i32
      %dma_wait3A_352 = arith.constant 0 : i32
      %dma_wait3A_353 = tpu.memref_slice %arg2[%dma_wait3A_351, %dma_wait3A_352] : memref<20480x128xf32, #tpu.memory_space<hbm>> -> memref<96x128xf32, #tpu.memory_space<hbm>>
      tpu.wait_dma2 semaphore(%dma_wait3A_346 : memref<!tpu.dma_semaphore, #tpu.memory_space<semaphore_mem>>) src(%dma_wait3A_353 : memref<96x128xf32, #tpu.memory_space<hbm>>) dst(%dma_wait3A_350 : memref<96x128xf32, #tpu.memory_space<vmem>>)
      %dma_start3A_354 = arith.constant 2 : i32
      %dma_start3A_355 = arith.constant 2 : i32
      %dma_start3A_356 = arith.constant 2 : i32
      %dma_start3A_357 = arith.constant 0 : i32
      %dma_start3A_358 = arith.constant 0 : i32
      %dma_start3A_359 = tpu.memref_slice %arg9[%dma_start3A_354, %dma_start3A_357, %dma_start3A_358] : memref<3x96x128xf32, #tpu.memory_space<vmem>> -> memref<1x96x128xf32, #tpu.memory_space<vmem>>
      %dma_start3A_360 = tpu.memref_squeeze %dma_start3A_359 : memref<1x96x128xf32, #tpu.memory_space<vmem>> -> memref<96x128xf32, #tpu.memory_space<vmem>>
      %dma_start3A_361 = arith.constant 0 : i32
      %dma_start3A_362 = tpu.memref_slice %arg8[%dma_start3A_355, %dma_start3A_361] : memref<6x96xi32, #tpu.memory_space<vmem>> -> memref<1x96xi32, #tpu.memory_space<vmem>>
      %dma_start3A_363 = tpu.memref_squeeze %dma_start3A_362 : memref<1x96xi32, #tpu.memory_space<vmem>> -> memref<96xi32, #tpu.memory_space<vmem>>
      %dma_start3A_364 = arith.constant 0 : i32
      %dma_start3A_365 = arith.constant 0 : i32
      %dma_start3A_366 = tpu.memref_slice %arg10[%dma_start3A_364, %dma_start3A_365] : memref<10240x128xf32, #tpu.memory_space<vmem_shared>> -> memref<10240x128xf32, #tpu.memory_space<vmem_shared>>
      %dma_start3A_367 = tpu.memref_slice %arg12[%dma_start3A_356] : memref<3x!tpu.dma_semaphore, #tpu.memory_space<semaphore_mem>> -> memref<1x!tpu.dma_semaphore, #tpu.memory_space<semaphore_mem>>
      %dma_start3A_368 = tpu.memref_squeeze %dma_start3A_367 : memref<1x!tpu.dma_semaphore, #tpu.memory_space<semaphore_mem>> -> memref<!tpu.dma_semaphore, #tpu.memory_space<semaphore_mem>>
      tpu.enqueue_indirect_dma source(%dma_start3A_360 : memref<96x128xf32, #tpu.memory_space<vmem>>) target(%dma_start3A_366 : memref<10240x128xf32, #tpu.memory_space<vmem_shared>>) offsets(%dma_start3A_363 : memref<96xi32, #tpu.memory_space<vmem>>) semaphore(%dma_start3A_368 : memref<!tpu.dma_semaphore, #tpu.memory_space<semaphore_mem>>) {add = true}
      %ge3A_369 = arith.constant 1 : i32
      %ge3A_370 = arith.cmpi sge, %add3A_335, %ge3A_369 : i32
      %convert_element_type3A_371 = arith.extui %ge3A_370 : i1 to i32
      %cond3A_372 = arith.constant 0 : i32
      %cond3A_373 = arith.cmpi ne, %convert_element_type3A_371, %cond3A_372 : i32
      scf.if %cond3A_373 {
        %dma_wait3A_556 = arith.constant 1 : i32
        %dma_wait3A_557 = arith.constant 1 : i32
        %dma_wait3A_558 = arith.constant 0 : i32
        %dma_wait3A_559 = arith.constant 0 : i32
        %dma_wait3A_560 = tpu.memref_slice %arg9[%dma_wait3A_556, %dma_wait3A_558, %dma_wait3A_559] : memref<3x96x128xf32, #tpu.memory_space<vmem>> -> memref<1x96x128xf32, #tpu.memory_space<vmem>>
        %dma_wait3A_561 = tpu.memref_squeeze %dma_wait3A_560 : memref<1x96x128xf32, #tpu.memory_space<vmem>> -> memref<96x128xf32, #tpu.memory_space<vmem>>
        %dma_wait3A_562 = arith.constant 0 : i32
        %dma_wait3A_563 = arith.constant 0 : i32
        %dma_wait3A_564 = tpu.memref_slice %arg2[%dma_wait3A_562, %dma_wait3A_563] : memref<20480x128xf32, #tpu.memory_space<hbm>> -> memref<96x128xf32, #tpu.memory_space<hbm>>
        %dma_wait3A_565 = tpu.memref_slice %arg12[%dma_wait3A_557] : memref<3x!tpu.dma_semaphore, #tpu.memory_space<semaphore_mem>> -> memref<1x!tpu.dma_semaphore, #tpu.memory_space<semaphore_mem>>
        %dma_wait3A_566 = tpu.memref_squeeze %dma_wait3A_565 : memref<1x!tpu.dma_semaphore, #tpu.memory_space<semaphore_mem>> -> memref<!tpu.dma_semaphore, #tpu.memory_space<semaphore_mem>>
        %dma_wait3A_567 = arith.constant 0 : i32
        %dma_wait3A_568 = arith.constant 0 : i32
        %dma_wait3A_569 = tpu.memref_slice %arg9[%dma_wait3A_556, %dma_wait3A_567, %dma_wait3A_568] : memref<3x96x128xf32, #tpu.memory_space<vmem>> -> memref<1x96x128xf32, #tpu.memory_space<vmem>>
        %dma_wait3A_570 = tpu.memref_squeeze %dma_wait3A_569 : memref<1x96x128xf32, #tpu.memory_space<vmem>> -> memref<96x128xf32, #tpu.memory_space<vmem>>
        %dma_wait3A_571 = arith.constant 0 : i32
        %dma_wait3A_572 = arith.constant 0 : i32
        %dma_wait3A_573 = tpu.memref_slice %arg2[%dma_wait3A_571, %dma_wait3A_572] : memref<20480x128xf32, #tpu.memory_space<hbm>> -> memref<96x128xf32, #tpu.memory_space<hbm>>
        tpu.wait_dma2 semaphore(%dma_wait3A_566 : memref<!tpu.dma_semaphore, #tpu.memory_space<semaphore_mem>>) src(%dma_wait3A_573 : memref<96x128xf32, #tpu.memory_space<hbm>>) dst(%dma_wait3A_570 : memref<96x128xf32, #tpu.memory_space<vmem>>)
      } else {
      }
      %add3A_374 = arith.constant 2 : i32
      %add3A_375 = arith.addi %add3A_335, %add3A_374 : i32
      %lt3A_376 = arith.constant 210 : i32
      %lt3A_377 = arith.cmpi slt, %add3A_375, %lt3A_376 : i32
      %convert_element_type3A_378 = arith.extui %lt3A_377 : i1 to i32
      %cond3A_379 = arith.constant 0 : i32
      %cond3A_380 = arith.cmpi ne, %convert_element_type3A_378, %cond3A_379 : i32
      scf.if %cond3A_380 {
        %dma_wait3A_556 = arith.constant 0 : i32
        %dma_wait3A_557 = arith.constant 4 : i32
        %dma_wait3A_558 = arith.constant 4 : i32
        %dma_wait3A_559 = arith.constant 0 : i32
        %dma_wait3A_560 = tpu.memref_slice %arg7[%dma_wait3A_557, %dma_wait3A_559] : memref<6x96xi32, #tpu.memory_space<vmem>> -> memref<1x96xi32, #tpu.memory_space<vmem>>
        %dma_wait3A_561 = tpu.memref_squeeze %dma_wait3A_560 : memref<1x96xi32, #tpu.memory_space<vmem>> -> memref<96xi32, #tpu.memory_space<vmem>>
        %dma_wait3A_562 = arith.constant 0 : i32
        %dma_wait3A_563 = tpu.memref_slice %arg3[%arg0, %arg1, %dma_wait3A_556, %dma_wait3A_562] : memref<2x16x210x96xi32, #tpu.memory_space<hbm>> -> memref<1x1x1x96xi32, #tpu.memory_space<hbm>>
        %dma_wait3A_564 = tpu.memref_squeeze %dma_wait3A_563 : memref<1x1x1x96xi32, #tpu.memory_space<hbm>> -> memref<96xi32, #tpu.memory_space<hbm>>
        %dma_wait3A_565 = tpu.memref_slice %arg13[%dma_wait3A_558] : memref<6x!tpu.dma_semaphore, #tpu.memory_space<semaphore_mem>> -> memref<1x!tpu.dma_semaphore, #tpu.memory_space<semaphore_mem>>
        %dma_wait3A_566 = tpu.memref_squeeze %dma_wait3A_565 : memref<1x!tpu.dma_semaphore, #tpu.memory_space<semaphore_mem>> -> memref<!tpu.dma_semaphore, #tpu.memory_space<semaphore_mem>>
        %dma_wait3A_567 = arith.constant 0 : i32
        %dma_wait3A_568 = tpu.memref_slice %arg7[%dma_wait3A_557, %dma_wait3A_567] : memref<6x96xi32, #tpu.memory_space<vmem>> -> memref<1x96xi32, #tpu.memory_space<vmem>>
        %dma_wait3A_569 = tpu.memref_squeeze %dma_wait3A_568 : memref<1x96xi32, #tpu.memory_space<vmem>> -> memref<96xi32, #tpu.memory_space<vmem>>
        %dma_wait3A_570 = arith.constant 0 : i32
        %dma_wait3A_571 = tpu.memref_slice %arg3[%arg0, %arg1, %dma_wait3A_556, %dma_wait3A_570] : memref<2x16x210x96xi32, #tpu.memory_space<hbm>> -> memref<1x1x1x96xi32, #tpu.memory_space<hbm>>
        %dma_wait3A_572 = tpu.memref_squeeze %dma_wait3A_571 : memref<1x1x1x96xi32, #tpu.memory_space<hbm>> -> memref<96xi32, #tpu.memory_space<hbm>>
        tpu.wait_dma2 semaphore(%dma_wait3A_566 : memref<!tpu.dma_semaphore, #tpu.memory_space<semaphore_mem>>) src(%dma_wait3A_572 : memref<96xi32, #tpu.memory_space<hbm>>) dst(%dma_wait3A_569 : memref<96xi32, #tpu.memory_space<vmem>>)
        %dma_wait3A_573 = arith.constant 0 : i32
        %dma_wait3A_574 = arith.constant 4 : i32
        %dma_wait3A_575 = arith.constant 4 : i32
        %dma_wait3A_576 = arith.constant 0 : i32
        %dma_wait3A_577 = tpu.memref_slice %arg8[%dma_wait3A_574, %dma_wait3A_576] : memref<6x96xi32, #tpu.memory_space<vmem>> -> memref<1x96xi32, #tpu.memory_space<vmem>>
        %dma_wait3A_578 = tpu.memref_squeeze %dma_wait3A_577 : memref<1x96xi32, #tpu.memory_space<vmem>> -> memref<96xi32, #tpu.memory_space<vmem>>
        %dma_wait3A_579 = arith.constant 0 : i32
        %dma_wait3A_580 = tpu.memref_slice %arg4[%arg0, %arg1, %dma_wait3A_573, %dma_wait3A_579] : memref<2x16x210x96xi32, #tpu.memory_space<hbm>> -> memref<1x1x1x96xi32, #tpu.memory_space<hbm>>
        %dma_wait3A_581 = tpu.memref_squeeze %dma_wait3A_580 : memref<1x1x1x96xi32, #tpu.memory_space<hbm>> -> memref<96xi32, #tpu.memory_space<hbm>>
        %dma_wait3A_582 = tpu.memref_slice %arg13[%dma_wait3A_575] : memref<6x!tpu.dma_semaphore, #tpu.memory_space<semaphore_mem>> -> memref<1x!tpu.dma_semaphore, #tpu.memory_space<semaphore_mem>>
        %dma_wait3A_583 = tpu.memref_squeeze %dma_wait3A_582 : memref<1x!tpu.dma_semaphore, #tpu.memory_space<semaphore_mem>> -> memref<!tpu.dma_semaphore, #tpu.memory_space<semaphore_mem>>
        %dma_wait3A_584 = arith.constant 0 : i32
        %dma_wait3A_585 = tpu.memref_slice %arg8[%dma_wait3A_574, %dma_wait3A_584] : memref<6x96xi32, #tpu.memory_space<vmem>> -> memref<1x96xi32, #tpu.memory_space<vmem>>
        %dma_wait3A_586 = tpu.memref_squeeze %dma_wait3A_585 : memref<1x96xi32, #tpu.memory_space<vmem>> -> memref<96xi32, #tpu.memory_space<vmem>>
        %dma_wait3A_587 = arith.constant 0 : i32
        %dma_wait3A_588 = tpu.memref_slice %arg4[%arg0, %arg1, %dma_wait3A_573, %dma_wait3A_587] : memref<2x16x210x96xi32, #tpu.memory_space<hbm>> -> memref<1x1x1x96xi32, #tpu.memory_space<hbm>>
        %dma_wait3A_589 = tpu.memref_squeeze %dma_wait3A_588 : memref<1x1x1x96xi32, #tpu.memory_space<hbm>> -> memref<96xi32, #tpu.memory_space<hbm>>
        tpu.wait_dma2 semaphore(%dma_wait3A_583 : memref<!tpu.dma_semaphore, #tpu.memory_space<semaphore_mem>>) src(%dma_wait3A_589 : memref<96xi32, #tpu.memory_space<hbm>>) dst(%dma_wait3A_586 : memref<96xi32, #tpu.memory_space<vmem>>)
        %dma_start3A_590 = arith.constant 4 : i32
        %dma_start3A_591 = arith.constant 1 : i32
        %dma_start3A_592 = arith.constant 1 : i32
        %dma_start3A_593 = arith.constant 0 : i32
        %dma_start3A_594 = arith.constant 0 : i32
        %dma_start3A_595 = tpu.memref_slice %arg9[%dma_start3A_591, %dma_start3A_593, %dma_start3A_594] : memref<3x96x128xf32, #tpu.memory_space<vmem>> -> memref<1x96x128xf32, #tpu.memory_space<vmem>>
        %dma_start3A_596 = tpu.memref_squeeze %dma_start3A_595 : memref<1x96x128xf32, #tpu.memory_space<vmem>> -> memref<96x128xf32, #tpu.memory_space<vmem>>
        %dma_start3A_597 = arith.constant 0 : i32
        %dma_start3A_598 = tpu.memref_slice %arg7[%dma_start3A_590, %dma_start3A_597] : memref<6x96xi32, #tpu.memory_space<vmem>> -> memref<1x96xi32, #tpu.memory_space<vmem>>
        %dma_start3A_599 = tpu.memref_squeeze %dma_start3A_598 : memref<1x96xi32, #tpu.memory_space<vmem>> -> memref<96xi32, #tpu.memory_space<vmem>>
        %dma_start3A_600 = arith.constant 0 : i32
        %dma_start3A_601 = arith.constant 0 : i32
        %dma_start3A_602 = tpu.memref_slice %arg2[%dma_start3A_600, %dma_start3A_601] : memref<20480x128xf32, #tpu.memory_space<hbm>> -> memref<20480x128xf32, #tpu.memory_space<hbm>>
        %dma_start3A_603 = tpu.memref_slice %arg11[%dma_start3A_592] : memref<3x!tpu.dma_semaphore, #tpu.memory_space<semaphore_mem>> -> memref<1x!tpu.dma_semaphore, #tpu.memory_space<semaphore_mem>>
        %dma_start3A_604 = tpu.memref_squeeze %dma_start3A_603 : memref<1x!tpu.dma_semaphore, #tpu.memory_space<semaphore_mem>> -> memref<!tpu.dma_semaphore, #tpu.memory_space<semaphore_mem>>
        tpu.enqueue_indirect_dma source(%dma_start3A_602 : memref<20480x128xf32, #tpu.memory_space<hbm>>) target(%dma_start3A_596 : memref<96x128xf32, #tpu.memory_space<vmem>>) offsets(%dma_start3A_599 : memref<96xi32, #tpu.memory_space<vmem>>) semaphore(%dma_start3A_604 : memref<!tpu.dma_semaphore, #tpu.memory_space<semaphore_mem>>)
      } else {
      }
      %add3A_381 = arith.constant 3 : i32
      %add3A_382 = arith.addi %add3A_335, %add3A_381 : i32
      %lt3A_383 = arith.constant 210 : i32
      %lt3A_384 = arith.cmpi slt, %add3A_382, %lt3A_383 : i32
      %convert_element_type3A_385 = arith.extui %lt3A_384 : i1 to i32
      %cond3A_386 = arith.constant 0 : i32
      %cond3A_387 = arith.cmpi ne, %convert_element_type3A_385, %cond3A_386 : i32
      scf.if %cond3A_387 {
        %add3A_556 = arith.constant 3 : i32
        %add3A_557 = arith.addi %add3A_335, %add3A_556 : i32
        %dma_start3A_558 = arith.constant 5 : i32
        %dma_start3A_559 = arith.constant 5 : i32
        %dma_start3A_560 = arith.constant 0 : i32
        %dma_start3A_561 = tpu.memref_slice %arg7[%dma_start3A_558, %dma_start3A_560] : memref<6x96xi32, #tpu.memory_space<vmem>> -> memref<1x96xi32, #tpu.memory_space<vmem>>
        %dma_start3A_562 = tpu.memref_squeeze %dma_start3A_561 : memref<1x96xi32, #tpu.memory_space<vmem>> -> memref<96xi32, #tpu.memory_space<vmem>>
        %dma_start3A_563 = arith.constant 0 : i32
        %dma_start3A_564 = tpu.memref_slice %arg3[%arg0, %arg1, %add3A_557, %dma_start3A_563] : memref<2x16x210x96xi32, #tpu.memory_space<hbm>> -> memref<1x1x1x96xi32, #tpu.memory_space<hbm>>
        %dma_start3A_565 = tpu.memref_squeeze %dma_start3A_564 : memref<1x1x1x96xi32, #tpu.memory_space<hbm>> -> memref<96xi32, #tpu.memory_space<hbm>>
        %dma_start3A_566 = tpu.memref_slice %arg13[%dma_start3A_559] : memref<6x!tpu.dma_semaphore, #tpu.memory_space<semaphore_mem>> -> memref<1x!tpu.dma_semaphore, #tpu.memory_space<semaphore_mem>>
        %dma_start3A_567 = tpu.memref_squeeze %dma_start3A_566 : memref<1x!tpu.dma_semaphore, #tpu.memory_space<semaphore_mem>> -> memref<!tpu.dma_semaphore, #tpu.memory_space<semaphore_mem>>
        %dma_start3A_568 = arith.constant 0 : i32
        %dma_start3A_569 = tpu.memref_slice %arg7[%dma_start3A_558, %dma_start3A_568] : memref<6x96xi32, #tpu.memory_space<vmem>> -> memref<1x96xi32, #tpu.memory_space<vmem>>
        %dma_start3A_570 = tpu.memref_squeeze %dma_start3A_569 : memref<1x96xi32, #tpu.memory_space<vmem>> -> memref<96xi32, #tpu.memory_space<vmem>>
        %dma_start3A_571 = arith.constant 0 : i32
        %dma_start3A_572 = tpu.memref_slice %arg3[%arg0, %arg1, %add3A_557, %dma_start3A_571] : memref<2x16x210x96xi32, #tpu.memory_space<hbm>> -> memref<1x1x1x96xi32, #tpu.memory_space<hbm>>
        %dma_start3A_573 = tpu.memref_squeeze %dma_start3A_572 : memref<1x1x1x96xi32, #tpu.memory_space<hbm>> -> memref<96xi32, #tpu.memory_space<hbm>>
        tpu.enqueue_dma source(%dma_start3A_573 : memref<96xi32, #tpu.memory_space<hbm>>) target(%dma_start3A_570 : memref<96xi32, #tpu.memory_space<vmem>>) target_semaphore(%dma_start3A_567 : memref<!tpu.dma_semaphore, #tpu.memory_space<semaphore_mem>>)
        %dma_start3A_574 = arith.constant 5 : i32
        %dma_start3A_575 = arith.constant 5 : i32
        %dma_start3A_576 = arith.constant 0 : i32
        %dma_start3A_577 = tpu.memref_slice %arg8[%dma_start3A_574, %dma_start3A_576] : memref<6x96xi32, #tpu.memory_space<vmem>> -> memref<1x96xi32, #tpu.memory_space<vmem>>
        %dma_start3A_578 = tpu.memref_squeeze %dma_start3A_577 : memref<1x96xi32, #tpu.memory_space<vmem>> -> memref<96xi32, #tpu.memory_space<vmem>>
        %dma_start3A_579 = arith.constant 0 : i32
        %dma_start3A_580 = tpu.memref_slice %arg4[%arg0, %arg1, %add3A_557, %dma_start3A_579] : memref<2x16x210x96xi32, #tpu.memory_space<hbm>> -> memref<1x1x1x96xi32, #tpu.memory_space<hbm>>
        %dma_start3A_581 = tpu.memref_squeeze %dma_start3A_580 : memref<1x1x1x96xi32, #tpu.memory_space<hbm>> -> memref<96xi32, #tpu.memory_space<hbm>>
        %dma_start3A_582 = tpu.memref_slice %arg13[%dma_start3A_575] : memref<6x!tpu.dma_semaphore, #tpu.memory_space<semaphore_mem>> -> memref<1x!tpu.dma_semaphore, #tpu.memory_space<semaphore_mem>>
        %dma_start3A_583 = tpu.memref_squeeze %dma_start3A_582 : memref<1x!tpu.dma_semaphore, #tpu.memory_space<semaphore_mem>> -> memref<!tpu.dma_semaphore, #tpu.memory_space<semaphore_mem>>
        %dma_start3A_584 = arith.constant 0 : i32
        %dma_start3A_585 = tpu.memref_slice %arg8[%dma_start3A_574, %dma_start3A_584] : memref<6x96xi32, #tpu.memory_space<vmem>> -> memref<1x96xi32, #tpu.memory_space<vmem>>
        %dma_start3A_586 = tpu.memref_squeeze %dma_start3A_585 : memref<1x96xi32, #tpu.memory_space<vmem>> -> memref<96xi32, #tpu.memory_space<vmem>>
        %dma_start3A_587 = arith.constant 0 : i32
        %dma_start3A_588 = tpu.memref_slice %arg4[%arg0, %arg1, %add3A_557, %dma_start3A_587] : memref<2x16x210x96xi32, #tpu.memory_space<hbm>> -> memref<1x1x1x96xi32, #tpu.memory_space<hbm>>
        %dma_start3A_589 = tpu.memref_squeeze %dma_start3A_588 : memref<1x1x1x96xi32, #tpu.memory_space<hbm>> -> memref<96xi32, #tpu.memory_space<hbm>>
        tpu.enqueue_dma source(%dma_start3A_589 : memref<96xi32, #tpu.memory_space<hbm>>) target(%dma_start3A_586 : memref<96xi32, #tpu.memory_space<vmem>>) target_semaphore(%dma_start3A_583 : memref<!tpu.dma_semaphore, #tpu.memory_space<semaphore_mem>>)
      } else {
      }
      %mul3A_388 = arith.constant 6 : i32
      %mul3A_389 = arith.muli %mul3A_388, %scan3A_224 : i32
      %add3A_390 = arith.constant 3 : i32
      %add3A_391 = arith.addi %mul3A_389, %add3A_390 : i32
      %dma_wait3A_392 = arith.constant 0 : i32
      %dma_wait3A_393 = arith.constant 0 : i32
      %dma_wait3A_394 = arith.constant 0 : i32
      %dma_wait3A_395 = arith.constant 0 : i32
      %dma_wait3A_396 = tpu.memref_slice %arg9[%dma_wait3A_392, %dma_wait3A_394, %dma_wait3A_395] : memref<3x96x128xf32, #tpu.memory_space<vmem>> -> memref<1x96x128xf32, #tpu.memory_space<vmem>>
      %dma_wait3A_397 = tpu.memref_squeeze %dma_wait3A_396 : memref<1x96x128xf32, #tpu.memory_space<vmem>> -> memref<96x128xf32, #tpu.memory_space<vmem>>
      %dma_wait3A_398 = arith.constant 0 : i32
      %dma_wait3A_399 = arith.constant 0 : i32
      %dma_wait3A_400 = tpu.memref_slice %arg2[%dma_wait3A_398, %dma_wait3A_399] : memref<20480x128xf32, #tpu.memory_space<hbm>> -> memref<96x128xf32, #tpu.memory_space<hbm>>
      %dma_wait3A_401 = tpu.memref_slice %arg11[%dma_wait3A_393] : memref<3x!tpu.dma_semaphore, #tpu.memory_space<semaphore_mem>> -> memref<1x!tpu.dma_semaphore, #tpu.memory_space<semaphore_mem>>
      %dma_wait3A_402 = tpu.memref_squeeze %dma_wait3A_401 : memref<1x!tpu.dma_semaphore, #tpu.memory_space<semaphore_mem>> -> memref<!tpu.dma_semaphore, #tpu.memory_space<semaphore_mem>>
      %dma_wait3A_403 = arith.constant 0 : i32
      %dma_wait3A_404 = arith.constant 0 : i32
      %dma_wait3A_405 = tpu.memref_slice %arg9[%dma_wait3A_392, %dma_wait3A_403, %dma_wait3A_404] : memref<3x96x128xf32, #tpu.memory_space<vmem>> -> memref<1x96x128xf32, #tpu.memory_space<vmem>>
      %dma_wait3A_406 = tpu.memref_squeeze %dma_wait3A_405 : memref<1x96x128xf32, #tpu.memory_space<vmem>> -> memref<96x128xf32, #tpu.memory_space<vmem>>
      %dma_wait3A_407 = arith.constant 0 : i32
      %dma_wait3A_408 = arith.constant 0 : i32
      %dma_wait3A_409 = tpu.memref_slice %arg2[%dma_wait3A_407, %dma_wait3A_408] : memref<20480x128xf32, #tpu.memory_space<hbm>> -> memref<96x128xf32, #tpu.memory_space<hbm>>
      tpu.wait_dma2 semaphore(%dma_wait3A_402 : memref<!tpu.dma_semaphore, #tpu.memory_space<semaphore_mem>>) src(%dma_wait3A_409 : memref<96x128xf32, #tpu.memory_space<hbm>>) dst(%dma_wait3A_406 : memref<96x128xf32, #tpu.memory_space<vmem>>)
      %dma_start3A_410 = arith.constant 0 : i32
      %dma_start3A_411 = arith.constant 3 : i32
      %dma_start3A_412 = arith.constant 0 : i32
      %dma_start3A_413 = arith.constant 0 : i32
      %dma_start3A_414 = arith.constant 0 : i32
      %dma_start3A_415 = tpu.memref_slice %arg9[%dma_start3A_410, %dma_start3A_413, %dma_start3A_414] : memref<3x96x128xf32, #tpu.memory_space<vmem>> -> memref<1x96x128xf32, #tpu.memory_space<vmem>>
      %dma_start3A_416 = tpu.memref_squeeze %dma_start3A_415 : memref<1x96x128xf32, #tpu.memory_space<vmem>> -> memref<96x128xf32, #tpu.memory_space<vmem>>
      %dma_start3A_417 = arith.constant 0 : i32
      %dma_start3A_418 = tpu.memref_slice %arg8[%dma_start3A_411, %dma_start3A_417] : memref<6x96xi32, #tpu.memory_space<vmem>> -> memref<1x96xi32, #tpu.memory_space<vmem>>
      %dma_start3A_419 = tpu.memref_squeeze %dma_start3A_418 : memref<1x96xi32, #tpu.memory_space<vmem>> -> memref<96xi32, #tpu.memory_space<vmem>>
      %dma_start3A_420 = arith.constant 0 : i32
      %dma_start3A_421 = arith.constant 0 : i32
      %dma_start3A_422 = tpu.memref_slice %arg10[%dma_start3A_420, %dma_start3A_421] : memref<10240x128xf32, #tpu.memory_space<vmem_shared>> -> memref<10240x128xf32, #tpu.memory_space<vmem_shared>>
      %dma_start3A_423 = tpu.memref_slice %arg12[%dma_start3A_412] : memref<3x!tpu.dma_semaphore, #tpu.memory_space<semaphore_mem>> -> memref<1x!tpu.dma_semaphore, #tpu.memory_space<semaphore_mem>>
      %dma_start3A_424 = tpu.memref_squeeze %dma_start3A_423 : memref<1x!tpu.dma_semaphore, #tpu.memory_space<semaphore_mem>> -> memref<!tpu.dma_semaphore, #tpu.memory_space<semaphore_mem>>
      tpu.enqueue_indirect_dma source(%dma_start3A_416 : memref<96x128xf32, #tpu.memory_space<vmem>>) target(%dma_start3A_422 : memref<10240x128xf32, #tpu.memory_space<vmem_shared>>) offsets(%dma_start3A_419 : memref<96xi32, #tpu.memory_space<vmem>>) semaphore(%dma_start3A_424 : memref<!tpu.dma_semaphore, #tpu.memory_space<semaphore_mem>>) {add = true}
      %ge3A_425 = arith.constant 1 : i32
      %ge3A_426 = arith.cmpi sge, %add3A_391, %ge3A_425 : i32
      %convert_element_type3A_427 = arith.extui %ge3A_426 : i1 to i32
      %cond3A_428 = arith.constant 0 : i32
      %cond3A_429 = arith.cmpi ne, %convert_element_type3A_427, %cond3A_428 : i32
      scf.if %cond3A_429 {
        %dma_wait3A_556 = arith.constant 2 : i32
        %dma_wait3A_557 = arith.constant 2 : i32
        %dma_wait3A_558 = arith.constant 0 : i32
        %dma_wait3A_559 = arith.constant 0 : i32
        %dma_wait3A_560 = tpu.memref_slice %arg9[%dma_wait3A_556, %dma_wait3A_558, %dma_wait3A_559] : memref<3x96x128xf32, #tpu.memory_space<vmem>> -> memref<1x96x128xf32, #tpu.memory_space<vmem>>
        %dma_wait3A_561 = tpu.memref_squeeze %dma_wait3A_560 : memref<1x96x128xf32, #tpu.memory_space<vmem>> -> memref<96x128xf32, #tpu.memory_space<vmem>>
        %dma_wait3A_562 = arith.constant 0 : i32
        %dma_wait3A_563 = arith.constant 0 : i32
        %dma_wait3A_564 = tpu.memref_slice %arg2[%dma_wait3A_562, %dma_wait3A_563] : memref<20480x128xf32, #tpu.memory_space<hbm>> -> memref<96x128xf32, #tpu.memory_space<hbm>>
        %dma_wait3A_565 = tpu.memref_slice %arg12[%dma_wait3A_557] : memref<3x!tpu.dma_semaphore, #tpu.memory_space<semaphore_mem>> -> memref<1x!tpu.dma_semaphore, #tpu.memory_space<semaphore_mem>>
        %dma_wait3A_566 = tpu.memref_squeeze %dma_wait3A_565 : memref<1x!tpu.dma_semaphore, #tpu.memory_space<semaphore_mem>> -> memref<!tpu.dma_semaphore, #tpu.memory_space<semaphore_mem>>
        %dma_wait3A_567 = arith.constant 0 : i32
        %dma_wait3A_568 = arith.constant 0 : i32
        %dma_wait3A_569 = tpu.memref_slice %arg9[%dma_wait3A_556, %dma_wait3A_567, %dma_wait3A_568] : memref<3x96x128xf32, #tpu.memory_space<vmem>> -> memref<1x96x128xf32, #tpu.memory_space<vmem>>
        %dma_wait3A_570 = tpu.memref_squeeze %dma_wait3A_569 : memref<1x96x128xf32, #tpu.memory_space<vmem>> -> memref<96x128xf32, #tpu.memory_space<vmem>>
        %dma_wait3A_571 = arith.constant 0 : i32
        %dma_wait3A_572 = arith.constant 0 : i32
        %dma_wait3A_573 = tpu.memref_slice %arg2[%dma_wait3A_571, %dma_wait3A_572] : memref<20480x128xf32, #tpu.memory_space<hbm>> -> memref<96x128xf32, #tpu.memory_space<hbm>>
        tpu.wait_dma2 semaphore(%dma_wait3A_566 : memref<!tpu.dma_semaphore, #tpu.memory_space<semaphore_mem>>) src(%dma_wait3A_573 : memref<96x128xf32, #tpu.memory_space<hbm>>) dst(%dma_wait3A_570 : memref<96x128xf32, #tpu.memory_space<vmem>>)
      } else {
      }
      %add3A_430 = arith.constant 2 : i32
      %add3A_431 = arith.addi %add3A_391, %add3A_430 : i32
      %lt3A_432 = arith.constant 210 : i32
      %lt3A_433 = arith.cmpi slt, %add3A_431, %lt3A_432 : i32
      %convert_element_type3A_434 = arith.extui %lt3A_433 : i1 to i32
      %cond3A_435 = arith.constant 0 : i32
      %cond3A_436 = arith.cmpi ne, %convert_element_type3A_434, %cond3A_435 : i32
      scf.if %cond3A_436 {
        %dma_wait3A_556 = arith.constant 0 : i32
        %dma_wait3A_557 = arith.constant 5 : i32
        %dma_wait3A_558 = arith.constant 5 : i32
        %dma_wait3A_559 = arith.constant 0 : i32
        %dma_wait3A_560 = tpu.memref_slice %arg7[%dma_wait3A_557, %dma_wait3A_559] : memref<6x96xi32, #tpu.memory_space<vmem>> -> memref<1x96xi32, #tpu.memory_space<vmem>>
        %dma_wait3A_561 = tpu.memref_squeeze %dma_wait3A_560 : memref<1x96xi32, #tpu.memory_space<vmem>> -> memref<96xi32, #tpu.memory_space<vmem>>
        %dma_wait3A_562 = arith.constant 0 : i32
        %dma_wait3A_563 = tpu.memref_slice %arg3[%arg0, %arg1, %dma_wait3A_556, %dma_wait3A_562] : memref<2x16x210x96xi32, #tpu.memory_space<hbm>> -> memref<1x1x1x96xi32, #tpu.memory_space<hbm>>
        %dma_wait3A_564 = tpu.memref_squeeze %dma_wait3A_563 : memref<1x1x1x96xi32, #tpu.memory_space<hbm>> -> memref<96xi32, #tpu.memory_space<hbm>>
        %dma_wait3A_565 = tpu.memref_slice %arg13[%dma_wait3A_558] : memref<6x!tpu.dma_semaphore, #tpu.memory_space<semaphore_mem>> -> memref<1x!tpu.dma_semaphore, #tpu.memory_space<semaphore_mem>>
        %dma_wait3A_566 = tpu.memref_squeeze %dma_wait3A_565 : memref<1x!tpu.dma_semaphore, #tpu.memory_space<semaphore_mem>> -> memref<!tpu.dma_semaphore, #tpu.memory_space<semaphore_mem>>
        %dma_wait3A_567 = arith.constant 0 : i32
        %dma_wait3A_568 = tpu.memref_slice %arg7[%dma_wait3A_557, %dma_wait3A_567] : memref<6x96xi32, #tpu.memory_space<vmem>> -> memref<1x96xi32, #tpu.memory_space<vmem>>
        %dma_wait3A_569 = tpu.memref_squeeze %dma_wait3A_568 : memref<1x96xi32, #tpu.memory_space<vmem>> -> memref<96xi32, #tpu.memory_space<vmem>>
        %dma_wait3A_570 = arith.constant 0 : i32
        %dma_wait3A_571 = tpu.memref_slice %arg3[%arg0, %arg1, %dma_wait3A_556, %dma_wait3A_570] : memref<2x16x210x96xi32, #tpu.memory_space<hbm>> -> memref<1x1x1x96xi32, #tpu.memory_space<hbm>>
        %dma_wait3A_572 = tpu.memref_squeeze %dma_wait3A_571 : memref<1x1x1x96xi32, #tpu.memory_space<hbm>> -> memref<96xi32, #tpu.memory_space<hbm>>
        tpu.wait_dma2 semaphore(%dma_wait3A_566 : memref<!tpu.dma_semaphore, #tpu.memory_space<semaphore_mem>>) src(%dma_wait3A_572 : memref<96xi32, #tpu.memory_space<hbm>>) dst(%dma_wait3A_569 : memref<96xi32, #tpu.memory_space<vmem>>)
        %dma_wait3A_573 = arith.constant 0 : i32
        %dma_wait3A_574 = arith.constant 5 : i32
        %dma_wait3A_575 = arith.constant 5 : i32
        %dma_wait3A_576 = arith.constant 0 : i32
        %dma_wait3A_577 = tpu.memref_slice %arg8[%dma_wait3A_574, %dma_wait3A_576] : memref<6x96xi32, #tpu.memory_space<vmem>> -> memref<1x96xi32, #tpu.memory_space<vmem>>
        %dma_wait3A_578 = tpu.memref_squeeze %dma_wait3A_577 : memref<1x96xi32, #tpu.memory_space<vmem>> -> memref<96xi32, #tpu.memory_space<vmem>>
        %dma_wait3A_579 = arith.constant 0 : i32
        %dma_wait3A_580 = tpu.memref_slice %arg4[%arg0, %arg1, %dma_wait3A_573, %dma_wait3A_579] : memref<2x16x210x96xi32, #tpu.memory_space<hbm>> -> memref<1x1x1x96xi32, #tpu.memory_space<hbm>>
        %dma_wait3A_581 = tpu.memref_squeeze %dma_wait3A_580 : memref<1x1x1x96xi32, #tpu.memory_space<hbm>> -> memref<96xi32, #tpu.memory_space<hbm>>
        %dma_wait3A_582 = tpu.memref_slice %arg13[%dma_wait3A_575] : memref<6x!tpu.dma_semaphore, #tpu.memory_space<semaphore_mem>> -> memref<1x!tpu.dma_semaphore, #tpu.memory_space<semaphore_mem>>
        %dma_wait3A_583 = tpu.memref_squeeze %dma_wait3A_582 : memref<1x!tpu.dma_semaphore, #tpu.memory_space<semaphore_mem>> -> memref<!tpu.dma_semaphore, #tpu.memory_space<semaphore_mem>>
        %dma_wait3A_584 = arith.constant 0 : i32
        %dma_wait3A_585 = tpu.memref_slice %arg8[%dma_wait3A_574, %dma_wait3A_584] : memref<6x96xi32, #tpu.memory_space<vmem>> -> memref<1x96xi32, #tpu.memory_space<vmem>>
        %dma_wait3A_586 = tpu.memref_squeeze %dma_wait3A_585 : memref<1x96xi32, #tpu.memory_space<vmem>> -> memref<96xi32, #tpu.memory_space<vmem>>
        %dma_wait3A_587 = arith.constant 0 : i32
        %dma_wait3A_588 = tpu.memref_slice %arg4[%arg0, %arg1, %dma_wait3A_573, %dma_wait3A_587] : memref<2x16x210x96xi32, #tpu.memory_space<hbm>> -> memref<1x1x1x96xi32, #tpu.memory_space<hbm>>
        %dma_wait3A_589 = tpu.memref_squeeze %dma_wait3A_588 : memref<1x1x1x96xi32, #tpu.memory_space<hbm>> -> memref<96xi32, #tpu.memory_space<hbm>>
        tpu.wait_dma2 semaphore(%dma_wait3A_583 : memref<!tpu.dma_semaphore, #tpu.memory_space<semaphore_mem>>) src(%dma_wait3A_589 : memref<96xi32, #tpu.memory_space<hbm>>) dst(%dma_wait3A_586 : memref<96xi32, #tpu.memory_space<vmem>>)
        %dma_start3A_590 = arith.constant 5 : i32
        %dma_start3A_591 = arith.constant 2 : i32
        %dma_start3A_592 = arith.constant 2 : i32
        %dma_start3A_593 = arith.constant 0 : i32
        %dma_start3A_594 = arith.constant 0 : i32
        %dma_start3A_595 = tpu.memref_slice %arg9[%dma_start3A_591, %dma_start3A_593, %dma_start3A_594] : memref<3x96x128xf32, #tpu.memory_space<vmem>> -> memref<1x96x128xf32, #tpu.memory_space<vmem>>
        %dma_start3A_596 = tpu.memref_squeeze %dma_start3A_595 : memref<1x96x128xf32, #tpu.memory_space<vmem>> -> memref<96x128xf32, #tpu.memory_space<vmem>>
        %dma_start3A_597 = arith.constant 0 : i32
        %dma_start3A_598 = tpu.memref_slice %arg7[%dma_start3A_590, %dma_start3A_597] : memref<6x96xi32, #tpu.memory_space<vmem>> -> memref<1x96xi32, #tpu.memory_space<vmem>>
        %dma_start3A_599 = tpu.memref_squeeze %dma_start3A_598 : memref<1x96xi32, #tpu.memory_space<vmem>> -> memref<96xi32, #tpu.memory_space<vmem>>
        %dma_start3A_600 = arith.constant 0 : i32
        %dma_start3A_601 = arith.constant 0 : i32
        %dma_start3A_602 = tpu.memref_slice %arg2[%dma_start3A_600, %dma_start3A_601] : memref<20480x128xf32, #tpu.memory_space<hbm>> -> memref<20480x128xf32, #tpu.memory_space<hbm>>
        %dma_start3A_603 = tpu.memref_slice %arg11[%dma_start3A_592] : memref<3x!tpu.dma_semaphore, #tpu.memory_space<semaphore_mem>> -> memref<1x!tpu.dma_semaphore, #tpu.memory_space<semaphore_mem>>
        %dma_start3A_604 = tpu.memref_squeeze %dma_start3A_603 : memref<1x!tpu.dma_semaphore, #tpu.memory_space<semaphore_mem>> -> memref<!tpu.dma_semaphore, #tpu.memory_space<semaphore_mem>>
        tpu.enqueue_indirect_dma source(%dma_start3A_602 : memref<20480x128xf32, #tpu.memory_space<hbm>>) target(%dma_start3A_596 : memref<96x128xf32, #tpu.memory_space<vmem>>) offsets(%dma_start3A_599 : memref<96xi32, #tpu.memory_space<vmem>>) semaphore(%dma_start3A_604 : memref<!tpu.dma_semaphore, #tpu.memory_space<semaphore_mem>>)
      } else {
      }
      %add3A_437 = arith.constant 3 : i32
      %add3A_438 = arith.addi %add3A_391, %add3A_437 : i32
      %lt3A_439 = arith.constant 210 : i32
      %lt3A_440 = arith.cmpi slt, %add3A_438, %lt3A_439 : i32
      %convert_element_type3A_441 = arith.extui %lt3A_440 : i1 to i32
      %cond3A_442 = arith.constant 0 : i32
      %cond3A_443 = arith.cmpi ne, %convert_element_type3A_441, %cond3A_442 : i32
      scf.if %cond3A_443 {
        %add3A_556 = arith.constant 3 : i32
        %add3A_557 = arith.addi %add3A_391, %add3A_556 : i32
        %dma_start3A_558 = arith.constant 0 : i32
        %dma_start3A_559 = arith.constant 0 : i32
        %dma_start3A_560 = arith.constant 0 : i32
        %dma_start3A_561 = tpu.memref_slice %arg7[%dma_start3A_558, %dma_start3A_560] : memref<6x96xi32, #tpu.memory_space<vmem>> -> memref<1x96xi32, #tpu.memory_space<vmem>>
        %dma_start3A_562 = tpu.memref_squeeze %dma_start3A_561 : memref<1x96xi32, #tpu.memory_space<vmem>> -> memref<96xi32, #tpu.memory_space<vmem>>
        %dma_start3A_563 = arith.constant 0 : i32
        %dma_start3A_564 = tpu.memref_slice %arg3[%arg0, %arg1, %add3A_557, %dma_start3A_563] : memref<2x16x210x96xi32, #tpu.memory_space<hbm>> -> memref<1x1x1x96xi32, #tpu.memory_space<hbm>>
        %dma_start3A_565 = tpu.memref_squeeze %dma_start3A_564 : memref<1x1x1x96xi32, #tpu.memory_space<hbm>> -> memref<96xi32, #tpu.memory_space<hbm>>
        %dma_start3A_566 = tpu.memref_slice %arg13[%dma_start3A_559] : memref<6x!tpu.dma_semaphore, #tpu.memory_space<semaphore_mem>> -> memref<1x!tpu.dma_semaphore, #tpu.memory_space<semaphore_mem>>
        %dma_start3A_567 = tpu.memref_squeeze %dma_start3A_566 : memref<1x!tpu.dma_semaphore, #tpu.memory_space<semaphore_mem>> -> memref<!tpu.dma_semaphore, #tpu.memory_space<semaphore_mem>>
        %dma_start3A_568 = arith.constant 0 : i32
        %dma_start3A_569 = tpu.memref_slice %arg7[%dma_start3A_558, %dma_start3A_568] : memref<6x96xi32, #tpu.memory_space<vmem>> -> memref<1x96xi32, #tpu.memory_space<vmem>>
        %dma_start3A_570 = tpu.memref_squeeze %dma_start3A_569 : memref<1x96xi32, #tpu.memory_space<vmem>> -> memref<96xi32, #tpu.memory_space<vmem>>
        %dma_start3A_571 = arith.constant 0 : i32
        %dma_start3A_572 = tpu.memref_slice %arg3[%arg0, %arg1, %add3A_557, %dma_start3A_571] : memref<2x16x210x96xi32, #tpu.memory_space<hbm>> -> memref<1x1x1x96xi32, #tpu.memory_space<hbm>>
        %dma_start3A_573 = tpu.memref_squeeze %dma_start3A_572 : memref<1x1x1x96xi32, #tpu.memory_space<hbm>> -> memref<96xi32, #tpu.memory_space<hbm>>
        tpu.enqueue_dma source(%dma_start3A_573 : memref<96xi32, #tpu.memory_space<hbm>>) target(%dma_start3A_570 : memref<96xi32, #tpu.memory_space<vmem>>) target_semaphore(%dma_start3A_567 : memref<!tpu.dma_semaphore, #tpu.memory_space<semaphore_mem>>)
        %dma_start3A_574 = arith.constant 0 : i32
        %dma_start3A_575 = arith.constant 0 : i32
        %dma_start3A_576 = arith.constant 0 : i32
        %dma_start3A_577 = tpu.memref_slice %arg8[%dma_start3A_574, %dma_start3A_576] : memref<6x96xi32, #tpu.memory_space<vmem>> -> memref<1x96xi32, #tpu.memory_space<vmem>>
        %dma_start3A_578 = tpu.memref_squeeze %dma_start3A_577 : memref<1x96xi32, #tpu.memory_space<vmem>> -> memref<96xi32, #tpu.memory_space<vmem>>
        %dma_start3A_579 = arith.constant 0 : i32
        %dma_start3A_580 = tpu.memref_slice %arg4[%arg0, %arg1, %add3A_557, %dma_start3A_579] : memref<2x16x210x96xi32, #tpu.memory_space<hbm>> -> memref<1x1x1x96xi32, #tpu.memory_space<hbm>>
        %dma_start3A_581 = tpu.memref_squeeze %dma_start3A_580 : memref<1x1x1x96xi32, #tpu.memory_space<hbm>> -> memref<96xi32, #tpu.memory_space<hbm>>
        %dma_start3A_582 = tpu.memref_slice %arg13[%dma_start3A_575] : memref<6x!tpu.dma_semaphore, #tpu.memory_space<semaphore_mem>> -> memref<1x!tpu.dma_semaphore, #tpu.memory_space<semaphore_mem>>
        %dma_start3A_583 = tpu.memref_squeeze %dma_start3A_582 : memref<1x!tpu.dma_semaphore, #tpu.memory_space<semaphore_mem>> -> memref<!tpu.dma_semaphore, #tpu.memory_space<semaphore_mem>>
        %dma_start3A_584 = arith.constant 0 : i32
        %dma_start3A_585 = tpu.memref_slice %arg8[%dma_start3A_574, %dma_start3A_584] : memref<6x96xi32, #tpu.memory_space<vmem>> -> memref<1x96xi32, #tpu.memory_space<vmem>>
        %dma_start3A_586 = tpu.memref_squeeze %dma_start3A_585 : memref<1x96xi32, #tpu.memory_space<vmem>> -> memref<96xi32, #tpu.memory_space<vmem>>
        %dma_start3A_587 = arith.constant 0 : i32
        %dma_start3A_588 = tpu.memref_slice %arg4[%arg0, %arg1, %add3A_557, %dma_start3A_587] : memref<2x16x210x96xi32, #tpu.memory_space<hbm>> -> memref<1x1x1x96xi32, #tpu.memory_space<hbm>>
        %dma_start3A_589 = tpu.memref_squeeze %dma_start3A_588 : memref<1x1x1x96xi32, #tpu.memory_space<hbm>> -> memref<96xi32, #tpu.memory_space<hbm>>
        tpu.enqueue_dma source(%dma_start3A_589 : memref<96xi32, #tpu.memory_space<hbm>>) target(%dma_start3A_586 : memref<96xi32, #tpu.memory_space<vmem>>) target_semaphore(%dma_start3A_583 : memref<!tpu.dma_semaphore, #tpu.memory_space<semaphore_mem>>)
      } else {
      }
      %mul3A_444 = arith.constant 6 : i32
      %mul3A_445 = arith.muli %mul3A_444, %scan3A_224 : i32
      %add3A_446 = arith.constant 4 : i32
      %add3A_447 = arith.addi %mul3A_445, %add3A_446 : i32
      %dma_wait3A_448 = arith.constant 1 : i32
      %dma_wait3A_449 = arith.constant 1 : i32
      %dma_wait3A_450 = arith.constant 0 : i32
      %dma_wait3A_451 = arith.constant 0 : i32
      %dma_wait3A_452 = tpu.memref_slice %arg9[%dma_wait3A_448, %dma_wait3A_450, %dma_wait3A_451] : memref<3x96x128xf32, #tpu.memory_space<vmem>> -> memref<1x96x128xf32, #tpu.memory_space<vmem>>
      %dma_wait3A_453 = tpu.memref_squeeze %dma_wait3A_452 : memref<1x96x128xf32, #tpu.memory_space<vmem>> -> memref<96x128xf32, #tpu.memory_space<vmem>>
      %dma_wait3A_454 = arith.constant 0 : i32
      %dma_wait3A_455 = arith.constant 0 : i32
      %dma_wait3A_456 = tpu.memref_slice %arg2[%dma_wait3A_454, %dma_wait3A_455] : memref<20480x128xf32, #tpu.memory_space<hbm>> -> memref<96x128xf32, #tpu.memory_space<hbm>>
      %dma_wait3A_457 = tpu.memref_slice %arg11[%dma_wait3A_449] : memref<3x!tpu.dma_semaphore, #tpu.memory_space<semaphore_mem>> -> memref<1x!tpu.dma_semaphore, #tpu.memory_space<semaphore_mem>>
      %dma_wait3A_458 = tpu.memref_squeeze %dma_wait3A_457 : memref<1x!tpu.dma_semaphore, #tpu.memory_space<semaphore_mem>> -> memref<!tpu.dma_semaphore, #tpu.memory_space<semaphore_mem>>
      %dma_wait3A_459 = arith.constant 0 : i32
      %dma_wait3A_460 = arith.constant 0 : i32
      %dma_wait3A_461 = tpu.memref_slice %arg9[%dma_wait3A_448, %dma_wait3A_459, %dma_wait3A_460] : memref<3x96x128xf32, #tpu.memory_space<vmem>> -> memref<1x96x128xf32, #tpu.memory_space<vmem>>
      %dma_wait3A_462 = tpu.memref_squeeze %dma_wait3A_461 : memref<1x96x128xf32, #tpu.memory_space<vmem>> -> memref<96x128xf32, #tpu.memory_space<vmem>>
      %dma_wait3A_463 = arith.constant 0 : i32
      %dma_wait3A_464 = arith.constant 0 : i32
      %dma_wait3A_465 = tpu.memref_slice %arg2[%dma_wait3A_463, %dma_wait3A_464] : memref<20480x128xf32, #tpu.memory_space<hbm>> -> memref<96x128xf32, #tpu.memory_space<hbm>>
      tpu.wait_dma2 semaphore(%dma_wait3A_458 : memref<!tpu.dma_semaphore, #tpu.memory_space<semaphore_mem>>) src(%dma_wait3A_465 : memref<96x128xf32, #tpu.memory_space<hbm>>) dst(%dma_wait3A_462 : memref<96x128xf32, #tpu.memory_space<vmem>>)
      %dma_start3A_466 = arith.constant 1 : i32
      %dma_start3A_467 = arith.constant 4 : i32
      %dma_start3A_468 = arith.constant 1 : i32
      %dma_start3A_469 = arith.constant 0 : i32
      %dma_start3A_470 = arith.constant 0 : i32
      %dma_start3A_471 = tpu.memref_slice %arg9[%dma_start3A_466, %dma_start3A_469, %dma_start3A_470] : memref<3x96x128xf32, #tpu.memory_space<vmem>> -> memref<1x96x128xf32, #tpu.memory_space<vmem>>
      %dma_start3A_472 = tpu.memref_squeeze %dma_start3A_471 : memref<1x96x128xf32, #tpu.memory_space<vmem>> -> memref<96x128xf32, #tpu.memory_space<vmem>>
      %dma_start3A_473 = arith.constant 0 : i32
      %dma_start3A_474 = tpu.memref_slice %arg8[%dma_start3A_467, %dma_start3A_473] : memref<6x96xi32, #tpu.memory_space<vmem>> -> memref<1x96xi32, #tpu.memory_space<vmem>>
      %dma_start3A_475 = tpu.memref_squeeze %dma_start3A_474 : memref<1x96xi32, #tpu.memory_space<vmem>> -> memref<96xi32, #tpu.memory_space<vmem>>
      %dma_start3A_476 = arith.constant 0 : i32
      %dma_start3A_477 = arith.constant 0 : i32
      %dma_start3A_478 = tpu.memref_slice %arg10[%dma_start3A_476, %dma_start3A_477] : memref<10240x128xf32, #tpu.memory_space<vmem_shared>> -> memref<10240x128xf32, #tpu.memory_space<vmem_shared>>
      %dma_start3A_479 = tpu.memref_slice %arg12[%dma_start3A_468] : memref<3x!tpu.dma_semaphore, #tpu.memory_space<semaphore_mem>> -> memref<1x!tpu.dma_semaphore, #tpu.memory_space<semaphore_mem>>
      %dma_start3A_480 = tpu.memref_squeeze %dma_start3A_479 : memref<1x!tpu.dma_semaphore, #tpu.memory_space<semaphore_mem>> -> memref<!tpu.dma_semaphore, #tpu.memory_space<semaphore_mem>>
      tpu.enqueue_indirect_dma source(%dma_start3A_472 : memref<96x128xf32, #tpu.memory_space<vmem>>) target(%dma_start3A_478 : memref<10240x128xf32, #tpu.memory_space<vmem_shared>>) offsets(%dma_start3A_475 : memref<96xi32, #tpu.memory_space<vmem>>) semaphore(%dma_start3A_480 : memref<!tpu.dma_semaphore, #tpu.memory_space<semaphore_mem>>) {add = true}
      %ge3A_481 = arith.constant 1 : i32
      %ge3A_482 = arith.cmpi sge, %add3A_447, %ge3A_481 : i32
      %convert_element_type3A_483 = arith.extui %ge3A_482 : i1 to i32
      %cond3A_484 = arith.constant 0 : i32
      %cond3A_485 = arith.cmpi ne, %convert_element_type3A_483, %cond3A_484 : i32
      scf.if %cond3A_485 {
        %dma_wait3A_556 = arith.constant 0 : i32
        %dma_wait3A_557 = arith.constant 0 : i32
        %dma_wait3A_558 = arith.constant 0 : i32
        %dma_wait3A_559 = arith.constant 0 : i32
        %dma_wait3A_560 = tpu.memref_slice %arg9[%dma_wait3A_556, %dma_wait3A_558, %dma_wait3A_559] : memref<3x96x128xf32, #tpu.memory_space<vmem>> -> memref<1x96x128xf32, #tpu.memory_space<vmem>>
        %dma_wait3A_561 = tpu.memref_squeeze %dma_wait3A_560 : memref<1x96x128xf32, #tpu.memory_space<vmem>> -> memref<96x128xf32, #tpu.memory_space<vmem>>
        %dma_wait3A_562 = arith.constant 0 : i32
        %dma_wait3A_563 = arith.constant 0 : i32
        %dma_wait3A_564 = tpu.memref_slice %arg2[%dma_wait3A_562, %dma_wait3A_563] : memref<20480x128xf32, #tpu.memory_space<hbm>> -> memref<96x128xf32, #tpu.memory_space<hbm>>
        %dma_wait3A_565 = tpu.memref_slice %arg12[%dma_wait3A_557] : memref<3x!tpu.dma_semaphore, #tpu.memory_space<semaphore_mem>> -> memref<1x!tpu.dma_semaphore, #tpu.memory_space<semaphore_mem>>
        %dma_wait3A_566 = tpu.memref_squeeze %dma_wait3A_565 : memref<1x!tpu.dma_semaphore, #tpu.memory_space<semaphore_mem>> -> memref<!tpu.dma_semaphore, #tpu.memory_space<semaphore_mem>>
        %dma_wait3A_567 = arith.constant 0 : i32
        %dma_wait3A_568 = arith.constant 0 : i32
        %dma_wait3A_569 = tpu.memref_slice %arg9[%dma_wait3A_556, %dma_wait3A_567, %dma_wait3A_568] : memref<3x96x128xf32, #tpu.memory_space<vmem>> -> memref<1x96x128xf32, #tpu.memory_space<vmem>>
        %dma_wait3A_570 = tpu.memref_squeeze %dma_wait3A_569 : memref<1x96x128xf32, #tpu.memory_space<vmem>> -> memref<96x128xf32, #tpu.memory_space<vmem>>
        %dma_wait3A_571 = arith.constant 0 : i32
        %dma_wait3A_572 = arith.constant 0 : i32
        %dma_wait3A_573 = tpu.memref_slice %arg2[%dma_wait3A_571, %dma_wait3A_572] : memref<20480x128xf32, #tpu.memory_space<hbm>> -> memref<96x128xf32, #tpu.memory_space<hbm>>
        tpu.wait_dma2 semaphore(%dma_wait3A_566 : memref<!tpu.dma_semaphore, #tpu.memory_space<semaphore_mem>>) src(%dma_wait3A_573 : memref<96x128xf32, #tpu.memory_space<hbm>>) dst(%dma_wait3A_570 : memref<96x128xf32, #tpu.memory_space<vmem>>)
      } else {
      }
      %add3A_486 = arith.constant 2 : i32
      %add3A_487 = arith.addi %add3A_447, %add3A_486 : i32
      %lt3A_488 = arith.constant 210 : i32
      %lt3A_489 = arith.cmpi slt, %add3A_487, %lt3A_488 : i32
      %convert_element_type3A_490 = arith.extui %lt3A_489 : i1 to i32
      %cond3A_491 = arith.constant 0 : i32
      %cond3A_492 = arith.cmpi ne, %convert_element_type3A_490, %cond3A_491 : i32
      scf.if %cond3A_492 {
        %dma_wait3A_556 = arith.constant 0 : i32
        %dma_wait3A_557 = arith.constant 0 : i32
        %dma_wait3A_558 = arith.constant 0 : i32
        %dma_wait3A_559 = arith.constant 0 : i32
        %dma_wait3A_560 = tpu.memref_slice %arg7[%dma_wait3A_557, %dma_wait3A_559] : memref<6x96xi32, #tpu.memory_space<vmem>> -> memref<1x96xi32, #tpu.memory_space<vmem>>
        %dma_wait3A_561 = tpu.memref_squeeze %dma_wait3A_560 : memref<1x96xi32, #tpu.memory_space<vmem>> -> memref<96xi32, #tpu.memory_space<vmem>>
        %dma_wait3A_562 = arith.constant 0 : i32
        %dma_wait3A_563 = tpu.memref_slice %arg3[%arg0, %arg1, %dma_wait3A_556, %dma_wait3A_562] : memref<2x16x210x96xi32, #tpu.memory_space<hbm>> -> memref<1x1x1x96xi32, #tpu.memory_space<hbm>>
        %dma_wait3A_564 = tpu.memref_squeeze %dma_wait3A_563 : memref<1x1x1x96xi32, #tpu.memory_space<hbm>> -> memref<96xi32, #tpu.memory_space<hbm>>
        %dma_wait3A_565 = tpu.memref_slice %arg13[%dma_wait3A_558] : memref<6x!tpu.dma_semaphore, #tpu.memory_space<semaphore_mem>> -> memref<1x!tpu.dma_semaphore, #tpu.memory_space<semaphore_mem>>
        %dma_wait3A_566 = tpu.memref_squeeze %dma_wait3A_565 : memref<1x!tpu.dma_semaphore, #tpu.memory_space<semaphore_mem>> -> memref<!tpu.dma_semaphore, #tpu.memory_space<semaphore_mem>>
        %dma_wait3A_567 = arith.constant 0 : i32
        %dma_wait3A_568 = tpu.memref_slice %arg7[%dma_wait3A_557, %dma_wait3A_567] : memref<6x96xi32, #tpu.memory_space<vmem>> -> memref<1x96xi32, #tpu.memory_space<vmem>>
        %dma_wait3A_569 = tpu.memref_squeeze %dma_wait3A_568 : memref<1x96xi32, #tpu.memory_space<vmem>> -> memref<96xi32, #tpu.memory_space<vmem>>
        %dma_wait3A_570 = arith.constant 0 : i32
        %dma_wait3A_571 = tpu.memref_slice %arg3[%arg0, %arg1, %dma_wait3A_556, %dma_wait3A_570] : memref<2x16x210x96xi32, #tpu.memory_space<hbm>> -> memref<1x1x1x96xi32, #tpu.memory_space<hbm>>
        %dma_wait3A_572 = tpu.memref_squeeze %dma_wait3A_571 : memref<1x1x1x96xi32, #tpu.memory_space<hbm>> -> memref<96xi32, #tpu.memory_space<hbm>>
        tpu.wait_dma2 semaphore(%dma_wait3A_566 : memref<!tpu.dma_semaphore, #tpu.memory_space<semaphore_mem>>) src(%dma_wait3A_572 : memref<96xi32, #tpu.memory_space<hbm>>) dst(%dma_wait3A_569 : memref<96xi32, #tpu.memory_space<vmem>>)
        %dma_wait3A_573 = arith.constant 0 : i32
        %dma_wait3A_574 = arith.constant 0 : i32
        %dma_wait3A_575 = arith.constant 0 : i32
        %dma_wait3A_576 = arith.constant 0 : i32
        %dma_wait3A_577 = tpu.memref_slice %arg8[%dma_wait3A_574, %dma_wait3A_576] : memref<6x96xi32, #tpu.memory_space<vmem>> -> memref<1x96xi32, #tpu.memory_space<vmem>>
        %dma_wait3A_578 = tpu.memref_squeeze %dma_wait3A_577 : memref<1x96xi32, #tpu.memory_space<vmem>> -> memref<96xi32, #tpu.memory_space<vmem>>
        %dma_wait3A_579 = arith.constant 0 : i32
        %dma_wait3A_580 = tpu.memref_slice %arg4[%arg0, %arg1, %dma_wait3A_573, %dma_wait3A_579] : memref<2x16x210x96xi32, #tpu.memory_space<hbm>> -> memref<1x1x1x96xi32, #tpu.memory_space<hbm>>
        %dma_wait3A_581 = tpu.memref_squeeze %dma_wait3A_580 : memref<1x1x1x96xi32, #tpu.memory_space<hbm>> -> memref<96xi32, #tpu.memory_space<hbm>>
        %dma_wait3A_582 = tpu.memref_slice %arg13[%dma_wait3A_575] : memref<6x!tpu.dma_semaphore, #tpu.memory_space<semaphore_mem>> -> memref<1x!tpu.dma_semaphore, #tpu.memory_space<semaphore_mem>>
        %dma_wait3A_583 = tpu.memref_squeeze %dma_wait3A_582 : memref<1x!tpu.dma_semaphore, #tpu.memory_space<semaphore_mem>> -> memref<!tpu.dma_semaphore, #tpu.memory_space<semaphore_mem>>
        %dma_wait3A_584 = arith.constant 0 : i32
        %dma_wait3A_585 = tpu.memref_slice %arg8[%dma_wait3A_574, %dma_wait3A_584] : memref<6x96xi32, #tpu.memory_space<vmem>> -> memref<1x96xi32, #tpu.memory_space<vmem>>
        %dma_wait3A_586 = tpu.memref_squeeze %dma_wait3A_585 : memref<1x96xi32, #tpu.memory_space<vmem>> -> memref<96xi32, #tpu.memory_space<vmem>>
        %dma_wait3A_587 = arith.constant 0 : i32
        %dma_wait3A_588 = tpu.memref_slice %arg4[%arg0, %arg1, %dma_wait3A_573, %dma_wait3A_587] : memref<2x16x210x96xi32, #tpu.memory_space<hbm>> -> memref<1x1x1x96xi32, #tpu.memory_space<hbm>>
        %dma_wait3A_589 = tpu.memref_squeeze %dma_wait3A_588 : memref<1x1x1x96xi32, #tpu.memory_space<hbm>> -> memref<96xi32, #tpu.memory_space<hbm>>
        tpu.wait_dma2 semaphore(%dma_wait3A_583 : memref<!tpu.dma_semaphore, #tpu.memory_space<semaphore_mem>>) src(%dma_wait3A_589 : memref<96xi32, #tpu.memory_space<hbm>>) dst(%dma_wait3A_586 : memref<96xi32, #tpu.memory_space<vmem>>)
        %dma_start3A_590 = arith.constant 0 : i32
        %dma_start3A_591 = arith.constant 0 : i32
        %dma_start3A_592 = arith.constant 0 : i32
        %dma_start3A_593 = arith.constant 0 : i32
        %dma_start3A_594 = arith.constant 0 : i32
        %dma_start3A_595 = tpu.memref_slice %arg9[%dma_start3A_591, %dma_start3A_593, %dma_start3A_594] : memref<3x96x128xf32, #tpu.memory_space<vmem>> -> memref<1x96x128xf32, #tpu.memory_space<vmem>>
        %dma_start3A_596 = tpu.memref_squeeze %dma_start3A_595 : memref<1x96x128xf32, #tpu.memory_space<vmem>> -> memref<96x128xf32, #tpu.memory_space<vmem>>
        %dma_start3A_597 = arith.constant 0 : i32
        %dma_start3A_598 = tpu.memref_slice %arg7[%dma_start3A_590, %dma_start3A_597] : memref<6x96xi32, #tpu.memory_space<vmem>> -> memref<1x96xi32, #tpu.memory_space<vmem>>
        %dma_start3A_599 = tpu.memref_squeeze %dma_start3A_598 : memref<1x96xi32, #tpu.memory_space<vmem>> -> memref<96xi32, #tpu.memory_space<vmem>>
        %dma_start3A_600 = arith.constant 0 : i32
        %dma_start3A_601 = arith.constant 0 : i32
        %dma_start3A_602 = tpu.memref_slice %arg2[%dma_start3A_600, %dma_start3A_601] : memref<20480x128xf32, #tpu.memory_space<hbm>> -> memref<20480x128xf32, #tpu.memory_space<hbm>>
        %dma_start3A_603 = tpu.memref_slice %arg11[%dma_start3A_592] : memref<3x!tpu.dma_semaphore, #tpu.memory_space<semaphore_mem>> -> memref<1x!tpu.dma_semaphore, #tpu.memory_space<semaphore_mem>>
        %dma_start3A_604 = tpu.memref_squeeze %dma_start3A_603 : memref<1x!tpu.dma_semaphore, #tpu.memory_space<semaphore_mem>> -> memref<!tpu.dma_semaphore, #tpu.memory_space<semaphore_mem>>
        tpu.enqueue_indirect_dma source(%dma_start3A_602 : memref<20480x128xf32, #tpu.memory_space<hbm>>) target(%dma_start3A_596 : memref<96x128xf32, #tpu.memory_space<vmem>>) offsets(%dma_start3A_599 : memref<96xi32, #tpu.memory_space<vmem>>) semaphore(%dma_start3A_604 : memref<!tpu.dma_semaphore, #tpu.memory_space<semaphore_mem>>)
      } else {
      }
      %add3A_493 = arith.constant 3 : i32
      %add3A_494 = arith.addi %add3A_447, %add3A_493 : i32
      %lt3A_495 = arith.constant 210 : i32
      %lt3A_496 = arith.cmpi slt, %add3A_494, %lt3A_495 : i32
      %convert_element_type3A_497 = arith.extui %lt3A_496 : i1 to i32
      %cond3A_498 = arith.constant 0 : i32
      %cond3A_499 = arith.cmpi ne, %convert_element_type3A_497, %cond3A_498 : i32
      scf.if %cond3A_499 {
        %add3A_556 = arith.constant 3 : i32
        %add3A_557 = arith.addi %add3A_447, %add3A_556 : i32
        %dma_start3A_558 = arith.constant 1 : i32
        %dma_start3A_559 = arith.constant 1 : i32
        %dma_start3A_560 = arith.constant 0 : i32
        %dma_start3A_561 = tpu.memref_slice %arg7[%dma_start3A_558, %dma_start3A_560] : memref<6x96xi32, #tpu.memory_space<vmem>> -> memref<1x96xi32, #tpu.memory_space<vmem>>
        %dma_start3A_562 = tpu.memref_squeeze %dma_start3A_561 : memref<1x96xi32, #tpu.memory_space<vmem>> -> memref<96xi32, #tpu.memory_space<vmem>>
        %dma_start3A_563 = arith.constant 0 : i32
        %dma_start3A_564 = tpu.memref_slice %arg3[%arg0, %arg1, %add3A_557, %dma_start3A_563] : memref<2x16x210x96xi32, #tpu.memory_space<hbm>> -> memref<1x1x1x96xi32, #tpu.memory_space<hbm>>
        %dma_start3A_565 = tpu.memref_squeeze %dma_start3A_564 : memref<1x1x1x96xi32, #tpu.memory_space<hbm>> -> memref<96xi32, #tpu.memory_space<hbm>>
        %dma_start3A_566 = tpu.memref_slice %arg13[%dma_start3A_559] : memref<6x!tpu.dma_semaphore, #tpu.memory_space<semaphore_mem>> -> memref<1x!tpu.dma_semaphore, #tpu.memory_space<semaphore_mem>>
        %dma_start3A_567 = tpu.memref_squeeze %dma_start3A_566 : memref<1x!tpu.dma_semaphore, #tpu.memory_space<semaphore_mem>> -> memref<!tpu.dma_semaphore, #tpu.memory_space<semaphore_mem>>
        %dma_start3A_568 = arith.constant 0 : i32
        %dma_start3A_569 = tpu.memref_slice %arg7[%dma_start3A_558, %dma_start3A_568] : memref<6x96xi32, #tpu.memory_space<vmem>> -> memref<1x96xi32, #tpu.memory_space<vmem>>
        %dma_start3A_570 = tpu.memref_squeeze %dma_start3A_569 : memref<1x96xi32, #tpu.memory_space<vmem>> -> memref<96xi32, #tpu.memory_space<vmem>>
        %dma_start3A_571 = arith.constant 0 : i32
        %dma_start3A_572 = tpu.memref_slice %arg3[%arg0, %arg1, %add3A_557, %dma_start3A_571] : memref<2x16x210x96xi32, #tpu.memory_space<hbm>> -> memref<1x1x1x96xi32, #tpu.memory_space<hbm>>
        %dma_start3A_573 = tpu.memref_squeeze %dma_start3A_572 : memref<1x1x1x96xi32, #tpu.memory_space<hbm>> -> memref<96xi32, #tpu.memory_space<hbm>>
        tpu.enqueue_dma source(%dma_start3A_573 : memref<96xi32, #tpu.memory_space<hbm>>) target(%dma_start3A_570 : memref<96xi32, #tpu.memory_space<vmem>>) target_semaphore(%dma_start3A_567 : memref<!tpu.dma_semaphore, #tpu.memory_space<semaphore_mem>>)
        %dma_start3A_574 = arith.constant 1 : i32
        %dma_start3A_575 = arith.constant 1 : i32
        %dma_start3A_576 = arith.constant 0 : i32
        %dma_start3A_577 = tpu.memref_slice %arg8[%dma_start3A_574, %dma_start3A_576] : memref<6x96xi32, #tpu.memory_space<vmem>> -> memref<1x96xi32, #tpu.memory_space<vmem>>
        %dma_start3A_578 = tpu.memref_squeeze %dma_start3A_577 : memref<1x96xi32, #tpu.memory_space<vmem>> -> memref<96xi32, #tpu.memory_space<vmem>>
        %dma_start3A_579 = arith.constant 0 : i32
        %dma_start3A_580 = tpu.memref_slice %arg4[%arg0, %arg1, %add3A_557, %dma_start3A_579] : memref<2x16x210x96xi32, #tpu.memory_space<hbm>> -> memref<1x1x1x96xi32, #tpu.memory_space<hbm>>
        %dma_start3A_581 = tpu.memref_squeeze %dma_start3A_580 : memref<1x1x1x96xi32, #tpu.memory_space<hbm>> -> memref<96xi32, #tpu.memory_space<hbm>>
        %dma_start3A_582 = tpu.memref_slice %arg13[%dma_start3A_575] : memref<6x!tpu.dma_semaphore, #tpu.memory_space<semaphore_mem>> -> memref<1x!tpu.dma_semaphore, #tpu.memory_space<semaphore_mem>>
        %dma_start3A_583 = tpu.memref_squeeze %dma_start3A_582 : memref<1x!tpu.dma_semaphore, #tpu.memory_space<semaphore_mem>> -> memref<!tpu.dma_semaphore, #tpu.memory_space<semaphore_mem>>
        %dma_start3A_584 = arith.constant 0 : i32
        %dma_start3A_585 = tpu.memref_slice %arg8[%dma_start3A_574, %dma_start3A_584] : memref<6x96xi32, #tpu.memory_space<vmem>> -> memref<1x96xi32, #tpu.memory_space<vmem>>
        %dma_start3A_586 = tpu.memref_squeeze %dma_start3A_585 : memref<1x96xi32, #tpu.memory_space<vmem>> -> memref<96xi32, #tpu.memory_space<vmem>>
        %dma_start3A_587 = arith.constant 0 : i32
        %dma_start3A_588 = tpu.memref_slice %arg4[%arg0, %arg1, %add3A_557, %dma_start3A_587] : memref<2x16x210x96xi32, #tpu.memory_space<hbm>> -> memref<1x1x1x96xi32, #tpu.memory_space<hbm>>
        %dma_start3A_589 = tpu.memref_squeeze %dma_start3A_588 : memref<1x1x1x96xi32, #tpu.memory_space<hbm>> -> memref<96xi32, #tpu.memory_space<hbm>>
        tpu.enqueue_dma source(%dma_start3A_589 : memref<96xi32, #tpu.memory_space<hbm>>) target(%dma_start3A_586 : memref<96xi32, #tpu.memory_space<vmem>>) target_semaphore(%dma_start3A_583 : memref<!tpu.dma_semaphore, #tpu.memory_space<semaphore_mem>>)
      } else {
      }
      %mul3A_500 = arith.constant 6 : i32
      %mul3A_501 = arith.muli %mul3A_500, %scan3A_224 : i32
      %add3A_502 = arith.constant 5 : i32
      %add3A_503 = arith.addi %mul3A_501, %add3A_502 : i32
      %dma_wait3A_504 = arith.constant 2 : i32
      %dma_wait3A_505 = arith.constant 2 : i32
      %dma_wait3A_506 = arith.constant 0 : i32
      %dma_wait3A_507 = arith.constant 0 : i32
      %dma_wait3A_508 = tpu.memref_slice %arg9[%dma_wait3A_504, %dma_wait3A_506, %dma_wait3A_507] : memref<3x96x128xf32, #tpu.memory_space<vmem>> -> memref<1x96x128xf32, #tpu.memory_space<vmem>>
      %dma_wait3A_509 = tpu.memref_squeeze %dma_wait3A_508 : memref<1x96x128xf32, #tpu.memory_space<vmem>> -> memref<96x128xf32, #tpu.memory_space<vmem>>
      %dma_wait3A_510 = arith.constant 0 : i32
      %dma_wait3A_511 = arith.constant 0 : i32
      %dma_wait3A_512 = tpu.memref_slice %arg2[%dma_wait3A_510, %dma_wait3A_511] : memref<20480x128xf32, #tpu.memory_space<hbm>> -> memref<96x128xf32, #tpu.memory_space<hbm>>
      %dma_wait3A_513 = tpu.memref_slice %arg11[%dma_wait3A_505] : memref<3x!tpu.dma_semaphore, #tpu.memory_space<semaphore_mem>> -> memref<1x!tpu.dma_semaphore, #tpu.memory_space<semaphore_mem>>
      %dma_wait3A_514 = tpu.memref_squeeze %dma_wait3A_513 : memref<1x!tpu.dma_semaphore, #tpu.memory_space<semaphore_mem>> -> memref<!tpu.dma_semaphore, #tpu.memory_space<semaphore_mem>>
      %dma_wait3A_515 = arith.constant 0 : i32
      %dma_wait3A_516 = arith.constant 0 : i32
      %dma_wait3A_517 = tpu.memref_slice %arg9[%dma_wait3A_504, %dma_wait3A_515, %dma_wait3A_516] : memref<3x96x128xf32, #tpu.memory_space<vmem>> -> memref<1x96x128xf32, #tpu.memory_space<vmem>>
      %dma_wait3A_518 = tpu.memref_squeeze %dma_wait3A_517 : memref<1x96x128xf32, #tpu.memory_space<vmem>> -> memref<96x128xf32, #tpu.memory_space<vmem>>
      %dma_wait3A_519 = arith.constant 0 : i32
      %dma_wait3A_520 = arith.constant 0 : i32
      %dma_wait3A_521 = tpu.memref_slice %arg2[%dma_wait3A_519, %dma_wait3A_520] : memref<20480x128xf32, #tpu.memory_space<hbm>> -> memref<96x128xf32, #tpu.memory_space<hbm>>
      tpu.wait_dma2 semaphore(%dma_wait3A_514 : memref<!tpu.dma_semaphore, #tpu.memory_space<semaphore_mem>>) src(%dma_wait3A_521 : memref<96x128xf32, #tpu.memory_space<hbm>>) dst(%dma_wait3A_518 : memref<96x128xf32, #tpu.memory_space<vmem>>)
      %dma_start3A_522 = arith.constant 2 : i32
      %dma_start3A_523 = arith.constant 5 : i32
      %dma_start3A_524 = arith.constant 2 : i32
      %dma_start3A_525 = arith.constant 0 : i32
      %dma_start3A_526 = arith.constant 0 : i32
      %dma_start3A_527 = tpu.memref_slice %arg9[%dma_start3A_522, %dma_start3A_525, %dma_start3A_526] : memref<3x96x128xf32, #tpu.memory_space<vmem>> -> memref<1x96x128xf32, #tpu.memory_space<vmem>>
      %dma_start3A_528 = tpu.memref_squeeze %dma_start3A_527 : memref<1x96x128xf32, #tpu.memory_space<vmem>> -> memref<96x128xf32, #tpu.memory_space<vmem>>
      %dma_start3A_529 = arith.constant 0 : i32
      %dma_start3A_530 = tpu.memref_slice %arg8[%dma_start3A_523, %dma_start3A_529] : memref<6x96xi32, #tpu.memory_space<vmem>> -> memref<1x96xi32, #tpu.memory_space<vmem>>
      %dma_start3A_531 = tpu.memref_squeeze %dma_start3A_530 : memref<1x96xi32, #tpu.memory_space<vmem>> -> memref<96xi32, #tpu.memory_space<vmem>>
      %dma_start3A_532 = arith.constant 0 : i32
      %dma_start3A_533 = arith.constant 0 : i32
      %dma_start3A_534 = tpu.memref_slice %arg10[%dma_start3A_532, %dma_start3A_533] : memref<10240x128xf32, #tpu.memory_space<vmem_shared>> -> memref<10240x128xf32, #tpu.memory_space<vmem_shared>>
      %dma_start3A_535 = tpu.memref_slice %arg12[%dma_start3A_524] : memref<3x!tpu.dma_semaphore, #tpu.memory_space<semaphore_mem>> -> memref<1x!tpu.dma_semaphore, #tpu.memory_space<semaphore_mem>>
      %dma_start3A_536 = tpu.memref_squeeze %dma_start3A_535 : memref<1x!tpu.dma_semaphore, #tpu.memory_space<semaphore_mem>> -> memref<!tpu.dma_semaphore, #tpu.memory_space<semaphore_mem>>
      tpu.enqueue_indirect_dma source(%dma_start3A_528 : memref<96x128xf32, #tpu.memory_space<vmem>>) target(%dma_start3A_534 : memref<10240x128xf32, #tpu.memory_space<vmem_shared>>) offsets(%dma_start3A_531 : memref<96xi32, #tpu.memory_space<vmem>>) semaphore(%dma_start3A_536 : memref<!tpu.dma_semaphore, #tpu.memory_space<semaphore_mem>>) {add = true}
      %ge3A_537 = arith.constant 1 : i32
      %ge3A_538 = arith.cmpi sge, %add3A_503, %ge3A_537 : i32
      %convert_element_type3A_539 = arith.extui %ge3A_538 : i1 to i32
      %cond3A_540 = arith.constant 0 : i32
      %cond3A_541 = arith.cmpi ne, %convert_element_type3A_539, %cond3A_540 : i32
      scf.if %cond3A_541 {
        %dma_wait3A_556 = arith.constant 1 : i32
        %dma_wait3A_557 = arith.constant 1 : i32
        %dma_wait3A_558 = arith.constant 0 : i32
        %dma_wait3A_559 = arith.constant 0 : i32
        %dma_wait3A_560 = tpu.memref_slice %arg9[%dma_wait3A_556, %dma_wait3A_558, %dma_wait3A_559] : memref<3x96x128xf32, #tpu.memory_space<vmem>> -> memref<1x96x128xf32, #tpu.memory_space<vmem>>
        %dma_wait3A_561 = tpu.memref_squeeze %dma_wait3A_560 : memref<1x96x128xf32, #tpu.memory_space<vmem>> -> memref<96x128xf32, #tpu.memory_space<vmem>>
        %dma_wait3A_562 = arith.constant 0 : i32
        %dma_wait3A_563 = arith.constant 0 : i32
        %dma_wait3A_564 = tpu.memref_slice %arg2[%dma_wait3A_562, %dma_wait3A_563] : memref<20480x128xf32, #tpu.memory_space<hbm>> -> memref<96x128xf32, #tpu.memory_space<hbm>>
        %dma_wait3A_565 = tpu.memref_slice %arg12[%dma_wait3A_557] : memref<3x!tpu.dma_semaphore, #tpu.memory_space<semaphore_mem>> -> memref<1x!tpu.dma_semaphore, #tpu.memory_space<semaphore_mem>>
        %dma_wait3A_566 = tpu.memref_squeeze %dma_wait3A_565 : memref<1x!tpu.dma_semaphore, #tpu.memory_space<semaphore_mem>> -> memref<!tpu.dma_semaphore, #tpu.memory_space<semaphore_mem>>
        %dma_wait3A_567 = arith.constant 0 : i32
        %dma_wait3A_568 = arith.constant 0 : i32
        %dma_wait3A_569 = tpu.memref_slice %arg9[%dma_wait3A_556, %dma_wait3A_567, %dma_wait3A_568] : memref<3x96x128xf32, #tpu.memory_space<vmem>> -> memref<1x96x128xf32, #tpu.memory_space<vmem>>
        %dma_wait3A_570 = tpu.memref_squeeze %dma_wait3A_569 : memref<1x96x128xf32, #tpu.memory_space<vmem>> -> memref<96x128xf32, #tpu.memory_space<vmem>>
        %dma_wait3A_571 = arith.constant 0 : i32
        %dma_wait3A_572 = arith.constant 0 : i32
        %dma_wait3A_573 = tpu.memref_slice %arg2[%dma_wait3A_571, %dma_wait3A_572] : memref<20480x128xf32, #tpu.memory_space<hbm>> -> memref<96x128xf32, #tpu.memory_space<hbm>>
        tpu.wait_dma2 semaphore(%dma_wait3A_566 : memref<!tpu.dma_semaphore, #tpu.memory_space<semaphore_mem>>) src(%dma_wait3A_573 : memref<96x128xf32, #tpu.memory_space<hbm>>) dst(%dma_wait3A_570 : memref<96x128xf32, #tpu.memory_space<vmem>>)
      } else {
      }
      %add3A_542 = arith.constant 2 : i32
      %add3A_543 = arith.addi %add3A_503, %add3A_542 : i32
      %lt3A_544 = arith.constant 210 : i32
      %lt3A_545 = arith.cmpi slt, %add3A_543, %lt3A_544 : i32
      %convert_element_type3A_546 = arith.extui %lt3A_545 : i1 to i32
      %cond3A_547 = arith.constant 0 : i32
      %cond3A_548 = arith.cmpi ne, %convert_element_type3A_546, %cond3A_547 : i32
      scf.if %cond3A_548 {
        %dma_wait3A_556 = arith.constant 0 : i32
        %dma_wait3A_557 = arith.constant 1 : i32
        %dma_wait3A_558 = arith.constant 1 : i32
        %dma_wait3A_559 = arith.constant 0 : i32
        %dma_wait3A_560 = tpu.memref_slice %arg7[%dma_wait3A_557, %dma_wait3A_559] : memref<6x96xi32, #tpu.memory_space<vmem>> -> memref<1x96xi32, #tpu.memory_space<vmem>>
        %dma_wait3A_561 = tpu.memref_squeeze %dma_wait3A_560 : memref<1x96xi32, #tpu.memory_space<vmem>> -> memref<96xi32, #tpu.memory_space<vmem>>
        %dma_wait3A_562 = arith.constant 0 : i32
        %dma_wait3A_563 = tpu.memref_slice %arg3[%arg0, %arg1, %dma_wait3A_556, %dma_wait3A_562] : memref<2x16x210x96xi32, #tpu.memory_space<hbm>> -> memref<1x1x1x96xi32, #tpu.memory_space<hbm>>
        %dma_wait3A_564 = tpu.memref_squeeze %dma_wait3A_563 : memref<1x1x1x96xi32, #tpu.memory_space<hbm>> -> memref<96xi32, #tpu.memory_space<hbm>>
        %dma_wait3A_565 = tpu.memref_slice %arg13[%dma_wait3A_558] : memref<6x!tpu.dma_semaphore, #tpu.memory_space<semaphore_mem>> -> memref<1x!tpu.dma_semaphore, #tpu.memory_space<semaphore_mem>>
        %dma_wait3A_566 = tpu.memref_squeeze %dma_wait3A_565 : memref<1x!tpu.dma_semaphore, #tpu.memory_space<semaphore_mem>> -> memref<!tpu.dma_semaphore, #tpu.memory_space<semaphore_mem>>
        %dma_wait3A_567 = arith.constant 0 : i32
        %dma_wait3A_568 = tpu.memref_slice %arg7[%dma_wait3A_557, %dma_wait3A_567] : memref<6x96xi32, #tpu.memory_space<vmem>> -> memref<1x96xi32, #tpu.memory_space<vmem>>
        %dma_wait3A_569 = tpu.memref_squeeze %dma_wait3A_568 : memref<1x96xi32, #tpu.memory_space<vmem>> -> memref<96xi32, #tpu.memory_space<vmem>>
        %dma_wait3A_570 = arith.constant 0 : i32
        %dma_wait3A_571 = tpu.memref_slice %arg3[%arg0, %arg1, %dma_wait3A_556, %dma_wait3A_570] : memref<2x16x210x96xi32, #tpu.memory_space<hbm>> -> memref<1x1x1x96xi32, #tpu.memory_space<hbm>>
        %dma_wait3A_572 = tpu.memref_squeeze %dma_wait3A_571 : memref<1x1x1x96xi32, #tpu.memory_space<hbm>> -> memref<96xi32, #tpu.memory_space<hbm>>
        tpu.wait_dma2 semaphore(%dma_wait3A_566 : memref<!tpu.dma_semaphore, #tpu.memory_space<semaphore_mem>>) src(%dma_wait3A_572 : memref<96xi32, #tpu.memory_space<hbm>>) dst(%dma_wait3A_569 : memref<96xi32, #tpu.memory_space<vmem>>)
        %dma_wait3A_573 = arith.constant 0 : i32
        %dma_wait3A_574 = arith.constant 1 : i32
        %dma_wait3A_575 = arith.constant 1 : i32
        %dma_wait3A_576 = arith.constant 0 : i32
        %dma_wait3A_577 = tpu.memref_slice %arg8[%dma_wait3A_574, %dma_wait3A_576] : memref<6x96xi32, #tpu.memory_space<vmem>> -> memref<1x96xi32, #tpu.memory_space<vmem>>
        %dma_wait3A_578 = tpu.memref_squeeze %dma_wait3A_577 : memref<1x96xi32, #tpu.memory_space<vmem>> -> memref<96xi32, #tpu.memory_space<vmem>>
        %dma_wait3A_579 = arith.constant 0 : i32
        %dma_wait3A_580 = tpu.memref_slice %arg4[%arg0, %arg1, %dma_wait3A_573, %dma_wait3A_579] : memref<2x16x210x96xi32, #tpu.memory_space<hbm>> -> memref<1x1x1x96xi32, #tpu.memory_space<hbm>>
        %dma_wait3A_581 = tpu.memref_squeeze %dma_wait3A_580 : memref<1x1x1x96xi32, #tpu.memory_space<hbm>> -> memref<96xi32, #tpu.memory_space<hbm>>
        %dma_wait3A_582 = tpu.memref_slice %arg13[%dma_wait3A_575] : memref<6x!tpu.dma_semaphore, #tpu.memory_space<semaphore_mem>> -> memref<1x!tpu.dma_semaphore, #tpu.memory_space<semaphore_mem>>
        %dma_wait3A_583 = tpu.memref_squeeze %dma_wait3A_582 : memref<1x!tpu.dma_semaphore, #tpu.memory_space<semaphore_mem>> -> memref<!tpu.dma_semaphore, #tpu.memory_space<semaphore_mem>>
        %dma_wait3A_584 = arith.constant 0 : i32
        %dma_wait3A_585 = tpu.memref_slice %arg8[%dma_wait3A_574, %dma_wait3A_584] : memref<6x96xi32, #tpu.memory_space<vmem>> -> memref<1x96xi32, #tpu.memory_space<vmem>>
        %dma_wait3A_586 = tpu.memref_squeeze %dma_wait3A_585 : memref<1x96xi32, #tpu.memory_space<vmem>> -> memref<96xi32, #tpu.memory_space<vmem>>
        %dma_wait3A_587 = arith.constant 0 : i32
        %dma_wait3A_588 = tpu.memref_slice %arg4[%arg0, %arg1, %dma_wait3A_573, %dma_wait3A_587] : memref<2x16x210x96xi32, #tpu.memory_space<hbm>> -> memref<1x1x1x96xi32, #tpu.memory_space<hbm>>
        %dma_wait3A_589 = tpu.memref_squeeze %dma_wait3A_588 : memref<1x1x1x96xi32, #tpu.memory_space<hbm>> -> memref<96xi32, #tpu.memory_space<hbm>>
        tpu.wait_dma2 semaphore(%dma_wait3A_583 : memref<!tpu.dma_semaphore, #tpu.memory_space<semaphore_mem>>) src(%dma_wait3A_589 : memref<96xi32, #tpu.memory_space<hbm>>) dst(%dma_wait3A_586 : memref<96xi32, #tpu.memory_space<vmem>>)
        %dma_start3A_590 = arith.constant 1 : i32
        %dma_start3A_591 = arith.constant 1 : i32
        %dma_start3A_592 = arith.constant 1 : i32
        %dma_start3A_593 = arith.constant 0 : i32
        %dma_start3A_594 = arith.constant 0 : i32
        %dma_start3A_595 = tpu.memref_slice %arg9[%dma_start3A_591, %dma_start3A_593, %dma_start3A_594] : memref<3x96x128xf32, #tpu.memory_space<vmem>> -> memref<1x96x128xf32, #tpu.memory_space<vmem>>
        %dma_start3A_596 = tpu.memref_squeeze %dma_start3A_595 : memref<1x96x128xf32, #tpu.memory_space<vmem>> -> memref<96x128xf32, #tpu.memory_space<vmem>>
        %dma_start3A_597 = arith.constant 0 : i32
        %dma_start3A_598 = tpu.memref_slice %arg7[%dma_start3A_590, %dma_start3A_597] : memref<6x96xi32, #tpu.memory_space<vmem>> -> memref<1x96xi32, #tpu.memory_space<vmem>>
        %dma_start3A_599 = tpu.memref_squeeze %dma_start3A_598 : memref<1x96xi32, #tpu.memory_space<vmem>> -> memref<96xi32, #tpu.memory_space<vmem>>
        %dma_start3A_600 = arith.constant 0 : i32
        %dma_start3A_601 = arith.constant 0 : i32
        %dma_start3A_602 = tpu.memref_slice %arg2[%dma_start3A_600, %dma_start3A_601] : memref<20480x128xf32, #tpu.memory_space<hbm>> -> memref<20480x128xf32, #tpu.memory_space<hbm>>
        %dma_start3A_603 = tpu.memref_slice %arg11[%dma_start3A_592] : memref<3x!tpu.dma_semaphore, #tpu.memory_space<semaphore_mem>> -> memref<1x!tpu.dma_semaphore, #tpu.memory_space<semaphore_mem>>
        %dma_start3A_604 = tpu.memref_squeeze %dma_start3A_603 : memref<1x!tpu.dma_semaphore, #tpu.memory_space<semaphore_mem>> -> memref<!tpu.dma_semaphore, #tpu.memory_space<semaphore_mem>>
        tpu.enqueue_indirect_dma source(%dma_start3A_602 : memref<20480x128xf32, #tpu.memory_space<hbm>>) target(%dma_start3A_596 : memref<96x128xf32, #tpu.memory_space<vmem>>) offsets(%dma_start3A_599 : memref<96xi32, #tpu.memory_space<vmem>>) semaphore(%dma_start3A_604 : memref<!tpu.dma_semaphore, #tpu.memory_space<semaphore_mem>>)
      } else {
      }
      %add3A_549 = arith.constant 3 : i32
      %add3A_550 = arith.addi %add3A_503, %add3A_549 : i32
      %lt3A_551 = arith.constant 210 : i32
      %lt3A_552 = arith.cmpi slt, %add3A_550, %lt3A_551 : i32
      %convert_element_type3A_553 = arith.extui %lt3A_552 : i1 to i32
      %cond3A_554 = arith.constant 0 : i32
      %cond3A_555 = arith.cmpi ne, %convert_element_type3A_553, %cond3A_554 : i32
      scf.if %cond3A_555 {
        %add3A_556 = arith.constant 3 : i32
        %add3A_557 = arith.addi %add3A_503, %add3A_556 : i32
        %dma_start3A_558 = arith.constant 2 : i32
        %dma_start3A_559 = arith.constant 2 : i32
        %dma_start3A_560 = arith.constant 0 : i32
        %dma_start3A_561 = tpu.memref_slice %arg7[%dma_start3A_558, %dma_start3A_560] : memref<6x96xi32, #tpu.memory_space<vmem>> -> memref<1x96xi32, #tpu.memory_space<vmem>>
        %dma_start3A_562 = tpu.memref_squeeze %dma_start3A_561 : memref<1x96xi32, #tpu.memory_space<vmem>> -> memref<96xi32, #tpu.memory_space<vmem>>
        %dma_start3A_563 = arith.constant 0 : i32
        %dma_start3A_564 = tpu.memref_slice %arg3[%arg0, %arg1, %add3A_557, %dma_start3A_563] : memref<2x16x210x96xi32, #tpu.memory_space<hbm>> -> memref<1x1x1x96xi32, #tpu.memory_space<hbm>>
        %dma_start3A_565 = tpu.memref_squeeze %dma_start3A_564 : memref<1x1x1x96xi32, #tpu.memory_space<hbm>> -> memref<96xi32, #tpu.memory_space<hbm>>
        %dma_start3A_566 = tpu.memref_slice %arg13[%dma_start3A_559] : memref<6x!tpu.dma_semaphore, #tpu.memory_space<semaphore_mem>> -> memref<1x!tpu.dma_semaphore, #tpu.memory_space<semaphore_mem>>
        %dma_start3A_567 = tpu.memref_squeeze %dma_start3A_566 : memref<1x!tpu.dma_semaphore, #tpu.memory_space<semaphore_mem>> -> memref<!tpu.dma_semaphore, #tpu.memory_space<semaphore_mem>>
        %dma_start3A_568 = arith.constant 0 : i32
        %dma_start3A_569 = tpu.memref_slice %arg7[%dma_start3A_558, %dma_start3A_568] : memref<6x96xi32, #tpu.memory_space<vmem>> -> memref<1x96xi32, #tpu.memory_space<vmem>>
        %dma_start3A_570 = tpu.memref_squeeze %dma_start3A_569 : memref<1x96xi32, #tpu.memory_space<vmem>> -> memref<96xi32, #tpu.memory_space<vmem>>
        %dma_start3A_571 = arith.constant 0 : i32
        %dma_start3A_572 = tpu.memref_slice %arg3[%arg0, %arg1, %add3A_557, %dma_start3A_571] : memref<2x16x210x96xi32, #tpu.memory_space<hbm>> -> memref<1x1x1x96xi32, #tpu.memory_space<hbm>>
        %dma_start3A_573 = tpu.memref_squeeze %dma_start3A_572 : memref<1x1x1x96xi32, #tpu.memory_space<hbm>> -> memref<96xi32, #tpu.memory_space<hbm>>
        tpu.enqueue_dma source(%dma_start3A_573 : memref<96xi32, #tpu.memory_space<hbm>>) target(%dma_start3A_570 : memref<96xi32, #tpu.memory_space<vmem>>) target_semaphore(%dma_start3A_567 : memref<!tpu.dma_semaphore, #tpu.memory_space<semaphore_mem>>)
        %dma_start3A_574 = arith.constant 2 : i32
        %dma_start3A_575 = arith.constant 2 : i32
        %dma_start3A_576 = arith.constant 0 : i32
        %dma_start3A_577 = tpu.memref_slice %arg8[%dma_start3A_574, %dma_start3A_576] : memref<6x96xi32, #tpu.memory_space<vmem>> -> memref<1x96xi32, #tpu.memory_space<vmem>>
        %dma_start3A_578 = tpu.memref_squeeze %dma_start3A_577 : memref<1x96xi32, #tpu.memory_space<vmem>> -> memref<96xi32, #tpu.memory_space<vmem>>
        %dma_start3A_579 = arith.constant 0 : i32
        %dma_start3A_580 = tpu.memref_slice %arg4[%arg0, %arg1, %add3A_557, %dma_start3A_579] : memref<2x16x210x96xi32, #tpu.memory_space<hbm>> -> memref<1x1x1x96xi32, #tpu.memory_space<hbm>>
        %dma_start3A_581 = tpu.memref_squeeze %dma_start3A_580 : memref<1x1x1x96xi32, #tpu.memory_space<hbm>> -> memref<96xi32, #tpu.memory_space<hbm>>
        %dma_start3A_582 = tpu.memref_slice %arg13[%dma_start3A_575] : memref<6x!tpu.dma_semaphore, #tpu.memory_space<semaphore_mem>> -> memref<1x!tpu.dma_semaphore, #tpu.memory_space<semaphore_mem>>
        %dma_start3A_583 = tpu.memref_squeeze %dma_start3A_582 : memref<1x!tpu.dma_semaphore, #tpu.memory_space<semaphore_mem>> -> memref<!tpu.dma_semaphore, #tpu.memory_space<semaphore_mem>>
        %dma_start3A_584 = arith.constant 0 : i32
        %dma_start3A_585 = tpu.memref_slice %arg8[%dma_start3A_574, %dma_start3A_584] : memref<6x96xi32, #tpu.memory_space<vmem>> -> memref<1x96xi32, #tpu.memory_space<vmem>>
        %dma_start3A_586 = tpu.memref_squeeze %dma_start3A_585 : memref<1x96xi32, #tpu.memory_space<vmem>> -> memref<96xi32, #tpu.memory_space<vmem>>
        %dma_start3A_587 = arith.constant 0 : i32
        %dma_start3A_588 = tpu.memref_slice %arg4[%arg0, %arg1, %add3A_557, %dma_start3A_587] : memref<2x16x210x96xi32, #tpu.memory_space<hbm>> -> memref<1x1x1x96xi32, #tpu.memory_space<hbm>>
        %dma_start3A_589 = tpu.memref_squeeze %dma_start3A_588 : memref<1x1x1x96xi32, #tpu.memory_space<hbm>> -> memref<96xi32, #tpu.memory_space<hbm>>
        tpu.enqueue_dma source(%dma_start3A_589 : memref<96xi32, #tpu.memory_space<hbm>>) target(%dma_start3A_586 : memref<96xi32, #tpu.memory_space<vmem>>) target_semaphore(%dma_start3A_583 : memref<!tpu.dma_semaphore, #tpu.memory_space<semaphore_mem>>)
      } else {
      }
    }
    %scan3A_204 = arith.constant 35 : i32
    %dma_wait3A_205 = arith.constant 2 : i32
    %dma_wait3A_206 = arith.constant 2 : i32
    %dma_wait3A_207 = arith.constant 0 : i32
    %dma_wait3A_208 = arith.constant 0 : i32
    %dma_wait3A_209 = tpu.memref_slice %arg9[%dma_wait3A_205, %dma_wait3A_207, %dma_wait3A_208] : memref<3x96x128xf32, #tpu.memory_space<vmem>> -> memref<1x96x128xf32, #tpu.memory_space<vmem>>
    %dma_wait3A_210 = tpu.memref_squeeze %dma_wait3A_209 : memref<1x96x128xf32, #tpu.memory_space<vmem>> -> memref<96x128xf32, #tpu.memory_space<vmem>>
    %dma_wait3A_211 = arith.constant 0 : i32
    %dma_wait3A_212 = arith.constant 0 : i32
    %dma_wait3A_213 = tpu.memref_slice %arg2[%dma_wait3A_211, %dma_wait3A_212] : memref<20480x128xf32, #tpu.memory_space<hbm>> -> memref<96x128xf32, #tpu.memory_space<hbm>>
    %dma_wait3A_214 = tpu.memref_slice %arg12[%dma_wait3A_206] : memref<3x!tpu.dma_semaphore, #tpu.memory_space<semaphore_mem>> -> memref<1x!tpu.dma_semaphore, #tpu.memory_space<semaphore_mem>>
    %dma_wait3A_215 = tpu.memref_squeeze %dma_wait3A_214 : memref<1x!tpu.dma_semaphore, #tpu.memory_space<semaphore_mem>> -> memref<!tpu.dma_semaphore, #tpu.memory_space<semaphore_mem>>
    %dma_wait3A_216 = arith.constant 0 : i32
    %dma_wait3A_217 = arith.constant 0 : i32
    %dma_wait3A_218 = tpu.memref_slice %arg9[%dma_wait3A_205, %dma_wait3A_216, %dma_wait3A_217] : memref<3x96x128xf32, #tpu.memory_space<vmem>> -> memref<1x96x128xf32, #tpu.memory_space<vmem>>
    %dma_wait3A_219 = tpu.memref_squeeze %dma_wait3A_218 : memref<1x96x128xf32, #tpu.memory_space<vmem>> -> memref<96x128xf32, #tpu.memory_space<vmem>>
    %dma_wait3A_220 = arith.constant 0 : i32
    %dma_wait3A_221 = arith.constant 0 : i32
    %dma_wait3A_222 = tpu.memref_slice %arg2[%dma_wait3A_220, %dma_wait3A_221] : memref<20480x128xf32, #tpu.memory_space<hbm>> -> memref<96x128xf32, #tpu.memory_space<hbm>>
    tpu.wait_dma2 semaphore(%dma_wait3A_215 : memref<!tpu.dma_semaphore, #tpu.memory_space<semaphore_mem>>) src(%dma_wait3A_222 : memref<96x128xf32, #tpu.memory_space<hbm>>) dst(%dma_wait3A_219 : memref<96x128xf32, #tpu.memory_space<vmem>>)
    %barrier3A_223 = arith.constant 0 : index
    tpu.barrier barrier_id(%barrier3A_223)
    "tpu.region"() ({
      %run_scoped3A = tpu.sem_alloc : memref<!tpu.dma_semaphore, #tpu.memory_space<semaphore_mem>>
      %dma_start3A_224 = arith.constant 0 : i32
      %dma_start3A_225 = tpu.memref_slice %arg6[%arg0, %mul3A_0, %dma_start3A_224] : memref<2x10240x128xf32, #tpu.memory_space<hbm>> -> memref<1x640x128xf32, #tpu.memory_space<hbm>>
      %dma_start3A_226 = tpu.memref_squeeze %dma_start3A_225 : memref<1x640x128xf32, #tpu.memory_space<hbm>> -> memref<640x128xf32, #tpu.memory_space<hbm>>
      %dma_start3A_227 = arith.constant 0 : i32
      %dma_start3A_228 = tpu.memref_slice %arg10[%mul3A_0, %dma_start3A_227] : memref<10240x128xf32, #tpu.memory_space<vmem_shared>> -> memref<640x128xf32, #tpu.memory_space<vmem_shared>>
      tpu.enqueue_dma source(%dma_start3A_228 : memref<640x128xf32, #tpu.memory_space<vmem_shared>>) target(%dma_start3A_226 : memref<640x128xf32, #tpu.memory_space<hbm>>) target_semaphore(%run_scoped3A : memref<!tpu.dma_semaphore, #tpu.memory_space<semaphore_mem>>)
      %dma_wait3A_229 = arith.constant 0 : i32
      %dma_wait3A_230 = tpu.memref_slice %arg6[%arg0, %mul3A_0, %dma_wait3A_229] : memref<2x10240x128xf32, #tpu.memory_space<hbm>> -> memref<1x640x128xf32, #tpu.memory_space<hbm>>
      %dma_wait3A_231 = tpu.memref_squeeze %dma_wait3A_230 : memref<1x640x128xf32, #tpu.memory_space<hbm>> -> memref<640x128xf32, #tpu.memory_space<hbm>>
      %dma_wait3A_232 = arith.constant 0 : i32
      %dma_wait3A_233 = tpu.memref_slice %arg10[%mul3A_0, %dma_wait3A_232] : memref<10240x128xf32, #tpu.memory_space<vmem_shared>> -> memref<640x128xf32, #tpu.memory_space<vmem_shared>>
      tpu.wait_dma2 semaphore(%run_scoped3A : memref<!tpu.dma_semaphore, #tpu.memory_space<semaphore_mem>>) src(%dma_wait3A_233 : memref<640x128xf32, #tpu.memory_space<vmem_shared>>) dst(%dma_wait3A_231 : memref<640x128xf32, #tpu.memory_space<hbm>>)
      tpu.yield
    }) : () -> ()
    return
  }
}

#map = affine_map<(d0, d1) -> (0, 0)>
#map1 = affine_map<(d0, d1) -> (0, 0, 0, 0)>
#map2 = affine_map<(d0, d1) -> (0, 0, 0)>
module attributes {stable_mosaic.version = 14 : i64} {
  func.func @agg(%arg0: i32, %arg1: i32, %arg2: memref<20480x128xf32, #tpu.memory_space<hbm>>, %arg3: memref<2x16x210x96xi32, #tpu.memory_space<hbm>>, %arg4: memref<2x16x210x96xi32, #tpu.memory_space<hbm>>, %arg5: memref<10240x128xf32, #tpu.memory_space<hbm>>, %arg6: memref<2x10240x128xf32, #tpu.memory_space<hbm>>, %arg7: memref<2x16x10240xf32, #tpu.memory_space<hbm>>, %arg8: memref<6x96xi32, #tpu.memory_space<vmem>>, %arg9: memref<6x96xi32, #tpu.memory_space<vmem>>, %arg10: memref<3x96x128xf32, #tpu.memory_space<vmem>>, %arg11: memref<10240x128xf32, #tpu.memory_space<vmem_shared>>, %arg12: memref<3x!tpu.dma_semaphore, #tpu.memory_space<semaphore_mem>>, %arg13: memref<3x!tpu.dma_semaphore, #tpu.memory_space<semaphore_mem>>, %arg14: memref<6x!tpu.dma_semaphore, #tpu.memory_space<semaphore_mem>>, %arg15: memref<10240xf32, #tpu.memory_space<vmem>>) attributes {dimension_semantics = [#tpu.dimension_semantics<core_parallel>, #tpu.dimension_semantics<subcore_parallel>], iteration_bounds = array<i64: 2, 16>, scalar_prefetch = 0 : i64, scratch_operands = 8 : i64, tpu.core_type = #tpu.core_type<sc_vector_subcore>, window_params = [{transform_indices = #map}, {transform_indices = #map1}, {transform_indices = #map1}, {transform_indices = #map}, {transform_indices = #map2}, {transform_indices = #map2}]} {
    %mul3A = arith.constant 640 : i32
    %mul3A_0 = arith.muli %arg1, %mul3A : i32
    %dma_start3A = arith.constant 0 : i32
    %dma_start3A_1 = arith.constant 0 : i32
    %dma_start3A_2 = arith.constant 0 : i32
    %dma_start3A_3 = arith.constant 0 : i32
    %dma_start3A_4 = tpu.memref_slice %arg8[%dma_start3A_1, %dma_start3A_3] : memref<6x96xi32, #tpu.memory_space<vmem>> -> memref<1x96xi32, #tpu.memory_space<vmem>>
    %dma_start3A_5 = tpu.memref_squeeze %dma_start3A_4 : memref<1x96xi32, #tpu.memory_space<vmem>> -> memref<96xi32, #tpu.memory_space<vmem>>
    %dma_start3A_6 = arith.constant 0 : i32
    %dma_start3A_7 = tpu.memref_slice %arg3[%arg0, %arg1, %dma_start3A, %dma_start3A_6] : memref<2x16x210x96xi32, #tpu.memory_space<hbm>> -> memref<1x1x1x96xi32, #tpu.memory_space<hbm>>
    %dma_start3A_8 = tpu.memref_squeeze %dma_start3A_7 : memref<1x1x1x96xi32, #tpu.memory_space<hbm>> -> memref<96xi32, #tpu.memory_space<hbm>>
    %dma_start3A_9 = tpu.memref_slice %arg14[%dma_start3A_2] : memref<6x!tpu.dma_semaphore, #tpu.memory_space<semaphore_mem>> -> memref<1x!tpu.dma_semaphore, #tpu.memory_space<semaphore_mem>>
    %dma_start3A_10 = tpu.memref_squeeze %dma_start3A_9 : memref<1x!tpu.dma_semaphore, #tpu.memory_space<semaphore_mem>> -> memref<!tpu.dma_semaphore, #tpu.memory_space<semaphore_mem>>
    %dma_start3A_11 = arith.constant 0 : i32
    %dma_start3A_12 = tpu.memref_slice %arg8[%dma_start3A_1, %dma_start3A_11] : memref<6x96xi32, #tpu.memory_space<vmem>> -> memref<1x96xi32, #tpu.memory_space<vmem>>
    %dma_start3A_13 = tpu.memref_squeeze %dma_start3A_12 : memref<1x96xi32, #tpu.memory_space<vmem>> -> memref<96xi32, #tpu.memory_space<vmem>>
    %dma_start3A_14 = arith.constant 0 : i32
    %dma_start3A_15 = tpu.memref_slice %arg3[%arg0, %arg1, %dma_start3A, %dma_start3A_14] : memref<2x16x210x96xi32, #tpu.memory_space<hbm>> -> memref<1x1x1x96xi32, #tpu.memory_space<hbm>>
    %dma_start3A_16 = tpu.memref_squeeze %dma_start3A_15 : memref<1x1x1x96xi32, #tpu.memory_space<hbm>> -> memref<96xi32, #tpu.memory_space<hbm>>
    tpu.enqueue_dma source(%dma_start3A_16 : memref<96xi32, #tpu.memory_space<hbm>>) target(%dma_start3A_13 : memref<96xi32, #tpu.memory_space<vmem>>) target_semaphore(%dma_start3A_10 : memref<!tpu.dma_semaphore, #tpu.memory_space<semaphore_mem>>)
    %dma_start3A_17 = arith.constant 0 : i32
    %dma_start3A_18 = arith.constant 0 : i32
    %dma_start3A_19 = arith.constant 0 : i32
    %dma_start3A_20 = arith.constant 0 : i32
    %dma_start3A_21 = tpu.memref_slice %arg9[%dma_start3A_18, %dma_start3A_20] : memref<6x96xi32, #tpu.memory_space<vmem>> -> memref<1x96xi32, #tpu.memory_space<vmem>>
    %dma_start3A_22 = tpu.memref_squeeze %dma_start3A_21 : memref<1x96xi32, #tpu.memory_space<vmem>> -> memref<96xi32, #tpu.memory_space<vmem>>
    %dma_start3A_23 = arith.constant 0 : i32
    %dma_start3A_24 = tpu.memref_slice %arg4[%arg0, %arg1, %dma_start3A_17, %dma_start3A_23] : memref<2x16x210x96xi32, #tpu.memory_space<hbm>> -> memref<1x1x1x96xi32, #tpu.memory_space<hbm>>
    %dma_start3A_25 = tpu.memref_squeeze %dma_start3A_24 : memref<1x1x1x96xi32, #tpu.memory_space<hbm>> -> memref<96xi32, #tpu.memory_space<hbm>>
    %dma_start3A_26 = tpu.memref_slice %arg14[%dma_start3A_19] : memref<6x!tpu.dma_semaphore, #tpu.memory_space<semaphore_mem>> -> memref<1x!tpu.dma_semaphore, #tpu.memory_space<semaphore_mem>>
    %dma_start3A_27 = tpu.memref_squeeze %dma_start3A_26 : memref<1x!tpu.dma_semaphore, #tpu.memory_space<semaphore_mem>> -> memref<!tpu.dma_semaphore, #tpu.memory_space<semaphore_mem>>
    %dma_start3A_28 = arith.constant 0 : i32
    %dma_start3A_29 = tpu.memref_slice %arg9[%dma_start3A_18, %dma_start3A_28] : memref<6x96xi32, #tpu.memory_space<vmem>> -> memref<1x96xi32, #tpu.memory_space<vmem>>
    %dma_start3A_30 = tpu.memref_squeeze %dma_start3A_29 : memref<1x96xi32, #tpu.memory_space<vmem>> -> memref<96xi32, #tpu.memory_space<vmem>>
    %dma_start3A_31 = arith.constant 0 : i32
    %dma_start3A_32 = tpu.memref_slice %arg4[%arg0, %arg1, %dma_start3A_17, %dma_start3A_31] : memref<2x16x210x96xi32, #tpu.memory_space<hbm>> -> memref<1x1x1x96xi32, #tpu.memory_space<hbm>>
    %dma_start3A_33 = tpu.memref_squeeze %dma_start3A_32 : memref<1x1x1x96xi32, #tpu.memory_space<hbm>> -> memref<96xi32, #tpu.memory_space<hbm>>
    tpu.enqueue_dma source(%dma_start3A_33 : memref<96xi32, #tpu.memory_space<hbm>>) target(%dma_start3A_30 : memref<96xi32, #tpu.memory_space<vmem>>) target_semaphore(%dma_start3A_27 : memref<!tpu.dma_semaphore, #tpu.memory_space<semaphore_mem>>)
    %dma_start3A_34 = arith.constant 1 : i32
    %dma_start3A_35 = arith.constant 1 : i32
    %dma_start3A_36 = arith.constant 1 : i32
    %dma_start3A_37 = arith.constant 0 : i32
    %dma_start3A_38 = tpu.memref_slice %arg8[%dma_start3A_35, %dma_start3A_37] : memref<6x96xi32, #tpu.memory_space<vmem>> -> memref<1x96xi32, #tpu.memory_space<vmem>>
    %dma_start3A_39 = tpu.memref_squeeze %dma_start3A_38 : memref<1x96xi32, #tpu.memory_space<vmem>> -> memref<96xi32, #tpu.memory_space<vmem>>
    %dma_start3A_40 = arith.constant 0 : i32
    %dma_start3A_41 = tpu.memref_slice %arg3[%arg0, %arg1, %dma_start3A_34, %dma_start3A_40] : memref<2x16x210x96xi32, #tpu.memory_space<hbm>> -> memref<1x1x1x96xi32, #tpu.memory_space<hbm>>
    %dma_start3A_42 = tpu.memref_squeeze %dma_start3A_41 : memref<1x1x1x96xi32, #tpu.memory_space<hbm>> -> memref<96xi32, #tpu.memory_space<hbm>>
    %dma_start3A_43 = tpu.memref_slice %arg14[%dma_start3A_36] : memref<6x!tpu.dma_semaphore, #tpu.memory_space<semaphore_mem>> -> memref<1x!tpu.dma_semaphore, #tpu.memory_space<semaphore_mem>>
    %dma_start3A_44 = tpu.memref_squeeze %dma_start3A_43 : memref<1x!tpu.dma_semaphore, #tpu.memory_space<semaphore_mem>> -> memref<!tpu.dma_semaphore, #tpu.memory_space<semaphore_mem>>
    %dma_start3A_45 = arith.constant 0 : i32
    %dma_start3A_46 = tpu.memref_slice %arg8[%dma_start3A_35, %dma_start3A_45] : memref<6x96xi32, #tpu.memory_space<vmem>> -> memref<1x96xi32, #tpu.memory_space<vmem>>
    %dma_start3A_47 = tpu.memref_squeeze %dma_start3A_46 : memref<1x96xi32, #tpu.memory_space<vmem>> -> memref<96xi32, #tpu.memory_space<vmem>>
    %dma_start3A_48 = arith.constant 0 : i32
    %dma_start3A_49 = tpu.memref_slice %arg3[%arg0, %arg1, %dma_start3A_34, %dma_start3A_48] : memref<2x16x210x96xi32, #tpu.memory_space<hbm>> -> memref<1x1x1x96xi32, #tpu.memory_space<hbm>>
    %dma_start3A_50 = tpu.memref_squeeze %dma_start3A_49 : memref<1x1x1x96xi32, #tpu.memory_space<hbm>> -> memref<96xi32, #tpu.memory_space<hbm>>
    tpu.enqueue_dma source(%dma_start3A_50 : memref<96xi32, #tpu.memory_space<hbm>>) target(%dma_start3A_47 : memref<96xi32, #tpu.memory_space<vmem>>) target_semaphore(%dma_start3A_44 : memref<!tpu.dma_semaphore, #tpu.memory_space<semaphore_mem>>)
    %dma_start3A_51 = arith.constant 1 : i32
    %dma_start3A_52 = arith.constant 1 : i32
    %dma_start3A_53 = arith.constant 1 : i32
    %dma_start3A_54 = arith.constant 0 : i32
    %dma_start3A_55 = tpu.memref_slice %arg9[%dma_start3A_52, %dma_start3A_54] : memref<6x96xi32, #tpu.memory_space<vmem>> -> memref<1x96xi32, #tpu.memory_space<vmem>>
    %dma_start3A_56 = tpu.memref_squeeze %dma_start3A_55 : memref<1x96xi32, #tpu.memory_space<vmem>> -> memref<96xi32, #tpu.memory_space<vmem>>
    %dma_start3A_57 = arith.constant 0 : i32
    %dma_start3A_58 = tpu.memref_slice %arg4[%arg0, %arg1, %dma_start3A_51, %dma_start3A_57] : memref<2x16x210x96xi32, #tpu.memory_space<hbm>> -> memref<1x1x1x96xi32, #tpu.memory_space<hbm>>
    %dma_start3A_59 = tpu.memref_squeeze %dma_start3A_58 : memref<1x1x1x96xi32, #tpu.memory_space<hbm>> -> memref<96xi32, #tpu.memory_space<hbm>>
    %dma_start3A_60 = tpu.memref_slice %arg14[%dma_start3A_53] : memref<6x!tpu.dma_semaphore, #tpu.memory_space<semaphore_mem>> -> memref<1x!tpu.dma_semaphore, #tpu.memory_space<semaphore_mem>>
    %dma_start3A_61 = tpu.memref_squeeze %dma_start3A_60 : memref<1x!tpu.dma_semaphore, #tpu.memory_space<semaphore_mem>> -> memref<!tpu.dma_semaphore, #tpu.memory_space<semaphore_mem>>
    %dma_start3A_62 = arith.constant 0 : i32
    %dma_start3A_63 = tpu.memref_slice %arg9[%dma_start3A_52, %dma_start3A_62] : memref<6x96xi32, #tpu.memory_space<vmem>> -> memref<1x96xi32, #tpu.memory_space<vmem>>
    %dma_start3A_64 = tpu.memref_squeeze %dma_start3A_63 : memref<1x96xi32, #tpu.memory_space<vmem>> -> memref<96xi32, #tpu.memory_space<vmem>>
    %dma_start3A_65 = arith.constant 0 : i32
    %dma_start3A_66 = tpu.memref_slice %arg4[%arg0, %arg1, %dma_start3A_51, %dma_start3A_65] : memref<2x16x210x96xi32, #tpu.memory_space<hbm>> -> memref<1x1x1x96xi32, #tpu.memory_space<hbm>>
    %dma_start3A_67 = tpu.memref_squeeze %dma_start3A_66 : memref<1x1x1x96xi32, #tpu.memory_space<hbm>> -> memref<96xi32, #tpu.memory_space<hbm>>
    tpu.enqueue_dma source(%dma_start3A_67 : memref<96xi32, #tpu.memory_space<hbm>>) target(%dma_start3A_64 : memref<96xi32, #tpu.memory_space<vmem>>) target_semaphore(%dma_start3A_61 : memref<!tpu.dma_semaphore, #tpu.memory_space<semaphore_mem>>)
    %dma_start3A_68 = arith.constant 2 : i32
    %dma_start3A_69 = arith.constant 2 : i32
    %dma_start3A_70 = arith.constant 2 : i32
    %dma_start3A_71 = arith.constant 0 : i32
    %dma_start3A_72 = tpu.memref_slice %arg8[%dma_start3A_69, %dma_start3A_71] : memref<6x96xi32, #tpu.memory_space<vmem>> -> memref<1x96xi32, #tpu.memory_space<vmem>>
    %dma_start3A_73 = tpu.memref_squeeze %dma_start3A_72 : memref<1x96xi32, #tpu.memory_space<vmem>> -> memref<96xi32, #tpu.memory_space<vmem>>
    %dma_start3A_74 = arith.constant 0 : i32
    %dma_start3A_75 = tpu.memref_slice %arg3[%arg0, %arg1, %dma_start3A_68, %dma_start3A_74] : memref<2x16x210x96xi32, #tpu.memory_space<hbm>> -> memref<1x1x1x96xi32, #tpu.memory_space<hbm>>
    %dma_start3A_76 = tpu.memref_squeeze %dma_start3A_75 : memref<1x1x1x96xi32, #tpu.memory_space<hbm>> -> memref<96xi32, #tpu.memory_space<hbm>>
    %dma_start3A_77 = tpu.memref_slice %arg14[%dma_start3A_70] : memref<6x!tpu.dma_semaphore, #tpu.memory_space<semaphore_mem>> -> memref<1x!tpu.dma_semaphore, #tpu.memory_space<semaphore_mem>>
    %dma_start3A_78 = tpu.memref_squeeze %dma_start3A_77 : memref<1x!tpu.dma_semaphore, #tpu.memory_space<semaphore_mem>> -> memref<!tpu.dma_semaphore, #tpu.memory_space<semaphore_mem>>
    %dma_start3A_79 = arith.constant 0 : i32
    %dma_start3A_80 = tpu.memref_slice %arg8[%dma_start3A_69, %dma_start3A_79] : memref<6x96xi32, #tpu.memory_space<vmem>> -> memref<1x96xi32, #tpu.memory_space<vmem>>
    %dma_start3A_81 = tpu.memref_squeeze %dma_start3A_80 : memref<1x96xi32, #tpu.memory_space<vmem>> -> memref<96xi32, #tpu.memory_space<vmem>>
    %dma_start3A_82 = arith.constant 0 : i32
    %dma_start3A_83 = tpu.memref_slice %arg3[%arg0, %arg1, %dma_start3A_68, %dma_start3A_82] : memref<2x16x210x96xi32, #tpu.memory_space<hbm>> -> memref<1x1x1x96xi32, #tpu.memory_space<hbm>>
    %dma_start3A_84 = tpu.memref_squeeze %dma_start3A_83 : memref<1x1x1x96xi32, #tpu.memory_space<hbm>> -> memref<96xi32, #tpu.memory_space<hbm>>
    tpu.enqueue_dma source(%dma_start3A_84 : memref<96xi32, #tpu.memory_space<hbm>>) target(%dma_start3A_81 : memref<96xi32, #tpu.memory_space<vmem>>) target_semaphore(%dma_start3A_78 : memref<!tpu.dma_semaphore, #tpu.memory_space<semaphore_mem>>)
    %dma_start3A_85 = arith.constant 2 : i32
    %dma_start3A_86 = arith.constant 2 : i32
    %dma_start3A_87 = arith.constant 2 : i32
    %dma_start3A_88 = arith.constant 0 : i32
    %dma_start3A_89 = tpu.memref_slice %arg9[%dma_start3A_86, %dma_start3A_88] : memref<6x96xi32, #tpu.memory_space<vmem>> -> memref<1x96xi32, #tpu.memory_space<vmem>>
    %dma_start3A_90 = tpu.memref_squeeze %dma_start3A_89 : memref<1x96xi32, #tpu.memory_space<vmem>> -> memref<96xi32, #tpu.memory_space<vmem>>
    %dma_start3A_91 = arith.constant 0 : i32
    %dma_start3A_92 = tpu.memref_slice %arg4[%arg0, %arg1, %dma_start3A_85, %dma_start3A_91] : memref<2x16x210x96xi32, #tpu.memory_space<hbm>> -> memref<1x1x1x96xi32, #tpu.memory_space<hbm>>
    %dma_start3A_93 = tpu.memref_squeeze %dma_start3A_92 : memref<1x1x1x96xi32, #tpu.memory_space<hbm>> -> memref<96xi32, #tpu.memory_space<hbm>>
    %dma_start3A_94 = tpu.memref_slice %arg14[%dma_start3A_87] : memref<6x!tpu.dma_semaphore, #tpu.memory_space<semaphore_mem>> -> memref<1x!tpu.dma_semaphore, #tpu.memory_space<semaphore_mem>>
    %dma_start3A_95 = tpu.memref_squeeze %dma_start3A_94 : memref<1x!tpu.dma_semaphore, #tpu.memory_space<semaphore_mem>> -> memref<!tpu.dma_semaphore, #tpu.memory_space<semaphore_mem>>
    %dma_start3A_96 = arith.constant 0 : i32
    %dma_start3A_97 = tpu.memref_slice %arg9[%dma_start3A_86, %dma_start3A_96] : memref<6x96xi32, #tpu.memory_space<vmem>> -> memref<1x96xi32, #tpu.memory_space<vmem>>
    %dma_start3A_98 = tpu.memref_squeeze %dma_start3A_97 : memref<1x96xi32, #tpu.memory_space<vmem>> -> memref<96xi32, #tpu.memory_space<vmem>>
    %dma_start3A_99 = arith.constant 0 : i32
    %dma_start3A_100 = tpu.memref_slice %arg4[%arg0, %arg1, %dma_start3A_85, %dma_start3A_99] : memref<2x16x210x96xi32, #tpu.memory_space<hbm>> -> memref<1x1x1x96xi32, #tpu.memory_space<hbm>>
    %dma_start3A_101 = tpu.memref_squeeze %dma_start3A_100 : memref<1x1x1x96xi32, #tpu.memory_space<hbm>> -> memref<96xi32, #tpu.memory_space<hbm>>
    tpu.enqueue_dma source(%dma_start3A_101 : memref<96xi32, #tpu.memory_space<hbm>>) target(%dma_start3A_98 : memref<96xi32, #tpu.memory_space<vmem>>) target_semaphore(%dma_start3A_95 : memref<!tpu.dma_semaphore, #tpu.memory_space<semaphore_mem>>)
    "tpu.region"() ({
      %run_scoped3A = tpu.sem_alloc : memref<!tpu.dma_semaphore, #tpu.memory_space<semaphore_mem>>
      %dma_start3A_232 = arith.constant 0 : i32
      %dma_start3A_233 = tpu.memref_slice %arg11[%mul3A_0, %dma_start3A_232] : memref<10240x128xf32, #tpu.memory_space<vmem_shared>> -> memref<640x128xf32, #tpu.memory_space<vmem_shared>>
      %dma_start3A_234 = arith.constant 0 : i32
      %dma_start3A_235 = tpu.memref_slice %arg5[%mul3A_0, %dma_start3A_234] : memref<10240x128xf32, #tpu.memory_space<hbm>> -> memref<640x128xf32, #tpu.memory_space<hbm>>
      tpu.enqueue_dma source(%dma_start3A_235 : memref<640x128xf32, #tpu.memory_space<hbm>>) target(%dma_start3A_233 : memref<640x128xf32, #tpu.memory_space<vmem_shared>>) target_semaphore(%run_scoped3A : memref<!tpu.dma_semaphore, #tpu.memory_space<semaphore_mem>>)
      %dma_wait3A_236 = arith.constant 0 : i32
      %dma_wait3A_237 = tpu.memref_slice %arg11[%mul3A_0, %dma_wait3A_236] : memref<10240x128xf32, #tpu.memory_space<vmem_shared>> -> memref<640x128xf32, #tpu.memory_space<vmem_shared>>
      %dma_wait3A_238 = arith.constant 0 : i32
      %dma_wait3A_239 = tpu.memref_slice %arg5[%mul3A_0, %dma_wait3A_238] : memref<10240x128xf32, #tpu.memory_space<hbm>> -> memref<640x128xf32, #tpu.memory_space<hbm>>
      tpu.wait_dma2 semaphore(%run_scoped3A : memref<!tpu.dma_semaphore, #tpu.memory_space<semaphore_mem>>) src(%dma_wait3A_239 : memref<640x128xf32, #tpu.memory_space<hbm>>) dst(%dma_wait3A_237 : memref<640x128xf32, #tpu.memory_space<vmem_shared>>)
      tpu.yield
    }) : () -> ()
    %broadcast_in_dim3A = arith.constant 0.000000e+00 : f32
    %broadcast_in_dim3A_102 = vector.broadcast %broadcast_in_dim3A : f32 to vector<16xf32>
    %scan3A = arith.constant 0 : i32
    %scan3A_103 = arith.constant 0 : i32
    %scan3A_104 = arith.constant 640 : i32
    %scan3A_105 = arith.addi %scan3A_103, %scan3A_104 : i32
    %scan3A_106 = arith.constant 1 : i32
    scf.for %scan3A_232 = %scan3A_103 to %scan3A_105 step %scan3A_106  : i32 {
      %mul3A_233 = arith.constant 16 : i32
      %mul3A_234 = arith.muli %scan3A_232, %mul3A_233 : i32
      %swap3A = arith.index_cast %mul3A_234 : i32 to index
      %swap3A_235 = tpu.vector_load %arg15[%swap3A] {strides = array<i32>} : memref<10240xf32, #tpu.memory_space<vmem>>, vector<16xf32>,
      tpu.vector_store %arg15[%swap3A], %broadcast_in_dim3A_102 {strides = array<i32>} : memref<10240xf32, #tpu.memory_space<vmem>>, vector<16xf32>,
    }
    %scan3A_107 = arith.constant 640 : i32
    %dma_wait3A = arith.constant 0 : i32
    %dma_wait3A_108 = arith.constant 0 : i32
    %dma_wait3A_109 = arith.constant 0 : i32
    %dma_wait3A_110 = arith.constant 0 : i32
    %dma_wait3A_111 = tpu.memref_slice %arg8[%dma_wait3A_108, %dma_wait3A_110] : memref<6x96xi32, #tpu.memory_space<vmem>> -> memref<1x96xi32, #tpu.memory_space<vmem>>
    %dma_wait3A_112 = tpu.memref_squeeze %dma_wait3A_111 : memref<1x96xi32, #tpu.memory_space<vmem>> -> memref<96xi32, #tpu.memory_space<vmem>>
    %dma_wait3A_113 = arith.constant 0 : i32
    %dma_wait3A_114 = tpu.memref_slice %arg3[%arg0, %arg1, %dma_wait3A, %dma_wait3A_113] : memref<2x16x210x96xi32, #tpu.memory_space<hbm>> -> memref<1x1x1x96xi32, #tpu.memory_space<hbm>>
    %dma_wait3A_115 = tpu.memref_squeeze %dma_wait3A_114 : memref<1x1x1x96xi32, #tpu.memory_space<hbm>> -> memref<96xi32, #tpu.memory_space<hbm>>
    %dma_wait3A_116 = tpu.memref_slice %arg14[%dma_wait3A_109] : memref<6x!tpu.dma_semaphore, #tpu.memory_space<semaphore_mem>> -> memref<1x!tpu.dma_semaphore, #tpu.memory_space<semaphore_mem>>
    %dma_wait3A_117 = tpu.memref_squeeze %dma_wait3A_116 : memref<1x!tpu.dma_semaphore, #tpu.memory_space<semaphore_mem>> -> memref<!tpu.dma_semaphore, #tpu.memory_space<semaphore_mem>>
    %dma_wait3A_118 = arith.constant 0 : i32
    %dma_wait3A_119 = tpu.memref_slice %arg8[%dma_wait3A_108, %dma_wait3A_118] : memref<6x96xi32, #tpu.memory_space<vmem>> -> memref<1x96xi32, #tpu.memory_space<vmem>>
    %dma_wait3A_120 = tpu.memref_squeeze %dma_wait3A_119 : memref<1x96xi32, #tpu.memory_space<vmem>> -> memref<96xi32, #tpu.memory_space<vmem>>
    %dma_wait3A_121 = arith.constant 0 : i32
    %dma_wait3A_122 = tpu.memref_slice %arg3[%arg0, %arg1, %dma_wait3A, %dma_wait3A_121] : memref<2x16x210x96xi32, #tpu.memory_space<hbm>> -> memref<1x1x1x96xi32, #tpu.memory_space<hbm>>
    %dma_wait3A_123 = tpu.memref_squeeze %dma_wait3A_122 : memref<1x1x1x96xi32, #tpu.memory_space<hbm>> -> memref<96xi32, #tpu.memory_space<hbm>>
    tpu.wait_dma2 semaphore(%dma_wait3A_117 : memref<!tpu.dma_semaphore, #tpu.memory_space<semaphore_mem>>) src(%dma_wait3A_123 : memref<96xi32, #tpu.memory_space<hbm>>) dst(%dma_wait3A_120 : memref<96xi32, #tpu.memory_space<vmem>>)
    %dma_wait3A_124 = arith.constant 0 : i32
    %dma_wait3A_125 = arith.constant 0 : i32
    %dma_wait3A_126 = arith.constant 0 : i32
    %dma_wait3A_127 = arith.constant 0 : i32
    %dma_wait3A_128 = tpu.memref_slice %arg9[%dma_wait3A_125, %dma_wait3A_127] : memref<6x96xi32, #tpu.memory_space<vmem>> -> memref<1x96xi32, #tpu.memory_space<vmem>>
    %dma_wait3A_129 = tpu.memref_squeeze %dma_wait3A_128 : memref<1x96xi32, #tpu.memory_space<vmem>> -> memref<96xi32, #tpu.memory_space<vmem>>
    %dma_wait3A_130 = arith.constant 0 : i32
    %dma_wait3A_131 = tpu.memref_slice %arg4[%arg0, %arg1, %dma_wait3A_124, %dma_wait3A_130] : memref<2x16x210x96xi32, #tpu.memory_space<hbm>> -> memref<1x1x1x96xi32, #tpu.memory_space<hbm>>
    %dma_wait3A_132 = tpu.memref_squeeze %dma_wait3A_131 : memref<1x1x1x96xi32, #tpu.memory_space<hbm>> -> memref<96xi32, #tpu.memory_space<hbm>>
    %dma_wait3A_133 = tpu.memref_slice %arg14[%dma_wait3A_126] : memref<6x!tpu.dma_semaphore, #tpu.memory_space<semaphore_mem>> -> memref<1x!tpu.dma_semaphore, #tpu.memory_space<semaphore_mem>>
    %dma_wait3A_134 = tpu.memref_squeeze %dma_wait3A_133 : memref<1x!tpu.dma_semaphore, #tpu.memory_space<semaphore_mem>> -> memref<!tpu.dma_semaphore, #tpu.memory_space<semaphore_mem>>
    %dma_wait3A_135 = arith.constant 0 : i32
    %dma_wait3A_136 = tpu.memref_slice %arg9[%dma_wait3A_125, %dma_wait3A_135] : memref<6x96xi32, #tpu.memory_space<vmem>> -> memref<1x96xi32, #tpu.memory_space<vmem>>
    %dma_wait3A_137 = tpu.memref_squeeze %dma_wait3A_136 : memref<1x96xi32, #tpu.memory_space<vmem>> -> memref<96xi32, #tpu.memory_space<vmem>>
    %dma_wait3A_138 = arith.constant 0 : i32
    %dma_wait3A_139 = tpu.memref_slice %arg4[%arg0, %arg1, %dma_wait3A_124, %dma_wait3A_138] : memref<2x16x210x96xi32, #tpu.memory_space<hbm>> -> memref<1x1x1x96xi32, #tpu.memory_space<hbm>>
    %dma_wait3A_140 = tpu.memref_squeeze %dma_wait3A_139 : memref<1x1x1x96xi32, #tpu.memory_space<hbm>> -> memref<96xi32, #tpu.memory_space<hbm>>
    tpu.wait_dma2 semaphore(%dma_wait3A_134 : memref<!tpu.dma_semaphore, #tpu.memory_space<semaphore_mem>>) src(%dma_wait3A_140 : memref<96xi32, #tpu.memory_space<hbm>>) dst(%dma_wait3A_137 : memref<96xi32, #tpu.memory_space<vmem>>)
    %dma_start3A_141 = arith.constant 0 : i32
    %dma_start3A_142 = arith.constant 0 : i32
    %dma_start3A_143 = arith.constant 0 : i32
    %dma_start3A_144 = arith.constant 0 : i32
    %dma_start3A_145 = arith.constant 0 : i32
    %dma_start3A_146 = tpu.memref_slice %arg10[%dma_start3A_142, %dma_start3A_144, %dma_start3A_145] : memref<3x96x128xf32, #tpu.memory_space<vmem>> -> memref<1x96x128xf32, #tpu.memory_space<vmem>>
    %dma_start3A_147 = tpu.memref_squeeze %dma_start3A_146 : memref<1x96x128xf32, #tpu.memory_space<vmem>> -> memref<96x128xf32, #tpu.memory_space<vmem>>
    %dma_start3A_148 = arith.constant 0 : i32
    %dma_start3A_149 = tpu.memref_slice %arg8[%dma_start3A_141, %dma_start3A_148] : memref<6x96xi32, #tpu.memory_space<vmem>> -> memref<1x96xi32, #tpu.memory_space<vmem>>
    %dma_start3A_150 = tpu.memref_squeeze %dma_start3A_149 : memref<1x96xi32, #tpu.memory_space<vmem>> -> memref<96xi32, #tpu.memory_space<vmem>>
    %dma_start3A_151 = arith.constant 0 : i32
    %dma_start3A_152 = arith.constant 0 : i32
    %dma_start3A_153 = tpu.memref_slice %arg2[%dma_start3A_151, %dma_start3A_152] : memref<20480x128xf32, #tpu.memory_space<hbm>> -> memref<20480x128xf32, #tpu.memory_space<hbm>>
    %dma_start3A_154 = tpu.memref_slice %arg12[%dma_start3A_143] : memref<3x!tpu.dma_semaphore, #tpu.memory_space<semaphore_mem>> -> memref<1x!tpu.dma_semaphore, #tpu.memory_space<semaphore_mem>>
    %dma_start3A_155 = tpu.memref_squeeze %dma_start3A_154 : memref<1x!tpu.dma_semaphore, #tpu.memory_space<semaphore_mem>> -> memref<!tpu.dma_semaphore, #tpu.memory_space<semaphore_mem>>
    tpu.enqueue_indirect_dma source(%dma_start3A_153 : memref<20480x128xf32, #tpu.memory_space<hbm>>) target(%dma_start3A_147 : memref<96x128xf32, #tpu.memory_space<vmem>>) offsets(%dma_start3A_150 : memref<96xi32, #tpu.memory_space<vmem>>) semaphore(%dma_start3A_155 : memref<!tpu.dma_semaphore, #tpu.memory_space<semaphore_mem>>)
    %dma_wait3A_156 = arith.constant 0 : i32
    %dma_wait3A_157 = arith.constant 1 : i32
    %dma_wait3A_158 = arith.constant 1 : i32
    %dma_wait3A_159 = arith.constant 0 : i32
    %dma_wait3A_160 = tpu.memref_slice %arg8[%dma_wait3A_157, %dma_wait3A_159] : memref<6x96xi32, #tpu.memory_space<vmem>> -> memref<1x96xi32, #tpu.memory_space<vmem>>
    %dma_wait3A_161 = tpu.memref_squeeze %dma_wait3A_160 : memref<1x96xi32, #tpu.memory_space<vmem>> -> memref<96xi32, #tpu.memory_space<vmem>>
    %dma_wait3A_162 = arith.constant 0 : i32
    %dma_wait3A_163 = tpu.memref_slice %arg3[%arg0, %arg1, %dma_wait3A_156, %dma_wait3A_162] : memref<2x16x210x96xi32, #tpu.memory_space<hbm>> -> memref<1x1x1x96xi32, #tpu.memory_space<hbm>>
    %dma_wait3A_164 = tpu.memref_squeeze %dma_wait3A_163 : memref<1x1x1x96xi32, #tpu.memory_space<hbm>> -> memref<96xi32, #tpu.memory_space<hbm>>
    %dma_wait3A_165 = tpu.memref_slice %arg14[%dma_wait3A_158] : memref<6x!tpu.dma_semaphore, #tpu.memory_space<semaphore_mem>> -> memref<1x!tpu.dma_semaphore, #tpu.memory_space<semaphore_mem>>
    %dma_wait3A_166 = tpu.memref_squeeze %dma_wait3A_165 : memref<1x!tpu.dma_semaphore, #tpu.memory_space<semaphore_mem>> -> memref<!tpu.dma_semaphore, #tpu.memory_space<semaphore_mem>>
    %dma_wait3A_167 = arith.constant 0 : i32
    %dma_wait3A_168 = tpu.memref_slice %arg8[%dma_wait3A_157, %dma_wait3A_167] : memref<6x96xi32, #tpu.memory_space<vmem>> -> memref<1x96xi32, #tpu.memory_space<vmem>>
    %dma_wait3A_169 = tpu.memref_squeeze %dma_wait3A_168 : memref<1x96xi32, #tpu.memory_space<vmem>> -> memref<96xi32, #tpu.memory_space<vmem>>
    %dma_wait3A_170 = arith.constant 0 : i32
    %dma_wait3A_171 = tpu.memref_slice %arg3[%arg0, %arg1, %dma_wait3A_156, %dma_wait3A_170] : memref<2x16x210x96xi32, #tpu.memory_space<hbm>> -> memref<1x1x1x96xi32, #tpu.memory_space<hbm>>
    %dma_wait3A_172 = tpu.memref_squeeze %dma_wait3A_171 : memref<1x1x1x96xi32, #tpu.memory_space<hbm>> -> memref<96xi32, #tpu.memory_space<hbm>>
    tpu.wait_dma2 semaphore(%dma_wait3A_166 : memref<!tpu.dma_semaphore, #tpu.memory_space<semaphore_mem>>) src(%dma_wait3A_172 : memref<96xi32, #tpu.memory_space<hbm>>) dst(%dma_wait3A_169 : memref<96xi32, #tpu.memory_space<vmem>>)
    %dma_wait3A_173 = arith.constant 0 : i32
    %dma_wait3A_174 = arith.constant 1 : i32
    %dma_wait3A_175 = arith.constant 1 : i32
    %dma_wait3A_176 = arith.constant 0 : i32
    %dma_wait3A_177 = tpu.memref_slice %arg9[%dma_wait3A_174, %dma_wait3A_176] : memref<6x96xi32, #tpu.memory_space<vmem>> -> memref<1x96xi32, #tpu.memory_space<vmem>>
    %dma_wait3A_178 = tpu.memref_squeeze %dma_wait3A_177 : memref<1x96xi32, #tpu.memory_space<vmem>> -> memref<96xi32, #tpu.memory_space<vmem>>
    %dma_wait3A_179 = arith.constant 0 : i32
    %dma_wait3A_180 = tpu.memref_slice %arg4[%arg0, %arg1, %dma_wait3A_173, %dma_wait3A_179] : memref<2x16x210x96xi32, #tpu.memory_space<hbm>> -> memref<1x1x1x96xi32, #tpu.memory_space<hbm>>
    %dma_wait3A_181 = tpu.memref_squeeze %dma_wait3A_180 : memref<1x1x1x96xi32, #tpu.memory_space<hbm>> -> memref<96xi32, #tpu.memory_space<hbm>>
    %dma_wait3A_182 = tpu.memref_slice %arg14[%dma_wait3A_175] : memref<6x!tpu.dma_semaphore, #tpu.memory_space<semaphore_mem>> -> memref<1x!tpu.dma_semaphore, #tpu.memory_space<semaphore_mem>>
    %dma_wait3A_183 = tpu.memref_squeeze %dma_wait3A_182 : memref<1x!tpu.dma_semaphore, #tpu.memory_space<semaphore_mem>> -> memref<!tpu.dma_semaphore, #tpu.memory_space<semaphore_mem>>
    %dma_wait3A_184 = arith.constant 0 : i32
    %dma_wait3A_185 = tpu.memref_slice %arg9[%dma_wait3A_174, %dma_wait3A_184] : memref<6x96xi32, #tpu.memory_space<vmem>> -> memref<1x96xi32, #tpu.memory_space<vmem>>
    %dma_wait3A_186 = tpu.memref_squeeze %dma_wait3A_185 : memref<1x96xi32, #tpu.memory_space<vmem>> -> memref<96xi32, #tpu.memory_space<vmem>>
    %dma_wait3A_187 = arith.constant 0 : i32
    %dma_wait3A_188 = tpu.memref_slice %arg4[%arg0, %arg1, %dma_wait3A_173, %dma_wait3A_187] : memref<2x16x210x96xi32, #tpu.memory_space<hbm>> -> memref<1x1x1x96xi32, #tpu.memory_space<hbm>>
    %dma_wait3A_189 = tpu.memref_squeeze %dma_wait3A_188 : memref<1x1x1x96xi32, #tpu.memory_space<hbm>> -> memref<96xi32, #tpu.memory_space<hbm>>
    tpu.wait_dma2 semaphore(%dma_wait3A_183 : memref<!tpu.dma_semaphore, #tpu.memory_space<semaphore_mem>>) src(%dma_wait3A_189 : memref<96xi32, #tpu.memory_space<hbm>>) dst(%dma_wait3A_186 : memref<96xi32, #tpu.memory_space<vmem>>)
    %dma_start3A_190 = arith.constant 1 : i32
    %dma_start3A_191 = arith.constant 1 : i32
    %dma_start3A_192 = arith.constant 1 : i32
    %dma_start3A_193 = arith.constant 0 : i32
    %dma_start3A_194 = arith.constant 0 : i32
    %dma_start3A_195 = tpu.memref_slice %arg10[%dma_start3A_191, %dma_start3A_193, %dma_start3A_194] : memref<3x96x128xf32, #tpu.memory_space<vmem>> -> memref<1x96x128xf32, #tpu.memory_space<vmem>>
    %dma_start3A_196 = tpu.memref_squeeze %dma_start3A_195 : memref<1x96x128xf32, #tpu.memory_space<vmem>> -> memref<96x128xf32, #tpu.memory_space<vmem>>
    %dma_start3A_197 = arith.constant 0 : i32
    %dma_start3A_198 = tpu.memref_slice %arg8[%dma_start3A_190, %dma_start3A_197] : memref<6x96xi32, #tpu.memory_space<vmem>> -> memref<1x96xi32, #tpu.memory_space<vmem>>
    %dma_start3A_199 = tpu.memref_squeeze %dma_start3A_198 : memref<1x96xi32, #tpu.memory_space<vmem>> -> memref<96xi32, #tpu.memory_space<vmem>>
    %dma_start3A_200 = arith.constant 0 : i32
    %dma_start3A_201 = arith.constant 0 : i32
    %dma_start3A_202 = tpu.memref_slice %arg2[%dma_start3A_200, %dma_start3A_201] : memref<20480x128xf32, #tpu.memory_space<hbm>> -> memref<20480x128xf32, #tpu.memory_space<hbm>>
    %dma_start3A_203 = tpu.memref_slice %arg12[%dma_start3A_192] : memref<3x!tpu.dma_semaphore, #tpu.memory_space<semaphore_mem>> -> memref<1x!tpu.dma_semaphore, #tpu.memory_space<semaphore_mem>>
    %dma_start3A_204 = tpu.memref_squeeze %dma_start3A_203 : memref<1x!tpu.dma_semaphore, #tpu.memory_space<semaphore_mem>> -> memref<!tpu.dma_semaphore, #tpu.memory_space<semaphore_mem>>
    tpu.enqueue_indirect_dma source(%dma_start3A_202 : memref<20480x128xf32, #tpu.memory_space<hbm>>) target(%dma_start3A_196 : memref<96x128xf32, #tpu.memory_space<vmem>>) offsets(%dma_start3A_199 : memref<96xi32, #tpu.memory_space<vmem>>) semaphore(%dma_start3A_204 : memref<!tpu.dma_semaphore, #tpu.memory_space<semaphore_mem>>)
    %barrier3A = arith.constant 0 : index
    tpu.barrier barrier_id(%barrier3A)
    %broadcast_in_dim3A_205 = arith.constant 1.000000e+00 : f32
    %broadcast_in_dim3A_206 = vector.broadcast %broadcast_in_dim3A_205 : f32 to vector<16xf32>
    %scan3A_207 = arith.constant 0 : i32
    %scan3A_208 = arith.constant 0 : i32
    %scan3A_209 = arith.constant 35 : i32
    %scan3A_210 = arith.addi %scan3A_208, %scan3A_209 : i32
    %scan3A_211 = arith.constant 1 : i32
    scf.for %scan3A_232 = %scan3A_208 to %scan3A_210 step %scan3A_211  : i32 {
      %mul3A_233 = arith.constant 6 : i32
      %mul3A_234 = arith.muli %mul3A_233, %scan3A_232 : i32
      %add3A = arith.constant 0 : i32
      %add3A_235 = arith.addi %mul3A_234, %add3A : i32
      %dma_wait3A_236 = arith.constant 0 : i32
      %dma_wait3A_237 = arith.constant 0 : i32
      %dma_wait3A_238 = arith.constant 0 : i32
      %dma_wait3A_239 = arith.constant 0 : i32
      %dma_wait3A_240 = tpu.memref_slice %arg10[%dma_wait3A_236, %dma_wait3A_238, %dma_wait3A_239] : memref<3x96x128xf32, #tpu.memory_space<vmem>> -> memref<1x96x128xf32, #tpu.memory_space<vmem>>
      %dma_wait3A_241 = tpu.memref_squeeze %dma_wait3A_240 : memref<1x96x128xf32, #tpu.memory_space<vmem>> -> memref<96x128xf32, #tpu.memory_space<vmem>>
      %dma_wait3A_242 = arith.constant 0 : i32
      %dma_wait3A_243 = arith.constant 0 : i32
      %dma_wait3A_244 = tpu.memref_slice %arg2[%dma_wait3A_242, %dma_wait3A_243] : memref<20480x128xf32, #tpu.memory_space<hbm>> -> memref<96x128xf32, #tpu.memory_space<hbm>>
      %dma_wait3A_245 = tpu.memref_slice %arg12[%dma_wait3A_237] : memref<3x!tpu.dma_semaphore, #tpu.memory_space<semaphore_mem>> -> memref<1x!tpu.dma_semaphore, #tpu.memory_space<semaphore_mem>>
      %dma_wait3A_246 = tpu.memref_squeeze %dma_wait3A_245 : memref<1x!tpu.dma_semaphore, #tpu.memory_space<semaphore_mem>> -> memref<!tpu.dma_semaphore, #tpu.memory_space<semaphore_mem>>
      %dma_wait3A_247 = arith.constant 0 : i32
      %dma_wait3A_248 = arith.constant 0 : i32
      %dma_wait3A_249 = tpu.memref_slice %arg10[%dma_wait3A_236, %dma_wait3A_247, %dma_wait3A_248] : memref<3x96x128xf32, #tpu.memory_space<vmem>> -> memref<1x96x128xf32, #tpu.memory_space<vmem>>
      %dma_wait3A_250 = tpu.memref_squeeze %dma_wait3A_249 : memref<1x96x128xf32, #tpu.memory_space<vmem>> -> memref<96x128xf32, #tpu.memory_space<vmem>>
      %dma_wait3A_251 = arith.constant 0 : i32
      %dma_wait3A_252 = arith.constant 0 : i32
      %dma_wait3A_253 = tpu.memref_slice %arg2[%dma_wait3A_251, %dma_wait3A_252] : memref<20480x128xf32, #tpu.memory_space<hbm>> -> memref<96x128xf32, #tpu.memory_space<hbm>>
      tpu.wait_dma2 semaphore(%dma_wait3A_246 : memref<!tpu.dma_semaphore, #tpu.memory_space<semaphore_mem>>) src(%dma_wait3A_253 : memref<96x128xf32, #tpu.memory_space<hbm>>) dst(%dma_wait3A_250 : memref<96x128xf32, #tpu.memory_space<vmem>>)
      %dma_start3A_254 = arith.constant 0 : i32
      %dma_start3A_255 = arith.constant 0 : i32
      %dma_start3A_256 = arith.constant 0 : i32
      %dma_start3A_257 = arith.constant 0 : i32
      %dma_start3A_258 = arith.constant 0 : i32
      %dma_start3A_259 = tpu.memref_slice %arg10[%dma_start3A_254, %dma_start3A_257, %dma_start3A_258] : memref<3x96x128xf32, #tpu.memory_space<vmem>> -> memref<1x96x128xf32, #tpu.memory_space<vmem>>
      %dma_start3A_260 = tpu.memref_squeeze %dma_start3A_259 : memref<1x96x128xf32, #tpu.memory_space<vmem>> -> memref<96x128xf32, #tpu.memory_space<vmem>>
      %dma_start3A_261 = arith.constant 0 : i32
      %dma_start3A_262 = tpu.memref_slice %arg9[%dma_start3A_255, %dma_start3A_261] : memref<6x96xi32, #tpu.memory_space<vmem>> -> memref<1x96xi32, #tpu.memory_space<vmem>>
      %dma_start3A_263 = tpu.memref_squeeze %dma_start3A_262 : memref<1x96xi32, #tpu.memory_space<vmem>> -> memref<96xi32, #tpu.memory_space<vmem>>
      %dma_start3A_264 = arith.constant 0 : i32
      %dma_start3A_265 = arith.constant 0 : i32
      %dma_start3A_266 = tpu.memref_slice %arg11[%dma_start3A_264, %dma_start3A_265] : memref<10240x128xf32, #tpu.memory_space<vmem_shared>> -> memref<10240x128xf32, #tpu.memory_space<vmem_shared>>
      %dma_start3A_267 = tpu.memref_slice %arg13[%dma_start3A_256] : memref<3x!tpu.dma_semaphore, #tpu.memory_space<semaphore_mem>> -> memref<1x!tpu.dma_semaphore, #tpu.memory_space<semaphore_mem>>
      %dma_start3A_268 = tpu.memref_squeeze %dma_start3A_267 : memref<1x!tpu.dma_semaphore, #tpu.memory_space<semaphore_mem>> -> memref<!tpu.dma_semaphore, #tpu.memory_space<semaphore_mem>>
      tpu.enqueue_indirect_dma source(%dma_start3A_260 : memref<96x128xf32, #tpu.memory_space<vmem>>) target(%dma_start3A_266 : memref<10240x128xf32, #tpu.memory_space<vmem_shared>>) offsets(%dma_start3A_263 : memref<96xi32, #tpu.memory_space<vmem>>) semaphore(%dma_start3A_268 : memref<!tpu.dma_semaphore, #tpu.memory_space<semaphore_mem>>) {add = true}
      %ge3A = arith.constant 1 : i32
      %ge3A_269 = arith.cmpi sge, %add3A_235, %ge3A : i32
      %convert_element_type3A = arith.extui %ge3A_269 : i1 to i32
      %cond3A = arith.constant 0 : i32
      %cond3A_270 = arith.cmpi ne, %convert_element_type3A, %cond3A : i32
      scf.if %cond3A_270 {
        %dma_wait3A_707 = arith.constant 2 : i32
        %dma_wait3A_708 = arith.constant 2 : i32
        %dma_wait3A_709 = arith.constant 0 : i32
        %dma_wait3A_710 = arith.constant 0 : i32
        %dma_wait3A_711 = tpu.memref_slice %arg10[%dma_wait3A_707, %dma_wait3A_709, %dma_wait3A_710] : memref<3x96x128xf32, #tpu.memory_space<vmem>> -> memref<1x96x128xf32, #tpu.memory_space<vmem>>
        %dma_wait3A_712 = tpu.memref_squeeze %dma_wait3A_711 : memref<1x96x128xf32, #tpu.memory_space<vmem>> -> memref<96x128xf32, #tpu.memory_space<vmem>>
        %dma_wait3A_713 = arith.constant 0 : i32
        %dma_wait3A_714 = arith.constant 0 : i32
        %dma_wait3A_715 = tpu.memref_slice %arg2[%dma_wait3A_713, %dma_wait3A_714] : memref<20480x128xf32, #tpu.memory_space<hbm>> -> memref<96x128xf32, #tpu.memory_space<hbm>>
        %dma_wait3A_716 = tpu.memref_slice %arg13[%dma_wait3A_708] : memref<3x!tpu.dma_semaphore, #tpu.memory_space<semaphore_mem>> -> memref<1x!tpu.dma_semaphore, #tpu.memory_space<semaphore_mem>>
        %dma_wait3A_717 = tpu.memref_squeeze %dma_wait3A_716 : memref<1x!tpu.dma_semaphore, #tpu.memory_space<semaphore_mem>> -> memref<!tpu.dma_semaphore, #tpu.memory_space<semaphore_mem>>
        %dma_wait3A_718 = arith.constant 0 : i32
        %dma_wait3A_719 = arith.constant 0 : i32
        %dma_wait3A_720 = tpu.memref_slice %arg10[%dma_wait3A_707, %dma_wait3A_718, %dma_wait3A_719] : memref<3x96x128xf32, #tpu.memory_space<vmem>> -> memref<1x96x128xf32, #tpu.memory_space<vmem>>
        %dma_wait3A_721 = tpu.memref_squeeze %dma_wait3A_720 : memref<1x96x128xf32, #tpu.memory_space<vmem>> -> memref<96x128xf32, #tpu.memory_space<vmem>>
        %dma_wait3A_722 = arith.constant 0 : i32
        %dma_wait3A_723 = arith.constant 0 : i32
        %dma_wait3A_724 = tpu.memref_slice %arg2[%dma_wait3A_722, %dma_wait3A_723] : memref<20480x128xf32, #tpu.memory_space<hbm>> -> memref<96x128xf32, #tpu.memory_space<hbm>>
        tpu.wait_dma2 semaphore(%dma_wait3A_717 : memref<!tpu.dma_semaphore, #tpu.memory_space<semaphore_mem>>) src(%dma_wait3A_724 : memref<96x128xf32, #tpu.memory_space<hbm>>) dst(%dma_wait3A_721 : memref<96x128xf32, #tpu.memory_space<vmem>>)
      } else {
      }
      %add3A_271 = arith.constant 2 : i32
      %add3A_272 = arith.addi %add3A_235, %add3A_271 : i32
      %lt3A = arith.constant 210 : i32
      %lt3A_273 = arith.cmpi slt, %add3A_272, %lt3A : i32
      %convert_element_type3A_274 = arith.extui %lt3A_273 : i1 to i32
      %cond3A_275 = arith.constant 0 : i32
      %cond3A_276 = arith.cmpi ne, %convert_element_type3A_274, %cond3A_275 : i32
      scf.if %cond3A_276 {
        %dma_wait3A_707 = arith.constant 0 : i32
        %dma_wait3A_708 = arith.constant 2 : i32
        %dma_wait3A_709 = arith.constant 2 : i32
        %dma_wait3A_710 = arith.constant 0 : i32
        %dma_wait3A_711 = tpu.memref_slice %arg8[%dma_wait3A_708, %dma_wait3A_710] : memref<6x96xi32, #tpu.memory_space<vmem>> -> memref<1x96xi32, #tpu.memory_space<vmem>>
        %dma_wait3A_712 = tpu.memref_squeeze %dma_wait3A_711 : memref<1x96xi32, #tpu.memory_space<vmem>> -> memref<96xi32, #tpu.memory_space<vmem>>
        %dma_wait3A_713 = arith.constant 0 : i32
        %dma_wait3A_714 = tpu.memref_slice %arg3[%arg0, %arg1, %dma_wait3A_707, %dma_wait3A_713] : memref<2x16x210x96xi32, #tpu.memory_space<hbm>> -> memref<1x1x1x96xi32, #tpu.memory_space<hbm>>
        %dma_wait3A_715 = tpu.memref_squeeze %dma_wait3A_714 : memref<1x1x1x96xi32, #tpu.memory_space<hbm>> -> memref<96xi32, #tpu.memory_space<hbm>>
        %dma_wait3A_716 = tpu.memref_slice %arg14[%dma_wait3A_709] : memref<6x!tpu.dma_semaphore, #tpu.memory_space<semaphore_mem>> -> memref<1x!tpu.dma_semaphore, #tpu.memory_space<semaphore_mem>>
        %dma_wait3A_717 = tpu.memref_squeeze %dma_wait3A_716 : memref<1x!tpu.dma_semaphore, #tpu.memory_space<semaphore_mem>> -> memref<!tpu.dma_semaphore, #tpu.memory_space<semaphore_mem>>
        %dma_wait3A_718 = arith.constant 0 : i32
        %dma_wait3A_719 = tpu.memref_slice %arg8[%dma_wait3A_708, %dma_wait3A_718] : memref<6x96xi32, #tpu.memory_space<vmem>> -> memref<1x96xi32, #tpu.memory_space<vmem>>
        %dma_wait3A_720 = tpu.memref_squeeze %dma_wait3A_719 : memref<1x96xi32, #tpu.memory_space<vmem>> -> memref<96xi32, #tpu.memory_space<vmem>>
        %dma_wait3A_721 = arith.constant 0 : i32
        %dma_wait3A_722 = tpu.memref_slice %arg3[%arg0, %arg1, %dma_wait3A_707, %dma_wait3A_721] : memref<2x16x210x96xi32, #tpu.memory_space<hbm>> -> memref<1x1x1x96xi32, #tpu.memory_space<hbm>>
        %dma_wait3A_723 = tpu.memref_squeeze %dma_wait3A_722 : memref<1x1x1x96xi32, #tpu.memory_space<hbm>> -> memref<96xi32, #tpu.memory_space<hbm>>
        tpu.wait_dma2 semaphore(%dma_wait3A_717 : memref<!tpu.dma_semaphore, #tpu.memory_space<semaphore_mem>>) src(%dma_wait3A_723 : memref<96xi32, #tpu.memory_space<hbm>>) dst(%dma_wait3A_720 : memref<96xi32, #tpu.memory_space<vmem>>)
        %dma_wait3A_724 = arith.constant 0 : i32
        %dma_wait3A_725 = arith.constant 2 : i32
        %dma_wait3A_726 = arith.constant 2 : i32
        %dma_wait3A_727 = arith.constant 0 : i32
        %dma_wait3A_728 = tpu.memref_slice %arg9[%dma_wait3A_725, %dma_wait3A_727] : memref<6x96xi32, #tpu.memory_space<vmem>> -> memref<1x96xi32, #tpu.memory_space<vmem>>
        %dma_wait3A_729 = tpu.memref_squeeze %dma_wait3A_728 : memref<1x96xi32, #tpu.memory_space<vmem>> -> memref<96xi32, #tpu.memory_space<vmem>>
        %dma_wait3A_730 = arith.constant 0 : i32
        %dma_wait3A_731 = tpu.memref_slice %arg4[%arg0, %arg1, %dma_wait3A_724, %dma_wait3A_730] : memref<2x16x210x96xi32, #tpu.memory_space<hbm>> -> memref<1x1x1x96xi32, #tpu.memory_space<hbm>>
        %dma_wait3A_732 = tpu.memref_squeeze %dma_wait3A_731 : memref<1x1x1x96xi32, #tpu.memory_space<hbm>> -> memref<96xi32, #tpu.memory_space<hbm>>
        %dma_wait3A_733 = tpu.memref_slice %arg14[%dma_wait3A_726] : memref<6x!tpu.dma_semaphore, #tpu.memory_space<semaphore_mem>> -> memref<1x!tpu.dma_semaphore, #tpu.memory_space<semaphore_mem>>
        %dma_wait3A_734 = tpu.memref_squeeze %dma_wait3A_733 : memref<1x!tpu.dma_semaphore, #tpu.memory_space<semaphore_mem>> -> memref<!tpu.dma_semaphore, #tpu.memory_space<semaphore_mem>>
        %dma_wait3A_735 = arith.constant 0 : i32
        %dma_wait3A_736 = tpu.memref_slice %arg9[%dma_wait3A_725, %dma_wait3A_735] : memref<6x96xi32, #tpu.memory_space<vmem>> -> memref<1x96xi32, #tpu.memory_space<vmem>>
        %dma_wait3A_737 = tpu.memref_squeeze %dma_wait3A_736 : memref<1x96xi32, #tpu.memory_space<vmem>> -> memref<96xi32, #tpu.memory_space<vmem>>
        %dma_wait3A_738 = arith.constant 0 : i32
        %dma_wait3A_739 = tpu.memref_slice %arg4[%arg0, %arg1, %dma_wait3A_724, %dma_wait3A_738] : memref<2x16x210x96xi32, #tpu.memory_space<hbm>> -> memref<1x1x1x96xi32, #tpu.memory_space<hbm>>
        %dma_wait3A_740 = tpu.memref_squeeze %dma_wait3A_739 : memref<1x1x1x96xi32, #tpu.memory_space<hbm>> -> memref<96xi32, #tpu.memory_space<hbm>>
        tpu.wait_dma2 semaphore(%dma_wait3A_734 : memref<!tpu.dma_semaphore, #tpu.memory_space<semaphore_mem>>) src(%dma_wait3A_740 : memref<96xi32, #tpu.memory_space<hbm>>) dst(%dma_wait3A_737 : memref<96xi32, #tpu.memory_space<vmem>>)
        %dma_start3A_741 = arith.constant 2 : i32
        %dma_start3A_742 = arith.constant 2 : i32
        %dma_start3A_743 = arith.constant 2 : i32
        %dma_start3A_744 = arith.constant 0 : i32
        %dma_start3A_745 = arith.constant 0 : i32
        %dma_start3A_746 = tpu.memref_slice %arg10[%dma_start3A_742, %dma_start3A_744, %dma_start3A_745] : memref<3x96x128xf32, #tpu.memory_space<vmem>> -> memref<1x96x128xf32, #tpu.memory_space<vmem>>
        %dma_start3A_747 = tpu.memref_squeeze %dma_start3A_746 : memref<1x96x128xf32, #tpu.memory_space<vmem>> -> memref<96x128xf32, #tpu.memory_space<vmem>>
        %dma_start3A_748 = arith.constant 0 : i32
        %dma_start3A_749 = tpu.memref_slice %arg8[%dma_start3A_741, %dma_start3A_748] : memref<6x96xi32, #tpu.memory_space<vmem>> -> memref<1x96xi32, #tpu.memory_space<vmem>>
        %dma_start3A_750 = tpu.memref_squeeze %dma_start3A_749 : memref<1x96xi32, #tpu.memory_space<vmem>> -> memref<96xi32, #tpu.memory_space<vmem>>
        %dma_start3A_751 = arith.constant 0 : i32
        %dma_start3A_752 = arith.constant 0 : i32
        %dma_start3A_753 = tpu.memref_slice %arg2[%dma_start3A_751, %dma_start3A_752] : memref<20480x128xf32, #tpu.memory_space<hbm>> -> memref<20480x128xf32, #tpu.memory_space<hbm>>
        %dma_start3A_754 = tpu.memref_slice %arg12[%dma_start3A_743] : memref<3x!tpu.dma_semaphore, #tpu.memory_space<semaphore_mem>> -> memref<1x!tpu.dma_semaphore, #tpu.memory_space<semaphore_mem>>
        %dma_start3A_755 = tpu.memref_squeeze %dma_start3A_754 : memref<1x!tpu.dma_semaphore, #tpu.memory_space<semaphore_mem>> -> memref<!tpu.dma_semaphore, #tpu.memory_space<semaphore_mem>>
        tpu.enqueue_indirect_dma source(%dma_start3A_753 : memref<20480x128xf32, #tpu.memory_space<hbm>>) target(%dma_start3A_747 : memref<96x128xf32, #tpu.memory_space<vmem>>) offsets(%dma_start3A_750 : memref<96xi32, #tpu.memory_space<vmem>>) semaphore(%dma_start3A_755 : memref<!tpu.dma_semaphore, #tpu.memory_space<semaphore_mem>>)
      } else {
      }
      %add3A_277 = arith.constant 3 : i32
      %add3A_278 = arith.addi %add3A_235, %add3A_277 : i32
      %lt3A_279 = arith.constant 210 : i32
      %lt3A_280 = arith.cmpi slt, %add3A_278, %lt3A_279 : i32
      %convert_element_type3A_281 = arith.extui %lt3A_280 : i1 to i32
      %cond3A_282 = arith.constant 0 : i32
      %cond3A_283 = arith.cmpi ne, %convert_element_type3A_281, %cond3A_282 : i32
      scf.if %cond3A_283 {
        %add3A_707 = arith.constant 3 : i32
        %add3A_708 = arith.addi %add3A_235, %add3A_707 : i32
        %dma_start3A_709 = arith.constant 3 : i32
        %dma_start3A_710 = arith.constant 3 : i32
        %dma_start3A_711 = arith.constant 0 : i32
        %dma_start3A_712 = tpu.memref_slice %arg8[%dma_start3A_709, %dma_start3A_711] : memref<6x96xi32, #tpu.memory_space<vmem>> -> memref<1x96xi32, #tpu.memory_space<vmem>>
        %dma_start3A_713 = tpu.memref_squeeze %dma_start3A_712 : memref<1x96xi32, #tpu.memory_space<vmem>> -> memref<96xi32, #tpu.memory_space<vmem>>
        %dma_start3A_714 = arith.constant 0 : i32
        %dma_start3A_715 = tpu.memref_slice %arg3[%arg0, %arg1, %add3A_708, %dma_start3A_714] : memref<2x16x210x96xi32, #tpu.memory_space<hbm>> -> memref<1x1x1x96xi32, #tpu.memory_space<hbm>>
        %dma_start3A_716 = tpu.memref_squeeze %dma_start3A_715 : memref<1x1x1x96xi32, #tpu.memory_space<hbm>> -> memref<96xi32, #tpu.memory_space<hbm>>
        %dma_start3A_717 = tpu.memref_slice %arg14[%dma_start3A_710] : memref<6x!tpu.dma_semaphore, #tpu.memory_space<semaphore_mem>> -> memref<1x!tpu.dma_semaphore, #tpu.memory_space<semaphore_mem>>
        %dma_start3A_718 = tpu.memref_squeeze %dma_start3A_717 : memref<1x!tpu.dma_semaphore, #tpu.memory_space<semaphore_mem>> -> memref<!tpu.dma_semaphore, #tpu.memory_space<semaphore_mem>>
        %dma_start3A_719 = arith.constant 0 : i32
        %dma_start3A_720 = tpu.memref_slice %arg8[%dma_start3A_709, %dma_start3A_719] : memref<6x96xi32, #tpu.memory_space<vmem>> -> memref<1x96xi32, #tpu.memory_space<vmem>>
        %dma_start3A_721 = tpu.memref_squeeze %dma_start3A_720 : memref<1x96xi32, #tpu.memory_space<vmem>> -> memref<96xi32, #tpu.memory_space<vmem>>
        %dma_start3A_722 = arith.constant 0 : i32
        %dma_start3A_723 = tpu.memref_slice %arg3[%arg0, %arg1, %add3A_708, %dma_start3A_722] : memref<2x16x210x96xi32, #tpu.memory_space<hbm>> -> memref<1x1x1x96xi32, #tpu.memory_space<hbm>>
        %dma_start3A_724 = tpu.memref_squeeze %dma_start3A_723 : memref<1x1x1x96xi32, #tpu.memory_space<hbm>> -> memref<96xi32, #tpu.memory_space<hbm>>
        tpu.enqueue_dma source(%dma_start3A_724 : memref<96xi32, #tpu.memory_space<hbm>>) target(%dma_start3A_721 : memref<96xi32, #tpu.memory_space<vmem>>) target_semaphore(%dma_start3A_718 : memref<!tpu.dma_semaphore, #tpu.memory_space<semaphore_mem>>)
        %dma_start3A_725 = arith.constant 3 : i32
        %dma_start3A_726 = arith.constant 3 : i32
        %dma_start3A_727 = arith.constant 0 : i32
        %dma_start3A_728 = tpu.memref_slice %arg9[%dma_start3A_725, %dma_start3A_727] : memref<6x96xi32, #tpu.memory_space<vmem>> -> memref<1x96xi32, #tpu.memory_space<vmem>>
        %dma_start3A_729 = tpu.memref_squeeze %dma_start3A_728 : memref<1x96xi32, #tpu.memory_space<vmem>> -> memref<96xi32, #tpu.memory_space<vmem>>
        %dma_start3A_730 = arith.constant 0 : i32
        %dma_start3A_731 = tpu.memref_slice %arg4[%arg0, %arg1, %add3A_708, %dma_start3A_730] : memref<2x16x210x96xi32, #tpu.memory_space<hbm>> -> memref<1x1x1x96xi32, #tpu.memory_space<hbm>>
        %dma_start3A_732 = tpu.memref_squeeze %dma_start3A_731 : memref<1x1x1x96xi32, #tpu.memory_space<hbm>> -> memref<96xi32, #tpu.memory_space<hbm>>
        %dma_start3A_733 = tpu.memref_slice %arg14[%dma_start3A_726] : memref<6x!tpu.dma_semaphore, #tpu.memory_space<semaphore_mem>> -> memref<1x!tpu.dma_semaphore, #tpu.memory_space<semaphore_mem>>
        %dma_start3A_734 = tpu.memref_squeeze %dma_start3A_733 : memref<1x!tpu.dma_semaphore, #tpu.memory_space<semaphore_mem>> -> memref<!tpu.dma_semaphore, #tpu.memory_space<semaphore_mem>>
        %dma_start3A_735 = arith.constant 0 : i32
        %dma_start3A_736 = tpu.memref_slice %arg9[%dma_start3A_725, %dma_start3A_735] : memref<6x96xi32, #tpu.memory_space<vmem>> -> memref<1x96xi32, #tpu.memory_space<vmem>>
        %dma_start3A_737 = tpu.memref_squeeze %dma_start3A_736 : memref<1x96xi32, #tpu.memory_space<vmem>> -> memref<96xi32, #tpu.memory_space<vmem>>
        %dma_start3A_738 = arith.constant 0 : i32
        %dma_start3A_739 = tpu.memref_slice %arg4[%arg0, %arg1, %add3A_708, %dma_start3A_738] : memref<2x16x210x96xi32, #tpu.memory_space<hbm>> -> memref<1x1x1x96xi32, #tpu.memory_space<hbm>>
        %dma_start3A_740 = tpu.memref_squeeze %dma_start3A_739 : memref<1x1x1x96xi32, #tpu.memory_space<hbm>> -> memref<96xi32, #tpu.memory_space<hbm>>
        tpu.enqueue_dma source(%dma_start3A_740 : memref<96xi32, #tpu.memory_space<hbm>>) target(%dma_start3A_737 : memref<96xi32, #tpu.memory_space<vmem>>) target_semaphore(%dma_start3A_734 : memref<!tpu.dma_semaphore, #tpu.memory_space<semaphore_mem>>)
      } else {
      }
      %get3A = arith.constant 0 : i32
      %get3A_284 = arith.index_cast %get3A : i32 to index
      %get3A_285 = arith.constant 0 : index
      %get3A_286 = tpu.vector_load %arg9[%get3A_284, %get3A_285] {strides = array<i32>} : memref<6x96xi32, #tpu.memory_space<vmem>>, vector<16xi32>,
      tpu.vector_store_idx %arg15[%get3A_286], %broadcast_in_dim3A_206 {add = true} : memref<10240xf32, #tpu.memory_space<vmem>>[vector<16xi32>], vector<16xf32>,
      %get3A_287 = arith.constant 0 : i32
      %get3A_288 = arith.index_cast %get3A_287 : i32 to index
      %get3A_289 = arith.constant 16 : index
      %get3A_290 = tpu.vector_load %arg9[%get3A_288, %get3A_289] {strides = array<i32>} : memref<6x96xi32, #tpu.memory_space<vmem>>, vector<16xi32>,
      tpu.vector_store_idx %arg15[%get3A_290], %broadcast_in_dim3A_206 {add = true} : memref<10240xf32, #tpu.memory_space<vmem>>[vector<16xi32>], vector<16xf32>,
      %get3A_291 = arith.constant 0 : i32
      %get3A_292 = arith.index_cast %get3A_291 : i32 to index
      %get3A_293 = arith.constant 32 : index
      %get3A_294 = tpu.vector_load %arg9[%get3A_292, %get3A_293] {strides = array<i32>} : memref<6x96xi32, #tpu.memory_space<vmem>>, vector<16xi32>,
      tpu.vector_store_idx %arg15[%get3A_294], %broadcast_in_dim3A_206 {add = true} : memref<10240xf32, #tpu.memory_space<vmem>>[vector<16xi32>], vector<16xf32>,
      %get3A_295 = arith.constant 0 : i32
      %get3A_296 = arith.index_cast %get3A_295 : i32 to index
      %get3A_297 = arith.constant 48 : index
      %get3A_298 = tpu.vector_load %arg9[%get3A_296, %get3A_297] {strides = array<i32>} : memref<6x96xi32, #tpu.memory_space<vmem>>, vector<16xi32>,
      tpu.vector_store_idx %arg15[%get3A_298], %broadcast_in_dim3A_206 {add = true} : memref<10240xf32, #tpu.memory_space<vmem>>[vector<16xi32>], vector<16xf32>,
      %get3A_299 = arith.constant 0 : i32
      %get3A_300 = arith.index_cast %get3A_299 : i32 to index
      %get3A_301 = arith.constant 64 : index
      %get3A_302 = tpu.vector_load %arg9[%get3A_300, %get3A_301] {strides = array<i32>} : memref<6x96xi32, #tpu.memory_space<vmem>>, vector<16xi32>,
      tpu.vector_store_idx %arg15[%get3A_302], %broadcast_in_dim3A_206 {add = true} : memref<10240xf32, #tpu.memory_space<vmem>>[vector<16xi32>], vector<16xf32>,
      %get3A_303 = arith.constant 0 : i32
      %get3A_304 = arith.index_cast %get3A_303 : i32 to index
      %get3A_305 = arith.constant 80 : index
      %get3A_306 = tpu.vector_load %arg9[%get3A_304, %get3A_305] {strides = array<i32>} : memref<6x96xi32, #tpu.memory_space<vmem>>, vector<16xi32>,
      tpu.vector_store_idx %arg15[%get3A_306], %broadcast_in_dim3A_206 {add = true} : memref<10240xf32, #tpu.memory_space<vmem>>[vector<16xi32>], vector<16xf32>,
      %mul3A_307 = arith.constant 6 : i32
      %mul3A_308 = arith.muli %mul3A_307, %scan3A_232 : i32
      %add3A_309 = arith.constant 1 : i32
      %add3A_310 = arith.addi %mul3A_308, %add3A_309 : i32
      %dma_wait3A_311 = arith.constant 1 : i32
      %dma_wait3A_312 = arith.constant 1 : i32
      %dma_wait3A_313 = arith.constant 0 : i32
      %dma_wait3A_314 = arith.constant 0 : i32
      %dma_wait3A_315 = tpu.memref_slice %arg10[%dma_wait3A_311, %dma_wait3A_313, %dma_wait3A_314] : memref<3x96x128xf32, #tpu.memory_space<vmem>> -> memref<1x96x128xf32, #tpu.memory_space<vmem>>
      %dma_wait3A_316 = tpu.memref_squeeze %dma_wait3A_315 : memref<1x96x128xf32, #tpu.memory_space<vmem>> -> memref<96x128xf32, #tpu.memory_space<vmem>>
      %dma_wait3A_317 = arith.constant 0 : i32
      %dma_wait3A_318 = arith.constant 0 : i32
      %dma_wait3A_319 = tpu.memref_slice %arg2[%dma_wait3A_317, %dma_wait3A_318] : memref<20480x128xf32, #tpu.memory_space<hbm>> -> memref<96x128xf32, #tpu.memory_space<hbm>>
      %dma_wait3A_320 = tpu.memref_slice %arg12[%dma_wait3A_312] : memref<3x!tpu.dma_semaphore, #tpu.memory_space<semaphore_mem>> -> memref<1x!tpu.dma_semaphore, #tpu.memory_space<semaphore_mem>>
      %dma_wait3A_321 = tpu.memref_squeeze %dma_wait3A_320 : memref<1x!tpu.dma_semaphore, #tpu.memory_space<semaphore_mem>> -> memref<!tpu.dma_semaphore, #tpu.memory_space<semaphore_mem>>
      %dma_wait3A_322 = arith.constant 0 : i32
      %dma_wait3A_323 = arith.constant 0 : i32
      %dma_wait3A_324 = tpu.memref_slice %arg10[%dma_wait3A_311, %dma_wait3A_322, %dma_wait3A_323] : memref<3x96x128xf32, #tpu.memory_space<vmem>> -> memref<1x96x128xf32, #tpu.memory_space<vmem>>
      %dma_wait3A_325 = tpu.memref_squeeze %dma_wait3A_324 : memref<1x96x128xf32, #tpu.memory_space<vmem>> -> memref<96x128xf32, #tpu.memory_space<vmem>>
      %dma_wait3A_326 = arith.constant 0 : i32
      %dma_wait3A_327 = arith.constant 0 : i32
      %dma_wait3A_328 = tpu.memref_slice %arg2[%dma_wait3A_326, %dma_wait3A_327] : memref<20480x128xf32, #tpu.memory_space<hbm>> -> memref<96x128xf32, #tpu.memory_space<hbm>>
      tpu.wait_dma2 semaphore(%dma_wait3A_321 : memref<!tpu.dma_semaphore, #tpu.memory_space<semaphore_mem>>) src(%dma_wait3A_328 : memref<96x128xf32, #tpu.memory_space<hbm>>) dst(%dma_wait3A_325 : memref<96x128xf32, #tpu.memory_space<vmem>>)
      %dma_start3A_329 = arith.constant 1 : i32
      %dma_start3A_330 = arith.constant 1 : i32
      %dma_start3A_331 = arith.constant 1 : i32
      %dma_start3A_332 = arith.constant 0 : i32
      %dma_start3A_333 = arith.constant 0 : i32
      %dma_start3A_334 = tpu.memref_slice %arg10[%dma_start3A_329, %dma_start3A_332, %dma_start3A_333] : memref<3x96x128xf32, #tpu.memory_space<vmem>> -> memref<1x96x128xf32, #tpu.memory_space<vmem>>
      %dma_start3A_335 = tpu.memref_squeeze %dma_start3A_334 : memref<1x96x128xf32, #tpu.memory_space<vmem>> -> memref<96x128xf32, #tpu.memory_space<vmem>>
      %dma_start3A_336 = arith.constant 0 : i32
      %dma_start3A_337 = tpu.memref_slice %arg9[%dma_start3A_330, %dma_start3A_336] : memref<6x96xi32, #tpu.memory_space<vmem>> -> memref<1x96xi32, #tpu.memory_space<vmem>>
      %dma_start3A_338 = tpu.memref_squeeze %dma_start3A_337 : memref<1x96xi32, #tpu.memory_space<vmem>> -> memref<96xi32, #tpu.memory_space<vmem>>
      %dma_start3A_339 = arith.constant 0 : i32
      %dma_start3A_340 = arith.constant 0 : i32
      %dma_start3A_341 = tpu.memref_slice %arg11[%dma_start3A_339, %dma_start3A_340] : memref<10240x128xf32, #tpu.memory_space<vmem_shared>> -> memref<10240x128xf32, #tpu.memory_space<vmem_shared>>
      %dma_start3A_342 = tpu.memref_slice %arg13[%dma_start3A_331] : memref<3x!tpu.dma_semaphore, #tpu.memory_space<semaphore_mem>> -> memref<1x!tpu.dma_semaphore, #tpu.memory_space<semaphore_mem>>
      %dma_start3A_343 = tpu.memref_squeeze %dma_start3A_342 : memref<1x!tpu.dma_semaphore, #tpu.memory_space<semaphore_mem>> -> memref<!tpu.dma_semaphore, #tpu.memory_space<semaphore_mem>>
      tpu.enqueue_indirect_dma source(%dma_start3A_335 : memref<96x128xf32, #tpu.memory_space<vmem>>) target(%dma_start3A_341 : memref<10240x128xf32, #tpu.memory_space<vmem_shared>>) offsets(%dma_start3A_338 : memref<96xi32, #tpu.memory_space<vmem>>) semaphore(%dma_start3A_343 : memref<!tpu.dma_semaphore, #tpu.memory_space<semaphore_mem>>) {add = true}
      %ge3A_344 = arith.constant 1 : i32
      %ge3A_345 = arith.cmpi sge, %add3A_310, %ge3A_344 : i32
      %convert_element_type3A_346 = arith.extui %ge3A_345 : i1 to i32
      %cond3A_347 = arith.constant 0 : i32
      %cond3A_348 = arith.cmpi ne, %convert_element_type3A_346, %cond3A_347 : i32
      scf.if %cond3A_348 {
        %dma_wait3A_707 = arith.constant 0 : i32
        %dma_wait3A_708 = arith.constant 0 : i32
        %dma_wait3A_709 = arith.constant 0 : i32
        %dma_wait3A_710 = arith.constant 0 : i32
        %dma_wait3A_711 = tpu.memref_slice %arg10[%dma_wait3A_707, %dma_wait3A_709, %dma_wait3A_710] : memref<3x96x128xf32, #tpu.memory_space<vmem>> -> memref<1x96x128xf32, #tpu.memory_space<vmem>>
        %dma_wait3A_712 = tpu.memref_squeeze %dma_wait3A_711 : memref<1x96x128xf32, #tpu.memory_space<vmem>> -> memref<96x128xf32, #tpu.memory_space<vmem>>
        %dma_wait3A_713 = arith.constant 0 : i32
        %dma_wait3A_714 = arith.constant 0 : i32
        %dma_wait3A_715 = tpu.memref_slice %arg2[%dma_wait3A_713, %dma_wait3A_714] : memref<20480x128xf32, #tpu.memory_space<hbm>> -> memref<96x128xf32, #tpu.memory_space<hbm>>
        %dma_wait3A_716 = tpu.memref_slice %arg13[%dma_wait3A_708] : memref<3x!tpu.dma_semaphore, #tpu.memory_space<semaphore_mem>> -> memref<1x!tpu.dma_semaphore, #tpu.memory_space<semaphore_mem>>
        %dma_wait3A_717 = tpu.memref_squeeze %dma_wait3A_716 : memref<1x!tpu.dma_semaphore, #tpu.memory_space<semaphore_mem>> -> memref<!tpu.dma_semaphore, #tpu.memory_space<semaphore_mem>>
        %dma_wait3A_718 = arith.constant 0 : i32
        %dma_wait3A_719 = arith.constant 0 : i32
        %dma_wait3A_720 = tpu.memref_slice %arg10[%dma_wait3A_707, %dma_wait3A_718, %dma_wait3A_719] : memref<3x96x128xf32, #tpu.memory_space<vmem>> -> memref<1x96x128xf32, #tpu.memory_space<vmem>>
        %dma_wait3A_721 = tpu.memref_squeeze %dma_wait3A_720 : memref<1x96x128xf32, #tpu.memory_space<vmem>> -> memref<96x128xf32, #tpu.memory_space<vmem>>
        %dma_wait3A_722 = arith.constant 0 : i32
        %dma_wait3A_723 = arith.constant 0 : i32
        %dma_wait3A_724 = tpu.memref_slice %arg2[%dma_wait3A_722, %dma_wait3A_723] : memref<20480x128xf32, #tpu.memory_space<hbm>> -> memref<96x128xf32, #tpu.memory_space<hbm>>
        tpu.wait_dma2 semaphore(%dma_wait3A_717 : memref<!tpu.dma_semaphore, #tpu.memory_space<semaphore_mem>>) src(%dma_wait3A_724 : memref<96x128xf32, #tpu.memory_space<hbm>>) dst(%dma_wait3A_721 : memref<96x128xf32, #tpu.memory_space<vmem>>)
      } else {
      }
      %add3A_349 = arith.constant 2 : i32
      %add3A_350 = arith.addi %add3A_310, %add3A_349 : i32
      %lt3A_351 = arith.constant 210 : i32
      %lt3A_352 = arith.cmpi slt, %add3A_350, %lt3A_351 : i32
      %convert_element_type3A_353 = arith.extui %lt3A_352 : i1 to i32
      %cond3A_354 = arith.constant 0 : i32
      %cond3A_355 = arith.cmpi ne, %convert_element_type3A_353, %cond3A_354 : i32
      scf.if %cond3A_355 {
        %dma_wait3A_707 = arith.constant 0 : i32
        %dma_wait3A_708 = arith.constant 3 : i32
        %dma_wait3A_709 = arith.constant 3 : i32
        %dma_wait3A_710 = arith.constant 0 : i32
        %dma_wait3A_711 = tpu.memref_slice %arg8[%dma_wait3A_708, %dma_wait3A_710] : memref<6x96xi32, #tpu.memory_space<vmem>> -> memref<1x96xi32, #tpu.memory_space<vmem>>
        %dma_wait3A_712 = tpu.memref_squeeze %dma_wait3A_711 : memref<1x96xi32, #tpu.memory_space<vmem>> -> memref<96xi32, #tpu.memory_space<vmem>>
        %dma_wait3A_713 = arith.constant 0 : i32
        %dma_wait3A_714 = tpu.memref_slice %arg3[%arg0, %arg1, %dma_wait3A_707, %dma_wait3A_713] : memref<2x16x210x96xi32, #tpu.memory_space<hbm>> -> memref<1x1x1x96xi32, #tpu.memory_space<hbm>>
        %dma_wait3A_715 = tpu.memref_squeeze %dma_wait3A_714 : memref<1x1x1x96xi32, #tpu.memory_space<hbm>> -> memref<96xi32, #tpu.memory_space<hbm>>
        %dma_wait3A_716 = tpu.memref_slice %arg14[%dma_wait3A_709] : memref<6x!tpu.dma_semaphore, #tpu.memory_space<semaphore_mem>> -> memref<1x!tpu.dma_semaphore, #tpu.memory_space<semaphore_mem>>
        %dma_wait3A_717 = tpu.memref_squeeze %dma_wait3A_716 : memref<1x!tpu.dma_semaphore, #tpu.memory_space<semaphore_mem>> -> memref<!tpu.dma_semaphore, #tpu.memory_space<semaphore_mem>>
        %dma_wait3A_718 = arith.constant 0 : i32
        %dma_wait3A_719 = tpu.memref_slice %arg8[%dma_wait3A_708, %dma_wait3A_718] : memref<6x96xi32, #tpu.memory_space<vmem>> -> memref<1x96xi32, #tpu.memory_space<vmem>>
        %dma_wait3A_720 = tpu.memref_squeeze %dma_wait3A_719 : memref<1x96xi32, #tpu.memory_space<vmem>> -> memref<96xi32, #tpu.memory_space<vmem>>
        %dma_wait3A_721 = arith.constant 0 : i32
        %dma_wait3A_722 = tpu.memref_slice %arg3[%arg0, %arg1, %dma_wait3A_707, %dma_wait3A_721] : memref<2x16x210x96xi32, #tpu.memory_space<hbm>> -> memref<1x1x1x96xi32, #tpu.memory_space<hbm>>
        %dma_wait3A_723 = tpu.memref_squeeze %dma_wait3A_722 : memref<1x1x1x96xi32, #tpu.memory_space<hbm>> -> memref<96xi32, #tpu.memory_space<hbm>>
        tpu.wait_dma2 semaphore(%dma_wait3A_717 : memref<!tpu.dma_semaphore, #tpu.memory_space<semaphore_mem>>) src(%dma_wait3A_723 : memref<96xi32, #tpu.memory_space<hbm>>) dst(%dma_wait3A_720 : memref<96xi32, #tpu.memory_space<vmem>>)
        %dma_wait3A_724 = arith.constant 0 : i32
        %dma_wait3A_725 = arith.constant 3 : i32
        %dma_wait3A_726 = arith.constant 3 : i32
        %dma_wait3A_727 = arith.constant 0 : i32
        %dma_wait3A_728 = tpu.memref_slice %arg9[%dma_wait3A_725, %dma_wait3A_727] : memref<6x96xi32, #tpu.memory_space<vmem>> -> memref<1x96xi32, #tpu.memory_space<vmem>>
        %dma_wait3A_729 = tpu.memref_squeeze %dma_wait3A_728 : memref<1x96xi32, #tpu.memory_space<vmem>> -> memref<96xi32, #tpu.memory_space<vmem>>
        %dma_wait3A_730 = arith.constant 0 : i32
        %dma_wait3A_731 = tpu.memref_slice %arg4[%arg0, %arg1, %dma_wait3A_724, %dma_wait3A_730] : memref<2x16x210x96xi32, #tpu.memory_space<hbm>> -> memref<1x1x1x96xi32, #tpu.memory_space<hbm>>
        %dma_wait3A_732 = tpu.memref_squeeze %dma_wait3A_731 : memref<1x1x1x96xi32, #tpu.memory_space<hbm>> -> memref<96xi32, #tpu.memory_space<hbm>>
        %dma_wait3A_733 = tpu.memref_slice %arg14[%dma_wait3A_726] : memref<6x!tpu.dma_semaphore, #tpu.memory_space<semaphore_mem>> -> memref<1x!tpu.dma_semaphore, #tpu.memory_space<semaphore_mem>>
        %dma_wait3A_734 = tpu.memref_squeeze %dma_wait3A_733 : memref<1x!tpu.dma_semaphore, #tpu.memory_space<semaphore_mem>> -> memref<!tpu.dma_semaphore, #tpu.memory_space<semaphore_mem>>
        %dma_wait3A_735 = arith.constant 0 : i32
        %dma_wait3A_736 = tpu.memref_slice %arg9[%dma_wait3A_725, %dma_wait3A_735] : memref<6x96xi32, #tpu.memory_space<vmem>> -> memref<1x96xi32, #tpu.memory_space<vmem>>
        %dma_wait3A_737 = tpu.memref_squeeze %dma_wait3A_736 : memref<1x96xi32, #tpu.memory_space<vmem>> -> memref<96xi32, #tpu.memory_space<vmem>>
        %dma_wait3A_738 = arith.constant 0 : i32
        %dma_wait3A_739 = tpu.memref_slice %arg4[%arg0, %arg1, %dma_wait3A_724, %dma_wait3A_738] : memref<2x16x210x96xi32, #tpu.memory_space<hbm>> -> memref<1x1x1x96xi32, #tpu.memory_space<hbm>>
        %dma_wait3A_740 = tpu.memref_squeeze %dma_wait3A_739 : memref<1x1x1x96xi32, #tpu.memory_space<hbm>> -> memref<96xi32, #tpu.memory_space<hbm>>
        tpu.wait_dma2 semaphore(%dma_wait3A_734 : memref<!tpu.dma_semaphore, #tpu.memory_space<semaphore_mem>>) src(%dma_wait3A_740 : memref<96xi32, #tpu.memory_space<hbm>>) dst(%dma_wait3A_737 : memref<96xi32, #tpu.memory_space<vmem>>)
        %dma_start3A_741 = arith.constant 3 : i32
        %dma_start3A_742 = arith.constant 0 : i32
        %dma_start3A_743 = arith.constant 0 : i32
        %dma_start3A_744 = arith.constant 0 : i32
        %dma_start3A_745 = arith.constant 0 : i32
        %dma_start3A_746 = tpu.memref_slice %arg10[%dma_start3A_742, %dma_start3A_744, %dma_start3A_745] : memref<3x96x128xf32, #tpu.memory_space<vmem>> -> memref<1x96x128xf32, #tpu.memory_space<vmem>>
        %dma_start3A_747 = tpu.memref_squeeze %dma_start3A_746 : memref<1x96x128xf32, #tpu.memory_space<vmem>> -> memref<96x128xf32, #tpu.memory_space<vmem>>
        %dma_start3A_748 = arith.constant 0 : i32
        %dma_start3A_749 = tpu.memref_slice %arg8[%dma_start3A_741, %dma_start3A_748] : memref<6x96xi32, #tpu.memory_space<vmem>> -> memref<1x96xi32, #tpu.memory_space<vmem>>
        %dma_start3A_750 = tpu.memref_squeeze %dma_start3A_749 : memref<1x96xi32, #tpu.memory_space<vmem>> -> memref<96xi32, #tpu.memory_space<vmem>>
        %dma_start3A_751 = arith.constant 0 : i32
        %dma_start3A_752 = arith.constant 0 : i32
        %dma_start3A_753 = tpu.memref_slice %arg2[%dma_start3A_751, %dma_start3A_752] : memref<20480x128xf32, #tpu.memory_space<hbm>> -> memref<20480x128xf32, #tpu.memory_space<hbm>>
        %dma_start3A_754 = tpu.memref_slice %arg12[%dma_start3A_743] : memref<3x!tpu.dma_semaphore, #tpu.memory_space<semaphore_mem>> -> memref<1x!tpu.dma_semaphore, #tpu.memory_space<semaphore_mem>>
        %dma_start3A_755 = tpu.memref_squeeze %dma_start3A_754 : memref<1x!tpu.dma_semaphore, #tpu.memory_space<semaphore_mem>> -> memref<!tpu.dma_semaphore, #tpu.memory_space<semaphore_mem>>
        tpu.enqueue_indirect_dma source(%dma_start3A_753 : memref<20480x128xf32, #tpu.memory_space<hbm>>) target(%dma_start3A_747 : memref<96x128xf32, #tpu.memory_space<vmem>>) offsets(%dma_start3A_750 : memref<96xi32, #tpu.memory_space<vmem>>) semaphore(%dma_start3A_755 : memref<!tpu.dma_semaphore, #tpu.memory_space<semaphore_mem>>)
      } else {
      }
      %add3A_356 = arith.constant 3 : i32
      %add3A_357 = arith.addi %add3A_310, %add3A_356 : i32
      %lt3A_358 = arith.constant 210 : i32
      %lt3A_359 = arith.cmpi slt, %add3A_357, %lt3A_358 : i32
      %convert_element_type3A_360 = arith.extui %lt3A_359 : i1 to i32
      %cond3A_361 = arith.constant 0 : i32
      %cond3A_362 = arith.cmpi ne, %convert_element_type3A_360, %cond3A_361 : i32
      scf.if %cond3A_362 {
        %add3A_707 = arith.constant 3 : i32
        %add3A_708 = arith.addi %add3A_310, %add3A_707 : i32
        %dma_start3A_709 = arith.constant 4 : i32
        %dma_start3A_710 = arith.constant 4 : i32
        %dma_start3A_711 = arith.constant 0 : i32
        %dma_start3A_712 = tpu.memref_slice %arg8[%dma_start3A_709, %dma_start3A_711] : memref<6x96xi32, #tpu.memory_space<vmem>> -> memref<1x96xi32, #tpu.memory_space<vmem>>
        %dma_start3A_713 = tpu.memref_squeeze %dma_start3A_712 : memref<1x96xi32, #tpu.memory_space<vmem>> -> memref<96xi32, #tpu.memory_space<vmem>>
        %dma_start3A_714 = arith.constant 0 : i32
        %dma_start3A_715 = tpu.memref_slice %arg3[%arg0, %arg1, %add3A_708, %dma_start3A_714] : memref<2x16x210x96xi32, #tpu.memory_space<hbm>> -> memref<1x1x1x96xi32, #tpu.memory_space<hbm>>
        %dma_start3A_716 = tpu.memref_squeeze %dma_start3A_715 : memref<1x1x1x96xi32, #tpu.memory_space<hbm>> -> memref<96xi32, #tpu.memory_space<hbm>>
        %dma_start3A_717 = tpu.memref_slice %arg14[%dma_start3A_710] : memref<6x!tpu.dma_semaphore, #tpu.memory_space<semaphore_mem>> -> memref<1x!tpu.dma_semaphore, #tpu.memory_space<semaphore_mem>>
        %dma_start3A_718 = tpu.memref_squeeze %dma_start3A_717 : memref<1x!tpu.dma_semaphore, #tpu.memory_space<semaphore_mem>> -> memref<!tpu.dma_semaphore, #tpu.memory_space<semaphore_mem>>
        %dma_start3A_719 = arith.constant 0 : i32
        %dma_start3A_720 = tpu.memref_slice %arg8[%dma_start3A_709, %dma_start3A_719] : memref<6x96xi32, #tpu.memory_space<vmem>> -> memref<1x96xi32, #tpu.memory_space<vmem>>
        %dma_start3A_721 = tpu.memref_squeeze %dma_start3A_720 : memref<1x96xi32, #tpu.memory_space<vmem>> -> memref<96xi32, #tpu.memory_space<vmem>>
        %dma_start3A_722 = arith.constant 0 : i32
        %dma_start3A_723 = tpu.memref_slice %arg3[%arg0, %arg1, %add3A_708, %dma_start3A_722] : memref<2x16x210x96xi32, #tpu.memory_space<hbm>> -> memref<1x1x1x96xi32, #tpu.memory_space<hbm>>
        %dma_start3A_724 = tpu.memref_squeeze %dma_start3A_723 : memref<1x1x1x96xi32, #tpu.memory_space<hbm>> -> memref<96xi32, #tpu.memory_space<hbm>>
        tpu.enqueue_dma source(%dma_start3A_724 : memref<96xi32, #tpu.memory_space<hbm>>) target(%dma_start3A_721 : memref<96xi32, #tpu.memory_space<vmem>>) target_semaphore(%dma_start3A_718 : memref<!tpu.dma_semaphore, #tpu.memory_space<semaphore_mem>>)
        %dma_start3A_725 = arith.constant 4 : i32
        %dma_start3A_726 = arith.constant 4 : i32
        %dma_start3A_727 = arith.constant 0 : i32
        %dma_start3A_728 = tpu.memref_slice %arg9[%dma_start3A_725, %dma_start3A_727] : memref<6x96xi32, #tpu.memory_space<vmem>> -> memref<1x96xi32, #tpu.memory_space<vmem>>
        %dma_start3A_729 = tpu.memref_squeeze %dma_start3A_728 : memref<1x96xi32, #tpu.memory_space<vmem>> -> memref<96xi32, #tpu.memory_space<vmem>>
        %dma_start3A_730 = arith.constant 0 : i32
        %dma_start3A_731 = tpu.memref_slice %arg4[%arg0, %arg1, %add3A_708, %dma_start3A_730] : memref<2x16x210x96xi32, #tpu.memory_space<hbm>> -> memref<1x1x1x96xi32, #tpu.memory_space<hbm>>
        %dma_start3A_732 = tpu.memref_squeeze %dma_start3A_731 : memref<1x1x1x96xi32, #tpu.memory_space<hbm>> -> memref<96xi32, #tpu.memory_space<hbm>>
        %dma_start3A_733 = tpu.memref_slice %arg14[%dma_start3A_726] : memref<6x!tpu.dma_semaphore, #tpu.memory_space<semaphore_mem>> -> memref<1x!tpu.dma_semaphore, #tpu.memory_space<semaphore_mem>>
        %dma_start3A_734 = tpu.memref_squeeze %dma_start3A_733 : memref<1x!tpu.dma_semaphore, #tpu.memory_space<semaphore_mem>> -> memref<!tpu.dma_semaphore, #tpu.memory_space<semaphore_mem>>
        %dma_start3A_735 = arith.constant 0 : i32
        %dma_start3A_736 = tpu.memref_slice %arg9[%dma_start3A_725, %dma_start3A_735] : memref<6x96xi32, #tpu.memory_space<vmem>> -> memref<1x96xi32, #tpu.memory_space<vmem>>
        %dma_start3A_737 = tpu.memref_squeeze %dma_start3A_736 : memref<1x96xi32, #tpu.memory_space<vmem>> -> memref<96xi32, #tpu.memory_space<vmem>>
        %dma_start3A_738 = arith.constant 0 : i32
        %dma_start3A_739 = tpu.memref_slice %arg4[%arg0, %arg1, %add3A_708, %dma_start3A_738] : memref<2x16x210x96xi32, #tpu.memory_space<hbm>> -> memref<1x1x1x96xi32, #tpu.memory_space<hbm>>
        %dma_start3A_740 = tpu.memref_squeeze %dma_start3A_739 : memref<1x1x1x96xi32, #tpu.memory_space<hbm>> -> memref<96xi32, #tpu.memory_space<hbm>>
        tpu.enqueue_dma source(%dma_start3A_740 : memref<96xi32, #tpu.memory_space<hbm>>) target(%dma_start3A_737 : memref<96xi32, #tpu.memory_space<vmem>>) target_semaphore(%dma_start3A_734 : memref<!tpu.dma_semaphore, #tpu.memory_space<semaphore_mem>>)
      } else {
      }
      %get3A_363 = arith.constant 1 : i32
      %get3A_364 = arith.index_cast %get3A_363 : i32 to index
      %get3A_365 = arith.constant 0 : index
      %get3A_366 = tpu.vector_load %arg9[%get3A_364, %get3A_365] {strides = array<i32>} : memref<6x96xi32, #tpu.memory_space<vmem>>, vector<16xi32>,
      tpu.vector_store_idx %arg15[%get3A_366], %broadcast_in_dim3A_206 {add = true} : memref<10240xf32, #tpu.memory_space<vmem>>[vector<16xi32>], vector<16xf32>,
      %get3A_367 = arith.constant 1 : i32
      %get3A_368 = arith.index_cast %get3A_367 : i32 to index
      %get3A_369 = arith.constant 16 : index
      %get3A_370 = tpu.vector_load %arg9[%get3A_368, %get3A_369] {strides = array<i32>} : memref<6x96xi32, #tpu.memory_space<vmem>>, vector<16xi32>,
      tpu.vector_store_idx %arg15[%get3A_370], %broadcast_in_dim3A_206 {add = true} : memref<10240xf32, #tpu.memory_space<vmem>>[vector<16xi32>], vector<16xf32>,
      %get3A_371 = arith.constant 1 : i32
      %get3A_372 = arith.index_cast %get3A_371 : i32 to index
      %get3A_373 = arith.constant 32 : index
      %get3A_374 = tpu.vector_load %arg9[%get3A_372, %get3A_373] {strides = array<i32>} : memref<6x96xi32, #tpu.memory_space<vmem>>, vector<16xi32>,
      tpu.vector_store_idx %arg15[%get3A_374], %broadcast_in_dim3A_206 {add = true} : memref<10240xf32, #tpu.memory_space<vmem>>[vector<16xi32>], vector<16xf32>,
      %get3A_375 = arith.constant 1 : i32
      %get3A_376 = arith.index_cast %get3A_375 : i32 to index
      %get3A_377 = arith.constant 48 : index
      %get3A_378 = tpu.vector_load %arg9[%get3A_376, %get3A_377] {strides = array<i32>} : memref<6x96xi32, #tpu.memory_space<vmem>>, vector<16xi32>,
      tpu.vector_store_idx %arg15[%get3A_378], %broadcast_in_dim3A_206 {add = true} : memref<10240xf32, #tpu.memory_space<vmem>>[vector<16xi32>], vector<16xf32>,
      %get3A_379 = arith.constant 1 : i32
      %get3A_380 = arith.index_cast %get3A_379 : i32 to index
      %get3A_381 = arith.constant 64 : index
      %get3A_382 = tpu.vector_load %arg9[%get3A_380, %get3A_381] {strides = array<i32>} : memref<6x96xi32, #tpu.memory_space<vmem>>, vector<16xi32>,
      tpu.vector_store_idx %arg15[%get3A_382], %broadcast_in_dim3A_206 {add = true} : memref<10240xf32, #tpu.memory_space<vmem>>[vector<16xi32>], vector<16xf32>,
      %get3A_383 = arith.constant 1 : i32
      %get3A_384 = arith.index_cast %get3A_383 : i32 to index
      %get3A_385 = arith.constant 80 : index
      %get3A_386 = tpu.vector_load %arg9[%get3A_384, %get3A_385] {strides = array<i32>} : memref<6x96xi32, #tpu.memory_space<vmem>>, vector<16xi32>,
      tpu.vector_store_idx %arg15[%get3A_386], %broadcast_in_dim3A_206 {add = true} : memref<10240xf32, #tpu.memory_space<vmem>>[vector<16xi32>], vector<16xf32>,
      %mul3A_387 = arith.constant 6 : i32
      %mul3A_388 = arith.muli %mul3A_387, %scan3A_232 : i32
      %add3A_389 = arith.constant 2 : i32
      %add3A_390 = arith.addi %mul3A_388, %add3A_389 : i32
      %dma_wait3A_391 = arith.constant 2 : i32
      %dma_wait3A_392 = arith.constant 2 : i32
      %dma_wait3A_393 = arith.constant 0 : i32
      %dma_wait3A_394 = arith.constant 0 : i32
      %dma_wait3A_395 = tpu.memref_slice %arg10[%dma_wait3A_391, %dma_wait3A_393, %dma_wait3A_394] : memref<3x96x128xf32, #tpu.memory_space<vmem>> -> memref<1x96x128xf32, #tpu.memory_space<vmem>>
      %dma_wait3A_396 = tpu.memref_squeeze %dma_wait3A_395 : memref<1x96x128xf32, #tpu.memory_space<vmem>> -> memref<96x128xf32, #tpu.memory_space<vmem>>
      %dma_wait3A_397 = arith.constant 0 : i32
      %dma_wait3A_398 = arith.constant 0 : i32
      %dma_wait3A_399 = tpu.memref_slice %arg2[%dma_wait3A_397, %dma_wait3A_398] : memref<20480x128xf32, #tpu.memory_space<hbm>> -> memref<96x128xf32, #tpu.memory_space<hbm>>
      %dma_wait3A_400 = tpu.memref_slice %arg12[%dma_wait3A_392] : memref<3x!tpu.dma_semaphore, #tpu.memory_space<semaphore_mem>> -> memref<1x!tpu.dma_semaphore, #tpu.memory_space<semaphore_mem>>
      %dma_wait3A_401 = tpu.memref_squeeze %dma_wait3A_400 : memref<1x!tpu.dma_semaphore, #tpu.memory_space<semaphore_mem>> -> memref<!tpu.dma_semaphore, #tpu.memory_space<semaphore_mem>>
      %dma_wait3A_402 = arith.constant 0 : i32
      %dma_wait3A_403 = arith.constant 0 : i32
      %dma_wait3A_404 = tpu.memref_slice %arg10[%dma_wait3A_391, %dma_wait3A_402, %dma_wait3A_403] : memref<3x96x128xf32, #tpu.memory_space<vmem>> -> memref<1x96x128xf32, #tpu.memory_space<vmem>>
      %dma_wait3A_405 = tpu.memref_squeeze %dma_wait3A_404 : memref<1x96x128xf32, #tpu.memory_space<vmem>> -> memref<96x128xf32, #tpu.memory_space<vmem>>
      %dma_wait3A_406 = arith.constant 0 : i32
      %dma_wait3A_407 = arith.constant 0 : i32
      %dma_wait3A_408 = tpu.memref_slice %arg2[%dma_wait3A_406, %dma_wait3A_407] : memref<20480x128xf32, #tpu.memory_space<hbm>> -> memref<96x128xf32, #tpu.memory_space<hbm>>
      tpu.wait_dma2 semaphore(%dma_wait3A_401 : memref<!tpu.dma_semaphore, #tpu.memory_space<semaphore_mem>>) src(%dma_wait3A_408 : memref<96x128xf32, #tpu.memory_space<hbm>>) dst(%dma_wait3A_405 : memref<96x128xf32, #tpu.memory_space<vmem>>)
      %dma_start3A_409 = arith.constant 2 : i32
      %dma_start3A_410 = arith.constant 2 : i32
      %dma_start3A_411 = arith.constant 2 : i32
      %dma_start3A_412 = arith.constant 0 : i32
      %dma_start3A_413 = arith.constant 0 : i32
      %dma_start3A_414 = tpu.memref_slice %arg10[%dma_start3A_409, %dma_start3A_412, %dma_start3A_413] : memref<3x96x128xf32, #tpu.memory_space<vmem>> -> memref<1x96x128xf32, #tpu.memory_space<vmem>>
      %dma_start3A_415 = tpu.memref_squeeze %dma_start3A_414 : memref<1x96x128xf32, #tpu.memory_space<vmem>> -> memref<96x128xf32, #tpu.memory_space<vmem>>
      %dma_start3A_416 = arith.constant 0 : i32
      %dma_start3A_417 = tpu.memref_slice %arg9[%dma_start3A_410, %dma_start3A_416] : memref<6x96xi32, #tpu.memory_space<vmem>> -> memref<1x96xi32, #tpu.memory_space<vmem>>
      %dma_start3A_418 = tpu.memref_squeeze %dma_start3A_417 : memref<1x96xi32, #tpu.memory_space<vmem>> -> memref<96xi32, #tpu.memory_space<vmem>>
      %dma_start3A_419 = arith.constant 0 : i32
      %dma_start3A_420 = arith.constant 0 : i32
      %dma_start3A_421 = tpu.memref_slice %arg11[%dma_start3A_419, %dma_start3A_420] : memref<10240x128xf32, #tpu.memory_space<vmem_shared>> -> memref<10240x128xf32, #tpu.memory_space<vmem_shared>>
      %dma_start3A_422 = tpu.memref_slice %arg13[%dma_start3A_411] : memref<3x!tpu.dma_semaphore, #tpu.memory_space<semaphore_mem>> -> memref<1x!tpu.dma_semaphore, #tpu.memory_space<semaphore_mem>>
      %dma_start3A_423 = tpu.memref_squeeze %dma_start3A_422 : memref<1x!tpu.dma_semaphore, #tpu.memory_space<semaphore_mem>> -> memref<!tpu.dma_semaphore, #tpu.memory_space<semaphore_mem>>
      tpu.enqueue_indirect_dma source(%dma_start3A_415 : memref<96x128xf32, #tpu.memory_space<vmem>>) target(%dma_start3A_421 : memref<10240x128xf32, #tpu.memory_space<vmem_shared>>) offsets(%dma_start3A_418 : memref<96xi32, #tpu.memory_space<vmem>>) semaphore(%dma_start3A_423 : memref<!tpu.dma_semaphore, #tpu.memory_space<semaphore_mem>>) {add = true}
      %ge3A_424 = arith.constant 1 : i32
      %ge3A_425 = arith.cmpi sge, %add3A_390, %ge3A_424 : i32
      %convert_element_type3A_426 = arith.extui %ge3A_425 : i1 to i32
      %cond3A_427 = arith.constant 0 : i32
      %cond3A_428 = arith.cmpi ne, %convert_element_type3A_426, %cond3A_427 : i32
      scf.if %cond3A_428 {
        %dma_wait3A_707 = arith.constant 1 : i32
        %dma_wait3A_708 = arith.constant 1 : i32
        %dma_wait3A_709 = arith.constant 0 : i32
        %dma_wait3A_710 = arith.constant 0 : i32
        %dma_wait3A_711 = tpu.memref_slice %arg10[%dma_wait3A_707, %dma_wait3A_709, %dma_wait3A_710] : memref<3x96x128xf32, #tpu.memory_space<vmem>> -> memref<1x96x128xf32, #tpu.memory_space<vmem>>
        %dma_wait3A_712 = tpu.memref_squeeze %dma_wait3A_711 : memref<1x96x128xf32, #tpu.memory_space<vmem>> -> memref<96x128xf32, #tpu.memory_space<vmem>>
        %dma_wait3A_713 = arith.constant 0 : i32
        %dma_wait3A_714 = arith.constant 0 : i32
        %dma_wait3A_715 = tpu.memref_slice %arg2[%dma_wait3A_713, %dma_wait3A_714] : memref<20480x128xf32, #tpu.memory_space<hbm>> -> memref<96x128xf32, #tpu.memory_space<hbm>>
        %dma_wait3A_716 = tpu.memref_slice %arg13[%dma_wait3A_708] : memref<3x!tpu.dma_semaphore, #tpu.memory_space<semaphore_mem>> -> memref<1x!tpu.dma_semaphore, #tpu.memory_space<semaphore_mem>>
        %dma_wait3A_717 = tpu.memref_squeeze %dma_wait3A_716 : memref<1x!tpu.dma_semaphore, #tpu.memory_space<semaphore_mem>> -> memref<!tpu.dma_semaphore, #tpu.memory_space<semaphore_mem>>
        %dma_wait3A_718 = arith.constant 0 : i32
        %dma_wait3A_719 = arith.constant 0 : i32
        %dma_wait3A_720 = tpu.memref_slice %arg10[%dma_wait3A_707, %dma_wait3A_718, %dma_wait3A_719] : memref<3x96x128xf32, #tpu.memory_space<vmem>> -> memref<1x96x128xf32, #tpu.memory_space<vmem>>
        %dma_wait3A_721 = tpu.memref_squeeze %dma_wait3A_720 : memref<1x96x128xf32, #tpu.memory_space<vmem>> -> memref<96x128xf32, #tpu.memory_space<vmem>>
        %dma_wait3A_722 = arith.constant 0 : i32
        %dma_wait3A_723 = arith.constant 0 : i32
        %dma_wait3A_724 = tpu.memref_slice %arg2[%dma_wait3A_722, %dma_wait3A_723] : memref<20480x128xf32, #tpu.memory_space<hbm>> -> memref<96x128xf32, #tpu.memory_space<hbm>>
        tpu.wait_dma2 semaphore(%dma_wait3A_717 : memref<!tpu.dma_semaphore, #tpu.memory_space<semaphore_mem>>) src(%dma_wait3A_724 : memref<96x128xf32, #tpu.memory_space<hbm>>) dst(%dma_wait3A_721 : memref<96x128xf32, #tpu.memory_space<vmem>>)
      } else {
      }
      %add3A_429 = arith.constant 2 : i32
      %add3A_430 = arith.addi %add3A_390, %add3A_429 : i32
      %lt3A_431 = arith.constant 210 : i32
      %lt3A_432 = arith.cmpi slt, %add3A_430, %lt3A_431 : i32
      %convert_element_type3A_433 = arith.extui %lt3A_432 : i1 to i32
      %cond3A_434 = arith.constant 0 : i32
      %cond3A_435 = arith.cmpi ne, %convert_element_type3A_433, %cond3A_434 : i32
      scf.if %cond3A_435 {
        %dma_wait3A_707 = arith.constant 0 : i32
        %dma_wait3A_708 = arith.constant 4 : i32
        %dma_wait3A_709 = arith.constant 4 : i32
        %dma_wait3A_710 = arith.constant 0 : i32
        %dma_wait3A_711 = tpu.memref_slice %arg8[%dma_wait3A_708, %dma_wait3A_710] : memref<6x96xi32, #tpu.memory_space<vmem>> -> memref<1x96xi32, #tpu.memory_space<vmem>>
        %dma_wait3A_712 = tpu.memref_squeeze %dma_wait3A_711 : memref<1x96xi32, #tpu.memory_space<vmem>> -> memref<96xi32, #tpu.memory_space<vmem>>
        %dma_wait3A_713 = arith.constant 0 : i32
        %dma_wait3A_714 = tpu.memref_slice %arg3[%arg0, %arg1, %dma_wait3A_707, %dma_wait3A_713] : memref<2x16x210x96xi32, #tpu.memory_space<hbm>> -> memref<1x1x1x96xi32, #tpu.memory_space<hbm>>
        %dma_wait3A_715 = tpu.memref_squeeze %dma_wait3A_714 : memref<1x1x1x96xi32, #tpu.memory_space<hbm>> -> memref<96xi32, #tpu.memory_space<hbm>>
        %dma_wait3A_716 = tpu.memref_slice %arg14[%dma_wait3A_709] : memref<6x!tpu.dma_semaphore, #tpu.memory_space<semaphore_mem>> -> memref<1x!tpu.dma_semaphore, #tpu.memory_space<semaphore_mem>>
        %dma_wait3A_717 = tpu.memref_squeeze %dma_wait3A_716 : memref<1x!tpu.dma_semaphore, #tpu.memory_space<semaphore_mem>> -> memref<!tpu.dma_semaphore, #tpu.memory_space<semaphore_mem>>
        %dma_wait3A_718 = arith.constant 0 : i32
        %dma_wait3A_719 = tpu.memref_slice %arg8[%dma_wait3A_708, %dma_wait3A_718] : memref<6x96xi32, #tpu.memory_space<vmem>> -> memref<1x96xi32, #tpu.memory_space<vmem>>
        %dma_wait3A_720 = tpu.memref_squeeze %dma_wait3A_719 : memref<1x96xi32, #tpu.memory_space<vmem>> -> memref<96xi32, #tpu.memory_space<vmem>>
        %dma_wait3A_721 = arith.constant 0 : i32
        %dma_wait3A_722 = tpu.memref_slice %arg3[%arg0, %arg1, %dma_wait3A_707, %dma_wait3A_721] : memref<2x16x210x96xi32, #tpu.memory_space<hbm>> -> memref<1x1x1x96xi32, #tpu.memory_space<hbm>>
        %dma_wait3A_723 = tpu.memref_squeeze %dma_wait3A_722 : memref<1x1x1x96xi32, #tpu.memory_space<hbm>> -> memref<96xi32, #tpu.memory_space<hbm>>
        tpu.wait_dma2 semaphore(%dma_wait3A_717 : memref<!tpu.dma_semaphore, #tpu.memory_space<semaphore_mem>>) src(%dma_wait3A_723 : memref<96xi32, #tpu.memory_space<hbm>>) dst(%dma_wait3A_720 : memref<96xi32, #tpu.memory_space<vmem>>)
        %dma_wait3A_724 = arith.constant 0 : i32
        %dma_wait3A_725 = arith.constant 4 : i32
        %dma_wait3A_726 = arith.constant 4 : i32
        %dma_wait3A_727 = arith.constant 0 : i32
        %dma_wait3A_728 = tpu.memref_slice %arg9[%dma_wait3A_725, %dma_wait3A_727] : memref<6x96xi32, #tpu.memory_space<vmem>> -> memref<1x96xi32, #tpu.memory_space<vmem>>
        %dma_wait3A_729 = tpu.memref_squeeze %dma_wait3A_728 : memref<1x96xi32, #tpu.memory_space<vmem>> -> memref<96xi32, #tpu.memory_space<vmem>>
        %dma_wait3A_730 = arith.constant 0 : i32
        %dma_wait3A_731 = tpu.memref_slice %arg4[%arg0, %arg1, %dma_wait3A_724, %dma_wait3A_730] : memref<2x16x210x96xi32, #tpu.memory_space<hbm>> -> memref<1x1x1x96xi32, #tpu.memory_space<hbm>>
        %dma_wait3A_732 = tpu.memref_squeeze %dma_wait3A_731 : memref<1x1x1x96xi32, #tpu.memory_space<hbm>> -> memref<96xi32, #tpu.memory_space<hbm>>
        %dma_wait3A_733 = tpu.memref_slice %arg14[%dma_wait3A_726] : memref<6x!tpu.dma_semaphore, #tpu.memory_space<semaphore_mem>> -> memref<1x!tpu.dma_semaphore, #tpu.memory_space<semaphore_mem>>
        %dma_wait3A_734 = tpu.memref_squeeze %dma_wait3A_733 : memref<1x!tpu.dma_semaphore, #tpu.memory_space<semaphore_mem>> -> memref<!tpu.dma_semaphore, #tpu.memory_space<semaphore_mem>>
        %dma_wait3A_735 = arith.constant 0 : i32
        %dma_wait3A_736 = tpu.memref_slice %arg9[%dma_wait3A_725, %dma_wait3A_735] : memref<6x96xi32, #tpu.memory_space<vmem>> -> memref<1x96xi32, #tpu.memory_space<vmem>>
        %dma_wait3A_737 = tpu.memref_squeeze %dma_wait3A_736 : memref<1x96xi32, #tpu.memory_space<vmem>> -> memref<96xi32, #tpu.memory_space<vmem>>
        %dma_wait3A_738 = arith.constant 0 : i32
        %dma_wait3A_739 = tpu.memref_slice %arg4[%arg0, %arg1, %dma_wait3A_724, %dma_wait3A_738] : memref<2x16x210x96xi32, #tpu.memory_space<hbm>> -> memref<1x1x1x96xi32, #tpu.memory_space<hbm>>
        %dma_wait3A_740 = tpu.memref_squeeze %dma_wait3A_739 : memref<1x1x1x96xi32, #tpu.memory_space<hbm>> -> memref<96xi32, #tpu.memory_space<hbm>>
        tpu.wait_dma2 semaphore(%dma_wait3A_734 : memref<!tpu.dma_semaphore, #tpu.memory_space<semaphore_mem>>) src(%dma_wait3A_740 : memref<96xi32, #tpu.memory_space<hbm>>) dst(%dma_wait3A_737 : memref<96xi32, #tpu.memory_space<vmem>>)
        %dma_start3A_741 = arith.constant 4 : i32
        %dma_start3A_742 = arith.constant 1 : i32
        %dma_start3A_743 = arith.constant 1 : i32
        %dma_start3A_744 = arith.constant 0 : i32
        %dma_start3A_745 = arith.constant 0 : i32
        %dma_start3A_746 = tpu.memref_slice %arg10[%dma_start3A_742, %dma_start3A_744, %dma_start3A_745] : memref<3x96x128xf32, #tpu.memory_space<vmem>> -> memref<1x96x128xf32, #tpu.memory_space<vmem>>
        %dma_start3A_747 = tpu.memref_squeeze %dma_start3A_746 : memref<1x96x128xf32, #tpu.memory_space<vmem>> -> memref<96x128xf32, #tpu.memory_space<vmem>>
        %dma_start3A_748 = arith.constant 0 : i32
        %dma_start3A_749 = tpu.memref_slice %arg8[%dma_start3A_741, %dma_start3A_748] : memref<6x96xi32, #tpu.memory_space<vmem>> -> memref<1x96xi32, #tpu.memory_space<vmem>>
        %dma_start3A_750 = tpu.memref_squeeze %dma_start3A_749 : memref<1x96xi32, #tpu.memory_space<vmem>> -> memref<96xi32, #tpu.memory_space<vmem>>
        %dma_start3A_751 = arith.constant 0 : i32
        %dma_start3A_752 = arith.constant 0 : i32
        %dma_start3A_753 = tpu.memref_slice %arg2[%dma_start3A_751, %dma_start3A_752] : memref<20480x128xf32, #tpu.memory_space<hbm>> -> memref<20480x128xf32, #tpu.memory_space<hbm>>
        %dma_start3A_754 = tpu.memref_slice %arg12[%dma_start3A_743] : memref<3x!tpu.dma_semaphore, #tpu.memory_space<semaphore_mem>> -> memref<1x!tpu.dma_semaphore, #tpu.memory_space<semaphore_mem>>
        %dma_start3A_755 = tpu.memref_squeeze %dma_start3A_754 : memref<1x!tpu.dma_semaphore, #tpu.memory_space<semaphore_mem>> -> memref<!tpu.dma_semaphore, #tpu.memory_space<semaphore_mem>>
        tpu.enqueue_indirect_dma source(%dma_start3A_753 : memref<20480x128xf32, #tpu.memory_space<hbm>>) target(%dma_start3A_747 : memref<96x128xf32, #tpu.memory_space<vmem>>) offsets(%dma_start3A_750 : memref<96xi32, #tpu.memory_space<vmem>>) semaphore(%dma_start3A_755 : memref<!tpu.dma_semaphore, #tpu.memory_space<semaphore_mem>>)
      } else {
      }
      %add3A_436 = arith.constant 3 : i32
      %add3A_437 = arith.addi %add3A_390, %add3A_436 : i32
      %lt3A_438 = arith.constant 210 : i32
      %lt3A_439 = arith.cmpi slt, %add3A_437, %lt3A_438 : i32
      %convert_element_type3A_440 = arith.extui %lt3A_439 : i1 to i32
      %cond3A_441 = arith.constant 0 : i32
      %cond3A_442 = arith.cmpi ne, %convert_element_type3A_440, %cond3A_441 : i32
      scf.if %cond3A_442 {
        %add3A_707 = arith.constant 3 : i32
        %add3A_708 = arith.addi %add3A_390, %add3A_707 : i32
        %dma_start3A_709 = arith.constant 5 : i32
        %dma_start3A_710 = arith.constant 5 : i32
        %dma_start3A_711 = arith.constant 0 : i32
        %dma_start3A_712 = tpu.memref_slice %arg8[%dma_start3A_709, %dma_start3A_711] : memref<6x96xi32, #tpu.memory_space<vmem>> -> memref<1x96xi32, #tpu.memory_space<vmem>>
        %dma_start3A_713 = tpu.memref_squeeze %dma_start3A_712 : memref<1x96xi32, #tpu.memory_space<vmem>> -> memref<96xi32, #tpu.memory_space<vmem>>
        %dma_start3A_714 = arith.constant 0 : i32
        %dma_start3A_715 = tpu.memref_slice %arg3[%arg0, %arg1, %add3A_708, %dma_start3A_714] : memref<2x16x210x96xi32, #tpu.memory_space<hbm>> -> memref<1x1x1x96xi32, #tpu.memory_space<hbm>>
        %dma_start3A_716 = tpu.memref_squeeze %dma_start3A_715 : memref<1x1x1x96xi32, #tpu.memory_space<hbm>> -> memref<96xi32, #tpu.memory_space<hbm>>
        %dma_start3A_717 = tpu.memref_slice %arg14[%dma_start3A_710] : memref<6x!tpu.dma_semaphore, #tpu.memory_space<semaphore_mem>> -> memref<1x!tpu.dma_semaphore, #tpu.memory_space<semaphore_mem>>
        %dma_start3A_718 = tpu.memref_squeeze %dma_start3A_717 : memref<1x!tpu.dma_semaphore, #tpu.memory_space<semaphore_mem>> -> memref<!tpu.dma_semaphore, #tpu.memory_space<semaphore_mem>>
        %dma_start3A_719 = arith.constant 0 : i32
        %dma_start3A_720 = tpu.memref_slice %arg8[%dma_start3A_709, %dma_start3A_719] : memref<6x96xi32, #tpu.memory_space<vmem>> -> memref<1x96xi32, #tpu.memory_space<vmem>>
        %dma_start3A_721 = tpu.memref_squeeze %dma_start3A_720 : memref<1x96xi32, #tpu.memory_space<vmem>> -> memref<96xi32, #tpu.memory_space<vmem>>
        %dma_start3A_722 = arith.constant 0 : i32
        %dma_start3A_723 = tpu.memref_slice %arg3[%arg0, %arg1, %add3A_708, %dma_start3A_722] : memref<2x16x210x96xi32, #tpu.memory_space<hbm>> -> memref<1x1x1x96xi32, #tpu.memory_space<hbm>>
        %dma_start3A_724 = tpu.memref_squeeze %dma_start3A_723 : memref<1x1x1x96xi32, #tpu.memory_space<hbm>> -> memref<96xi32, #tpu.memory_space<hbm>>
        tpu.enqueue_dma source(%dma_start3A_724 : memref<96xi32, #tpu.memory_space<hbm>>) target(%dma_start3A_721 : memref<96xi32, #tpu.memory_space<vmem>>) target_semaphore(%dma_start3A_718 : memref<!tpu.dma_semaphore, #tpu.memory_space<semaphore_mem>>)
        %dma_start3A_725 = arith.constant 5 : i32
        %dma_start3A_726 = arith.constant 5 : i32
        %dma_start3A_727 = arith.constant 0 : i32
        %dma_start3A_728 = tpu.memref_slice %arg9[%dma_start3A_725, %dma_start3A_727] : memref<6x96xi32, #tpu.memory_space<vmem>> -> memref<1x96xi32, #tpu.memory_space<vmem>>
        %dma_start3A_729 = tpu.memref_squeeze %dma_start3A_728 : memref<1x96xi32, #tpu.memory_space<vmem>> -> memref<96xi32, #tpu.memory_space<vmem>>
        %dma_start3A_730 = arith.constant 0 : i32
        %dma_start3A_731 = tpu.memref_slice %arg4[%arg0, %arg1, %add3A_708, %dma_start3A_730] : memref<2x16x210x96xi32, #tpu.memory_space<hbm>> -> memref<1x1x1x96xi32, #tpu.memory_space<hbm>>
        %dma_start3A_732 = tpu.memref_squeeze %dma_start3A_731 : memref<1x1x1x96xi32, #tpu.memory_space<hbm>> -> memref<96xi32, #tpu.memory_space<hbm>>
        %dma_start3A_733 = tpu.memref_slice %arg14[%dma_start3A_726] : memref<6x!tpu.dma_semaphore, #tpu.memory_space<semaphore_mem>> -> memref<1x!tpu.dma_semaphore, #tpu.memory_space<semaphore_mem>>
        %dma_start3A_734 = tpu.memref_squeeze %dma_start3A_733 : memref<1x!tpu.dma_semaphore, #tpu.memory_space<semaphore_mem>> -> memref<!tpu.dma_semaphore, #tpu.memory_space<semaphore_mem>>
        %dma_start3A_735 = arith.constant 0 : i32
        %dma_start3A_736 = tpu.memref_slice %arg9[%dma_start3A_725, %dma_start3A_735] : memref<6x96xi32, #tpu.memory_space<vmem>> -> memref<1x96xi32, #tpu.memory_space<vmem>>
        %dma_start3A_737 = tpu.memref_squeeze %dma_start3A_736 : memref<1x96xi32, #tpu.memory_space<vmem>> -> memref<96xi32, #tpu.memory_space<vmem>>
        %dma_start3A_738 = arith.constant 0 : i32
        %dma_start3A_739 = tpu.memref_slice %arg4[%arg0, %arg1, %add3A_708, %dma_start3A_738] : memref<2x16x210x96xi32, #tpu.memory_space<hbm>> -> memref<1x1x1x96xi32, #tpu.memory_space<hbm>>
        %dma_start3A_740 = tpu.memref_squeeze %dma_start3A_739 : memref<1x1x1x96xi32, #tpu.memory_space<hbm>> -> memref<96xi32, #tpu.memory_space<hbm>>
        tpu.enqueue_dma source(%dma_start3A_740 : memref<96xi32, #tpu.memory_space<hbm>>) target(%dma_start3A_737 : memref<96xi32, #tpu.memory_space<vmem>>) target_semaphore(%dma_start3A_734 : memref<!tpu.dma_semaphore, #tpu.memory_space<semaphore_mem>>)
      } else {
      }
      %get3A_443 = arith.constant 2 : i32
      %get3A_444 = arith.index_cast %get3A_443 : i32 to index
      %get3A_445 = arith.constant 0 : index
      %get3A_446 = tpu.vector_load %arg9[%get3A_444, %get3A_445] {strides = array<i32>} : memref<6x96xi32, #tpu.memory_space<vmem>>, vector<16xi32>,
      tpu.vector_store_idx %arg15[%get3A_446], %broadcast_in_dim3A_206 {add = true} : memref<10240xf32, #tpu.memory_space<vmem>>[vector<16xi32>], vector<16xf32>,
      %get3A_447 = arith.constant 2 : i32
      %get3A_448 = arith.index_cast %get3A_447 : i32 to index
      %get3A_449 = arith.constant 16 : index
      %get3A_450 = tpu.vector_load %arg9[%get3A_448, %get3A_449] {strides = array<i32>} : memref<6x96xi32, #tpu.memory_space<vmem>>, vector<16xi32>,
      tpu.vector_store_idx %arg15[%get3A_450], %broadcast_in_dim3A_206 {add = true} : memref<10240xf32, #tpu.memory_space<vmem>>[vector<16xi32>], vector<16xf32>,
      %get3A_451 = arith.constant 2 : i32
      %get3A_452 = arith.index_cast %get3A_451 : i32 to index
      %get3A_453 = arith.constant 32 : index
      %get3A_454 = tpu.vector_load %arg9[%get3A_452, %get3A_453] {strides = array<i32>} : memref<6x96xi32, #tpu.memory_space<vmem>>, vector<16xi32>,
      tpu.vector_store_idx %arg15[%get3A_454], %broadcast_in_dim3A_206 {add = true} : memref<10240xf32, #tpu.memory_space<vmem>>[vector<16xi32>], vector<16xf32>,
      %get3A_455 = arith.constant 2 : i32
      %get3A_456 = arith.index_cast %get3A_455 : i32 to index
      %get3A_457 = arith.constant 48 : index
      %get3A_458 = tpu.vector_load %arg9[%get3A_456, %get3A_457] {strides = array<i32>} : memref<6x96xi32, #tpu.memory_space<vmem>>, vector<16xi32>,
      tpu.vector_store_idx %arg15[%get3A_458], %broadcast_in_dim3A_206 {add = true} : memref<10240xf32, #tpu.memory_space<vmem>>[vector<16xi32>], vector<16xf32>,
      %get3A_459 = arith.constant 2 : i32
      %get3A_460 = arith.index_cast %get3A_459 : i32 to index
      %get3A_461 = arith.constant 64 : index
      %get3A_462 = tpu.vector_load %arg9[%get3A_460, %get3A_461] {strides = array<i32>} : memref<6x96xi32, #tpu.memory_space<vmem>>, vector<16xi32>,
      tpu.vector_store_idx %arg15[%get3A_462], %broadcast_in_dim3A_206 {add = true} : memref<10240xf32, #tpu.memory_space<vmem>>[vector<16xi32>], vector<16xf32>,
      %get3A_463 = arith.constant 2 : i32
      %get3A_464 = arith.index_cast %get3A_463 : i32 to index
      %get3A_465 = arith.constant 80 : index
      %get3A_466 = tpu.vector_load %arg9[%get3A_464, %get3A_465] {strides = array<i32>} : memref<6x96xi32, #tpu.memory_space<vmem>>, vector<16xi32>,
      tpu.vector_store_idx %arg15[%get3A_466], %broadcast_in_dim3A_206 {add = true} : memref<10240xf32, #tpu.memory_space<vmem>>[vector<16xi32>], vector<16xf32>,
      %mul3A_467 = arith.constant 6 : i32
      %mul3A_468 = arith.muli %mul3A_467, %scan3A_232 : i32
      %add3A_469 = arith.constant 3 : i32
      %add3A_470 = arith.addi %mul3A_468, %add3A_469 : i32
      %dma_wait3A_471 = arith.constant 0 : i32
      %dma_wait3A_472 = arith.constant 0 : i32
      %dma_wait3A_473 = arith.constant 0 : i32
      %dma_wait3A_474 = arith.constant 0 : i32
      %dma_wait3A_475 = tpu.memref_slice %arg10[%dma_wait3A_471, %dma_wait3A_473, %dma_wait3A_474] : memref<3x96x128xf32, #tpu.memory_space<vmem>> -> memref<1x96x128xf32, #tpu.memory_space<vmem>>
      %dma_wait3A_476 = tpu.memref_squeeze %dma_wait3A_475 : memref<1x96x128xf32, #tpu.memory_space<vmem>> -> memref<96x128xf32, #tpu.memory_space<vmem>>
      %dma_wait3A_477 = arith.constant 0 : i32
      %dma_wait3A_478 = arith.constant 0 : i32
      %dma_wait3A_479 = tpu.memref_slice %arg2[%dma_wait3A_477, %dma_wait3A_478] : memref<20480x128xf32, #tpu.memory_space<hbm>> -> memref<96x128xf32, #tpu.memory_space<hbm>>
      %dma_wait3A_480 = tpu.memref_slice %arg12[%dma_wait3A_472] : memref<3x!tpu.dma_semaphore, #tpu.memory_space<semaphore_mem>> -> memref<1x!tpu.dma_semaphore, #tpu.memory_space<semaphore_mem>>
      %dma_wait3A_481 = tpu.memref_squeeze %dma_wait3A_480 : memref<1x!tpu.dma_semaphore, #tpu.memory_space<semaphore_mem>> -> memref<!tpu.dma_semaphore, #tpu.memory_space<semaphore_mem>>
      %dma_wait3A_482 = arith.constant 0 : i32
      %dma_wait3A_483 = arith.constant 0 : i32
      %dma_wait3A_484 = tpu.memref_slice %arg10[%dma_wait3A_471, %dma_wait3A_482, %dma_wait3A_483] : memref<3x96x128xf32, #tpu.memory_space<vmem>> -> memref<1x96x128xf32, #tpu.memory_space<vmem>>
      %dma_wait3A_485 = tpu.memref_squeeze %dma_wait3A_484 : memref<1x96x128xf32, #tpu.memory_space<vmem>> -> memref<96x128xf32, #tpu.memory_space<vmem>>
      %dma_wait3A_486 = arith.constant 0 : i32
      %dma_wait3A_487 = arith.constant 0 : i32
      %dma_wait3A_488 = tpu.memref_slice %arg2[%dma_wait3A_486, %dma_wait3A_487] : memref<20480x128xf32, #tpu.memory_space<hbm>> -> memref<96x128xf32, #tpu.memory_space<hbm>>
      tpu.wait_dma2 semaphore(%dma_wait3A_481 : memref<!tpu.dma_semaphore, #tpu.memory_space<semaphore_mem>>) src(%dma_wait3A_488 : memref<96x128xf32, #tpu.memory_space<hbm>>) dst(%dma_wait3A_485 : memref<96x128xf32, #tpu.memory_space<vmem>>)
      %dma_start3A_489 = arith.constant 0 : i32
      %dma_start3A_490 = arith.constant 3 : i32
      %dma_start3A_491 = arith.constant 0 : i32
      %dma_start3A_492 = arith.constant 0 : i32
      %dma_start3A_493 = arith.constant 0 : i32
      %dma_start3A_494 = tpu.memref_slice %arg10[%dma_start3A_489, %dma_start3A_492, %dma_start3A_493] : memref<3x96x128xf32, #tpu.memory_space<vmem>> -> memref<1x96x128xf32, #tpu.memory_space<vmem>>
      %dma_start3A_495 = tpu.memref_squeeze %dma_start3A_494 : memref<1x96x128xf32, #tpu.memory_space<vmem>> -> memref<96x128xf32, #tpu.memory_space<vmem>>
      %dma_start3A_496 = arith.constant 0 : i32
      %dma_start3A_497 = tpu.memref_slice %arg9[%dma_start3A_490, %dma_start3A_496] : memref<6x96xi32, #tpu.memory_space<vmem>> -> memref<1x96xi32, #tpu.memory_space<vmem>>
      %dma_start3A_498 = tpu.memref_squeeze %dma_start3A_497 : memref<1x96xi32, #tpu.memory_space<vmem>> -> memref<96xi32, #tpu.memory_space<vmem>>
      %dma_start3A_499 = arith.constant 0 : i32
      %dma_start3A_500 = arith.constant 0 : i32
      %dma_start3A_501 = tpu.memref_slice %arg11[%dma_start3A_499, %dma_start3A_500] : memref<10240x128xf32, #tpu.memory_space<vmem_shared>> -> memref<10240x128xf32, #tpu.memory_space<vmem_shared>>
      %dma_start3A_502 = tpu.memref_slice %arg13[%dma_start3A_491] : memref<3x!tpu.dma_semaphore, #tpu.memory_space<semaphore_mem>> -> memref<1x!tpu.dma_semaphore, #tpu.memory_space<semaphore_mem>>
      %dma_start3A_503 = tpu.memref_squeeze %dma_start3A_502 : memref<1x!tpu.dma_semaphore, #tpu.memory_space<semaphore_mem>> -> memref<!tpu.dma_semaphore, #tpu.memory_space<semaphore_mem>>
      tpu.enqueue_indirect_dma source(%dma_start3A_495 : memref<96x128xf32, #tpu.memory_space<vmem>>) target(%dma_start3A_501 : memref<10240x128xf32, #tpu.memory_space<vmem_shared>>) offsets(%dma_start3A_498 : memref<96xi32, #tpu.memory_space<vmem>>) semaphore(%dma_start3A_503 : memref<!tpu.dma_semaphore, #tpu.memory_space<semaphore_mem>>) {add = true}
      %ge3A_504 = arith.constant 1 : i32
      %ge3A_505 = arith.cmpi sge, %add3A_470, %ge3A_504 : i32
      %convert_element_type3A_506 = arith.extui %ge3A_505 : i1 to i32
      %cond3A_507 = arith.constant 0 : i32
      %cond3A_508 = arith.cmpi ne, %convert_element_type3A_506, %cond3A_507 : i32
      scf.if %cond3A_508 {
        %dma_wait3A_707 = arith.constant 2 : i32
        %dma_wait3A_708 = arith.constant 2 : i32
        %dma_wait3A_709 = arith.constant 0 : i32
        %dma_wait3A_710 = arith.constant 0 : i32
        %dma_wait3A_711 = tpu.memref_slice %arg10[%dma_wait3A_707, %dma_wait3A_709, %dma_wait3A_710] : memref<3x96x128xf32, #tpu.memory_space<vmem>> -> memref<1x96x128xf32, #tpu.memory_space<vmem>>
        %dma_wait3A_712 = tpu.memref_squeeze %dma_wait3A_711 : memref<1x96x128xf32, #tpu.memory_space<vmem>> -> memref<96x128xf32, #tpu.memory_space<vmem>>
        %dma_wait3A_713 = arith.constant 0 : i32
        %dma_wait3A_714 = arith.constant 0 : i32
        %dma_wait3A_715 = tpu.memref_slice %arg2[%dma_wait3A_713, %dma_wait3A_714] : memref<20480x128xf32, #tpu.memory_space<hbm>> -> memref<96x128xf32, #tpu.memory_space<hbm>>
        %dma_wait3A_716 = tpu.memref_slice %arg13[%dma_wait3A_708] : memref<3x!tpu.dma_semaphore, #tpu.memory_space<semaphore_mem>> -> memref<1x!tpu.dma_semaphore, #tpu.memory_space<semaphore_mem>>
        %dma_wait3A_717 = tpu.memref_squeeze %dma_wait3A_716 : memref<1x!tpu.dma_semaphore, #tpu.memory_space<semaphore_mem>> -> memref<!tpu.dma_semaphore, #tpu.memory_space<semaphore_mem>>
        %dma_wait3A_718 = arith.constant 0 : i32
        %dma_wait3A_719 = arith.constant 0 : i32
        %dma_wait3A_720 = tpu.memref_slice %arg10[%dma_wait3A_707, %dma_wait3A_718, %dma_wait3A_719] : memref<3x96x128xf32, #tpu.memory_space<vmem>> -> memref<1x96x128xf32, #tpu.memory_space<vmem>>
        %dma_wait3A_721 = tpu.memref_squeeze %dma_wait3A_720 : memref<1x96x128xf32, #tpu.memory_space<vmem>> -> memref<96x128xf32, #tpu.memory_space<vmem>>
        %dma_wait3A_722 = arith.constant 0 : i32
        %dma_wait3A_723 = arith.constant 0 : i32
        %dma_wait3A_724 = tpu.memref_slice %arg2[%dma_wait3A_722, %dma_wait3A_723] : memref<20480x128xf32, #tpu.memory_space<hbm>> -> memref<96x128xf32, #tpu.memory_space<hbm>>
        tpu.wait_dma2 semaphore(%dma_wait3A_717 : memref<!tpu.dma_semaphore, #tpu.memory_space<semaphore_mem>>) src(%dma_wait3A_724 : memref<96x128xf32, #tpu.memory_space<hbm>>) dst(%dma_wait3A_721 : memref<96x128xf32, #tpu.memory_space<vmem>>)
      } else {
      }
      %add3A_509 = arith.constant 2 : i32
      %add3A_510 = arith.addi %add3A_470, %add3A_509 : i32
      %lt3A_511 = arith.constant 210 : i32
      %lt3A_512 = arith.cmpi slt, %add3A_510, %lt3A_511 : i32
      %convert_element_type3A_513 = arith.extui %lt3A_512 : i1 to i32
      %cond3A_514 = arith.constant 0 : i32
      %cond3A_515 = arith.cmpi ne, %convert_element_type3A_513, %cond3A_514 : i32
      scf.if %cond3A_515 {
        %dma_wait3A_707 = arith.constant 0 : i32
        %dma_wait3A_708 = arith.constant 5 : i32
        %dma_wait3A_709 = arith.constant 5 : i32
        %dma_wait3A_710 = arith.constant 0 : i32
        %dma_wait3A_711 = tpu.memref_slice %arg8[%dma_wait3A_708, %dma_wait3A_710] : memref<6x96xi32, #tpu.memory_space<vmem>> -> memref<1x96xi32, #tpu.memory_space<vmem>>
        %dma_wait3A_712 = tpu.memref_squeeze %dma_wait3A_711 : memref<1x96xi32, #tpu.memory_space<vmem>> -> memref<96xi32, #tpu.memory_space<vmem>>
        %dma_wait3A_713 = arith.constant 0 : i32
        %dma_wait3A_714 = tpu.memref_slice %arg3[%arg0, %arg1, %dma_wait3A_707, %dma_wait3A_713] : memref<2x16x210x96xi32, #tpu.memory_space<hbm>> -> memref<1x1x1x96xi32, #tpu.memory_space<hbm>>
        %dma_wait3A_715 = tpu.memref_squeeze %dma_wait3A_714 : memref<1x1x1x96xi32, #tpu.memory_space<hbm>> -> memref<96xi32, #tpu.memory_space<hbm>>
        %dma_wait3A_716 = tpu.memref_slice %arg14[%dma_wait3A_709] : memref<6x!tpu.dma_semaphore, #tpu.memory_space<semaphore_mem>> -> memref<1x!tpu.dma_semaphore, #tpu.memory_space<semaphore_mem>>
        %dma_wait3A_717 = tpu.memref_squeeze %dma_wait3A_716 : memref<1x!tpu.dma_semaphore, #tpu.memory_space<semaphore_mem>> -> memref<!tpu.dma_semaphore, #tpu.memory_space<semaphore_mem>>
        %dma_wait3A_718 = arith.constant 0 : i32
        %dma_wait3A_719 = tpu.memref_slice %arg8[%dma_wait3A_708, %dma_wait3A_718] : memref<6x96xi32, #tpu.memory_space<vmem>> -> memref<1x96xi32, #tpu.memory_space<vmem>>
        %dma_wait3A_720 = tpu.memref_squeeze %dma_wait3A_719 : memref<1x96xi32, #tpu.memory_space<vmem>> -> memref<96xi32, #tpu.memory_space<vmem>>
        %dma_wait3A_721 = arith.constant 0 : i32
        %dma_wait3A_722 = tpu.memref_slice %arg3[%arg0, %arg1, %dma_wait3A_707, %dma_wait3A_721] : memref<2x16x210x96xi32, #tpu.memory_space<hbm>> -> memref<1x1x1x96xi32, #tpu.memory_space<hbm>>
        %dma_wait3A_723 = tpu.memref_squeeze %dma_wait3A_722 : memref<1x1x1x96xi32, #tpu.memory_space<hbm>> -> memref<96xi32, #tpu.memory_space<hbm>>
        tpu.wait_dma2 semaphore(%dma_wait3A_717 : memref<!tpu.dma_semaphore, #tpu.memory_space<semaphore_mem>>) src(%dma_wait3A_723 : memref<96xi32, #tpu.memory_space<hbm>>) dst(%dma_wait3A_720 : memref<96xi32, #tpu.memory_space<vmem>>)
        %dma_wait3A_724 = arith.constant 0 : i32
        %dma_wait3A_725 = arith.constant 5 : i32
        %dma_wait3A_726 = arith.constant 5 : i32
        %dma_wait3A_727 = arith.constant 0 : i32
        %dma_wait3A_728 = tpu.memref_slice %arg9[%dma_wait3A_725, %dma_wait3A_727] : memref<6x96xi32, #tpu.memory_space<vmem>> -> memref<1x96xi32, #tpu.memory_space<vmem>>
        %dma_wait3A_729 = tpu.memref_squeeze %dma_wait3A_728 : memref<1x96xi32, #tpu.memory_space<vmem>> -> memref<96xi32, #tpu.memory_space<vmem>>
        %dma_wait3A_730 = arith.constant 0 : i32
        %dma_wait3A_731 = tpu.memref_slice %arg4[%arg0, %arg1, %dma_wait3A_724, %dma_wait3A_730] : memref<2x16x210x96xi32, #tpu.memory_space<hbm>> -> memref<1x1x1x96xi32, #tpu.memory_space<hbm>>
        %dma_wait3A_732 = tpu.memref_squeeze %dma_wait3A_731 : memref<1x1x1x96xi32, #tpu.memory_space<hbm>> -> memref<96xi32, #tpu.memory_space<hbm>>
        %dma_wait3A_733 = tpu.memref_slice %arg14[%dma_wait3A_726] : memref<6x!tpu.dma_semaphore, #tpu.memory_space<semaphore_mem>> -> memref<1x!tpu.dma_semaphore, #tpu.memory_space<semaphore_mem>>
        %dma_wait3A_734 = tpu.memref_squeeze %dma_wait3A_733 : memref<1x!tpu.dma_semaphore, #tpu.memory_space<semaphore_mem>> -> memref<!tpu.dma_semaphore, #tpu.memory_space<semaphore_mem>>
        %dma_wait3A_735 = arith.constant 0 : i32
        %dma_wait3A_736 = tpu.memref_slice %arg9[%dma_wait3A_725, %dma_wait3A_735] : memref<6x96xi32, #tpu.memory_space<vmem>> -> memref<1x96xi32, #tpu.memory_space<vmem>>
        %dma_wait3A_737 = tpu.memref_squeeze %dma_wait3A_736 : memref<1x96xi32, #tpu.memory_space<vmem>> -> memref<96xi32, #tpu.memory_space<vmem>>
        %dma_wait3A_738 = arith.constant 0 : i32
        %dma_wait3A_739 = tpu.memref_slice %arg4[%arg0, %arg1, %dma_wait3A_724, %dma_wait3A_738] : memref<2x16x210x96xi32, #tpu.memory_space<hbm>> -> memref<1x1x1x96xi32, #tpu.memory_space<hbm>>
        %dma_wait3A_740 = tpu.memref_squeeze %dma_wait3A_739 : memref<1x1x1x96xi32, #tpu.memory_space<hbm>> -> memref<96xi32, #tpu.memory_space<hbm>>
        tpu.wait_dma2 semaphore(%dma_wait3A_734 : memref<!tpu.dma_semaphore, #tpu.memory_space<semaphore_mem>>) src(%dma_wait3A_740 : memref<96xi32, #tpu.memory_space<hbm>>) dst(%dma_wait3A_737 : memref<96xi32, #tpu.memory_space<vmem>>)
        %dma_start3A_741 = arith.constant 5 : i32
        %dma_start3A_742 = arith.constant 2 : i32
        %dma_start3A_743 = arith.constant 2 : i32
        %dma_start3A_744 = arith.constant 0 : i32
        %dma_start3A_745 = arith.constant 0 : i32
        %dma_start3A_746 = tpu.memref_slice %arg10[%dma_start3A_742, %dma_start3A_744, %dma_start3A_745] : memref<3x96x128xf32, #tpu.memory_space<vmem>> -> memref<1x96x128xf32, #tpu.memory_space<vmem>>
        %dma_start3A_747 = tpu.memref_squeeze %dma_start3A_746 : memref<1x96x128xf32, #tpu.memory_space<vmem>> -> memref<96x128xf32, #tpu.memory_space<vmem>>
        %dma_start3A_748 = arith.constant 0 : i32
        %dma_start3A_749 = tpu.memref_slice %arg8[%dma_start3A_741, %dma_start3A_748] : memref<6x96xi32, #tpu.memory_space<vmem>> -> memref<1x96xi32, #tpu.memory_space<vmem>>
        %dma_start3A_750 = tpu.memref_squeeze %dma_start3A_749 : memref<1x96xi32, #tpu.memory_space<vmem>> -> memref<96xi32, #tpu.memory_space<vmem>>
        %dma_start3A_751 = arith.constant 0 : i32
        %dma_start3A_752 = arith.constant 0 : i32
        %dma_start3A_753 = tpu.memref_slice %arg2[%dma_start3A_751, %dma_start3A_752] : memref<20480x128xf32, #tpu.memory_space<hbm>> -> memref<20480x128xf32, #tpu.memory_space<hbm>>
        %dma_start3A_754 = tpu.memref_slice %arg12[%dma_start3A_743] : memref<3x!tpu.dma_semaphore, #tpu.memory_space<semaphore_mem>> -> memref<1x!tpu.dma_semaphore, #tpu.memory_space<semaphore_mem>>
        %dma_start3A_755 = tpu.memref_squeeze %dma_start3A_754 : memref<1x!tpu.dma_semaphore, #tpu.memory_space<semaphore_mem>> -> memref<!tpu.dma_semaphore, #tpu.memory_space<semaphore_mem>>
        tpu.enqueue_indirect_dma source(%dma_start3A_753 : memref<20480x128xf32, #tpu.memory_space<hbm>>) target(%dma_start3A_747 : memref<96x128xf32, #tpu.memory_space<vmem>>) offsets(%dma_start3A_750 : memref<96xi32, #tpu.memory_space<vmem>>) semaphore(%dma_start3A_755 : memref<!tpu.dma_semaphore, #tpu.memory_space<semaphore_mem>>)
      } else {
      }
      %add3A_516 = arith.constant 3 : i32
      %add3A_517 = arith.addi %add3A_470, %add3A_516 : i32
      %lt3A_518 = arith.constant 210 : i32
      %lt3A_519 = arith.cmpi slt, %add3A_517, %lt3A_518 : i32
      %convert_element_type3A_520 = arith.extui %lt3A_519 : i1 to i32
      %cond3A_521 = arith.constant 0 : i32
      %cond3A_522 = arith.cmpi ne, %convert_element_type3A_520, %cond3A_521 : i32
      scf.if %cond3A_522 {
        %add3A_707 = arith.constant 3 : i32
        %add3A_708 = arith.addi %add3A_470, %add3A_707 : i32
        %dma_start3A_709 = arith.constant 0 : i32
        %dma_start3A_710 = arith.constant 0 : i32
        %dma_start3A_711 = arith.constant 0 : i32
        %dma_start3A_712 = tpu.memref_slice %arg8[%dma_start3A_709, %dma_start3A_711] : memref<6x96xi32, #tpu.memory_space<vmem>> -> memref<1x96xi32, #tpu.memory_space<vmem>>
        %dma_start3A_713 = tpu.memref_squeeze %dma_start3A_712 : memref<1x96xi32, #tpu.memory_space<vmem>> -> memref<96xi32, #tpu.memory_space<vmem>>
        %dma_start3A_714 = arith.constant 0 : i32
        %dma_start3A_715 = tpu.memref_slice %arg3[%arg0, %arg1, %add3A_708, %dma_start3A_714] : memref<2x16x210x96xi32, #tpu.memory_space<hbm>> -> memref<1x1x1x96xi32, #tpu.memory_space<hbm>>
        %dma_start3A_716 = tpu.memref_squeeze %dma_start3A_715 : memref<1x1x1x96xi32, #tpu.memory_space<hbm>> -> memref<96xi32, #tpu.memory_space<hbm>>
        %dma_start3A_717 = tpu.memref_slice %arg14[%dma_start3A_710] : memref<6x!tpu.dma_semaphore, #tpu.memory_space<semaphore_mem>> -> memref<1x!tpu.dma_semaphore, #tpu.memory_space<semaphore_mem>>
        %dma_start3A_718 = tpu.memref_squeeze %dma_start3A_717 : memref<1x!tpu.dma_semaphore, #tpu.memory_space<semaphore_mem>> -> memref<!tpu.dma_semaphore, #tpu.memory_space<semaphore_mem>>
        %dma_start3A_719 = arith.constant 0 : i32
        %dma_start3A_720 = tpu.memref_slice %arg8[%dma_start3A_709, %dma_start3A_719] : memref<6x96xi32, #tpu.memory_space<vmem>> -> memref<1x96xi32, #tpu.memory_space<vmem>>
        %dma_start3A_721 = tpu.memref_squeeze %dma_start3A_720 : memref<1x96xi32, #tpu.memory_space<vmem>> -> memref<96xi32, #tpu.memory_space<vmem>>
        %dma_start3A_722 = arith.constant 0 : i32
        %dma_start3A_723 = tpu.memref_slice %arg3[%arg0, %arg1, %add3A_708, %dma_start3A_722] : memref<2x16x210x96xi32, #tpu.memory_space<hbm>> -> memref<1x1x1x96xi32, #tpu.memory_space<hbm>>
        %dma_start3A_724 = tpu.memref_squeeze %dma_start3A_723 : memref<1x1x1x96xi32, #tpu.memory_space<hbm>> -> memref<96xi32, #tpu.memory_space<hbm>>
        tpu.enqueue_dma source(%dma_start3A_724 : memref<96xi32, #tpu.memory_space<hbm>>) target(%dma_start3A_721 : memref<96xi32, #tpu.memory_space<vmem>>) target_semaphore(%dma_start3A_718 : memref<!tpu.dma_semaphore, #tpu.memory_space<semaphore_mem>>)
        %dma_start3A_725 = arith.constant 0 : i32
        %dma_start3A_726 = arith.constant 0 : i32
        %dma_start3A_727 = arith.constant 0 : i32
        %dma_start3A_728 = tpu.memref_slice %arg9[%dma_start3A_725, %dma_start3A_727] : memref<6x96xi32, #tpu.memory_space<vmem>> -> memref<1x96xi32, #tpu.memory_space<vmem>>
        %dma_start3A_729 = tpu.memref_squeeze %dma_start3A_728 : memref<1x96xi32, #tpu.memory_space<vmem>> -> memref<96xi32, #tpu.memory_space<vmem>>
        %dma_start3A_730 = arith.constant 0 : i32
        %dma_start3A_731 = tpu.memref_slice %arg4[%arg0, %arg1, %add3A_708, %dma_start3A_730] : memref<2x16x210x96xi32, #tpu.memory_space<hbm>> -> memref<1x1x1x96xi32, #tpu.memory_space<hbm>>
        %dma_start3A_732 = tpu.memref_squeeze %dma_start3A_731 : memref<1x1x1x96xi32, #tpu.memory_space<hbm>> -> memref<96xi32, #tpu.memory_space<hbm>>
        %dma_start3A_733 = tpu.memref_slice %arg14[%dma_start3A_726] : memref<6x!tpu.dma_semaphore, #tpu.memory_space<semaphore_mem>> -> memref<1x!tpu.dma_semaphore, #tpu.memory_space<semaphore_mem>>
        %dma_start3A_734 = tpu.memref_squeeze %dma_start3A_733 : memref<1x!tpu.dma_semaphore, #tpu.memory_space<semaphore_mem>> -> memref<!tpu.dma_semaphore, #tpu.memory_space<semaphore_mem>>
        %dma_start3A_735 = arith.constant 0 : i32
        %dma_start3A_736 = tpu.memref_slice %arg9[%dma_start3A_725, %dma_start3A_735] : memref<6x96xi32, #tpu.memory_space<vmem>> -> memref<1x96xi32, #tpu.memory_space<vmem>>
        %dma_start3A_737 = tpu.memref_squeeze %dma_start3A_736 : memref<1x96xi32, #tpu.memory_space<vmem>> -> memref<96xi32, #tpu.memory_space<vmem>>
        %dma_start3A_738 = arith.constant 0 : i32
        %dma_start3A_739 = tpu.memref_slice %arg4[%arg0, %arg1, %add3A_708, %dma_start3A_738] : memref<2x16x210x96xi32, #tpu.memory_space<hbm>> -> memref<1x1x1x96xi32, #tpu.memory_space<hbm>>
        %dma_start3A_740 = tpu.memref_squeeze %dma_start3A_739 : memref<1x1x1x96xi32, #tpu.memory_space<hbm>> -> memref<96xi32, #tpu.memory_space<hbm>>
        tpu.enqueue_dma source(%dma_start3A_740 : memref<96xi32, #tpu.memory_space<hbm>>) target(%dma_start3A_737 : memref<96xi32, #tpu.memory_space<vmem>>) target_semaphore(%dma_start3A_734 : memref<!tpu.dma_semaphore, #tpu.memory_space<semaphore_mem>>)
      } else {
      }
      %get3A_523 = arith.constant 3 : i32
      %get3A_524 = arith.index_cast %get3A_523 : i32 to index
      %get3A_525 = arith.constant 0 : index
      %get3A_526 = tpu.vector_load %arg9[%get3A_524, %get3A_525] {strides = array<i32>} : memref<6x96xi32, #tpu.memory_space<vmem>>, vector<16xi32>,
      tpu.vector_store_idx %arg15[%get3A_526], %broadcast_in_dim3A_206 {add = true} : memref<10240xf32, #tpu.memory_space<vmem>>[vector<16xi32>], vector<16xf32>,
      %get3A_527 = arith.constant 3 : i32
      %get3A_528 = arith.index_cast %get3A_527 : i32 to index
      %get3A_529 = arith.constant 16 : index
      %get3A_530 = tpu.vector_load %arg9[%get3A_528, %get3A_529] {strides = array<i32>} : memref<6x96xi32, #tpu.memory_space<vmem>>, vector<16xi32>,
      tpu.vector_store_idx %arg15[%get3A_530], %broadcast_in_dim3A_206 {add = true} : memref<10240xf32, #tpu.memory_space<vmem>>[vector<16xi32>], vector<16xf32>,
      %get3A_531 = arith.constant 3 : i32
      %get3A_532 = arith.index_cast %get3A_531 : i32 to index
      %get3A_533 = arith.constant 32 : index
      %get3A_534 = tpu.vector_load %arg9[%get3A_532, %get3A_533] {strides = array<i32>} : memref<6x96xi32, #tpu.memory_space<vmem>>, vector<16xi32>,
      tpu.vector_store_idx %arg15[%get3A_534], %broadcast_in_dim3A_206 {add = true} : memref<10240xf32, #tpu.memory_space<vmem>>[vector<16xi32>], vector<16xf32>,
      %get3A_535 = arith.constant 3 : i32
      %get3A_536 = arith.index_cast %get3A_535 : i32 to index
      %get3A_537 = arith.constant 48 : index
      %get3A_538 = tpu.vector_load %arg9[%get3A_536, %get3A_537] {strides = array<i32>} : memref<6x96xi32, #tpu.memory_space<vmem>>, vector<16xi32>,
      tpu.vector_store_idx %arg15[%get3A_538], %broadcast_in_dim3A_206 {add = true} : memref<10240xf32, #tpu.memory_space<vmem>>[vector<16xi32>], vector<16xf32>,
      %get3A_539 = arith.constant 3 : i32
      %get3A_540 = arith.index_cast %get3A_539 : i32 to index
      %get3A_541 = arith.constant 64 : index
      %get3A_542 = tpu.vector_load %arg9[%get3A_540, %get3A_541] {strides = array<i32>} : memref<6x96xi32, #tpu.memory_space<vmem>>, vector<16xi32>,
      tpu.vector_store_idx %arg15[%get3A_542], %broadcast_in_dim3A_206 {add = true} : memref<10240xf32, #tpu.memory_space<vmem>>[vector<16xi32>], vector<16xf32>,
      %get3A_543 = arith.constant 3 : i32
      %get3A_544 = arith.index_cast %get3A_543 : i32 to index
      %get3A_545 = arith.constant 80 : index
      %get3A_546 = tpu.vector_load %arg9[%get3A_544, %get3A_545] {strides = array<i32>} : memref<6x96xi32, #tpu.memory_space<vmem>>, vector<16xi32>,
      tpu.vector_store_idx %arg15[%get3A_546], %broadcast_in_dim3A_206 {add = true} : memref<10240xf32, #tpu.memory_space<vmem>>[vector<16xi32>], vector<16xf32>,
      %mul3A_547 = arith.constant 6 : i32
      %mul3A_548 = arith.muli %mul3A_547, %scan3A_232 : i32
      %add3A_549 = arith.constant 4 : i32
      %add3A_550 = arith.addi %mul3A_548, %add3A_549 : i32
      %dma_wait3A_551 = arith.constant 1 : i32
      %dma_wait3A_552 = arith.constant 1 : i32
      %dma_wait3A_553 = arith.constant 0 : i32
      %dma_wait3A_554 = arith.constant 0 : i32
      %dma_wait3A_555 = tpu.memref_slice %arg10[%dma_wait3A_551, %dma_wait3A_553, %dma_wait3A_554] : memref<3x96x128xf32, #tpu.memory_space<vmem>> -> memref<1x96x128xf32, #tpu.memory_space<vmem>>
      %dma_wait3A_556 = tpu.memref_squeeze %dma_wait3A_555 : memref<1x96x128xf32, #tpu.memory_space<vmem>> -> memref<96x128xf32, #tpu.memory_space<vmem>>
      %dma_wait3A_557 = arith.constant 0 : i32
      %dma_wait3A_558 = arith.constant 0 : i32
      %dma_wait3A_559 = tpu.memref_slice %arg2[%dma_wait3A_557, %dma_wait3A_558] : memref<20480x128xf32, #tpu.memory_space<hbm>> -> memref<96x128xf32, #tpu.memory_space<hbm>>
      %dma_wait3A_560 = tpu.memref_slice %arg12[%dma_wait3A_552] : memref<3x!tpu.dma_semaphore, #tpu.memory_space<semaphore_mem>> -> memref<1x!tpu.dma_semaphore, #tpu.memory_space<semaphore_mem>>
      %dma_wait3A_561 = tpu.memref_squeeze %dma_wait3A_560 : memref<1x!tpu.dma_semaphore, #tpu.memory_space<semaphore_mem>> -> memref<!tpu.dma_semaphore, #tpu.memory_space<semaphore_mem>>
      %dma_wait3A_562 = arith.constant 0 : i32
      %dma_wait3A_563 = arith.constant 0 : i32
      %dma_wait3A_564 = tpu.memref_slice %arg10[%dma_wait3A_551, %dma_wait3A_562, %dma_wait3A_563] : memref<3x96x128xf32, #tpu.memory_space<vmem>> -> memref<1x96x128xf32, #tpu.memory_space<vmem>>
      %dma_wait3A_565 = tpu.memref_squeeze %dma_wait3A_564 : memref<1x96x128xf32, #tpu.memory_space<vmem>> -> memref<96x128xf32, #tpu.memory_space<vmem>>
      %dma_wait3A_566 = arith.constant 0 : i32
      %dma_wait3A_567 = arith.constant 0 : i32
      %dma_wait3A_568 = tpu.memref_slice %arg2[%dma_wait3A_566, %dma_wait3A_567] : memref<20480x128xf32, #tpu.memory_space<hbm>> -> memref<96x128xf32, #tpu.memory_space<hbm>>
      tpu.wait_dma2 semaphore(%dma_wait3A_561 : memref<!tpu.dma_semaphore, #tpu.memory_space<semaphore_mem>>) src(%dma_wait3A_568 : memref<96x128xf32, #tpu.memory_space<hbm>>) dst(%dma_wait3A_565 : memref<96x128xf32, #tpu.memory_space<vmem>>)
      %dma_start3A_569 = arith.constant 1 : i32
      %dma_start3A_570 = arith.constant 4 : i32
      %dma_start3A_571 = arith.constant 1 : i32
      %dma_start3A_572 = arith.constant 0 : i32
      %dma_start3A_573 = arith.constant 0 : i32
      %dma_start3A_574 = tpu.memref_slice %arg10[%dma_start3A_569, %dma_start3A_572, %dma_start3A_573] : memref<3x96x128xf32, #tpu.memory_space<vmem>> -> memref<1x96x128xf32, #tpu.memory_space<vmem>>
      %dma_start3A_575 = tpu.memref_squeeze %dma_start3A_574 : memref<1x96x128xf32, #tpu.memory_space<vmem>> -> memref<96x128xf32, #tpu.memory_space<vmem>>
      %dma_start3A_576 = arith.constant 0 : i32
      %dma_start3A_577 = tpu.memref_slice %arg9[%dma_start3A_570, %dma_start3A_576] : memref<6x96xi32, #tpu.memory_space<vmem>> -> memref<1x96xi32, #tpu.memory_space<vmem>>
      %dma_start3A_578 = tpu.memref_squeeze %dma_start3A_577 : memref<1x96xi32, #tpu.memory_space<vmem>> -> memref<96xi32, #tpu.memory_space<vmem>>
      %dma_start3A_579 = arith.constant 0 : i32
      %dma_start3A_580 = arith.constant 0 : i32
      %dma_start3A_581 = tpu.memref_slice %arg11[%dma_start3A_579, %dma_start3A_580] : memref<10240x128xf32, #tpu.memory_space<vmem_shared>> -> memref<10240x128xf32, #tpu.memory_space<vmem_shared>>
      %dma_start3A_582 = tpu.memref_slice %arg13[%dma_start3A_571] : memref<3x!tpu.dma_semaphore, #tpu.memory_space<semaphore_mem>> -> memref<1x!tpu.dma_semaphore, #tpu.memory_space<semaphore_mem>>
      %dma_start3A_583 = tpu.memref_squeeze %dma_start3A_582 : memref<1x!tpu.dma_semaphore, #tpu.memory_space<semaphore_mem>> -> memref<!tpu.dma_semaphore, #tpu.memory_space<semaphore_mem>>
      tpu.enqueue_indirect_dma source(%dma_start3A_575 : memref<96x128xf32, #tpu.memory_space<vmem>>) target(%dma_start3A_581 : memref<10240x128xf32, #tpu.memory_space<vmem_shared>>) offsets(%dma_start3A_578 : memref<96xi32, #tpu.memory_space<vmem>>) semaphore(%dma_start3A_583 : memref<!tpu.dma_semaphore, #tpu.memory_space<semaphore_mem>>) {add = true}
      %ge3A_584 = arith.constant 1 : i32
      %ge3A_585 = arith.cmpi sge, %add3A_550, %ge3A_584 : i32
      %convert_element_type3A_586 = arith.extui %ge3A_585 : i1 to i32
      %cond3A_587 = arith.constant 0 : i32
      %cond3A_588 = arith.cmpi ne, %convert_element_type3A_586, %cond3A_587 : i32
      scf.if %cond3A_588 {
        %dma_wait3A_707 = arith.constant 0 : i32
        %dma_wait3A_708 = arith.constant 0 : i32
        %dma_wait3A_709 = arith.constant 0 : i32
        %dma_wait3A_710 = arith.constant 0 : i32
        %dma_wait3A_711 = tpu.memref_slice %arg10[%dma_wait3A_707, %dma_wait3A_709, %dma_wait3A_710] : memref<3x96x128xf32, #tpu.memory_space<vmem>> -> memref<1x96x128xf32, #tpu.memory_space<vmem>>
        %dma_wait3A_712 = tpu.memref_squeeze %dma_wait3A_711 : memref<1x96x128xf32, #tpu.memory_space<vmem>> -> memref<96x128xf32, #tpu.memory_space<vmem>>
        %dma_wait3A_713 = arith.constant 0 : i32
        %dma_wait3A_714 = arith.constant 0 : i32
        %dma_wait3A_715 = tpu.memref_slice %arg2[%dma_wait3A_713, %dma_wait3A_714] : memref<20480x128xf32, #tpu.memory_space<hbm>> -> memref<96x128xf32, #tpu.memory_space<hbm>>
        %dma_wait3A_716 = tpu.memref_slice %arg13[%dma_wait3A_708] : memref<3x!tpu.dma_semaphore, #tpu.memory_space<semaphore_mem>> -> memref<1x!tpu.dma_semaphore, #tpu.memory_space<semaphore_mem>>
        %dma_wait3A_717 = tpu.memref_squeeze %dma_wait3A_716 : memref<1x!tpu.dma_semaphore, #tpu.memory_space<semaphore_mem>> -> memref<!tpu.dma_semaphore, #tpu.memory_space<semaphore_mem>>
        %dma_wait3A_718 = arith.constant 0 : i32
        %dma_wait3A_719 = arith.constant 0 : i32
        %dma_wait3A_720 = tpu.memref_slice %arg10[%dma_wait3A_707, %dma_wait3A_718, %dma_wait3A_719] : memref<3x96x128xf32, #tpu.memory_space<vmem>> -> memref<1x96x128xf32, #tpu.memory_space<vmem>>
        %dma_wait3A_721 = tpu.memref_squeeze %dma_wait3A_720 : memref<1x96x128xf32, #tpu.memory_space<vmem>> -> memref<96x128xf32, #tpu.memory_space<vmem>>
        %dma_wait3A_722 = arith.constant 0 : i32
        %dma_wait3A_723 = arith.constant 0 : i32
        %dma_wait3A_724 = tpu.memref_slice %arg2[%dma_wait3A_722, %dma_wait3A_723] : memref<20480x128xf32, #tpu.memory_space<hbm>> -> memref<96x128xf32, #tpu.memory_space<hbm>>
        tpu.wait_dma2 semaphore(%dma_wait3A_717 : memref<!tpu.dma_semaphore, #tpu.memory_space<semaphore_mem>>) src(%dma_wait3A_724 : memref<96x128xf32, #tpu.memory_space<hbm>>) dst(%dma_wait3A_721 : memref<96x128xf32, #tpu.memory_space<vmem>>)
      } else {
      }
      %add3A_589 = arith.constant 2 : i32
      %add3A_590 = arith.addi %add3A_550, %add3A_589 : i32
      %lt3A_591 = arith.constant 210 : i32
      %lt3A_592 = arith.cmpi slt, %add3A_590, %lt3A_591 : i32
      %convert_element_type3A_593 = arith.extui %lt3A_592 : i1 to i32
      %cond3A_594 = arith.constant 0 : i32
      %cond3A_595 = arith.cmpi ne, %convert_element_type3A_593, %cond3A_594 : i32
      scf.if %cond3A_595 {
        %dma_wait3A_707 = arith.constant 0 : i32
        %dma_wait3A_708 = arith.constant 0 : i32
        %dma_wait3A_709 = arith.constant 0 : i32
        %dma_wait3A_710 = arith.constant 0 : i32
        %dma_wait3A_711 = tpu.memref_slice %arg8[%dma_wait3A_708, %dma_wait3A_710] : memref<6x96xi32, #tpu.memory_space<vmem>> -> memref<1x96xi32, #tpu.memory_space<vmem>>
        %dma_wait3A_712 = tpu.memref_squeeze %dma_wait3A_711 : memref<1x96xi32, #tpu.memory_space<vmem>> -> memref<96xi32, #tpu.memory_space<vmem>>
        %dma_wait3A_713 = arith.constant 0 : i32
        %dma_wait3A_714 = tpu.memref_slice %arg3[%arg0, %arg1, %dma_wait3A_707, %dma_wait3A_713] : memref<2x16x210x96xi32, #tpu.memory_space<hbm>> -> memref<1x1x1x96xi32, #tpu.memory_space<hbm>>
        %dma_wait3A_715 = tpu.memref_squeeze %dma_wait3A_714 : memref<1x1x1x96xi32, #tpu.memory_space<hbm>> -> memref<96xi32, #tpu.memory_space<hbm>>
        %dma_wait3A_716 = tpu.memref_slice %arg14[%dma_wait3A_709] : memref<6x!tpu.dma_semaphore, #tpu.memory_space<semaphore_mem>> -> memref<1x!tpu.dma_semaphore, #tpu.memory_space<semaphore_mem>>
        %dma_wait3A_717 = tpu.memref_squeeze %dma_wait3A_716 : memref<1x!tpu.dma_semaphore, #tpu.memory_space<semaphore_mem>> -> memref<!tpu.dma_semaphore, #tpu.memory_space<semaphore_mem>>
        %dma_wait3A_718 = arith.constant 0 : i32
        %dma_wait3A_719 = tpu.memref_slice %arg8[%dma_wait3A_708, %dma_wait3A_718] : memref<6x96xi32, #tpu.memory_space<vmem>> -> memref<1x96xi32, #tpu.memory_space<vmem>>
        %dma_wait3A_720 = tpu.memref_squeeze %dma_wait3A_719 : memref<1x96xi32, #tpu.memory_space<vmem>> -> memref<96xi32, #tpu.memory_space<vmem>>
        %dma_wait3A_721 = arith.constant 0 : i32
        %dma_wait3A_722 = tpu.memref_slice %arg3[%arg0, %arg1, %dma_wait3A_707, %dma_wait3A_721] : memref<2x16x210x96xi32, #tpu.memory_space<hbm>> -> memref<1x1x1x96xi32, #tpu.memory_space<hbm>>
        %dma_wait3A_723 = tpu.memref_squeeze %dma_wait3A_722 : memref<1x1x1x96xi32, #tpu.memory_space<hbm>> -> memref<96xi32, #tpu.memory_space<hbm>>
        tpu.wait_dma2 semaphore(%dma_wait3A_717 : memref<!tpu.dma_semaphore, #tpu.memory_space<semaphore_mem>>) src(%dma_wait3A_723 : memref<96xi32, #tpu.memory_space<hbm>>) dst(%dma_wait3A_720 : memref<96xi32, #tpu.memory_space<vmem>>)
        %dma_wait3A_724 = arith.constant 0 : i32
        %dma_wait3A_725 = arith.constant 0 : i32
        %dma_wait3A_726 = arith.constant 0 : i32
        %dma_wait3A_727 = arith.constant 0 : i32
        %dma_wait3A_728 = tpu.memref_slice %arg9[%dma_wait3A_725, %dma_wait3A_727] : memref<6x96xi32, #tpu.memory_space<vmem>> -> memref<1x96xi32, #tpu.memory_space<vmem>>
        %dma_wait3A_729 = tpu.memref_squeeze %dma_wait3A_728 : memref<1x96xi32, #tpu.memory_space<vmem>> -> memref<96xi32, #tpu.memory_space<vmem>>
        %dma_wait3A_730 = arith.constant 0 : i32
        %dma_wait3A_731 = tpu.memref_slice %arg4[%arg0, %arg1, %dma_wait3A_724, %dma_wait3A_730] : memref<2x16x210x96xi32, #tpu.memory_space<hbm>> -> memref<1x1x1x96xi32, #tpu.memory_space<hbm>>
        %dma_wait3A_732 = tpu.memref_squeeze %dma_wait3A_731 : memref<1x1x1x96xi32, #tpu.memory_space<hbm>> -> memref<96xi32, #tpu.memory_space<hbm>>
        %dma_wait3A_733 = tpu.memref_slice %arg14[%dma_wait3A_726] : memref<6x!tpu.dma_semaphore, #tpu.memory_space<semaphore_mem>> -> memref<1x!tpu.dma_semaphore, #tpu.memory_space<semaphore_mem>>
        %dma_wait3A_734 = tpu.memref_squeeze %dma_wait3A_733 : memref<1x!tpu.dma_semaphore, #tpu.memory_space<semaphore_mem>> -> memref<!tpu.dma_semaphore, #tpu.memory_space<semaphore_mem>>
        %dma_wait3A_735 = arith.constant 0 : i32
        %dma_wait3A_736 = tpu.memref_slice %arg9[%dma_wait3A_725, %dma_wait3A_735] : memref<6x96xi32, #tpu.memory_space<vmem>> -> memref<1x96xi32, #tpu.memory_space<vmem>>
        %dma_wait3A_737 = tpu.memref_squeeze %dma_wait3A_736 : memref<1x96xi32, #tpu.memory_space<vmem>> -> memref<96xi32, #tpu.memory_space<vmem>>
        %dma_wait3A_738 = arith.constant 0 : i32
        %dma_wait3A_739 = tpu.memref_slice %arg4[%arg0, %arg1, %dma_wait3A_724, %dma_wait3A_738] : memref<2x16x210x96xi32, #tpu.memory_space<hbm>> -> memref<1x1x1x96xi32, #tpu.memory_space<hbm>>
        %dma_wait3A_740 = tpu.memref_squeeze %dma_wait3A_739 : memref<1x1x1x96xi32, #tpu.memory_space<hbm>> -> memref<96xi32, #tpu.memory_space<hbm>>
        tpu.wait_dma2 semaphore(%dma_wait3A_734 : memref<!tpu.dma_semaphore, #tpu.memory_space<semaphore_mem>>) src(%dma_wait3A_740 : memref<96xi32, #tpu.memory_space<hbm>>) dst(%dma_wait3A_737 : memref<96xi32, #tpu.memory_space<vmem>>)
        %dma_start3A_741 = arith.constant 0 : i32
        %dma_start3A_742 = arith.constant 0 : i32
        %dma_start3A_743 = arith.constant 0 : i32
        %dma_start3A_744 = arith.constant 0 : i32
        %dma_start3A_745 = arith.constant 0 : i32
        %dma_start3A_746 = tpu.memref_slice %arg10[%dma_start3A_742, %dma_start3A_744, %dma_start3A_745] : memref<3x96x128xf32, #tpu.memory_space<vmem>> -> memref<1x96x128xf32, #tpu.memory_space<vmem>>
        %dma_start3A_747 = tpu.memref_squeeze %dma_start3A_746 : memref<1x96x128xf32, #tpu.memory_space<vmem>> -> memref<96x128xf32, #tpu.memory_space<vmem>>
        %dma_start3A_748 = arith.constant 0 : i32
        %dma_start3A_749 = tpu.memref_slice %arg8[%dma_start3A_741, %dma_start3A_748] : memref<6x96xi32, #tpu.memory_space<vmem>> -> memref<1x96xi32, #tpu.memory_space<vmem>>
        %dma_start3A_750 = tpu.memref_squeeze %dma_start3A_749 : memref<1x96xi32, #tpu.memory_space<vmem>> -> memref<96xi32, #tpu.memory_space<vmem>>
        %dma_start3A_751 = arith.constant 0 : i32
        %dma_start3A_752 = arith.constant 0 : i32
        %dma_start3A_753 = tpu.memref_slice %arg2[%dma_start3A_751, %dma_start3A_752] : memref<20480x128xf32, #tpu.memory_space<hbm>> -> memref<20480x128xf32, #tpu.memory_space<hbm>>
        %dma_start3A_754 = tpu.memref_slice %arg12[%dma_start3A_743] : memref<3x!tpu.dma_semaphore, #tpu.memory_space<semaphore_mem>> -> memref<1x!tpu.dma_semaphore, #tpu.memory_space<semaphore_mem>>
        %dma_start3A_755 = tpu.memref_squeeze %dma_start3A_754 : memref<1x!tpu.dma_semaphore, #tpu.memory_space<semaphore_mem>> -> memref<!tpu.dma_semaphore, #tpu.memory_space<semaphore_mem>>
        tpu.enqueue_indirect_dma source(%dma_start3A_753 : memref<20480x128xf32, #tpu.memory_space<hbm>>) target(%dma_start3A_747 : memref<96x128xf32, #tpu.memory_space<vmem>>) offsets(%dma_start3A_750 : memref<96xi32, #tpu.memory_space<vmem>>) semaphore(%dma_start3A_755 : memref<!tpu.dma_semaphore, #tpu.memory_space<semaphore_mem>>)
      } else {
      }
      %add3A_596 = arith.constant 3 : i32
      %add3A_597 = arith.addi %add3A_550, %add3A_596 : i32
      %lt3A_598 = arith.constant 210 : i32
      %lt3A_599 = arith.cmpi slt, %add3A_597, %lt3A_598 : i32
      %convert_element_type3A_600 = arith.extui %lt3A_599 : i1 to i32
      %cond3A_601 = arith.constant 0 : i32
      %cond3A_602 = arith.cmpi ne, %convert_element_type3A_600, %cond3A_601 : i32
      scf.if %cond3A_602 {
        %add3A_707 = arith.constant 3 : i32
        %add3A_708 = arith.addi %add3A_550, %add3A_707 : i32
        %dma_start3A_709 = arith.constant 1 : i32
        %dma_start3A_710 = arith.constant 1 : i32
        %dma_start3A_711 = arith.constant 0 : i32
        %dma_start3A_712 = tpu.memref_slice %arg8[%dma_start3A_709, %dma_start3A_711] : memref<6x96xi32, #tpu.memory_space<vmem>> -> memref<1x96xi32, #tpu.memory_space<vmem>>
        %dma_start3A_713 = tpu.memref_squeeze %dma_start3A_712 : memref<1x96xi32, #tpu.memory_space<vmem>> -> memref<96xi32, #tpu.memory_space<vmem>>
        %dma_start3A_714 = arith.constant 0 : i32
        %dma_start3A_715 = tpu.memref_slice %arg3[%arg0, %arg1, %add3A_708, %dma_start3A_714] : memref<2x16x210x96xi32, #tpu.memory_space<hbm>> -> memref<1x1x1x96xi32, #tpu.memory_space<hbm>>
        %dma_start3A_716 = tpu.memref_squeeze %dma_start3A_715 : memref<1x1x1x96xi32, #tpu.memory_space<hbm>> -> memref<96xi32, #tpu.memory_space<hbm>>
        %dma_start3A_717 = tpu.memref_slice %arg14[%dma_start3A_710] : memref<6x!tpu.dma_semaphore, #tpu.memory_space<semaphore_mem>> -> memref<1x!tpu.dma_semaphore, #tpu.memory_space<semaphore_mem>>
        %dma_start3A_718 = tpu.memref_squeeze %dma_start3A_717 : memref<1x!tpu.dma_semaphore, #tpu.memory_space<semaphore_mem>> -> memref<!tpu.dma_semaphore, #tpu.memory_space<semaphore_mem>>
        %dma_start3A_719 = arith.constant 0 : i32
        %dma_start3A_720 = tpu.memref_slice %arg8[%dma_start3A_709, %dma_start3A_719] : memref<6x96xi32, #tpu.memory_space<vmem>> -> memref<1x96xi32, #tpu.memory_space<vmem>>
        %dma_start3A_721 = tpu.memref_squeeze %dma_start3A_720 : memref<1x96xi32, #tpu.memory_space<vmem>> -> memref<96xi32, #tpu.memory_space<vmem>>
        %dma_start3A_722 = arith.constant 0 : i32
        %dma_start3A_723 = tpu.memref_slice %arg3[%arg0, %arg1, %add3A_708, %dma_start3A_722] : memref<2x16x210x96xi32, #tpu.memory_space<hbm>> -> memref<1x1x1x96xi32, #tpu.memory_space<hbm>>
        %dma_start3A_724 = tpu.memref_squeeze %dma_start3A_723 : memref<1x1x1x96xi32, #tpu.memory_space<hbm>> -> memref<96xi32, #tpu.memory_space<hbm>>
        tpu.enqueue_dma source(%dma_start3A_724 : memref<96xi32, #tpu.memory_space<hbm>>) target(%dma_start3A_721 : memref<96xi32, #tpu.memory_space<vmem>>) target_semaphore(%dma_start3A_718 : memref<!tpu.dma_semaphore, #tpu.memory_space<semaphore_mem>>)
        %dma_start3A_725 = arith.constant 1 : i32
        %dma_start3A_726 = arith.constant 1 : i32
        %dma_start3A_727 = arith.constant 0 : i32
        %dma_start3A_728 = tpu.memref_slice %arg9[%dma_start3A_725, %dma_start3A_727] : memref<6x96xi32, #tpu.memory_space<vmem>> -> memref<1x96xi32, #tpu.memory_space<vmem>>
        %dma_start3A_729 = tpu.memref_squeeze %dma_start3A_728 : memref<1x96xi32, #tpu.memory_space<vmem>> -> memref<96xi32, #tpu.memory_space<vmem>>
        %dma_start3A_730 = arith.constant 0 : i32
        %dma_start3A_731 = tpu.memref_slice %arg4[%arg0, %arg1, %add3A_708, %dma_start3A_730] : memref<2x16x210x96xi32, #tpu.memory_space<hbm>> -> memref<1x1x1x96xi32, #tpu.memory_space<hbm>>
        %dma_start3A_732 = tpu.memref_squeeze %dma_start3A_731 : memref<1x1x1x96xi32, #tpu.memory_space<hbm>> -> memref<96xi32, #tpu.memory_space<hbm>>
        %dma_start3A_733 = tpu.memref_slice %arg14[%dma_start3A_726] : memref<6x!tpu.dma_semaphore, #tpu.memory_space<semaphore_mem>> -> memref<1x!tpu.dma_semaphore, #tpu.memory_space<semaphore_mem>>
        %dma_start3A_734 = tpu.memref_squeeze %dma_start3A_733 : memref<1x!tpu.dma_semaphore, #tpu.memory_space<semaphore_mem>> -> memref<!tpu.dma_semaphore, #tpu.memory_space<semaphore_mem>>
        %dma_start3A_735 = arith.constant 0 : i32
        %dma_start3A_736 = tpu.memref_slice %arg9[%dma_start3A_725, %dma_start3A_735] : memref<6x96xi32, #tpu.memory_space<vmem>> -> memref<1x96xi32, #tpu.memory_space<vmem>>
        %dma_start3A_737 = tpu.memref_squeeze %dma_start3A_736 : memref<1x96xi32, #tpu.memory_space<vmem>> -> memref<96xi32, #tpu.memory_space<vmem>>
        %dma_start3A_738 = arith.constant 0 : i32
        %dma_start3A_739 = tpu.memref_slice %arg4[%arg0, %arg1, %add3A_708, %dma_start3A_738] : memref<2x16x210x96xi32, #tpu.memory_space<hbm>> -> memref<1x1x1x96xi32, #tpu.memory_space<hbm>>
        %dma_start3A_740 = tpu.memref_squeeze %dma_start3A_739 : memref<1x1x1x96xi32, #tpu.memory_space<hbm>> -> memref<96xi32, #tpu.memory_space<hbm>>
        tpu.enqueue_dma source(%dma_start3A_740 : memref<96xi32, #tpu.memory_space<hbm>>) target(%dma_start3A_737 : memref<96xi32, #tpu.memory_space<vmem>>) target_semaphore(%dma_start3A_734 : memref<!tpu.dma_semaphore, #tpu.memory_space<semaphore_mem>>)
      } else {
      }
      %get3A_603 = arith.constant 4 : i32
      %get3A_604 = arith.index_cast %get3A_603 : i32 to index
      %get3A_605 = arith.constant 0 : index
      %get3A_606 = tpu.vector_load %arg9[%get3A_604, %get3A_605] {strides = array<i32>} : memref<6x96xi32, #tpu.memory_space<vmem>>, vector<16xi32>,
      tpu.vector_store_idx %arg15[%get3A_606], %broadcast_in_dim3A_206 {add = true} : memref<10240xf32, #tpu.memory_space<vmem>>[vector<16xi32>], vector<16xf32>,
      %get3A_607 = arith.constant 4 : i32
      %get3A_608 = arith.index_cast %get3A_607 : i32 to index
      %get3A_609 = arith.constant 16 : index
      %get3A_610 = tpu.vector_load %arg9[%get3A_608, %get3A_609] {strides = array<i32>} : memref<6x96xi32, #tpu.memory_space<vmem>>, vector<16xi32>,
      tpu.vector_store_idx %arg15[%get3A_610], %broadcast_in_dim3A_206 {add = true} : memref<10240xf32, #tpu.memory_space<vmem>>[vector<16xi32>], vector<16xf32>,
      %get3A_611 = arith.constant 4 : i32
      %get3A_612 = arith.index_cast %get3A_611 : i32 to index
      %get3A_613 = arith.constant 32 : index
      %get3A_614 = tpu.vector_load %arg9[%get3A_612, %get3A_613] {strides = array<i32>} : memref<6x96xi32, #tpu.memory_space<vmem>>, vector<16xi32>,
      tpu.vector_store_idx %arg15[%get3A_614], %broadcast_in_dim3A_206 {add = true} : memref<10240xf32, #tpu.memory_space<vmem>>[vector<16xi32>], vector<16xf32>,
      %get3A_615 = arith.constant 4 : i32
      %get3A_616 = arith.index_cast %get3A_615 : i32 to index
      %get3A_617 = arith.constant 48 : index
      %get3A_618 = tpu.vector_load %arg9[%get3A_616, %get3A_617] {strides = array<i32>} : memref<6x96xi32, #tpu.memory_space<vmem>>, vector<16xi32>,
      tpu.vector_store_idx %arg15[%get3A_618], %broadcast_in_dim3A_206 {add = true} : memref<10240xf32, #tpu.memory_space<vmem>>[vector<16xi32>], vector<16xf32>,
      %get3A_619 = arith.constant 4 : i32
      %get3A_620 = arith.index_cast %get3A_619 : i32 to index
      %get3A_621 = arith.constant 64 : index
      %get3A_622 = tpu.vector_load %arg9[%get3A_620, %get3A_621] {strides = array<i32>} : memref<6x96xi32, #tpu.memory_space<vmem>>, vector<16xi32>,
      tpu.vector_store_idx %arg15[%get3A_622], %broadcast_in_dim3A_206 {add = true} : memref<10240xf32, #tpu.memory_space<vmem>>[vector<16xi32>], vector<16xf32>,
      %get3A_623 = arith.constant 4 : i32
      %get3A_624 = arith.index_cast %get3A_623 : i32 to index
      %get3A_625 = arith.constant 80 : index
      %get3A_626 = tpu.vector_load %arg9[%get3A_624, %get3A_625] {strides = array<i32>} : memref<6x96xi32, #tpu.memory_space<vmem>>, vector<16xi32>,
      tpu.vector_store_idx %arg15[%get3A_626], %broadcast_in_dim3A_206 {add = true} : memref<10240xf32, #tpu.memory_space<vmem>>[vector<16xi32>], vector<16xf32>,
      %mul3A_627 = arith.constant 6 : i32
      %mul3A_628 = arith.muli %mul3A_627, %scan3A_232 : i32
      %add3A_629 = arith.constant 5 : i32
      %add3A_630 = arith.addi %mul3A_628, %add3A_629 : i32
      %dma_wait3A_631 = arith.constant 2 : i32
      %dma_wait3A_632 = arith.constant 2 : i32
      %dma_wait3A_633 = arith.constant 0 : i32
      %dma_wait3A_634 = arith.constant 0 : i32
      %dma_wait3A_635 = tpu.memref_slice %arg10[%dma_wait3A_631, %dma_wait3A_633, %dma_wait3A_634] : memref<3x96x128xf32, #tpu.memory_space<vmem>> -> memref<1x96x128xf32, #tpu.memory_space<vmem>>
      %dma_wait3A_636 = tpu.memref_squeeze %dma_wait3A_635 : memref<1x96x128xf32, #tpu.memory_space<vmem>> -> memref<96x128xf32, #tpu.memory_space<vmem>>
      %dma_wait3A_637 = arith.constant 0 : i32
      %dma_wait3A_638 = arith.constant 0 : i32
      %dma_wait3A_639 = tpu.memref_slice %arg2[%dma_wait3A_637, %dma_wait3A_638] : memref<20480x128xf32, #tpu.memory_space<hbm>> -> memref<96x128xf32, #tpu.memory_space<hbm>>
      %dma_wait3A_640 = tpu.memref_slice %arg12[%dma_wait3A_632] : memref<3x!tpu.dma_semaphore, #tpu.memory_space<semaphore_mem>> -> memref<1x!tpu.dma_semaphore, #tpu.memory_space<semaphore_mem>>
      %dma_wait3A_641 = tpu.memref_squeeze %dma_wait3A_640 : memref<1x!tpu.dma_semaphore, #tpu.memory_space<semaphore_mem>> -> memref<!tpu.dma_semaphore, #tpu.memory_space<semaphore_mem>>
      %dma_wait3A_642 = arith.constant 0 : i32
      %dma_wait3A_643 = arith.constant 0 : i32
      %dma_wait3A_644 = tpu.memref_slice %arg10[%dma_wait3A_631, %dma_wait3A_642, %dma_wait3A_643] : memref<3x96x128xf32, #tpu.memory_space<vmem>> -> memref<1x96x128xf32, #tpu.memory_space<vmem>>
      %dma_wait3A_645 = tpu.memref_squeeze %dma_wait3A_644 : memref<1x96x128xf32, #tpu.memory_space<vmem>> -> memref<96x128xf32, #tpu.memory_space<vmem>>
      %dma_wait3A_646 = arith.constant 0 : i32
      %dma_wait3A_647 = arith.constant 0 : i32
      %dma_wait3A_648 = tpu.memref_slice %arg2[%dma_wait3A_646, %dma_wait3A_647] : memref<20480x128xf32, #tpu.memory_space<hbm>> -> memref<96x128xf32, #tpu.memory_space<hbm>>
      tpu.wait_dma2 semaphore(%dma_wait3A_641 : memref<!tpu.dma_semaphore, #tpu.memory_space<semaphore_mem>>) src(%dma_wait3A_648 : memref<96x128xf32, #tpu.memory_space<hbm>>) dst(%dma_wait3A_645 : memref<96x128xf32, #tpu.memory_space<vmem>>)
      %dma_start3A_649 = arith.constant 2 : i32
      %dma_start3A_650 = arith.constant 5 : i32
      %dma_start3A_651 = arith.constant 2 : i32
      %dma_start3A_652 = arith.constant 0 : i32
      %dma_start3A_653 = arith.constant 0 : i32
      %dma_start3A_654 = tpu.memref_slice %arg10[%dma_start3A_649, %dma_start3A_652, %dma_start3A_653] : memref<3x96x128xf32, #tpu.memory_space<vmem>> -> memref<1x96x128xf32, #tpu.memory_space<vmem>>
      %dma_start3A_655 = tpu.memref_squeeze %dma_start3A_654 : memref<1x96x128xf32, #tpu.memory_space<vmem>> -> memref<96x128xf32, #tpu.memory_space<vmem>>
      %dma_start3A_656 = arith.constant 0 : i32
      %dma_start3A_657 = tpu.memref_slice %arg9[%dma_start3A_650, %dma_start3A_656] : memref<6x96xi32, #tpu.memory_space<vmem>> -> memref<1x96xi32, #tpu.memory_space<vmem>>
      %dma_start3A_658 = tpu.memref_squeeze %dma_start3A_657 : memref<1x96xi32, #tpu.memory_space<vmem>> -> memref<96xi32, #tpu.memory_space<vmem>>
      %dma_start3A_659 = arith.constant 0 : i32
      %dma_start3A_660 = arith.constant 0 : i32
      %dma_start3A_661 = tpu.memref_slice %arg11[%dma_start3A_659, %dma_start3A_660] : memref<10240x128xf32, #tpu.memory_space<vmem_shared>> -> memref<10240x128xf32, #tpu.memory_space<vmem_shared>>
      %dma_start3A_662 = tpu.memref_slice %arg13[%dma_start3A_651] : memref<3x!tpu.dma_semaphore, #tpu.memory_space<semaphore_mem>> -> memref<1x!tpu.dma_semaphore, #tpu.memory_space<semaphore_mem>>
      %dma_start3A_663 = tpu.memref_squeeze %dma_start3A_662 : memref<1x!tpu.dma_semaphore, #tpu.memory_space<semaphore_mem>> -> memref<!tpu.dma_semaphore, #tpu.memory_space<semaphore_mem>>
      tpu.enqueue_indirect_dma source(%dma_start3A_655 : memref<96x128xf32, #tpu.memory_space<vmem>>) target(%dma_start3A_661 : memref<10240x128xf32, #tpu.memory_space<vmem_shared>>) offsets(%dma_start3A_658 : memref<96xi32, #tpu.memory_space<vmem>>) semaphore(%dma_start3A_663 : memref<!tpu.dma_semaphore, #tpu.memory_space<semaphore_mem>>) {add = true}
      %ge3A_664 = arith.constant 1 : i32
      %ge3A_665 = arith.cmpi sge, %add3A_630, %ge3A_664 : i32
      %convert_element_type3A_666 = arith.extui %ge3A_665 : i1 to i32
      %cond3A_667 = arith.constant 0 : i32
      %cond3A_668 = arith.cmpi ne, %convert_element_type3A_666, %cond3A_667 : i32
      scf.if %cond3A_668 {
        %dma_wait3A_707 = arith.constant 1 : i32
        %dma_wait3A_708 = arith.constant 1 : i32
        %dma_wait3A_709 = arith.constant 0 : i32
        %dma_wait3A_710 = arith.constant 0 : i32
        %dma_wait3A_711 = tpu.memref_slice %arg10[%dma_wait3A_707, %dma_wait3A_709, %dma_wait3A_710] : memref<3x96x128xf32, #tpu.memory_space<vmem>> -> memref<1x96x128xf32, #tpu.memory_space<vmem>>
        %dma_wait3A_712 = tpu.memref_squeeze %dma_wait3A_711 : memref<1x96x128xf32, #tpu.memory_space<vmem>> -> memref<96x128xf32, #tpu.memory_space<vmem>>
        %dma_wait3A_713 = arith.constant 0 : i32
        %dma_wait3A_714 = arith.constant 0 : i32
        %dma_wait3A_715 = tpu.memref_slice %arg2[%dma_wait3A_713, %dma_wait3A_714] : memref<20480x128xf32, #tpu.memory_space<hbm>> -> memref<96x128xf32, #tpu.memory_space<hbm>>
        %dma_wait3A_716 = tpu.memref_slice %arg13[%dma_wait3A_708] : memref<3x!tpu.dma_semaphore, #tpu.memory_space<semaphore_mem>> -> memref<1x!tpu.dma_semaphore, #tpu.memory_space<semaphore_mem>>
        %dma_wait3A_717 = tpu.memref_squeeze %dma_wait3A_716 : memref<1x!tpu.dma_semaphore, #tpu.memory_space<semaphore_mem>> -> memref<!tpu.dma_semaphore, #tpu.memory_space<semaphore_mem>>
        %dma_wait3A_718 = arith.constant 0 : i32
        %dma_wait3A_719 = arith.constant 0 : i32
        %dma_wait3A_720 = tpu.memref_slice %arg10[%dma_wait3A_707, %dma_wait3A_718, %dma_wait3A_719] : memref<3x96x128xf32, #tpu.memory_space<vmem>> -> memref<1x96x128xf32, #tpu.memory_space<vmem>>
        %dma_wait3A_721 = tpu.memref_squeeze %dma_wait3A_720 : memref<1x96x128xf32, #tpu.memory_space<vmem>> -> memref<96x128xf32, #tpu.memory_space<vmem>>
        %dma_wait3A_722 = arith.constant 0 : i32
        %dma_wait3A_723 = arith.constant 0 : i32
        %dma_wait3A_724 = tpu.memref_slice %arg2[%dma_wait3A_722, %dma_wait3A_723] : memref<20480x128xf32, #tpu.memory_space<hbm>> -> memref<96x128xf32, #tpu.memory_space<hbm>>
        tpu.wait_dma2 semaphore(%dma_wait3A_717 : memref<!tpu.dma_semaphore, #tpu.memory_space<semaphore_mem>>) src(%dma_wait3A_724 : memref<96x128xf32, #tpu.memory_space<hbm>>) dst(%dma_wait3A_721 : memref<96x128xf32, #tpu.memory_space<vmem>>)
      } else {
      }
      %add3A_669 = arith.constant 2 : i32
      %add3A_670 = arith.addi %add3A_630, %add3A_669 : i32
      %lt3A_671 = arith.constant 210 : i32
      %lt3A_672 = arith.cmpi slt, %add3A_670, %lt3A_671 : i32
      %convert_element_type3A_673 = arith.extui %lt3A_672 : i1 to i32
      %cond3A_674 = arith.constant 0 : i32
      %cond3A_675 = arith.cmpi ne, %convert_element_type3A_673, %cond3A_674 : i32
      scf.if %cond3A_675 {
        %dma_wait3A_707 = arith.constant 0 : i32
        %dma_wait3A_708 = arith.constant 1 : i32
        %dma_wait3A_709 = arith.constant 1 : i32
        %dma_wait3A_710 = arith.constant 0 : i32
        %dma_wait3A_711 = tpu.memref_slice %arg8[%dma_wait3A_708, %dma_wait3A_710] : memref<6x96xi32, #tpu.memory_space<vmem>> -> memref<1x96xi32, #tpu.memory_space<vmem>>
        %dma_wait3A_712 = tpu.memref_squeeze %dma_wait3A_711 : memref<1x96xi32, #tpu.memory_space<vmem>> -> memref<96xi32, #tpu.memory_space<vmem>>
        %dma_wait3A_713 = arith.constant 0 : i32
        %dma_wait3A_714 = tpu.memref_slice %arg3[%arg0, %arg1, %dma_wait3A_707, %dma_wait3A_713] : memref<2x16x210x96xi32, #tpu.memory_space<hbm>> -> memref<1x1x1x96xi32, #tpu.memory_space<hbm>>
        %dma_wait3A_715 = tpu.memref_squeeze %dma_wait3A_714 : memref<1x1x1x96xi32, #tpu.memory_space<hbm>> -> memref<96xi32, #tpu.memory_space<hbm>>
        %dma_wait3A_716 = tpu.memref_slice %arg14[%dma_wait3A_709] : memref<6x!tpu.dma_semaphore, #tpu.memory_space<semaphore_mem>> -> memref<1x!tpu.dma_semaphore, #tpu.memory_space<semaphore_mem>>
        %dma_wait3A_717 = tpu.memref_squeeze %dma_wait3A_716 : memref<1x!tpu.dma_semaphore, #tpu.memory_space<semaphore_mem>> -> memref<!tpu.dma_semaphore, #tpu.memory_space<semaphore_mem>>
        %dma_wait3A_718 = arith.constant 0 : i32
        %dma_wait3A_719 = tpu.memref_slice %arg8[%dma_wait3A_708, %dma_wait3A_718] : memref<6x96xi32, #tpu.memory_space<vmem>> -> memref<1x96xi32, #tpu.memory_space<vmem>>
        %dma_wait3A_720 = tpu.memref_squeeze %dma_wait3A_719 : memref<1x96xi32, #tpu.memory_space<vmem>> -> memref<96xi32, #tpu.memory_space<vmem>>
        %dma_wait3A_721 = arith.constant 0 : i32
        %dma_wait3A_722 = tpu.memref_slice %arg3[%arg0, %arg1, %dma_wait3A_707, %dma_wait3A_721] : memref<2x16x210x96xi32, #tpu.memory_space<hbm>> -> memref<1x1x1x96xi32, #tpu.memory_space<hbm>>
        %dma_wait3A_723 = tpu.memref_squeeze %dma_wait3A_722 : memref<1x1x1x96xi32, #tpu.memory_space<hbm>> -> memref<96xi32, #tpu.memory_space<hbm>>
        tpu.wait_dma2 semaphore(%dma_wait3A_717 : memref<!tpu.dma_semaphore, #tpu.memory_space<semaphore_mem>>) src(%dma_wait3A_723 : memref<96xi32, #tpu.memory_space<hbm>>) dst(%dma_wait3A_720 : memref<96xi32, #tpu.memory_space<vmem>>)
        %dma_wait3A_724 = arith.constant 0 : i32
        %dma_wait3A_725 = arith.constant 1 : i32
        %dma_wait3A_726 = arith.constant 1 : i32
        %dma_wait3A_727 = arith.constant 0 : i32
        %dma_wait3A_728 = tpu.memref_slice %arg9[%dma_wait3A_725, %dma_wait3A_727] : memref<6x96xi32, #tpu.memory_space<vmem>> -> memref<1x96xi32, #tpu.memory_space<vmem>>
        %dma_wait3A_729 = tpu.memref_squeeze %dma_wait3A_728 : memref<1x96xi32, #tpu.memory_space<vmem>> -> memref<96xi32, #tpu.memory_space<vmem>>
        %dma_wait3A_730 = arith.constant 0 : i32
        %dma_wait3A_731 = tpu.memref_slice %arg4[%arg0, %arg1, %dma_wait3A_724, %dma_wait3A_730] : memref<2x16x210x96xi32, #tpu.memory_space<hbm>> -> memref<1x1x1x96xi32, #tpu.memory_space<hbm>>
        %dma_wait3A_732 = tpu.memref_squeeze %dma_wait3A_731 : memref<1x1x1x96xi32, #tpu.memory_space<hbm>> -> memref<96xi32, #tpu.memory_space<hbm>>
        %dma_wait3A_733 = tpu.memref_slice %arg14[%dma_wait3A_726] : memref<6x!tpu.dma_semaphore, #tpu.memory_space<semaphore_mem>> -> memref<1x!tpu.dma_semaphore, #tpu.memory_space<semaphore_mem>>
        %dma_wait3A_734 = tpu.memref_squeeze %dma_wait3A_733 : memref<1x!tpu.dma_semaphore, #tpu.memory_space<semaphore_mem>> -> memref<!tpu.dma_semaphore, #tpu.memory_space<semaphore_mem>>
        %dma_wait3A_735 = arith.constant 0 : i32
        %dma_wait3A_736 = tpu.memref_slice %arg9[%dma_wait3A_725, %dma_wait3A_735] : memref<6x96xi32, #tpu.memory_space<vmem>> -> memref<1x96xi32, #tpu.memory_space<vmem>>
        %dma_wait3A_737 = tpu.memref_squeeze %dma_wait3A_736 : memref<1x96xi32, #tpu.memory_space<vmem>> -> memref<96xi32, #tpu.memory_space<vmem>>
        %dma_wait3A_738 = arith.constant 0 : i32
        %dma_wait3A_739 = tpu.memref_slice %arg4[%arg0, %arg1, %dma_wait3A_724, %dma_wait3A_738] : memref<2x16x210x96xi32, #tpu.memory_space<hbm>> -> memref<1x1x1x96xi32, #tpu.memory_space<hbm>>
        %dma_wait3A_740 = tpu.memref_squeeze %dma_wait3A_739 : memref<1x1x1x96xi32, #tpu.memory_space<hbm>> -> memref<96xi32, #tpu.memory_space<hbm>>
        tpu.wait_dma2 semaphore(%dma_wait3A_734 : memref<!tpu.dma_semaphore, #tpu.memory_space<semaphore_mem>>) src(%dma_wait3A_740 : memref<96xi32, #tpu.memory_space<hbm>>) dst(%dma_wait3A_737 : memref<96xi32, #tpu.memory_space<vmem>>)
        %dma_start3A_741 = arith.constant 1 : i32
        %dma_start3A_742 = arith.constant 1 : i32
        %dma_start3A_743 = arith.constant 1 : i32
        %dma_start3A_744 = arith.constant 0 : i32
        %dma_start3A_745 = arith.constant 0 : i32
        %dma_start3A_746 = tpu.memref_slice %arg10[%dma_start3A_742, %dma_start3A_744, %dma_start3A_745] : memref<3x96x128xf32, #tpu.memory_space<vmem>> -> memref<1x96x128xf32, #tpu.memory_space<vmem>>
        %dma_start3A_747 = tpu.memref_squeeze %dma_start3A_746 : memref<1x96x128xf32, #tpu.memory_space<vmem>> -> memref<96x128xf32, #tpu.memory_space<vmem>>
        %dma_start3A_748 = arith.constant 0 : i32
        %dma_start3A_749 = tpu.memref_slice %arg8[%dma_start3A_741, %dma_start3A_748] : memref<6x96xi32, #tpu.memory_space<vmem>> -> memref<1x96xi32, #tpu.memory_space<vmem>>
        %dma_start3A_750 = tpu.memref_squeeze %dma_start3A_749 : memref<1x96xi32, #tpu.memory_space<vmem>> -> memref<96xi32, #tpu.memory_space<vmem>>
        %dma_start3A_751 = arith.constant 0 : i32
        %dma_start3A_752 = arith.constant 0 : i32
        %dma_start3A_753 = tpu.memref_slice %arg2[%dma_start3A_751, %dma_start3A_752] : memref<20480x128xf32, #tpu.memory_space<hbm>> -> memref<20480x128xf32, #tpu.memory_space<hbm>>
        %dma_start3A_754 = tpu.memref_slice %arg12[%dma_start3A_743] : memref<3x!tpu.dma_semaphore, #tpu.memory_space<semaphore_mem>> -> memref<1x!tpu.dma_semaphore, #tpu.memory_space<semaphore_mem>>
        %dma_start3A_755 = tpu.memref_squeeze %dma_start3A_754 : memref<1x!tpu.dma_semaphore, #tpu.memory_space<semaphore_mem>> -> memref<!tpu.dma_semaphore, #tpu.memory_space<semaphore_mem>>
        tpu.enqueue_indirect_dma source(%dma_start3A_753 : memref<20480x128xf32, #tpu.memory_space<hbm>>) target(%dma_start3A_747 : memref<96x128xf32, #tpu.memory_space<vmem>>) offsets(%dma_start3A_750 : memref<96xi32, #tpu.memory_space<vmem>>) semaphore(%dma_start3A_755 : memref<!tpu.dma_semaphore, #tpu.memory_space<semaphore_mem>>)
      } else {
      }
      %add3A_676 = arith.constant 3 : i32
      %add3A_677 = arith.addi %add3A_630, %add3A_676 : i32
      %lt3A_678 = arith.constant 210 : i32
      %lt3A_679 = arith.cmpi slt, %add3A_677, %lt3A_678 : i32
      %convert_element_type3A_680 = arith.extui %lt3A_679 : i1 to i32
      %cond3A_681 = arith.constant 0 : i32
      %cond3A_682 = arith.cmpi ne, %convert_element_type3A_680, %cond3A_681 : i32
      scf.if %cond3A_682 {
        %add3A_707 = arith.constant 3 : i32
        %add3A_708 = arith.addi %add3A_630, %add3A_707 : i32
        %dma_start3A_709 = arith.constant 2 : i32
        %dma_start3A_710 = arith.constant 2 : i32
        %dma_start3A_711 = arith.constant 0 : i32
        %dma_start3A_712 = tpu.memref_slice %arg8[%dma_start3A_709, %dma_start3A_711] : memref<6x96xi32, #tpu.memory_space<vmem>> -> memref<1x96xi32, #tpu.memory_space<vmem>>
        %dma_start3A_713 = tpu.memref_squeeze %dma_start3A_712 : memref<1x96xi32, #tpu.memory_space<vmem>> -> memref<96xi32, #tpu.memory_space<vmem>>
        %dma_start3A_714 = arith.constant 0 : i32
        %dma_start3A_715 = tpu.memref_slice %arg3[%arg0, %arg1, %add3A_708, %dma_start3A_714] : memref<2x16x210x96xi32, #tpu.memory_space<hbm>> -> memref<1x1x1x96xi32, #tpu.memory_space<hbm>>
        %dma_start3A_716 = tpu.memref_squeeze %dma_start3A_715 : memref<1x1x1x96xi32, #tpu.memory_space<hbm>> -> memref<96xi32, #tpu.memory_space<hbm>>
        %dma_start3A_717 = tpu.memref_slice %arg14[%dma_start3A_710] : memref<6x!tpu.dma_semaphore, #tpu.memory_space<semaphore_mem>> -> memref<1x!tpu.dma_semaphore, #tpu.memory_space<semaphore_mem>>
        %dma_start3A_718 = tpu.memref_squeeze %dma_start3A_717 : memref<1x!tpu.dma_semaphore, #tpu.memory_space<semaphore_mem>> -> memref<!tpu.dma_semaphore, #tpu.memory_space<semaphore_mem>>
        %dma_start3A_719 = arith.constant 0 : i32
        %dma_start3A_720 = tpu.memref_slice %arg8[%dma_start3A_709, %dma_start3A_719] : memref<6x96xi32, #tpu.memory_space<vmem>> -> memref<1x96xi32, #tpu.memory_space<vmem>>
        %dma_start3A_721 = tpu.memref_squeeze %dma_start3A_720 : memref<1x96xi32, #tpu.memory_space<vmem>> -> memref<96xi32, #tpu.memory_space<vmem>>
        %dma_start3A_722 = arith.constant 0 : i32
        %dma_start3A_723 = tpu.memref_slice %arg3[%arg0, %arg1, %add3A_708, %dma_start3A_722] : memref<2x16x210x96xi32, #tpu.memory_space<hbm>> -> memref<1x1x1x96xi32, #tpu.memory_space<hbm>>
        %dma_start3A_724 = tpu.memref_squeeze %dma_start3A_723 : memref<1x1x1x96xi32, #tpu.memory_space<hbm>> -> memref<96xi32, #tpu.memory_space<hbm>>
        tpu.enqueue_dma source(%dma_start3A_724 : memref<96xi32, #tpu.memory_space<hbm>>) target(%dma_start3A_721 : memref<96xi32, #tpu.memory_space<vmem>>) target_semaphore(%dma_start3A_718 : memref<!tpu.dma_semaphore, #tpu.memory_space<semaphore_mem>>)
        %dma_start3A_725 = arith.constant 2 : i32
        %dma_start3A_726 = arith.constant 2 : i32
        %dma_start3A_727 = arith.constant 0 : i32
        %dma_start3A_728 = tpu.memref_slice %arg9[%dma_start3A_725, %dma_start3A_727] : memref<6x96xi32, #tpu.memory_space<vmem>> -> memref<1x96xi32, #tpu.memory_space<vmem>>
        %dma_start3A_729 = tpu.memref_squeeze %dma_start3A_728 : memref<1x96xi32, #tpu.memory_space<vmem>> -> memref<96xi32, #tpu.memory_space<vmem>>
        %dma_start3A_730 = arith.constant 0 : i32
        %dma_start3A_731 = tpu.memref_slice %arg4[%arg0, %arg1, %add3A_708, %dma_start3A_730] : memref<2x16x210x96xi32, #tpu.memory_space<hbm>> -> memref<1x1x1x96xi32, #tpu.memory_space<hbm>>
        %dma_start3A_732 = tpu.memref_squeeze %dma_start3A_731 : memref<1x1x1x96xi32, #tpu.memory_space<hbm>> -> memref<96xi32, #tpu.memory_space<hbm>>
        %dma_start3A_733 = tpu.memref_slice %arg14[%dma_start3A_726] : memref<6x!tpu.dma_semaphore, #tpu.memory_space<semaphore_mem>> -> memref<1x!tpu.dma_semaphore, #tpu.memory_space<semaphore_mem>>
        %dma_start3A_734 = tpu.memref_squeeze %dma_start3A_733 : memref<1x!tpu.dma_semaphore, #tpu.memory_space<semaphore_mem>> -> memref<!tpu.dma_semaphore, #tpu.memory_space<semaphore_mem>>
        %dma_start3A_735 = arith.constant 0 : i32
        %dma_start3A_736 = tpu.memref_slice %arg9[%dma_start3A_725, %dma_start3A_735] : memref<6x96xi32, #tpu.memory_space<vmem>> -> memref<1x96xi32, #tpu.memory_space<vmem>>
        %dma_start3A_737 = tpu.memref_squeeze %dma_start3A_736 : memref<1x96xi32, #tpu.memory_space<vmem>> -> memref<96xi32, #tpu.memory_space<vmem>>
        %dma_start3A_738 = arith.constant 0 : i32
        %dma_start3A_739 = tpu.memref_slice %arg4[%arg0, %arg1, %add3A_708, %dma_start3A_738] : memref<2x16x210x96xi32, #tpu.memory_space<hbm>> -> memref<1x1x1x96xi32, #tpu.memory_space<hbm>>
        %dma_start3A_740 = tpu.memref_squeeze %dma_start3A_739 : memref<1x1x1x96xi32, #tpu.memory_space<hbm>> -> memref<96xi32, #tpu.memory_space<hbm>>
        tpu.enqueue_dma source(%dma_start3A_740 : memref<96xi32, #tpu.memory_space<hbm>>) target(%dma_start3A_737 : memref<96xi32, #tpu.memory_space<vmem>>) target_semaphore(%dma_start3A_734 : memref<!tpu.dma_semaphore, #tpu.memory_space<semaphore_mem>>)
      } else {
      }
      %get3A_683 = arith.constant 5 : i32
      %get3A_684 = arith.index_cast %get3A_683 : i32 to index
      %get3A_685 = arith.constant 0 : index
      %get3A_686 = tpu.vector_load %arg9[%get3A_684, %get3A_685] {strides = array<i32>} : memref<6x96xi32, #tpu.memory_space<vmem>>, vector<16xi32>,
      tpu.vector_store_idx %arg15[%get3A_686], %broadcast_in_dim3A_206 {add = true} : memref<10240xf32, #tpu.memory_space<vmem>>[vector<16xi32>], vector<16xf32>,
      %get3A_687 = arith.constant 5 : i32
      %get3A_688 = arith.index_cast %get3A_687 : i32 to index
      %get3A_689 = arith.constant 16 : index
      %get3A_690 = tpu.vector_load %arg9[%get3A_688, %get3A_689] {strides = array<i32>} : memref<6x96xi32, #tpu.memory_space<vmem>>, vector<16xi32>,
      tpu.vector_store_idx %arg15[%get3A_690], %broadcast_in_dim3A_206 {add = true} : memref<10240xf32, #tpu.memory_space<vmem>>[vector<16xi32>], vector<16xf32>,
      %get3A_691 = arith.constant 5 : i32
      %get3A_692 = arith.index_cast %get3A_691 : i32 to index
      %get3A_693 = arith.constant 32 : index
      %get3A_694 = tpu.vector_load %arg9[%get3A_692, %get3A_693] {strides = array<i32>} : memref<6x96xi32, #tpu.memory_space<vmem>>, vector<16xi32>,
      tpu.vector_store_idx %arg15[%get3A_694], %broadcast_in_dim3A_206 {add = true} : memref<10240xf32, #tpu.memory_space<vmem>>[vector<16xi32>], vector<16xf32>,
      %get3A_695 = arith.constant 5 : i32
      %get3A_696 = arith.index_cast %get3A_695 : i32 to index
      %get3A_697 = arith.constant 48 : index
      %get3A_698 = tpu.vector_load %arg9[%get3A_696, %get3A_697] {strides = array<i32>} : memref<6x96xi32, #tpu.memory_space<vmem>>, vector<16xi32>,
      tpu.vector_store_idx %arg15[%get3A_698], %broadcast_in_dim3A_206 {add = true} : memref<10240xf32, #tpu.memory_space<vmem>>[vector<16xi32>], vector<16xf32>,
      %get3A_699 = arith.constant 5 : i32
      %get3A_700 = arith.index_cast %get3A_699 : i32 to index
      %get3A_701 = arith.constant 64 : index
      %get3A_702 = tpu.vector_load %arg9[%get3A_700, %get3A_701] {strides = array<i32>} : memref<6x96xi32, #tpu.memory_space<vmem>>, vector<16xi32>,
      tpu.vector_store_idx %arg15[%get3A_702], %broadcast_in_dim3A_206 {add = true} : memref<10240xf32, #tpu.memory_space<vmem>>[vector<16xi32>], vector<16xf32>,
      %get3A_703 = arith.constant 5 : i32
      %get3A_704 = arith.index_cast %get3A_703 : i32 to index
      %get3A_705 = arith.constant 80 : index
      %get3A_706 = tpu.vector_load %arg9[%get3A_704, %get3A_705] {strides = array<i32>} : memref<6x96xi32, #tpu.memory_space<vmem>>, vector<16xi32>,
      tpu.vector_store_idx %arg15[%get3A_706], %broadcast_in_dim3A_206 {add = true} : memref<10240xf32, #tpu.memory_space<vmem>>[vector<16xi32>], vector<16xf32>,
    }
    %scan3A_212 = arith.constant 35 : i32
    %dma_wait3A_213 = arith.constant 2 : i32
    %dma_wait3A_214 = arith.constant 2 : i32
    %dma_wait3A_215 = arith.constant 0 : i32
    %dma_wait3A_216 = arith.constant 0 : i32
    %dma_wait3A_217 = tpu.memref_slice %arg10[%dma_wait3A_213, %dma_wait3A_215, %dma_wait3A_216] : memref<3x96x128xf32, #tpu.memory_space<vmem>> -> memref<1x96x128xf32, #tpu.memory_space<vmem>>
    %dma_wait3A_218 = tpu.memref_squeeze %dma_wait3A_217 : memref<1x96x128xf32, #tpu.memory_space<vmem>> -> memref<96x128xf32, #tpu.memory_space<vmem>>
    %dma_wait3A_219 = arith.constant 0 : i32
    %dma_wait3A_220 = arith.constant 0 : i32
    %dma_wait3A_221 = tpu.memref_slice %arg2[%dma_wait3A_219, %dma_wait3A_220] : memref<20480x128xf32, #tpu.memory_space<hbm>> -> memref<96x128xf32, #tpu.memory_space<hbm>>
    %dma_wait3A_222 = tpu.memref_slice %arg13[%dma_wait3A_214] : memref<3x!tpu.dma_semaphore, #tpu.memory_space<semaphore_mem>> -> memref<1x!tpu.dma_semaphore, #tpu.memory_space<semaphore_mem>>
    %dma_wait3A_223 = tpu.memref_squeeze %dma_wait3A_222 : memref<1x!tpu.dma_semaphore, #tpu.memory_space<semaphore_mem>> -> memref<!tpu.dma_semaphore, #tpu.memory_space<semaphore_mem>>
    %dma_wait3A_224 = arith.constant 0 : i32
    %dma_wait3A_225 = arith.constant 0 : i32
    %dma_wait3A_226 = tpu.memref_slice %arg10[%dma_wait3A_213, %dma_wait3A_224, %dma_wait3A_225] : memref<3x96x128xf32, #tpu.memory_space<vmem>> -> memref<1x96x128xf32, #tpu.memory_space<vmem>>
    %dma_wait3A_227 = tpu.memref_squeeze %dma_wait3A_226 : memref<1x96x128xf32, #tpu.memory_space<vmem>> -> memref<96x128xf32, #tpu.memory_space<vmem>>
    %dma_wait3A_228 = arith.constant 0 : i32
    %dma_wait3A_229 = arith.constant 0 : i32
    %dma_wait3A_230 = tpu.memref_slice %arg2[%dma_wait3A_228, %dma_wait3A_229] : memref<20480x128xf32, #tpu.memory_space<hbm>> -> memref<96x128xf32, #tpu.memory_space<hbm>>
    tpu.wait_dma2 semaphore(%dma_wait3A_223 : memref<!tpu.dma_semaphore, #tpu.memory_space<semaphore_mem>>) src(%dma_wait3A_230 : memref<96x128xf32, #tpu.memory_space<hbm>>) dst(%dma_wait3A_227 : memref<96x128xf32, #tpu.memory_space<vmem>>)
    "tpu.region"() ({
      %run_scoped3A = tpu.sem_alloc : memref<!tpu.dma_semaphore, #tpu.memory_space<semaphore_mem>>
      %dma_start3A_232 = arith.constant 0 : i32
      %dma_start3A_233 = tpu.memref_slice %arg7[%arg0, %arg1, %dma_start3A_232] : memref<2x16x10240xf32, #tpu.memory_space<hbm>> -> memref<1x1x10240xf32, #tpu.memory_space<hbm>>
      %dma_start3A_234 = tpu.memref_squeeze %dma_start3A_233 : memref<1x1x10240xf32, #tpu.memory_space<hbm>> -> memref<10240xf32, #tpu.memory_space<hbm>>
      %dma_start3A_235 = arith.constant 0 : i32
      %dma_start3A_236 = tpu.memref_slice %arg7[%arg0, %arg1, %dma_start3A_235] : memref<2x16x10240xf32, #tpu.memory_space<hbm>> -> memref<1x1x10240xf32, #tpu.memory_space<hbm>>
      %dma_start3A_237 = tpu.memref_squeeze %dma_start3A_236 : memref<1x1x10240xf32, #tpu.memory_space<hbm>> -> memref<10240xf32, #tpu.memory_space<hbm>>
      tpu.enqueue_dma source(%arg15 : memref<10240xf32, #tpu.memory_space<vmem>>) target(%dma_start3A_237 : memref<10240xf32, #tpu.memory_space<hbm>>) target_semaphore(%run_scoped3A : memref<!tpu.dma_semaphore, #tpu.memory_space<semaphore_mem>>)
      %dma_wait3A_238 = arith.constant 0 : i32
      %dma_wait3A_239 = tpu.memref_slice %arg7[%arg0, %arg1, %dma_wait3A_238] : memref<2x16x10240xf32, #tpu.memory_space<hbm>> -> memref<1x1x10240xf32, #tpu.memory_space<hbm>>
      %dma_wait3A_240 = tpu.memref_squeeze %dma_wait3A_239 : memref<1x1x10240xf32, #tpu.memory_space<hbm>> -> memref<10240xf32, #tpu.memory_space<hbm>>
      %dma_wait3A_241 = arith.constant 0 : i32
      %dma_wait3A_242 = tpu.memref_slice %arg7[%arg0, %arg1, %dma_wait3A_241] : memref<2x16x10240xf32, #tpu.memory_space<hbm>> -> memref<1x1x10240xf32, #tpu.memory_space<hbm>>
      %dma_wait3A_243 = tpu.memref_squeeze %dma_wait3A_242 : memref<1x1x10240xf32, #tpu.memory_space<hbm>> -> memref<10240xf32, #tpu.memory_space<hbm>>
      tpu.wait_dma2 semaphore(%run_scoped3A : memref<!tpu.dma_semaphore, #tpu.memory_space<semaphore_mem>>) src(%arg15 : memref<10240xf32, #tpu.memory_space<vmem>>) dst(%dma_wait3A_243 : memref<10240xf32, #tpu.memory_space<hbm>>)
      tpu.yield
    }) : () -> ()
    %barrier3A_231 = arith.constant 0 : index
    tpu.barrier barrier_id(%barrier3A_231)
    "tpu.region"() ({
      %run_scoped3A = tpu.sem_alloc : memref<!tpu.dma_semaphore, #tpu.memory_space<semaphore_mem>>
      %dma_start3A_232 = arith.constant 0 : i32
      %dma_start3A_233 = tpu.memref_slice %arg6[%arg0, %mul3A_0, %dma_start3A_232] : memref<2x10240x128xf32, #tpu.memory_space<hbm>> -> memref<1x640x128xf32, #tpu.memory_space<hbm>>
      %dma_start3A_234 = tpu.memref_squeeze %dma_start3A_233 : memref<1x640x128xf32, #tpu.memory_space<hbm>> -> memref<640x128xf32, #tpu.memory_space<hbm>>
      %dma_start3A_235 = arith.constant 0 : i32
      %dma_start3A_236 = tpu.memref_slice %arg11[%mul3A_0, %dma_start3A_235] : memref<10240x128xf32, #tpu.memory_space<vmem_shared>> -> memref<640x128xf32, #tpu.memory_space<vmem_shared>>
      tpu.enqueue_dma source(%dma_start3A_236 : memref<640x128xf32, #tpu.memory_space<vmem_shared>>) target(%dma_start3A_234 : memref<640x128xf32, #tpu.memory_space<hbm>>) target_semaphore(%run_scoped3A : memref<!tpu.dma_semaphore, #tpu.memory_space<semaphore_mem>>)
      %dma_wait3A_237 = arith.constant 0 : i32
      %dma_wait3A_238 = tpu.memref_slice %arg6[%arg0, %mul3A_0, %dma_wait3A_237] : memref<2x10240x128xf32, #tpu.memory_space<hbm>> -> memref<1x640x128xf32, #tpu.memory_space<hbm>>
      %dma_wait3A_239 = tpu.memref_squeeze %dma_wait3A_238 : memref<1x640x128xf32, #tpu.memory_space<hbm>> -> memref<640x128xf32, #tpu.memory_space<hbm>>
      %dma_wait3A_240 = arith.constant 0 : i32
      %dma_wait3A_241 = tpu.memref_slice %arg11[%mul3A_0, %dma_wait3A_240] : memref<10240x128xf32, #tpu.memory_space<vmem_shared>> -> memref<640x128xf32, #tpu.memory_space<vmem_shared>>
      tpu.wait_dma2 semaphore(%run_scoped3A : memref<!tpu.dma_semaphore, #tpu.memory_space<semaphore_mem>>) src(%dma_wait3A_241 : memref<640x128xf32, #tpu.memory_space<vmem_shared>>) dst(%dma_wait3A_239 : memref<640x128xf32, #tpu.memory_space<hbm>>)
      tpu.yield
    }) : () -> ()
    return
  }
}

module attributes {stable_mosaic.version = 14 : i64} {
  func.func @_mm_body(%arg0: i32, %arg1: i32, %arg2: memref<1x512x128xf32, #tpu.memory_space<vmem>>, %arg3: memref<1x16x512xf32, #tpu.memory_space<vmem>>, %arg4: memref<1x512x128xf32, #tpu.memory_space<vmem>>, %arg5: memref<1x128x128xf32, #tpu.memory_space<vmem>>, %arg6: memref<1x128x128xf32, #tpu.memory_space<vmem>>, %arg7: memref<1x1x128xf32, #tpu.memory_space<vmem>>, %arg8: memref<1x512x128xf32, #tpu.memory_space<vmem>>) attributes {dimension_semantics = [#tpu.dimension_semantics<arbitrary>, #tpu.dimension_semantics<arbitrary>], iteration_bounds = array<i64: 2, 20>, scalar_prefetch = 0 : i64, scratch_operands = 0 : i64, tpu.core_type = #tpu.core_type<tc>, window_params = [{transform_indices = @transform_0, window_bounds = array<i64: 1, 512, 128>}, {transform_indices = @transform_1, window_bounds = array<i64: 1, 16, 512>}, {transform_indices = @transform_2, window_bounds = array<i64: 1, 512, 128>}, {transform_indices = @transform_3, window_bounds = array<i64: 1, 128, 128>}, {transform_indices = @transform_4, window_bounds = array<i64: 1, 128, 128>}, {transform_indices = @transform_5, window_bounds = array<i64: 1, 1, 128>}, {transform_indices = @transform_6, window_bounds = array<i64: 1, 512, 128>}]} {
    %get3A = arith.constant 0 : index
    %get3A_0 = arith.constant 0 : index
    %get3A_1 = arith.constant 0 : index
    %get3A_2 = vector.load %arg3[%get3A, %get3A_0, %get3A_1] : memref<1x16x512xf32, #tpu.memory_space<vmem>>, vector<1x16x512xf32>
    %get3A_3 = vector.shape_cast %get3A_2 : vector<1x16x512xf32> to vector<16x512xf32>
    %reduce_sum3A = arith.constant dense<0.000000e+00> : vector<512xf32>
    %reduce_sum3A_4 = vector.multi_reduction <add>, %get3A_3, %reduce_sum3A [0] : vector<16x512xf32> to vector<512xf32>
    %broadcast_in_dim3A = vector.shape_cast %reduce_sum3A_4 : vector<512xf32> to vector<512x1xf32>
    %get3A_5 = arith.constant 0 : index
    %get3A_6 = arith.constant 0 : index
    %get3A_7 = arith.constant 0 : index
    %get3A_8 = vector.load %arg2[%get3A_5, %get3A_6, %get3A_7] : memref<1x512x128xf32, #tpu.memory_space<vmem>>, vector<1x512x128xf32>
    %get3A_9 = vector.shape_cast %get3A_8 : vector<1x512x128xf32> to vector<512x128xf32>
    %max3A = arith.constant 1.000000e+00 : f32
    %max3A_10 = vector.broadcast %max3A : f32 to vector<512x1xf32>
    %max3A_11 = arith.maximumf %broadcast_in_dim3A, %max3A_10 : vector<512x1xf32>
    %div3A = vector.broadcast %max3A_11 : vector<512x1xf32> to vector<512x128xf32>
    %div3A_12 = arith.divf %get3A_9, %div3A : vector<512x128xf32>
    %get3A_13 = arith.constant 0 : index
    %get3A_14 = arith.constant 0 : index
    %get3A_15 = arith.constant 0 : index
    %get3A_16 = vector.load %arg5[%get3A_13, %get3A_14, %get3A_15] : memref<1x128x128xf32, #tpu.memory_space<vmem>>, vector<1x128x128xf32>
    %get3A_17 = vector.shape_cast %get3A_16 : vector<1x128x128xf32> to vector<128x128xf32>
    %dot_general3A = arith.constant dense<0.000000e+00> : vector<512x128xf32>
    %dot_general3A_18 = tpu.matmul %div3A_12, %get3A_17, %dot_general3A {dimension_numbers = #tpu.dot_dimension_numbers<[1], [0], [0], [1], [0, 0, 1, 1], [], []>, transpose_lhs_hint = false} : vector<512x128xf32>, vector<128x128xf32>, vector<512x128xf32> -> vector<512x128xf32>
    %get3A_19 = arith.constant 0 : index
    %get3A_20 = arith.constant 0 : index
    %get3A_21 = arith.constant 0 : index
    %get3A_22 = vector.load %arg4[%get3A_19, %get3A_20, %get3A_21] : memref<1x512x128xf32, #tpu.memory_space<vmem>>, vector<1x512x128xf32>
    %get3A_23 = vector.shape_cast %get3A_22 : vector<1x512x128xf32> to vector<512x128xf32>
    %get3A_24 = arith.constant 0 : index
    %get3A_25 = arith.constant 0 : index
    %get3A_26 = arith.constant 0 : index
    %get3A_27 = vector.load %arg6[%get3A_24, %get3A_25, %get3A_26] : memref<1x128x128xf32, #tpu.memory_space<vmem>>, vector<1x128x128xf32>
    %get3A_28 = vector.shape_cast %get3A_27 : vector<1x128x128xf32> to vector<128x128xf32>
    %dot_general3A_29 = arith.constant dense<0.000000e+00> : vector<512x128xf32>
    %dot_general3A_30 = tpu.matmul %get3A_23, %get3A_28, %dot_general3A_29 {dimension_numbers = #tpu.dot_dimension_numbers<[1], [0], [0], [1], [0, 0, 1, 1], [], []>, transpose_lhs_hint = false} : vector<512x128xf32>, vector<128x128xf32>, vector<512x128xf32> -> vector<512x128xf32>
    %add3A = arith.addf %dot_general3A_18, %dot_general3A_30 : vector<512x128xf32>
    %get3A_31 = arith.constant 0 : index
    %get3A_32 = arith.constant 0 : index
    %get3A_33 = arith.constant 0 : index
    %get3A_34 = vector.load %arg7[%get3A_31, %get3A_32, %get3A_33] : memref<1x1x128xf32, #tpu.memory_space<vmem>>, vector<1x1x128xf32>
    %get3A_35 = vector.shape_cast %get3A_34 : vector<1x1x128xf32> to vector<1x128xf32>
    %add3A_36 = vector.broadcast %get3A_35 : vector<1x128xf32> to vector<512x128xf32>
    %add3A_37 = arith.addf %add3A, %add3A_36 : vector<512x128xf32>
    %max3A_38 = arith.constant 0.000000e+00 : f32
    %max3A_39 = vector.broadcast %max3A_38 : f32 to vector<512x128xf32>
    %max3A_40 = arith.maximumf %add3A_37, %max3A_39 : vector<512x128xf32>
    %swap3A = arith.constant 0 : index
    %swap3A_41 = arith.constant 0 : index
    %swap3A_42 = arith.constant 0 : index
    %swap3A_43 = vector.load %arg8[%swap3A, %swap3A_41, %swap3A_42] : memref<1x512x128xf32, #tpu.memory_space<vmem>>, vector<1x512x128xf32>
    %swap3A_44 = vector.shape_cast %swap3A_43 : vector<1x512x128xf32> to vector<512x128xf32>
    %swap3A_45 = vector.shape_cast %max3A_40 : vector<512x128xf32> to vector<1x512x128xf32>
    tpu.vector_store %arg8[%swap3A, %swap3A_41, %swap3A_42], %swap3A_45 {strides = array<i32>} : memref<1x512x128xf32, #tpu.memory_space<vmem>>, vector<1x512x128xf32>,
    return
  }
  func.func @transform_0(%arg0: i32, %arg1: i32) -> (i32, i32, i32) {
    %c0_i32 = arith.constant 0 : i32
    %c0_i32_0 = arith.constant 0 : i32
    return %arg0, %arg1, %c0_i32 : i32, i32, i32
  }
  func.func @transform_1(%arg0: i32, %arg1: i32) -> (i32, i32, i32) {
    %c0_i32 = arith.constant 0 : i32
    %c0_i32_0 = arith.constant 0 : i32
    return %arg0, %c0_i32, %arg1 : i32, i32, i32
  }
  func.func @transform_2(%arg0: i32, %arg1: i32) -> (i32, i32, i32) {
    %c0_i32 = arith.constant 0 : i32
    %c0_i32_0 = arith.constant 0 : i32
    return %arg0, %arg1, %c0_i32 : i32, i32, i32
  }
  func.func @transform_3(%arg0: i32, %arg1: i32) -> (i32, i32, i32) {
    %c0_i32 = arith.constant 0 : i32
    %c0_i32_0 = arith.constant 0 : i32
    %c0_i32_1 = arith.constant 0 : i32
    return %arg0, %c0_i32, %c0_i32_0 : i32, i32, i32
  }
  func.func @transform_4(%arg0: i32, %arg1: i32) -> (i32, i32, i32) {
    %c0_i32 = arith.constant 0 : i32
    %c0_i32_0 = arith.constant 0 : i32
    %c0_i32_1 = arith.constant 0 : i32
    return %arg0, %c0_i32, %c0_i32_0 : i32, i32, i32
  }
  func.func @transform_5(%arg0: i32, %arg1: i32) -> (i32, i32, i32) {
    %c0_i32 = arith.constant 0 : i32
    %c0_i32_0 = arith.constant 0 : i32
    %c0_i32_1 = arith.constant 0 : i32
    return %arg0, %c0_i32, %c0_i32_0 : i32, i32, i32
  }
  func.func @transform_6(%arg0: i32, %arg1: i32) -> (i32, i32, i32) {
    %c0_i32 = arith.constant 0 : i32
    %c0_i32_0 = arith.constant 0 : i32
    return %arg0, %arg1, %c0_i32 : i32, i32, i32
  }
}

module attributes {stable_mosaic.version = 14 : i64} {
  func.func @_mm_body(%arg0: i32, %arg1: i32, %arg2: memref<1x512x128xf32, #tpu.memory_space<vmem>>, %arg3: memref<1x16x512xf32, #tpu.memory_space<vmem>>, %arg4: memref<1x512x128xf32, #tpu.memory_space<vmem>>, %arg5: memref<1x128x128xf32, #tpu.memory_space<vmem>>, %arg6: memref<1x128x128xf32, #tpu.memory_space<vmem>>, %arg7: memref<1x1x128xf32, #tpu.memory_space<vmem>>, %arg8: memref<1x512x128xf32, #tpu.memory_space<vmem>>) attributes {dimension_semantics = [#tpu.dimension_semantics<arbitrary>, #tpu.dimension_semantics<arbitrary>], iteration_bounds = array<i64: 2, 20>, scalar_prefetch = 0 : i64, scratch_operands = 0 : i64, tpu.core_type = #tpu.core_type<tc>, window_params = [{transform_indices = @transform_0, window_bounds = array<i64: 1, 512, 128>}, {transform_indices = @transform_1, window_bounds = array<i64: 1, 16, 512>}, {transform_indices = @transform_2, window_bounds = array<i64: 1, 512, 128>}, {transform_indices = @transform_3, window_bounds = array<i64: 1, 128, 128>}, {transform_indices = @transform_4, window_bounds = array<i64: 1, 128, 128>}, {transform_indices = @transform_5, window_bounds = array<i64: 1, 1, 128>}, {transform_indices = @transform_6, window_bounds = array<i64: 1, 512, 128>}]} {
    %get3A = arith.constant 0 : index
    %get3A_0 = arith.constant 0 : index
    %get3A_1 = arith.constant 0 : index
    %get3A_2 = vector.load %arg3[%get3A, %get3A_0, %get3A_1] : memref<1x16x512xf32, #tpu.memory_space<vmem>>, vector<1x16x512xf32>
    %get3A_3 = vector.shape_cast %get3A_2 : vector<1x16x512xf32> to vector<16x512xf32>
    %reduce_sum3A = arith.constant dense<0.000000e+00> : vector<512xf32>
    %reduce_sum3A_4 = vector.multi_reduction <add>, %get3A_3, %reduce_sum3A [0] : vector<16x512xf32> to vector<512xf32>
    %broadcast_in_dim3A = vector.shape_cast %reduce_sum3A_4 : vector<512xf32> to vector<512x1xf32>
    %get3A_5 = arith.constant 0 : index
    %get3A_6 = arith.constant 0 : index
    %get3A_7 = arith.constant 0 : index
    %get3A_8 = vector.load %arg2[%get3A_5, %get3A_6, %get3A_7] : memref<1x512x128xf32, #tpu.memory_space<vmem>>, vector<1x512x128xf32>
    %get3A_9 = vector.shape_cast %get3A_8 : vector<1x512x128xf32> to vector<512x128xf32>
    %max3A = arith.constant 1.000000e+00 : f32
    %max3A_10 = vector.broadcast %max3A : f32 to vector<512x1xf32>
    %max3A_11 = arith.maximumf %broadcast_in_dim3A, %max3A_10 : vector<512x1xf32>
    %div3A = vector.broadcast %max3A_11 : vector<512x1xf32> to vector<512x128xf32>
    %div3A_12 = arith.divf %get3A_9, %div3A : vector<512x128xf32>
    %get3A_13 = arith.constant 0 : index
    %get3A_14 = arith.constant 0 : index
    %get3A_15 = arith.constant 0 : index
    %get3A_16 = vector.load %arg5[%get3A_13, %get3A_14, %get3A_15] : memref<1x128x128xf32, #tpu.memory_space<vmem>>, vector<1x128x128xf32>
    %get3A_17 = vector.shape_cast %get3A_16 : vector<1x128x128xf32> to vector<128x128xf32>
    %dot_general3A = arith.constant dense<0.000000e+00> : vector<512x128xf32>
    %dot_general3A_18 = tpu.matmul %div3A_12, %get3A_17, %dot_general3A {dimension_numbers = #tpu.dot_dimension_numbers<[1], [0], [0], [1], [0, 0, 1, 1], [], []>, transpose_lhs_hint = false} : vector<512x128xf32>, vector<128x128xf32>, vector<512x128xf32> -> vector<512x128xf32>
    %get3A_19 = arith.constant 0 : index
    %get3A_20 = arith.constant 0 : index
    %get3A_21 = arith.constant 0 : index
    %get3A_22 = vector.load %arg4[%get3A_19, %get3A_20, %get3A_21] : memref<1x512x128xf32, #tpu.memory_space<vmem>>, vector<1x512x128xf32>
    %get3A_23 = vector.shape_cast %get3A_22 : vector<1x512x128xf32> to vector<512x128xf32>
    %get3A_24 = arith.constant 0 : index
    %get3A_25 = arith.constant 0 : index
    %get3A_26 = arith.constant 0 : index
    %get3A_27 = vector.load %arg6[%get3A_24, %get3A_25, %get3A_26] : memref<1x128x128xf32, #tpu.memory_space<vmem>>, vector<1x128x128xf32>
    %get3A_28 = vector.shape_cast %get3A_27 : vector<1x128x128xf32> to vector<128x128xf32>
    %dot_general3A_29 = arith.constant dense<0.000000e+00> : vector<512x128xf32>
    %dot_general3A_30 = tpu.matmul %get3A_23, %get3A_28, %dot_general3A_29 {dimension_numbers = #tpu.dot_dimension_numbers<[1], [0], [0], [1], [0, 0, 1, 1], [], []>, transpose_lhs_hint = false} : vector<512x128xf32>, vector<128x128xf32>, vector<512x128xf32> -> vector<512x128xf32>
    %add3A = arith.addf %dot_general3A_18, %dot_general3A_30 : vector<512x128xf32>
    %get3A_31 = arith.constant 0 : index
    %get3A_32 = arith.constant 0 : index
    %get3A_33 = arith.constant 0 : index
    %get3A_34 = vector.load %arg7[%get3A_31, %get3A_32, %get3A_33] : memref<1x1x128xf32, #tpu.memory_space<vmem>>, vector<1x1x128xf32>
    %get3A_35 = vector.shape_cast %get3A_34 : vector<1x1x128xf32> to vector<1x128xf32>
    %add3A_36 = vector.broadcast %get3A_35 : vector<1x128xf32> to vector<512x128xf32>
    %add3A_37 = arith.addf %add3A, %add3A_36 : vector<512x128xf32>
    %swap3A = arith.constant 0 : index
    %swap3A_38 = arith.constant 0 : index
    %swap3A_39 = arith.constant 0 : index
    %swap3A_40 = vector.load %arg8[%swap3A, %swap3A_38, %swap3A_39] : memref<1x512x128xf32, #tpu.memory_space<vmem>>, vector<1x512x128xf32>
    %swap3A_41 = vector.shape_cast %swap3A_40 : vector<1x512x128xf32> to vector<512x128xf32>
    %swap3A_42 = vector.shape_cast %add3A_37 : vector<512x128xf32> to vector<1x512x128xf32>
    tpu.vector_store %arg8[%swap3A, %swap3A_38, %swap3A_39], %swap3A_42 {strides = array<i32>} : memref<1x512x128xf32, #tpu.memory_space<vmem>>, vector<1x512x128xf32>,
    return
  }
  func.func @transform_0(%arg0: i32, %arg1: i32) -> (i32, i32, i32) {
    %c0_i32 = arith.constant 0 : i32
    %c0_i32_0 = arith.constant 0 : i32
    return %arg0, %arg1, %c0_i32 : i32, i32, i32
  }
  func.func @transform_1(%arg0: i32, %arg1: i32) -> (i32, i32, i32) {
    %c0_i32 = arith.constant 0 : i32
    %c0_i32_0 = arith.constant 0 : i32
    return %arg0, %c0_i32, %arg1 : i32, i32, i32
  }
  func.func @transform_2(%arg0: i32, %arg1: i32) -> (i32, i32, i32) {
    %c0_i32 = arith.constant 0 : i32
    %c0_i32_0 = arith.constant 0 : i32
    return %arg0, %arg1, %c0_i32 : i32, i32, i32
  }
  func.func @transform_3(%arg0: i32, %arg1: i32) -> (i32, i32, i32) {
    %c0_i32 = arith.constant 0 : i32
    %c0_i32_0 = arith.constant 0 : i32
    %c0_i32_1 = arith.constant 0 : i32
    return %arg0, %c0_i32, %c0_i32_0 : i32, i32, i32
  }
  func.func @transform_4(%arg0: i32, %arg1: i32) -> (i32, i32, i32) {
    %c0_i32 = arith.constant 0 : i32
    %c0_i32_0 = arith.constant 0 : i32
    %c0_i32_1 = arith.constant 0 : i32
    return %arg0, %c0_i32, %c0_i32_0 : i32, i32, i32
  }
  func.func @transform_5(%arg0: i32, %arg1: i32) -> (i32, i32, i32) {
    %c0_i32 = arith.constant 0 : i32
    %c0_i32_0 = arith.constant 0 : i32
    %c0_i32_1 = arith.constant 0 : i32
    return %arg0, %c0_i32, %c0_i32_0 : i32, i32, i32
  }
  func.func @transform_6(%arg0: i32, %arg1: i32) -> (i32, i32, i32) {
    %c0_i32 = arith.constant 0 : i32
    %c0_i32_0 = arith.constant 0 : i32
    return %arg0, %arg1, %c0_i32 : i32, i32, i32
  }
}

</mosaic_0001>

<sc_bundles>
// kernel: kernel.6.cloned.1.call-start
scs
__scs_entry_jumppad:
0x0: {  	(pc) =	sbr.rel $0x88, $3  }
0x1: {  	(tag) =	ssettag $0x0;
	lr =	simm.s32 $0x1  }
0x2: {  	[smem:$0x3F91] =	sst lr;
	_ =	strace $0xD0000000  }
0x3: {  	_ = 	snop  }
0x4: {  	_ = 	snop  }
0x5: {  	_ = 	snop  }
0x6: {  	_ = 	snop  }
0x7: {  	_ = 	snop  }
__scs_overlays_trampoline_lowered:
0x8: {  	[smem:$0x3FA0] =	sst s0  }
0x9: {  	[smem:$0x3FA1] =	sst s1  }
0xa: {  	[smem:$0x3FA2] =	sst s2  }
0xb: {  	[smem:$0x3FA3] =	sst s3  }
0xc: {  	[smem:$0x3FA4] =	sst s4  }
0xd: {  	[smem:$0x3FA5] =	sst s5  }
0xe: {  	[smem:$0x3FA6] =	sst s6  }
0xf: {  	[smem:$0x3FA7] =	sst s7  }
0x10: {  	[smem:$0x3FA8] =	sst s8  }
0x11: {  	[smem:$0x3FA9] =	sst s9;
	s0 =	simm.s32 @!p0 $0x0  }
0x12: {  	s1 =	sld [smem:$0x3F8F];
	s0 =	simm.s32 @p0 $0x1  }
0x13: {  	[smem:$0x3FAA] =	sst s0;
	s0 =	simm.s32 @!p1 $0x0  }
0x14: {  	s2 =	sld [smem:$0x3F8E];
	s0 =	simm.s32 @p1 $0x1  }
0x15: {  	[smem:$0x3FAB] =	sst s0;
	s0 =	simm.s32 @!p2 $0x0  }
0x16: {  	s3 =	sld [smem:$0x3FDB];
	s0 =	simm.s32 @p2 $0x1  }
0x17: {  	s4 =	simm.s32 $0x1BF5;
	[smem:$0x3FAD] =	sst s0  }
0x18: {  	s0 =	sld [smem:$0x3F90];
	_ =	swait.ge [sflag:s4], $0x0  }
0x19: {  	s7 =	sld [smem:$0x3F91]  }
0x1a: {  	s8 =	sadd.s32 $0xFFFFE003, lr  }
0x1b: {  	s9 =	sadd.s32 $0xFFFFFEF7, lr;
	s5 =	simm.s32 $0xFFFFFFFF;
	p2 =	slt.u32 s8, $0xFFFFF086  }
0x1c: {  	p1 =	slt.u32 s9, $0xF7A;
	s5 =	simm.s32 @!p2 $0x0  }
0x1d: {  	s5 =	simm.s32 @p1 $0x1;
	p0 =	seq.s32 s7, s2  }
0x1e: {  	s7 =	smul.u32 @!p0 $0xF7A, s2;
	p2 =	seq.s32 @!p0 s5, $0x0  }
0x1f: {  	s9 =	smul.u32 $0xF7A, s1;
	s8 =	simm.s32 @!p0 $0x1BF5;
	p2 =	por !p2, p0  }
0x20: {  	[sflag:s8] =	ssyncset.s32 @!p0 $0xFFFFF086;
	s6 =	sadd.s32 @!p0 s3, s7;
	s7 =	simm.s32 @!p0 $0x108  }
0x21: {  	s3 =	sadd.s32 s3, s9;
	s6 =	sadd.s32 @!p0 $0x88, s6;
	s7 =	simm.s32 @p2 $0x1082  }
0x22: {  	[simem:s7], [sflag:s8] =	dma.local @!p0 [hbm:s6], $0xF7A  }
0x23: {  	s9 =	sor.u32 $0xD0000000, s2;
	s6 =	simm.s32 $0x108;
	_ =	swait.ge @!p0 [sflag:s8], $0x0  }
0x24: {  	s3 =	sadd.s32 $0x88, s3;
	s6 =	simm.s32 @!p1 $0x1082;
	[sflag:s4] =	ssyncset.s32 $0xFFFFF086  }
0x25: {  	[simem:s6], [sflag:s4] =	dma.local [hbm:s3], $0xF7A  }
0x26: {  	[smem:$0x3F91] =	sst s1;
	(tag) =	ssettag s2;
	_ =	strace s9  }
0x27: {  	s1 =	sld [smem:$0x3FA1]  }
0x28: {  	s2 =	sld [smem:$0x3FA2]  }
0x29: {  	s4 =	sld [smem:$0x3FA4]  }
0x2a: {  	p0 =	seq.s32 s5, $0x0;
	s5 =	sld [smem:$0x3FA5]  }
0x2b: {  	s6 =	sld [smem:$0x3FA6]  }
0x2c: {  	s7 =	sld [smem:$0x3FA7]  }
0x2d: {  	s3 =	simm.s32 $0x108;
	s8 =	sld [smem:$0x3FA8]  }
0x2e: {  	s3 =	simm.s32 @!p0 $0x1082;
	s9 =	sld [smem:$0x3FA9]  }
0x2f: {  	lr =	sadd.s32 s0, s3;
	s0 =	sld [smem:$0x3FA0]  }
0x30: {  	s3 =	sld [smem:$0x3FA3]  }
0x31: {  	[smem:$0x3FAC] =	sst s10  }
0x32: {  	s10 =	sld [smem:$0x3FAA];
	_ =	sdelay $0x3  }
0x33: {  	p0 =	seq.s32 s10, $0x1;
	s10 =	sld [smem:$0x3FAC];
	_ =	sdelay $0x3  }
0x34: {  	[smem:$0x3FAC] =	sst s10  }
0x35: {  	s10 =	sld [smem:$0x3FAB];
	_ =	sdelay $0x3  }
0x36: {  	p1 =	seq.s32 s10, $0x1;
	s10 =	sld [smem:$0x3FAC];
	_ =	sdelay $0x3  }
0x37: {  	[smem:$0x3FAC] =	sst s10  }
0x38: {  	s10 =	sld [smem:$0x3FAD]  }
0x39: {  	_ = 	snop;
	(pc) =	sbr.ind lr, $3  }
0x3a: {  	_ = 	snop  }
0x3b: {  	_ = 	snop  }
0x3c: {  	p2 =	seq.s32 s10, $0x1;
	s10 =	sld [smem:$0x3FAC]  }
0x3d: {  	_ =	shalt  }
0x3e: {  	_ =	shalt  }
0x3f: {  	_ =	shalt  }
0x40: {  	_ =	shalt  }
0x41: {  	_ =	shalt  }
0x42: {  	_ =	shalt  }
0x43: {  	_ =	shalt  }
0x44: {  	_ =	shalt  }
0x45: {  	_ =	shalt  }
0x46: {  	_ =	shalt  }
0x47: {  	_ =	shalt  }
0x48: {  	_ =	shalt  }
0x49: {  	_ =	shalt  }
0x4a: {  	_ =	shalt  }
0x4b: {  	_ =	shalt  }
0x4c: {  	_ =	shalt  }
0x4d: {  	_ =	shalt  }
0x4e: {  	_ =	shalt  }
0x4f: {  	_ =	shalt  }
0x50: {  	_ =	shalt  }
0x51: {  	_ =	shalt  }
0x52: {  	_ =	shalt  }
0x53: {  	_ =	shalt  }
0x54: {  	_ =	shalt  }
0x55: {  	_ =	shalt  }
0x56: {  	_ =	shalt  }
0x57: {  	_ =	shalt  }
0x58: {  	_ =	shalt  }
0x59: {  	_ =	shalt  }
0x5a: {  	_ =	shalt  }
0x5b: {  	_ =	shalt  }
0x5c: {  	_ =	shalt  }
0x5d: {  	_ =	shalt  }
0x5e: {  	_ =	shalt  }
0x5f: {  	_ =	shalt  }
0x60: {  	_ =	shalt  }
0x61: {  	_ =	shalt  }
0x62: {  	_ =	shalt  }
0x63: {  	_ =	shalt  }
0x64: {  	_ =	shalt  }
0x65: {  	_ =	shalt  }
0x66: {  	_ =	shalt  }
0x67: {  	_ =	shalt  }
0x68: {  	_ =	shalt  }
0x69: {  	_ =	shalt  }
0x6a: {  	_ =	shalt  }
0x6b: {  	_ =	shalt  }
0x6c: {  	_ =	shalt  }
0x6d: {  	_ =	shalt  }
0x6e: {  	_ =	shalt  }
0x6f: {  	_ =	shalt  }
0x70: {  	_ =	shalt  }
0x71: {  	_ =	shalt  }
0x72: {  	_ =	shalt  }
0x73: {  	_ =	shalt  }
0x74: {  	_ =	shalt  }
0x75: {  	_ =	shalt  }
0x76: {  	_ =	shalt  }
0x77: {  	_ =	shalt  }
0x78: {  	_ =	shalt  }
0x79: {  	_ =	shalt  }
0x7a: {  	_ =	shalt  }
0x7b: {  	_ =	shalt  }
0x7c: {  	_ =	shalt  }
0x7d: {  	_ =	shalt  }
0x7e: {  	_ =	shalt  }
0x7f: {  	_ =	shalt  }
0x80: {  	_ =	shalt  }
0x81: {  	_ =	shalt  }
0x82: {  	_ =	shalt  }
0x83: {  	_ =	shalt  }
0x84: {  	_ =	shalt  }
0x85: {  	_ =	shalt  }
0x86: {  	_ =	shalt  }
0x87: {  	_ =	shalt  }
.Lfunc_end0:
.L_simem_size_0:
called_computation_lowered:
.L_overlay_start_0:
0x88: {  	s2 =	sld [smem:$0x3FD9]  }
0x89: {  	s3 =	sld [smem:$0x3FFE];
	_ =	sdelay $0x1  }
0x8a: {  	s1 =	srdreg.scid  }
0x8b: {  	s0 =	sand.u32 $0x1, s1  }
0x8c: {  	s14 =	sshll.u32 s0, $0xA;
	s2 =	sadd.s32 s3, s2  }
0x8d: {  	s2 =	sadd.s32 s2, s14  }
0x8e: {  	[smem:$0x3FB8] =	sst s2  }
0x8f: {  	_ = 	snop  }
0x90: {  	s2 =	sld [smem:$0x3FD0];
	_ =	sdelay $0x2  }
0x91: {  	s15 =	simm.s32 $0xA;
	s4 =	simm.s32 $0x10  }
0x92: {  	[smem:s4], [sflag:s15] =	dma.local [hbm:s2], $0x1  }
0x93: {  	_ =	swait.eq [sflag:s15], $0x1  }
0x94: {  	[sflag:s15] =	ssyncset.done $0x0  }
0x95: {  	s16 =	sld [smem:$0x10];
	[sflag:s15] =	ssyncadd.s32 $0xFFFFFFFF  }
0x96: {  	s17 =	sld [smem:$0x11];
	(tm) =	ssettm $0x1  }
0x97: {  	s18 =	sld [smem:$0x3FFB];
	_ =	sdelay $0x3  }
0x98: {  	_ =	strace s18  }
0x99: {  	s4 =	sld [smem:$0x3FFC];
	_ =	sdelay $0x3  }
0x9a: {  	_ =	strace s4  }
0x9b: {  	s4 =	sld [smem:$0x3FFD];
	_ =	sdelay $0x3  }
0x9c: {  	_ =	strace s4  }
0x9d: {  	_ =	strace $0x8FFFFFFF  }
0x9e: {  	s19 =	sld [smem:$0x3FDB];
	_ =	sdelay $0x1  }
0x9f: {  	s5 =	simm.s32 $_scs_section_size  }
0xa0: {  	s6 =	simm.s32 $_size__tile_overlayer_lowered;
	s7 =	simm.s32 $_tile_overlayer_lowered  }
0xa1: {  	s22 =	simm.s32 $0x1BFF;
	s21 =	sshll.u32 s7, $0x1;
	s4 =	sadd.s32 s5, s19  }
0xa2: {  	s8 =	simm.s32 $0x0;
	s20 =	sshll.u32 s6, $0x1;
	s6 =	sadd.s32 s21, s4  }
0xa3: {  	[timem:s8], [sflag:s22] =	dma.local [hbm:s6], s20  }
0xa4: {  	_ =	swait.ge [sflag:s22], s20  }
0xa5: {  	s5 =	ssub.s32 $0x0, s20;
	[sflag:s22] =	ssyncset.done $0x0  }
0xa6: {  	[sflag:s22] =	ssyncadd.s32 s5;
	_ =	sdelay $0x1  }
0xa7: {  	s23 =	simm.s32 $0x1B8B  }
0xa8: {  	_ =	swait.ge [sflag:s23], $0x1  }
0xa9: {  	[sflag:s23] =	ssyncset.done $0x0  }
0xaa: {  	s25 =	simm.s32 $0x1B8E;
	s24 =	sld [smem:$0x3FFE];
	[sflag:s23] =	ssyncadd.s32 $0xFFFFFFFF  }
0xab: {  	s26 =	simm.s32 $execute0_lowered;
	[smem:$0x3FD2] =	sst s25  }
0xac: {  	s6 =	sshll.u32 s26, $0x1;
	_ =	strace $0x80000046;
	[dreg:$0x1] =	wrdreg $0xFFFFFFFF  }
0xad: {  	s28 =	simm.s32 $_size_execute0_lowered;
	s4 =	sadd.s32 s4, s6;
	[dreg:$0x0] =	wrdreg $0x0  }
0xae: {  	s6 =	sshll.u32 s28, $0x1;
	[dreg:$0x2] =	wrdreg s4  }
0xaf: {  	[dreg:$0x3] =	wrdreg s6  }
0xb0: {  	[dreg:$0x4] =	wrdreg $0xC0  }
0xb1: {  	_ =	task [dreg:s8], $0x5FFFF  }
0xb2: {  	[dreg:$0x1] =	wrdreg $0xFFFFFFFF  }
0xb3: {  	[dreg:$0x0] =	wrdreg $0x60  }
0xb4: {  	[dreg:$0x2] =	wrdreg s24  }
0xb5: {  	[dreg:$0x3] =	wrdreg s16  }
0xb6: {  	[dreg:$0x4] =	wrdreg s17  }
0xb7: {  	[dreg:$0x5] =	wrdreg $0x98000  }
0xb8: {  	[dreg:$0x6] =	wrdreg $0x9  }
0xb9: {  	_ =	task.clear_ibuf [dreg:s8], $0x7FFFF;
	_ =	strace $0x90000046  }
0xba: {  	s29 =	simm.s32 $0x9;
	_ =	strace $0x80000048  }
0xbb: {  	_ =	swait.ge [sflag:s29], $0x1  }
0xbc: {  	[sflag:s29] =	ssyncadd.s32 $0xFFFFFFFF  }
0xbd: {  	_ =	strace $0x90000048  }
0xbe: {  	_ =	sfence  }
0xbf: {  	s30 =	sld [smem:$0x0];
	_ =	sdelay $0x2  }
0xc0: {  	s31 =	sshll.u32 s1, $0xD;
	s1 =	sshrl.u32 s1, $0x2  }
0xc1: {  	s3 =	sand.u32 $0x4000, s31;
	s1 =	sadd.s32 s1, s30  }
0xc2: {  	s0 =	sor.u32 s3, s0;
	s1 =	sshll.u32 s1, $0x11  }
0xc3: {  	s0 =	sor.u32 s1, s0  }
0xc4: {  	s0 =	sadd.s32 $0x8F2B, s0  }
0xc5: {  	[sflag:s0] =	ssyncadd.remote.s32 $0x1  }
0xc6: {  	_ =	sfence.sel $0xFFFF  }
0xc7: {  	[dreg:$0x0] =	wrdreg $0xFFFFFFFF;
	(pc) =	sbr.abs _section_cstart, $3  }
0xc8: {  	[dreg:$0x1] =	wrdreg $0xFFFFFFFF  }
0xc9: {  	_ =	task.clear_ibuf [dreg:s8], $0x2FFFF;
	_ =	strace $0x9FFFFFFF  }
0xca: {  	(tm) =	ssettm $0x7FFFFFFF  }
0xcb: {  	_ =	shalt  }
tec
execute0_lowered:
.L_overlay_start_1:
0x0: {  	(tag) =	ssettag $0x1  }
0x1: {  	s0 =	rddreg [dreg:$0x0]  }
0x2: {  	s1 =	rddreg [dreg:$0x1]  }
0x3: {  	s3 =	rddreg [dreg:$0x2]  }
0x4: {  	s4 =	rddreg [dreg:$0x3];
	s14 =	stileid.u32  }
0x5: {  	s5 =	simm.s32 $0x0;
	s2 =	srdreg.scid;
	s7 =	smul.u32 $0x14000, s14  }
0x6: {  	s28 =	simm.s32 $0x60;
	s29 =	simm.s32 $0x800;
	s26 =	smul.u32 $0x6C00, s14  }
0x7: {  	s31 =	simm.s32 $0x3800;
	s2 =	sand.u32 $0x1, s2;
	s18 =	smul.u32 $0x50000, s14  }
0x8: {  	s30 =	simm.s32 $0x6;
	[smem:$0x7FF] =	sst s5;
	s8 =	smul.u32 $0x140000, s2  }
0x9: {  	s6 =	sadd.s32 $0x3A00, s0;
	s10 =	sshrl.u32 s14, $0x3;
	s9 =	smul.u32 $0x28000, s2  }
0xa: {  	s24 =	sshll.u32 s14, $0x7;
	_ =	strace $0x80000047;
	s23 =	smul.u32 $0x14000, s10  }
0xb: {  	s12 =	smul.u32 $0x6C000, s2;
	s25 =	sand.u32 $0x380, s24;
	s2 =	ssub.s32 $0x2, s2  }
0xc: {  	s11 =	sshrl.u32 s7, $0x3;
	s10 =	sshrl.u32 s2, $0x1;
	s22 =	sshrl.u32 s18, $0x2  }
0xd: {  	s18 =	simm.s32 $0x3;
	s7 =	sadd.s32 s7, s8;
	s8 =	sadd.s32 s9, s23  }
0xe: {  	s11 =	sadd.s32 s11, s0;
	s2 =	ssub.s32 s2, s10;
	s23 =	sshll.u32 s14, $0x6  }
0xf: {  	s14 =	simm.s32 $0xA;
	s7 =	sshrl.u32 s7, $0x3;
	s9 =	sor.u32 s25, s8  }
0x10: {  	s24 =	sadd.s32 $0x53A00, s11;
	s10 =	sor.u32 $0x1C0D, s23;
	s23 =	simm.s32 $0x100  }
0x11: {  	s11 =	simm.s32 $0x1D800;
	s13 =	sadd.s32 s7, s0;
	s8 =	sshrl.u32 s9, $0x3  }
0x12: {  	s7 =	sadd.s32 s26, s12;
	[dreg:$0xc] =	wrdreg s24;
	s26 =	smax.u32 s2, $0x1  }
0x13: {  	s24 =	simm.s32 $0x80;
	s2 =	simm.s32 $0x9;
	[dreg:$0xd] =	wrdreg s10  }
0x14: {  	s0 =	sadd.s32 s8, s0;
	s12 =	sshrl.u32 s7, $0x3;
	s25 =	sadd.s32 $0x7BA00, s13  }
0x15: {  	[dreg:$0x10] =	wrdreg s26;
	s13 =	simm.s32 $0x4;
	s26 =	simm.s32 $0x600  }
0x16: {  	s15 =	sadd.s32 s1, s12;
	s16 =	sadd.s32 s3, s12;
	[dreg:$0xf] =	wrdreg s25  }
0x17: {  	s17 =	sor.u32 $0x10, s12;
	s9 =	sor.u32 $0x20, s12;
	[dreg:$0x5] =	wrdreg s15  }
0x18: {  	s0 =	sadd.s32 $0xCBA00, s0;
	s12 =	simm.s32 $0x2;
	[dreg:$0x6] =	wrdreg s16  }
0x19: {  	s25 =	simm.s32 $0xC;
	s19 =	sadd.s32 s1, s17;
	[dreg:$0xe] =	wrdreg s0  }
0x1a: {  	s8 =	sadd.s32 s3, s17;
	s20 =	sadd.s32 s1, s9;
	[dreg:$0x7] =	wrdreg s19  }
0x1b: {  	s21 =	sadd.s32 s3, s9;
	s0 =	simm.s32 $0x1;
	[dreg:$0x8] =	wrdreg s8  }
0x1c: {  	s15 =	simm.s32 $0x0;
	s16 =	simm.s32 $0x200;
	[dreg:$0x9] =	wrdreg s20  }
0x1d: {  	s17 =	simm.s32 $0x680;
	[dreg:$0xa] =	wrdreg s21;
	s8 =	sadd.s32 s22, s4  }
0x1e: {  	s20 =	simm.s32 $0x400;
	s22 =	simm.s32 $0x480;
	s19 =	simm.s32 $0x5  }
0x1f: {  	v0 =	vimm.f32 $0.0e+00;
	v1 =	vimm.f32 $1.000000000e+00;
	s21 =	simm.s32 $0xB;
	[dreg:$0xb] =	wrdreg s8;
	s8 =	simm.s32 $0x6800  }
.LBB2_1:
0x20: {  	[dreg:$0x11] =	wrdreg s15  }
0x21: {  	s9 =	rddreg [dreg:$0x5]  }
0x22: {  	[tilespmem:s5], [sflag:$0x7] =	stream.linear.gather [hbm4b:s9+s5], $0x80, $0x38;
	v63 =	vld [tilespmem:$0x0]  }
0x23: {  	s15 =	rddreg [dreg:$0x6]  }
0x24: {  	[tilespmem:s20], [sflag:$0x7] =	stream.linear.gather [hbm4b:s15+s5], $0x80, $0x38;
	v63 =	vld [tilespmem:$0x0]  }
0x25: {  	s15 =	rddreg [dreg:$0x7]  }
0x26: {  	[tilespmem:s24], [sflag:$0x8] =	stream.linear.gather [hbm4b:s15+s5], $0x80, $0x38;
	v63 =	vld [tilespmem:$0x0]  }
0x27: {  	s15 =	rddreg [dreg:$0x8]  }
0x28: {  	[tilespmem:s22], [sflag:$0x8] =	stream.linear.gather [hbm4b:s15+s5], $0x80, $0x38;
	v63 =	vld [tilespmem:$0x0]  }
0x29: {  	s22 =	rddreg [dreg:$0x9]  }
0x2a: {  	[tilespmem:s23], [sflag:$0x9] =	stream.linear.gather [hbm4b:s22+s5], $0x80, $0x38;
	v63 =	vld [tilespmem:$0x0]  }
0x2b: {  	s15 =	simm.s32 $0x500;
	s23 =	rddreg [dreg:$0xa]  }
0x2c: {  	[tilespmem:s15], [sflag:$0x9] =	stream.linear.gather [hbm4b:s23+s5], $0x80, $0x38;
	v63 =	vld [tilespmem:$0x0]  }
0x2d: {  	s23 =	rddreg [dreg:$0xb]  }
0x2e: {  	s22 =	rddreg [dreg:$0xc];
	s9 =	sshrl.u32 s23, $0x3  }
0x2f: {  	s23 =	simm.s32 $0xD;
	[dreg:$0x12] =	wrdreg s9  }
0x30: {  	[spmem:s9], [sflag:s10] =	dma.local [hbm:s22], $0x2800  }
0x31: {  	_ =	swait.ge [sflag:s23], $0x2800  }
0x32: {  	[sflag:s23] =	ssyncset.done $0x0  }
0x33: {  	s22 =	simm.s32 $0x40;
	[sflag:s23] =	ssyncadd.s32 $0xFFFFD800;
	s23 =	simm.s32 $0x0  }
.LBB2_2:
0x34: {  	p0 =	sne.s32 s22, $0x9FC0;
	[tilespmem:s23+$0x1D800] =	vst v0;
	s23 =	smov.u32 s22;
	s22 =	sadd.s32 $0x40, s22  }
.Ltmp0:
0x35: {  	(pc) =	sbr.rel @p0 .LBB2_2-.Ltmp0, $2  }
0x36: {  	_ =	sdelay $0x2  }
0x37: {  	s23 =	sshra.s32 s23, $0x2  }
0x38: {  	[tilespmem:s23+$0x1D800] =	vst v0;
	s9 =	simm.s32 $0x7  }
0x39: {  	_ =	swait.ge [sflag:s9], $0x80  }
0x3a: {  	[sflag:s9] =	ssyncset.done $0x0  }
0x3b: {  	[sflag:s9] =	ssyncadd.s32 $0xFFFFFF80  }
0x3c: {  	_ =	swait.ge [sflag:s9], $0x80  }
0x3d: {  	[sflag:s9] =	ssyncset.done $0x0  }
0x3e: {  	s23 =	simm.s32 $0x8;
	[sflag:s9] =	ssyncadd.s32 $0xFFFFFF80  }
0x3f: {  	[tilespmem:s29], [sflag:$0x1] =	stream.indirect.gather [hbm4b:s6+s28], $0x80, s5, s28, $0xb8;
	v63 =	vld [tilespmem:$0x0]  }
0x40: {  	_ =	swait.ge [sflag:s23], $0x80  }
0x41: {  	[sflag:s23] =	ssyncset.done $0x0  }
0x42: {  	[sflag:s23] =	ssyncadd.s32 $0xFFFFFF80  }
0x43: {  	_ =	swait.ge [sflag:s23], $0x80  }
0x44: {  	[sflag:s23] =	ssyncset.done $0x0  }
0x45: {  	[sflag:s23] =	ssyncadd.s32 $0xFFFFFF80  }
0x46: {  	[tilespmem:s31], [sflag:$0x2] =	stream.indirect.gather [hbm4b:s6+s28], $0x80, s24, s28, $0xb8;
	v63 =	vld [tilespmem:$0x0]  }
0x47: {  	s22 =	simm.s32 $0x400;
	s15 =	simm.s32 $0x280;
	[bflag:$0x0] =	sbarrier.arrive $0xFFFF  }
.LBB2_4:
0x48: {  	_ =	swait.ge [sflag:s0], $0x3000  }
0x49: {  	p0 =	seq.s32 s22, $0x400;
	[sflag:s0] =	ssyncset.done $0x0  }
0x4a: {  	s23 =	simm.s32 @!p0 $0x6;
	[sflag:s0] =	ssyncadd.s32 $0xFFFFD000  }
0x4b: {  	[spmem:s4] =	stream.indirect.scatter.add.f32 [tilespmem:s29], [sflag:$0x4], $0x80, s20, s28, $0xb8;
	v63 =	vld [tilespmem:$0x0]  }
0x4c: {  	_ =	swait.ge @!p0 [sflag:s23], $0x3000  }
0x4d: {  	[sflag:s23] =	ssyncset.done @!p0 $0x0  }
0x4e: {  	[sflag:s23] =	ssyncadd.s32 @!p0 $0xFFFFD000  }
0x4f: {  	_ =	swait.ge [sflag:s2], $0x80  }
0x50: {  	s10 =	sadd.s32 $0xFFFFFD80, s22;
	[sflag:s2] =	ssyncset.done $0x0  }
0x51: {  	s24 =	sand.u32 $0x1FC00, s10;
	[sflag:s2] =	ssyncadd.s32 $0xFFFFFF80  }
0x52: {  	s24 =	sadd.s32 s7, s24;
	s23 =	sand.u32 $0x380, s10;
	_ =	swait.ge [sflag:s2], $0x80  }
0x53: {  	s23 =	sor.u32 s23, s24;
	[sflag:s2] =	ssyncset.done $0x0  }
0x54: {  	s9 =	simm.s32 $0x100;
	s23 =	sshrl.u32 s23, $0x3;
	[sflag:s2] =	ssyncadd.s32 $0xFFFFFF80  }
0x55: {  	[tilespmem:s8], [sflag:$0x3] =	stream.indirect.gather [hbm4b:s6+s28], $0x80, s9, s28, $0xb8;
	v63 =	vld [tilespmem:$0x0]  }
0x56: {  	s10 =	simm.s32 $0x180;
	s20 =	sadd.s32 s1, s23  }
0x57: {  	[tilespmem:s10], [sflag:$0xA] =	stream.linear.gather [hbm4b:s20+s5], $0x80, $0x38;
	v63 =	vld [tilespmem:$0x0]  }
0x58: {  	s23 =	sadd.s32 s3, s23;
	s20 =	simm.s32 $0x580  }
0x59: {  	[tilespmem:s20], [sflag:$0xA] =	stream.linear.gather [hbm4b:s23+s5], $0x80, $0x38;
	v63 =	vld [tilespmem:$0x0]  }
0x5a: {  	v2 =	vld [tilespmem:$0x400];
	_ =	sdelay $0x7  }
0x5b: {  	[tilespmem:v2+s11+$0x0] =	vst.idx.add.f32.msk $0xffff, v1  }
0x5c: {  	v2 =	vld [tilespmem:$0x410];
	_ =	sdelay $0x7  }
0x5d: {  	[tilespmem:v2+s11+$0x0] =	vst.idx.add.f32.msk $0xffff, v1  }
0x5e: {  	v2 =	vld [tilespmem:$0x420];
	_ =	sdelay $0x7  }
0x5f: {  	[tilespmem:v2+s11+$0x0] =	vst.idx.add.f32.msk $0xffff, v1  }
0x60: {  	v2 =	vld [tilespmem:$0x430];
	_ =	sdelay $0x7  }
0x61: {  	[tilespmem:v2+s11+$0x0] =	vst.idx.add.f32.msk $0xffff, v1  }
0x62: {  	v2 =	vld [tilespmem:$0x440];
	_ =	sdelay $0x7  }
0x63: {  	[tilespmem:v2+s11+$0x0] =	vst.idx.add.f32.msk $0xffff, v1  }
0x64: {  	v2 =	vld [tilespmem:$0x450];
	_ =	sdelay $0x7  }
0x65: {  	[tilespmem:v2+s11+$0x0] =	vst.idx.add.f32.msk $0xffff, v1  }
0x66: {  	_ =	swait.ge [sflag:s12], $0x3000  }
0x67: {  	[sflag:s12] =	ssyncset.done $0x0  }
0x68: {  	s24 =	simm.s32 $0x480;
	[sflag:s12] =	ssyncadd.s32 $0xFFFFD000  }
0x69: {  	[spmem:s4] =	stream.indirect.scatter.add.f32 [tilespmem:s31], [sflag:$0x5], $0x80, s24, s28, $0xb8;
	v63 =	vld [tilespmem:$0x0]  }
0x6a: {  	_ =	swait.ge [sflag:s13], $0x3000  }
0x6b: {  	[sflag:s13] =	ssyncset.done $0x0  }
0x6c: {  	[sflag:s13] =	ssyncadd.s32 $0xFFFFD000  }
0x6d: {  	_ =	swait.ge [sflag:s14], $0x80  }
0x6e: {  	[sflag:s14] =	ssyncset.done $0x0  }
0x6f: {  	[sflag:s14] =	ssyncadd.s32 $0xFFFFFF80  }
0x70: {  	_ =	swait.ge [sflag:s14], $0x80  }
0x71: {  	[sflag:s14] =	ssyncset.done $0x0  }
0x72: {  	[sflag:s14] =	ssyncadd.s32 $0xFFFFFF80  }
0x73: {  	[tilespmem:s29], [sflag:$0x1] =	stream.indirect.gather [hbm4b:s6+s28], $0x80, s10, s28, $0xb8;
	v63 =	vld [tilespmem:$0x0]  }
0x74: {  	s10 =	sadd.s32 $0xFFFFFE00, s22  }
0x75: {  	s9 =	sand.u32 $0x1FC00, s10  }
0x76: {  	s23 =	sand.u32 $0x300, s10;
	s24 =	sadd.s32 s7, s9  }
0x77: {  	s23 =	sor.u32 s23, s24  }
0x78: {  	s23 =	sshrl.u32 s23, $0x3  }
0x79: {  	s10 =	sadd.s32 s1, s23  }
0x7a: {  	[tilespmem:s16], [sflag:$0xB] =	stream.linear.gather [hbm4b:s10+s5], $0x80, $0x38;
	v63 =	vld [tilespmem:$0x0]  }
0x7b: {  	s23 =	sadd.s32 s3, s23  }
0x7c: {  	[tilespmem:s26], [sflag:$0xB] =	stream.linear.gather [hbm4b:s23+s5], $0x80, $0x38;
	v63 =	vld [tilespmem:$0x0]  }
0x7d: {  	v2 =	vld [tilespmem:$0x480];
	_ =	sdelay $0x7  }
0x7e: {  	[tilespmem:v2+s11+$0x0] =	vst.idx.add.f32.msk $0xffff, v1  }
0x7f: {  	v2 =	vld [tilespmem:$0x490];
	_ =	sdelay $0x7  }
0x80: {  	[tilespmem:v2+s11+$0x0] =	vst.idx.add.f32.msk $0xffff, v1  }
0x81: {  	v2 =	vld [tilespmem:$0x4A0];
	_ =	sdelay $0x7  }
0x82: {  	[tilespmem:v2+s11+$0x0] =	vst.idx.add.f32.msk $0xffff, v1  }
0x83: {  	v2 =	vld [tilespmem:$0x4B0];
	_ =	sdelay $0x7  }
0x84: {  	[tilespmem:v2+s11+$0x0] =	vst.idx.add.f32.msk $0xffff, v1  }
0x85: {  	v2 =	vld [tilespmem:$0x4C0];
	_ =	sdelay $0x7  }
0x86: {  	[tilespmem:v2+s11+$0x0] =	vst.idx.add.f32.msk $0xffff, v1  }
0x87: {  	v2 =	vld [tilespmem:$0x4D0];
	_ =	sdelay $0x7  }
0x88: {  	[tilespmem:v2+s11+$0x0] =	vst.idx.add.f32.msk $0xffff, v1  }
0x89: {  	_ =	swait.ge [sflag:s18], $0x3000  }
0x8a: {  	[sflag:s18] =	ssyncset.done $0x0  }
0x8b: {  	s24 =	simm.s32 $0x500;
	[sflag:s18] =	ssyncadd.s32 $0xFFFFD000  }
0x8c: {  	[spmem:s4] =	stream.indirect.scatter.add.f32 [tilespmem:s8], [sflag:$0x6], $0x80, s24, s28, $0xb8;
	v63 =	vld [tilespmem:$0x0]  }
0x8d: {  	_ =	swait.ge [sflag:s19], $0x3000  }
0x8e: {  	[sflag:s19] =	ssyncset.done $0x0  }
0x8f: {  	[sflag:s19] =	ssyncadd.s32 $0xFFFFD000  }
0x90: {  	_ =	swait.ge [sflag:s21], $0x80  }
0x91: {  	s10 =	sadd.s32 $0xFFFFFE80, s22;
	[sflag:s21] =	ssyncset.done $0x0  }
0x92: {  	s9 =	sand.u32 $0x1FC00, s10;
	[sflag:s21] =	ssyncadd.s32 $0xFFFFFF80  }
0x93: {  	s23 =	sand.u32 $0x380, s10;
	s24 =	sadd.s32 s7, s9;
	_ =	swait.ge [sflag:s21], $0x80  }
0x94: {  	s23 =	sor.u32 s23, s24;
	[sflag:s21] =	ssyncset.done $0x0  }
0x95: {  	s23 =	sshrl.u32 s23, $0x3;
	[sflag:s21] =	ssyncadd.s32 $0xFFFFFF80  }
0x96: {  	[tilespmem:s31], [sflag:$0x2] =	stream.indirect.gather [hbm4b:s6+s28], $0x80, s16, s28, $0xb8;
	v63 =	vld [tilespmem:$0x0]  }
0x97: {  	s10 =	sadd.s32 s1, s23  }
0x98: {  	[tilespmem:s15], [sflag:$0xC] =	stream.linear.gather [hbm4b:s10+s5], $0x80, $0x38;
	v63 =	vld [tilespmem:$0x0]  }
0x99: {  	s23 =	sadd.s32 s3, s23  }
0x9a: {  	[tilespmem:s17], [sflag:$0xC] =	stream.linear.gather [hbm4b:s23+s5], $0x80, $0x38;
	v63 =	vld [tilespmem:$0x0]  }
0x9b: {  	v2 =	vld [tilespmem:$0x500];
	_ =	sdelay $0x7  }
0x9c: {  	[tilespmem:v2+s11+$0x0] =	vst.idx.add.f32.msk $0xffff, v1  }
0x9d: {  	v2 =	vld [tilespmem:$0x510];
	_ =	sdelay $0x7  }
0x9e: {  	[tilespmem:v2+s11+$0x0] =	vst.idx.add.f32.msk $0xffff, v1  }
0x9f: {  	v2 =	vld [tilespmem:$0x520];
	_ =	sdelay $0x7  }
0xa0: {  	[tilespmem:v2+s11+$0x0] =	vst.idx.add.f32.msk $0xffff, v1  }
0xa1: {  	v2 =	vld [tilespmem:$0x530];
	_ =	sdelay $0x7  }
0xa2: {  	[tilespmem:v2+s11+$0x0] =	vst.idx.add.f32.msk $0xffff, v1  }
0xa3: {  	v2 =	vld [tilespmem:$0x540];
	_ =	sdelay $0x7  }
0xa4: {  	[tilespmem:v2+s11+$0x0] =	vst.idx.add.f32.msk $0xffff, v1  }
0xa5: {  	v2 =	vld [tilespmem:$0x550];
	_ =	sdelay $0x7  }
0xa6: {  	[tilespmem:v2+s11+$0x0] =	vst.idx.add.f32.msk $0xffff, v1  }
0xa7: {  	_ =	swait.ge [sflag:s0], $0x3000  }
0xa8: {  	[sflag:s0] =	ssyncset.done $0x0  }
0xa9: {  	[sflag:s0] =	ssyncadd.s32 $0xFFFFD000  }
0xaa: {  	[spmem:s4] =	stream.indirect.scatter.add.f32 [tilespmem:s29], [sflag:$0x4], $0x80, s20, s28, $0xb8;
	v63 =	vld [tilespmem:$0x0]  }
0xab: {  	_ =	swait.ge [sflag:s30], $0x3000  }
0xac: {  	[sflag:s30] =	ssyncset.done $0x0  }
0xad: {  	[sflag:s30] =	ssyncadd.s32 $0xFFFFD000  }
0xae: {  	p0 =	seq.s32 s22, $0x6A00;
	_ =	swait.ge [sflag:s25], $0x80  }
0xaf: {  	s23 =	sadd.s32 @!p0 $0xFFFFFF00, s22;
	[sflag:s25] =	ssyncset.done $0x0  }
0xb0: {  	s24 =	sand.u32 @!p0 $0x1FC00, s23;
	[sflag:s25] =	ssyncadd.s32 $0xFFFFFF80  }
0xb1: {  	s23 =	sand.u32 @!p0 $0x300, s23;
	s24 =	sadd.s32 @!p0 s7, s24;
	_ =	swait.ge [sflag:s25], $0x80  }
0xb2: {  	s23 =	sor.u32 @!p0 s23, s24;
	[sflag:s25] =	ssyncset.done $0x0  }
0xb3: {  	s24 =	sshrl.u32 @!p0 s23, $0x3;
	[sflag:s25] =	ssyncadd.s32 $0xFFFFFF80  }
0xb4: {  	[tilespmem:s8], [sflag:$0x3] =	stream.indirect.gather [hbm4b:s6+s28], $0x80, s15, s28, $0xb8;
	v63 =	vld [tilespmem:$0x0]  }
0xb5: {  	s23 =	simm.s32 @!p0 $0x0;
	s20 =	sadd.s32 @!p0 s1, s24  }
0xb6: {  	[tilespmem:s23], [sflag:$0x7] =	stream.linear.gather @!p0 [hbm4b:s20+s23], $0x80, $0x38;
	v63 =	vld [tilespmem:$0x0]  }
0xb7: {  	s20 =	sadd.s32 @!p0 s3, s24;
	s24 =	simm.s32 @!p0 $0x400  }
0xb8: {  	[tilespmem:s24], [sflag:$0x7] =	stream.linear.gather @!p0 [hbm4b:s20+s23], $0x80, $0x38;
	v63 =	vld [tilespmem:$0x0]  }
0xb9: {  	v2 =	vld [tilespmem:$0x580];
	_ =	sdelay $0x7  }
0xba: {  	[tilespmem:v2+s11+$0x0] =	vst.idx.add.f32.msk $0xffff, v1  }
0xbb: {  	v2 =	vld [tilespmem:$0x590];
	_ =	sdelay $0x7  }
0xbc: {  	[tilespmem:v2+s11+$0x0] =	vst.idx.add.f32.msk $0xffff, v1  }
0xbd: {  	v2 =	vld [tilespmem:$0x5A0];
	_ =	sdelay $0x7  }
0xbe: {  	[tilespmem:v2+s11+$0x0] =	vst.idx.add.f32.msk $0xffff, v1  }
0xbf: {  	v2 =	vld [tilespmem:$0x5B0];
	_ =	sdelay $0x7  }
0xc0: {  	[tilespmem:v2+s11+$0x0] =	vst.idx.add.f32.msk $0xffff, v1  }
0xc1: {  	v2 =	vld [tilespmem:$0x5C0];
	_ =	sdelay $0x7  }
0xc2: {  	[tilespmem:v2+s11+$0x0] =	vst.idx.add.f32.msk $0xffff, v1  }
0xc3: {  	v2 =	vld [tilespmem:$0x5D0];
	_ =	sdelay $0x7  }
0xc4: {  	[tilespmem:v2+s11+$0x0] =	vst.idx.add.f32.msk $0xffff, v1  }
0xc5: {  	_ =	swait.ge [sflag:s12], $0x3000  }
0xc6: {  	[sflag:s12] =	ssyncset.done $0x0  }
0xc7: {  	[sflag:s12] =	ssyncadd.s32 $0xFFFFD000  }
0xc8: {  	[spmem:s4] =	stream.indirect.scatter.add.f32 [tilespmem:s31], [sflag:$0x5], $0x80, s26, s28, $0xb8;
	v63 =	vld [tilespmem:$0x0]  }
0xc9: {  	_ =	swait.ge [sflag:s13], $0x3000  }
0xca: {  	[sflag:s13] =	ssyncset.done $0x0  }
0xcb: {  	s20 =	simm.s32 @!p0 $0x7;
	[sflag:s13] =	ssyncadd.s32 $0xFFFFD000  }
0xcc: {  	_ =	swait.ge @!p0 [sflag:s20], $0x80  }
0xcd: {  	[sflag:s20] =	ssyncset.done @!p0 $0x0  }
0xce: {  	[sflag:s20] =	ssyncadd.s32 @!p0 $0xFFFFFF80  }
0xcf: {  	_ =	swait.ge @!p0 [sflag:s20], $0x80  }
0xd0: {  	[sflag:s20] =	ssyncset.done @!p0 $0x0  }
0xd1: {  	s24 =	simm.s32 @!p0 $0x800;
	[sflag:s20] =	ssyncadd.s32 @!p0 $0xFFFFFF80;
	s20 =	simm.s32 @!p0 $0x60  }
0xd2: {  	[tilespmem:s24], [sflag:$0x1] =	stream.indirect.gather @!p0 [hbm4b:s6+s20], $0x80, s23, s20, $0xb8;
	v63 =	vld [tilespmem:$0x0]  }
0xd3: {  	s24 =	sadd.s32 @!p0 $0xFFFFFF80, s22  }
0xd4: {  	s9 =	sand.u32 @!p0 $0x1FC00, s24  }
0xd5: {  	s24 =	sand.u32 @!p0 $0x380, s24;
	s9 =	sadd.s32 @!p0 s7, s9  }
0xd6: {  	s9 =	sor.u32 @!p0 s24, s9  }
0xd7: {  	s9 =	sshrl.u32 @!p0 s9, $0x3  }
0xd8: {  	s10 =	simm.s32 @!p0 $0x80;
	s24 =	sadd.s32 @!p0 s1, s9  }
0xd9: {  	[tilespmem:s10], [sflag:$0x8] =	stream.linear.gather @!p0 [hbm4b:s24+s23], $0x80, $0x38;
	v63 =	vld [tilespmem:$0x0]  }
0xda: {  	s9 =	sadd.s32 @!p0 s3, s9;
	s24 =	simm.s32 @!p0 $0x480  }
0xdb: {  	[tilespmem:s24], [sflag:$0x8] =	stream.linear.gather @!p0 [hbm4b:s9+s23], $0x80, $0x38;
	v63 =	vld [tilespmem:$0x0]  }
0xdc: {  	v2 =	vld [tilespmem:$0x600];
	_ =	sdelay $0x7  }
0xdd: {  	[tilespmem:v2+s11+$0x0] =	vst.idx.add.f32.msk $0xffff, v1  }
0xde: {  	v2 =	vld [tilespmem:$0x610];
	_ =	sdelay $0x7  }
0xdf: {  	[tilespmem:v2+s11+$0x0] =	vst.idx.add.f32.msk $0xffff, v1  }
0xe0: {  	v2 =	vld [tilespmem:$0x620];
	_ =	sdelay $0x7  }
0xe1: {  	[tilespmem:v2+s11+$0x0] =	vst.idx.add.f32.msk $0xffff, v1  }
0xe2: {  	v2 =	vld [tilespmem:$0x630];
	_ =	sdelay $0x7  }
0xe3: {  	[tilespmem:v2+s11+$0x0] =	vst.idx.add.f32.msk $0xffff, v1  }
0xe4: {  	v2 =	vld [tilespmem:$0x640];
	_ =	sdelay $0x7  }
0xe5: {  	[tilespmem:v2+s11+$0x0] =	vst.idx.add.f32.msk $0xffff, v1  }
0xe6: {  	v2 =	vld [tilespmem:$0x650];
	_ =	sdelay $0x7  }
0xe7: {  	[tilespmem:v2+s11+$0x0] =	vst.idx.add.f32.msk $0xffff, v1  }
0xe8: {  	_ =	swait.ge [sflag:s18], $0x3000  }
0xe9: {  	[sflag:s18] =	ssyncset.done $0x0  }
0xea: {  	[sflag:s18] =	ssyncadd.s32 $0xFFFFD000  }
0xeb: {  	[spmem:s4] =	stream.indirect.scatter.add.f32 [tilespmem:s8], [sflag:$0x6], $0x80, s17, s28, $0xb8;
	v63 =	vld [tilespmem:$0x0]  }
0xec: {  	_ =	swait.ge [sflag:s19], $0x3000  }
0xed: {  	[sflag:s19] =	ssyncset.done $0x0  }
0xee: {  	s9 =	simm.s32 @!p0 $0x8;
	[sflag:s19] =	ssyncadd.s32 $0xFFFFD000  }
0xef: {  	_ =	swait.ge @!p0 [sflag:s9], $0x80  }
0xf0: {  	[sflag:s9] =	ssyncset.done @!p0 $0x0  }
0xf1: {  	[sflag:s9] =	ssyncadd.s32 @!p0 $0xFFFFFF80  }
0xf2: {  	_ =	swait.ge @!p0 [sflag:s9], $0x80  }
0xf3: {  	[sflag:s9] =	ssyncset.done @!p0 $0x0  }
0xf4: {  	[sflag:s9] =	ssyncadd.s32 @!p0 $0xFFFFFF80;
	s9 =	simm.s32 @!p0 $0x3800  }
0xf5: {  	[tilespmem:s9], [sflag:$0x2] =	stream.indirect.gather @!p0 [hbm4b:s6+s20], $0x80, s10, s20, $0xb8;
	v63 =	vld [tilespmem:$0x0]  }
0xf6: {  	s9 =	sadd.s32 $0xFFFFFC00, s22;
	s10 =	sand.u32 @!p0 $0x1FC00, s22  }
0xf7: {  	s10 =	sadd.s32 @!p0 s7, s10;
	s9 =	sand.u32 @!p0 $0x300, s9  }
0xf8: {  	s9 =	sor.u32 @!p0 s9, s10  }
0xf9: {  	s9 =	sshrl.u32 @!p0 s9, $0x3  }
0xfa: {  	s20 =	simm.s32 @!p0 $0x100;
	s10 =	sadd.s32 @!p0 s1, s9  }
0xfb: {  	[tilespmem:s20], [sflag:$0x9] =	stream.linear.gather @!p0 [hbm4b:s10+s23], $0x80, $0x38;
	v63 =	vld [tilespmem:$0x0]  }
0xfc: {  	s9 =	sadd.s32 @!p0 s3, s9;
	s10 =	simm.s32 @!p0 $0x500  }
0xfd: {  	[tilespmem:s10], [sflag:$0x9] =	stream.linear.gather @!p0 [hbm4b:s9+s23], $0x80, $0x38;
	v63 =	vld [tilespmem:$0x0]  }
0xfe: {  	v2 =	vld [tilespmem:$0x680];
	_ =	sdelay $0x7  }
0xff: {  	[tilespmem:v2+s11+$0x0] =	vst.idx.add.f32.msk $0xffff, v1  }
0x100: {  	v2 =	vld [tilespmem:$0x690];
	_ =	sdelay $0x7  }
0x101: {  	[tilespmem:v2+s11+$0x0] =	vst.idx.add.f32.msk $0xffff, v1  }
0x102: {  	v2 =	vld [tilespmem:$0x6A0];
	_ =	sdelay $0x7  }
0x103: {  	[tilespmem:v2+s11+$0x0] =	vst.idx.add.f32.msk $0xffff, v1  }
0x104: {  	v2 =	vld [tilespmem:$0x6B0];
	_ =	sdelay $0x7  }
0x105: {  	[tilespmem:v2+s11+$0x0] =	vst.idx.add.f32.msk $0xffff, v1  }
0x106: {  	v2 =	vld [tilespmem:$0x6C0];
	_ =	sdelay $0x7  }
0x107: {  	[tilespmem:v2+s11+$0x0] =	vst.idx.add.f32.msk $0xffff, v1  }
0x108: {  	v2 =	vld [tilespmem:$0x6D0];
	_ =	sdelay $0x1  }
0x109: {  	s22 =	sadd.s32 $0x300, s22  }
0x10a: {  	p0 =	sne.s32 s22, $0x6D00  }
.Ltmp1:
0x10b: {  	_ = 	snop;
	(pc) =	sbr.rel @p0 .LBB2_4-.Ltmp1, $2  }
0x10c: {  	_ =	sdelay $0x2  }
0x10d: {  	s20 =	simm.s32 $0x400;
	[tilespmem:v2+s11+$0x0] =	vst.idx.add.f32.msk $0xffff, v1  }
0x10e: {  	_ =	swait.ge [sflag:s30], $0x3000  }
0x10f: {  	s24 =	simm.s32 $0x80;
	[sflag:s30] =	ssyncset.done $0x0  }
0x110: {  	s22 =	simm.s32 $0xD;
	s9 =	rddreg [dreg:$0xe];
	[sflag:s30] =	ssyncadd.s32 $0xFFFFD000  }
0x111: {  	[hbm4b:s9+s24] =	stream.strided.scatter [tilespmem:s11], [sflag:$0xD], $0x2800, s20, s24, $0x38;
	v63 =	vld [tilespmem:$0x0]  }
0x112: {  	_ =	swait.ge [sflag:s22], $0x2800  }
0x113: {  	[sflag:s22] =	ssyncset.done $0x0  }
0x114: {  	[sflag:s22] =	ssyncadd.s32 $0xFFFFD800  }
0x115: {  	[bflag:$0x0] =	sbarrier.arrive $0xFFFF  }
0x116: {  	s10 =	rddreg [dreg:$0xd]  }
0x117: {  	s23 =	rddreg [dreg:$0xf]  }
0x118: {  	s15 =	rddreg [dreg:$0x12]  }
0x119: {  	[hbm:s23], [sflag:s10] =	dma.local [spmem:s15], $0x2800  }
0x11a: {  	_ =	swait.ge [sflag:s22], $0x2800  }
0x11b: {  	s9 =	rddreg [dreg:$0x11]  }
0x11c: {  	[sflag:s22] =	ssyncset.done $0x0;
	s22 =	rddreg [dreg:$0x10];
	s15 =	sadd.s32 $0x1, s9  }
0x11d: {  	p0 =	sne.s32 s15, s22  }
.Ltmp2:
0x11e: {  	_ = 	snop;
	(pc) =	sbr.rel @p0 .LBB2_1-.Ltmp2, $3  }
0x11f: {  	_ =	sdelay $0x1  }
0x120: {  	s23 =	simm.s32 $0xD  }
0x121: {  	[sflag:s23] =	ssyncadd.s32 $0xFFFFD800;
	s23 =	simm.s32 $0x100;
	s22 =	simm.s32 $0x480  }
0x122: {  	_ =	sfence.sel $0x180000  }
0x123: {  	[bflag:$0x0] =	sbarrier.arrive $0xFFFF  }
0x124: {  	_ =	strace $0x90000047  }
0x125: {  	s0 =	stileid.u32;
	[bflag:$0x2] =	sbarrier.arrive $0xFFFF  }
0x126: {  	p0 =	sne.s32 s0, $0x0;
	s0 =	rddreg [dreg:$0x4]  }
0x127: {  	s0 =	sadd.s32 @!p0 $0x100000, s0  }
0x128: {  	[sflag:s0] =	ssyncadd.tile.s32 @!p0 $0x1;
	_ =	shalt  }
.Lfunc_end2:
_tile_overlayer_lowered:
.L_overlay_start_2:
0x129: {  	(tag) =	ssettag $0x2  }
0x12a: {  	s0 =	rddreg [dreg:$0x0];
	s2 =	stileid.u32  }
0x12b: {  	s1 =	rddreg [dreg:$0x1];
	p0 =	sne.s32 s2, $0x0  }
0x12c: {  	s3 =	rddreg [dreg:$0x2];
	[bflag:$0x3] =	sbarrier.arrive $0xFFFF;
	s2 =	simm.s32 @!p0 $0x1C0D  }
0x12d: {  	[timem:s3], [sflag:s2] =	dma.local @!p0 [hbm:s0], s1  }
0x12e: {  	s0 =	simm.s32 @!p0 $0xD  }
0x12f: {  	_ =	swait.ge @!p0 [sflag:s0], s1  }
0x130: {  	s1 =	ssub.s32 @!p0 $0x0, s1;
	[sflag:s0] =	ssyncset.done @!p0 $0x0  }
0x131: {  	[sflag:s0] =	ssyncadd.s32 @!p0 s1  }
0x132: {  	[bflag:$0x3] =	sbarrier.arrive $0xFFFF  }
0x133: {  	_ =	shalt  }

// kernel: kernel.9.cloned.1.call-start
scs
__scs_entry_jumppad:
0x0: {  	(pc) =	sbr.rel $0x88, $3  }
0x1: {  	(tag) =	ssettag $0x0;
	lr =	simm.s32 $0x1  }
0x2: {  	[smem:$0x3F91] =	sst lr;
	_ =	strace $0xD0000000  }
0x3: {  	_ = 	snop  }
0x4: {  	_ = 	snop  }
0x5: {  	_ = 	snop  }
0x6: {  	_ = 	snop  }
0x7: {  	_ = 	snop  }
__scs_overlays_trampoline_lowered:
0x8: {  	[smem:$0x3FA0] =	sst s0  }
0x9: {  	[smem:$0x3FA1] =	sst s1  }
0xa: {  	[smem:$0x3FA2] =	sst s2  }
0xb: {  	[smem:$0x3FA3] =	sst s3  }
0xc: {  	[smem:$0x3FA4] =	sst s4  }
0xd: {  	[smem:$0x3FA5] =	sst s5  }
0xe: {  	[smem:$0x3FA6] =	sst s6  }
0xf: {  	[smem:$0x3FA7] =	sst s7  }
0x10: {  	[smem:$0x3FA8] =	sst s8  }
0x11: {  	[smem:$0x3FA9] =	sst s9;
	s0 =	simm.s32 @!p0 $0x0  }
0x12: {  	s1 =	sld [smem:$0x3F8F];
	s0 =	simm.s32 @p0 $0x1  }
0x13: {  	[smem:$0x3FAA] =	sst s0;
	s0 =	simm.s32 @!p1 $0x0  }
0x14: {  	s2 =	sld [smem:$0x3F8E];
	s0 =	simm.s32 @p1 $0x1  }
0x15: {  	[smem:$0x3FAB] =	sst s0;
	s0 =	simm.s32 @!p2 $0x0  }
0x16: {  	s3 =	sld [smem:$0x3FDB];
	s0 =	simm.s32 @p2 $0x1  }
0x17: {  	s4 =	simm.s32 $0x1BF5;
	[smem:$0x3FAD] =	sst s0  }
0x18: {  	s0 =	sld [smem:$0x3F90];
	_ =	swait.ge [sflag:s4], $0x0  }
0x19: {  	s7 =	sld [smem:$0x3F91]  }
0x1a: {  	s8 =	sadd.s32 $0xFFFFE003, lr  }
0x1b: {  	s9 =	sadd.s32 $0xFFFFFEF7, lr;
	s5 =	simm.s32 $0xFFFFFFFF;
	p2 =	slt.u32 s8, $0xFFFFF086  }
0x1c: {  	p1 =	slt.u32 s9, $0xF7A;
	s5 =	simm.s32 @!p2 $0x0  }
0x1d: {  	s5 =	simm.s32 @p1 $0x1;
	p0 =	seq.s32 s7, s2  }
0x1e: {  	s7 =	smul.u32 @!p0 $0xF7A, s2;
	p2 =	seq.s32 @!p0 s5, $0x0  }
0x1f: {  	s9 =	smul.u32 $0xF7A, s1;
	s8 =	simm.s32 @!p0 $0x1BF5;
	p2 =	por !p2, p0  }
0x20: {  	[sflag:s8] =	ssyncset.s32 @!p0 $0xFFFFF086;
	s6 =	sadd.s32 @!p0 s3, s7;
	s7 =	simm.s32 @!p0 $0x108  }
0x21: {  	s3 =	sadd.s32 s3, s9;
	s6 =	sadd.s32 @!p0 $0x88, s6;
	s7 =	simm.s32 @p2 $0x1082  }
0x22: {  	[simem:s7], [sflag:s8] =	dma.local @!p0 [hbm:s6], $0xF7A  }
0x23: {  	s9 =	sor.u32 $0xD0000000, s2;
	s6 =	simm.s32 $0x108;
	_ =	swait.ge @!p0 [sflag:s8], $0x0  }
0x24: {  	s3 =	sadd.s32 $0x88, s3;
	s6 =	simm.s32 @!p1 $0x1082;
	[sflag:s4] =	ssyncset.s32 $0xFFFFF086  }
0x25: {  	[simem:s6], [sflag:s4] =	dma.local [hbm:s3], $0xF7A  }
0x26: {  	[smem:$0x3F91] =	sst s1;
	(tag) =	ssettag s2;
	_ =	strace s9  }
0x27: {  	s1 =	sld [smem:$0x3FA1]  }
0x28: {  	s2 =	sld [smem:$0x3FA2]  }
0x29: {  	s4 =	sld [smem:$0x3FA4]  }
0x2a: {  	p0 =	seq.s32 s5, $0x0;
	s5 =	sld [smem:$0x3FA5]  }
0x2b: {  	s6 =	sld [smem:$0x3FA6]  }
0x2c: {  	s7 =	sld [smem:$0x3FA7]  }
0x2d: {  	s3 =	simm.s32 $0x108;
	s8 =	sld [smem:$0x3FA8]  }
0x2e: {  	s3 =	simm.s32 @!p0 $0x1082;
	s9 =	sld [smem:$0x3FA9]  }
0x2f: {  	lr =	sadd.s32 s0, s3;
	s0 =	sld [smem:$0x3FA0]  }
0x30: {  	s3 =	sld [smem:$0x3FA3]  }
0x31: {  	[smem:$0x3FAC] =	sst s10  }
0x32: {  	s10 =	sld [smem:$0x3FAA];
	_ =	sdelay $0x3  }
0x33: {  	p0 =	seq.s32 s10, $0x1;
	s10 =	sld [smem:$0x3FAC];
	_ =	sdelay $0x3  }
0x34: {  	[smem:$0x3FAC] =	sst s10  }
0x35: {  	s10 =	sld [smem:$0x3FAB];
	_ =	sdelay $0x3  }
0x36: {  	p1 =	seq.s32 s10, $0x1;
	s10 =	sld [smem:$0x3FAC];
	_ =	sdelay $0x3  }
0x37: {  	[smem:$0x3FAC] =	sst s10  }
0x38: {  	s10 =	sld [smem:$0x3FAD]  }
0x39: {  	_ = 	snop;
	(pc) =	sbr.ind lr, $3  }
0x3a: {  	_ = 	snop  }
0x3b: {  	_ = 	snop  }
0x3c: {  	p2 =	seq.s32 s10, $0x1;
	s10 =	sld [smem:$0x3FAC]  }
0x3d: {  	_ =	shalt  }
0x3e: {  	_ =	shalt  }
0x3f: {  	_ =	shalt  }
0x40: {  	_ =	shalt  }
0x41: {  	_ =	shalt  }
0x42: {  	_ =	shalt  }
0x43: {  	_ =	shalt  }
0x44: {  	_ =	shalt  }
0x45: {  	_ =	shalt  }
0x46: {  	_ =	shalt  }
0x47: {  	_ =	shalt  }
0x48: {  	_ =	shalt  }
0x49: {  	_ =	shalt  }
0x4a: {  	_ =	shalt  }
0x4b: {  	_ =	shalt  }
0x4c: {  	_ =	shalt  }
0x4d: {  	_ =	shalt  }
0x4e: {  	_ =	shalt  }
0x4f: {  	_ =	shalt  }
0x50: {  	_ =	shalt  }
0x51: {  	_ =	shalt  }
0x52: {  	_ =	shalt  }
0x53: {  	_ =	shalt  }
0x54: {  	_ =	shalt  }
0x55: {  	_ =	shalt  }
0x56: {  	_ =	shalt  }
0x57: {  	_ =	shalt  }
0x58: {  	_ =	shalt  }
0x59: {  	_ =	shalt  }
0x5a: {  	_ =	shalt  }
0x5b: {  	_ =	shalt  }
0x5c: {  	_ =	shalt  }
0x5d: {  	_ =	shalt  }
0x5e: {  	_ =	shalt  }
0x5f: {  	_ =	shalt  }
0x60: {  	_ =	shalt  }
0x61: {  	_ =	shalt  }
0x62: {  	_ =	shalt  }
0x63: {  	_ =	shalt  }
0x64: {  	_ =	shalt  }
0x65: {  	_ =	shalt  }
0x66: {  	_ =	shalt  }
0x67: {  	_ =	shalt  }
0x68: {  	_ =	shalt  }
0x69: {  	_ =	shalt  }
0x6a: {  	_ =	shalt  }
0x6b: {  	_ =	shalt  }
0x6c: {  	_ =	shalt  }
0x6d: {  	_ =	shalt  }
0x6e: {  	_ =	shalt  }
0x6f: {  	_ =	shalt  }
0x70: {  	_ =	shalt  }
0x71: {  	_ =	shalt  }
0x72: {  	_ =	shalt  }
0x73: {  	_ =	shalt  }
0x74: {  	_ =	shalt  }
0x75: {  	_ =	shalt  }
0x76: {  	_ =	shalt  }
0x77: {  	_ =	shalt  }
0x78: {  	_ =	shalt  }
0x79: {  	_ =	shalt  }
0x7a: {  	_ =	shalt  }
0x7b: {  	_ =	shalt  }
0x7c: {  	_ =	shalt  }
0x7d: {  	_ =	shalt  }
0x7e: {  	_ =	shalt  }
0x7f: {  	_ =	shalt  }
0x80: {  	_ =	shalt  }
0x81: {  	_ =	shalt  }
0x82: {  	_ =	shalt  }
0x83: {  	_ =	shalt  }
0x84: {  	_ =	shalt  }
0x85: {  	_ =	shalt  }
0x86: {  	_ =	shalt  }
0x87: {  	_ =	shalt  }
.Lfunc_end0:
.L_simem_size_0:
called_computation.1_lowered:
.L_overlay_start_0:
0x88: {  	s2 =	sld [smem:$0x3FD9]  }
0x89: {  	s3 =	sld [smem:$0x3FFE];
	_ =	sdelay $0x1  }
0x8a: {  	s1 =	srdreg.scid  }
0x8b: {  	s0 =	sand.u32 $0x1, s1  }
0x8c: {  	s14 =	sshll.u32 s0, $0xA;
	s2 =	sadd.s32 s3, s2  }
0x8d: {  	s2 =	sadd.s32 s2, s14  }
0x8e: {  	[smem:$0x3FB8] =	sst s2  }
0x8f: {  	_ = 	snop  }
0x90: {  	s2 =	sld [smem:$0x3FD0];
	_ =	sdelay $0x2  }
0x91: {  	s15 =	simm.s32 $0xA;
	s4 =	simm.s32 $0x10  }
0x92: {  	[smem:s4], [sflag:s15] =	dma.local [hbm:s2], $0x1  }
0x93: {  	_ =	swait.eq [sflag:s15], $0x1  }
0x94: {  	[sflag:s15] =	ssyncset.done $0x0  }
0x95: {  	s16 =	sld [smem:$0x10];
	[sflag:s15] =	ssyncadd.s32 $0xFFFFFFFF  }
0x96: {  	s17 =	sld [smem:$0x11];
	(tm) =	ssettm $0x1  }
0x97: {  	s18 =	sld [smem:$0x3FFB];
	_ =	sdelay $0x3  }
0x98: {  	_ =	strace s18  }
0x99: {  	s4 =	sld [smem:$0x3FFC];
	_ =	sdelay $0x3  }
0x9a: {  	_ =	strace s4  }
0x9b: {  	s4 =	sld [smem:$0x3FFD];
	_ =	sdelay $0x3  }
0x9c: {  	_ =	strace s4  }
0x9d: {  	_ =	strace $0x8FFFFFFF  }
0x9e: {  	s19 =	sld [smem:$0x3FDB];
	_ =	sdelay $0x1  }
0x9f: {  	s5 =	simm.s32 $_scs_section_size  }
0xa0: {  	s6 =	simm.s32 $_size__tile_overlayer_lowered;
	s7 =	simm.s32 $_tile_overlayer_lowered  }
0xa1: {  	s22 =	simm.s32 $0x1BFF;
	s21 =	sshll.u32 s7, $0x1;
	s4 =	sadd.s32 s5, s19  }
0xa2: {  	s8 =	simm.s32 $0x0;
	s20 =	sshll.u32 s6, $0x1;
	s6 =	sadd.s32 s21, s4  }
0xa3: {  	[timem:s8], [sflag:s22] =	dma.local [hbm:s6], s20  }
0xa4: {  	_ =	swait.ge [sflag:s22], s20  }
0xa5: {  	s5 =	ssub.s32 $0x0, s20;
	[sflag:s22] =	ssyncset.done $0x0  }
0xa6: {  	[sflag:s22] =	ssyncadd.s32 s5;
	_ =	sdelay $0x1  }
0xa7: {  	s23 =	simm.s32 $0x1B8B  }
0xa8: {  	_ =	swait.ge [sflag:s23], $0x1  }
0xa9: {  	[sflag:s23] =	ssyncset.done $0x0  }
0xaa: {  	s25 =	simm.s32 $0x1B8E;
	s24 =	sld [smem:$0x3FFE];
	[sflag:s23] =	ssyncadd.s32 $0xFFFFFFFF  }
0xab: {  	s26 =	simm.s32 $execute0_lowered;
	[smem:$0x3FD2] =	sst s25  }
0xac: {  	s6 =	sshll.u32 s26, $0x1;
	_ =	strace $0x80000049;
	[dreg:$0x1] =	wrdreg $0xFFFFFFFF  }
0xad: {  	s28 =	simm.s32 $_size_execute0_lowered;
	s4 =	sadd.s32 s4, s6;
	[dreg:$0x0] =	wrdreg $0x0  }
0xae: {  	s6 =	sshll.u32 s28, $0x1;
	[dreg:$0x2] =	wrdreg s4  }
0xaf: {  	[dreg:$0x3] =	wrdreg s6  }
0xb0: {  	[dreg:$0x4] =	wrdreg $0xC0  }
0xb1: {  	_ =	task [dreg:s8], $0x5FFFF  }
0xb2: {  	[dreg:$0x1] =	wrdreg $0xFFFFFFFF  }
0xb3: {  	[dreg:$0x0] =	wrdreg $0x60  }
0xb4: {  	[dreg:$0x2] =	wrdreg s24  }
0xb5: {  	[dreg:$0x3] =	wrdreg s16  }
0xb6: {  	[dreg:$0x4] =	wrdreg s17  }
0xb7: {  	[dreg:$0x5] =	wrdreg $0x98000  }
0xb8: {  	[dreg:$0x6] =	wrdreg $0x9  }
0xb9: {  	_ =	task.clear_ibuf [dreg:s8], $0x7FFFF;
	_ =	strace $0x90000049  }
0xba: {  	s29 =	simm.s32 $0x9;
	_ =	strace $0x8000004B  }
0xbb: {  	_ =	swait.ge [sflag:s29], $0x1  }
0xbc: {  	[sflag:s29] =	ssyncadd.s32 $0xFFFFFFFF  }
0xbd: {  	_ =	strace $0x9000004B  }
0xbe: {  	_ =	sfence  }
0xbf: {  	s30 =	sld [smem:$0x0];
	_ =	sdelay $0x2  }
0xc0: {  	s31 =	sshll.u32 s1, $0xD;
	s1 =	sshrl.u32 s1, $0x2  }
0xc1: {  	s3 =	sand.u32 $0x4000, s31;
	s1 =	sadd.s32 s1, s30  }
0xc2: {  	s0 =	sor.u32 s3, s0;
	s1 =	sshll.u32 s1, $0x11  }
0xc3: {  	s0 =	sor.u32 s1, s0  }
0xc4: {  	s0 =	sadd.s32 $0x8F2B, s0  }
0xc5: {  	[sflag:s0] =	ssyncadd.remote.s32 $0x1  }
0xc6: {  	_ =	sfence.sel $0xFFFF  }
0xc7: {  	[dreg:$0x0] =	wrdreg $0xFFFFFFFF;
	(pc) =	sbr.abs _section_cstart, $3  }
0xc8: {  	[dreg:$0x1] =	wrdreg $0xFFFFFFFF  }
0xc9: {  	_ =	task.clear_ibuf [dreg:s8], $0x2FFFF;
	_ =	strace $0x9FFFFFFF  }
0xca: {  	(tm) =	ssettm $0x7FFFFFFF  }
0xcb: {  	_ =	shalt  }
tec
execute0_lowered:
.L_overlay_start_1:
0x0: {  	(tag) =	ssettag $0x1  }
0x1: {  	s0 =	rddreg [dreg:$0x0]  }
0x2: {  	s1 =	rddreg [dreg:$0x1];
	s12 =	stileid.u32  }
0x3: {  	s2 =	srdreg.scid;
	s3 =	rddreg [dreg:$0x2]  }
0x4: {  	s4 =	rddreg [dreg:$0x3];
	s5 =	simm.s32 $0x0;
	s28 =	simm.s32 $0x8  }
0x5: {  	s29 =	simm.s32 $0x3800;
	s30 =	simm.s32 $0x1;
	s7 =	smul.u32 $0x14000, s12  }
0x6: {  	s14 =	simm.s32 $0x400;
	s16 =	simm.s32 $0x3;
	s11 =	smul.u32 $0x6C00, s12  }
0x7: {  	s15 =	simm.s32 $0xB;
	s2 =	sand.u32 $0x1, s2;
	s21 =	smul.u32 $0x50000, s12  }
0x8: {  	[smem:$0x7FF] =	sst s5;
	s6 =	sadd.s32 $0x3A00, s0;
	s8 =	smul.u32 $0x140000, s2  }
0x9: {  	s25 =	sshll.u32 s12, $0x6;
	s12 =	simm.s32 $0xA;
	s9 =	smul.u32 $0x6C000, s2  }
0xa: {  	_ =	strace $0x8000004A;
	s2 =	ssub.s32 $0x2, s2;
	s31 =	sor.u32 $0x1C0D, s25  }
0xb: {  	s25 =	simm.s32 $0x60;
	s10 =	sshrl.u32 s7, $0x3;
	s17 =	sshrl.u32 s2, $0x1  }
0xc: {  	s23 =	sshrl.u32 s21, $0x2;
	[dreg:$0xc] =	wrdreg s31;
	s10 =	sadd.s32 s10, s0  }
0xd: {  	s8 =	sadd.s32 s7, s8;
	s7 =	sadd.s32 s11, s9;
	s2 =	ssub.s32 s2, s17  }
0xe: {  	s9 =	simm.s32 $0x100;
	s17 =	simm.s32 $0x5;
	s8 =	sshrl.u32 s8, $0x3  }
0xf: {  	s11 =	sshrl.u32 s7, $0x3;
	s24 =	sadd.s32 $0x53A00, s10;
	s26 =	smax.u32 s2, $0x1  }
0x10: {  	s2 =	simm.s32 $0x9;
	s10 =	simm.s32 $0x2;
	[dreg:$0xb] =	wrdreg s24  }
0x11: {  	s0 =	sadd.s32 s8, s0;
	s18 =	sadd.s32 s1, s11;
	[dreg:$0xe] =	wrdreg s26  }
0x12: {  	s19 =	sadd.s32 s3, s11;
	s20 =	sor.u32 $0x10, s11;
	[dreg:$0x5] =	wrdreg s18  }
0x13: {  	s22 =	sor.u32 $0x20, s11;
	[dreg:$0x6] =	wrdreg s19;
	s13 =	sadd.s32 s1, s20  }
0x14: {  	s24 =	simm.s32 $0x7;
	s8 =	sadd.s32 s3, s20;
	[dreg:$0x7] =	wrdreg s13  }
0x15: {  	s26 =	simm.s32 $0x800;
	s11 =	sadd.s32 s1, s22;
	[dreg:$0x8] =	wrdreg s8  }
.Ltmp0:
0x16: {  	s0 =	sadd.s32 $0x7BA00, s0;
	[dreg:$0x9] =	wrdreg s11;
	(pc) =	sbr.rel .LBB2_1-.Ltmp0, $4  }
0x17: {  	s18 =	simm.s32 $0x6;
	s8 =	sadd.s32 s3, s22;
	[dreg:$0xd] =	wrdreg s0  }
0x18: {  	s19 =	simm.s32 $0xC;
	[dreg:$0xa] =	wrdreg s8;
	s8 =	sadd.s32 s23, s4  }
0x19: {  	s0 =	simm.s32 $0x6800;
	s11 =	simm.s32 $0x4;
	s13 =	sshrl.u32 s8, $0x3  }
0x1a: {  	s22 =	simm.s32 $0x0;
	s8 =	simm.s32 $0x480;
	[dreg:$0xf] =	wrdreg s13  }
.LBB2_4:
0x1b: {  	_ =	swait.ge [sflag:s10], $0x3000  }
0x1c: {  	[sflag:s10] =	ssyncset.done $0x0  }
0x1d: {  	[sflag:s10] =	ssyncadd.s32 $0xFFFFD000  }
0x1e: {  	[spmem:s4] =	stream.indirect.scatter.add.f32 [tilespmem:s29], [sflag:$0x5], $0x80, s14, s25, $0xb8;
	[tilespmem:$0x1D800] =	vst v63  }
0x1f: {  	_ =	swait.ge [sflag:s11], $0x3000  }
0x20: {  	[sflag:s11] =	ssyncset.done $0x0  }
0x21: {  	[sflag:s11] =	ssyncadd.s32 $0xFFFFD000  }
0x22: {  	_ =	swait.ge [sflag:s16], $0x3000  }
0x23: {  	[sflag:s16] =	ssyncset.done $0x0  }
0x24: {  	[sflag:s16] =	ssyncadd.s32 $0xFFFFD000  }
0x25: {  	[spmem:s4] =	stream.indirect.scatter.add.f32 [tilespmem:s0], [sflag:$0x6], $0x80, s13, s25, $0xb8;
	[tilespmem:$0x1D800] =	vst v63  }
0x26: {  	_ =	swait.ge [sflag:s17], $0x3000  }
0x27: {  	[sflag:s17] =	ssyncset.done $0x0  }
0x28: {  	[sflag:s17] =	ssyncadd.s32 $0xFFFFD000  }
0x29: {  	_ =	swait.ge [sflag:s18], $0x3000  }
0x2a: {  	[sflag:s18] =	ssyncset.done $0x0  }
0x2b: {  	[sflag:s18] =	ssyncadd.s32 $0xFFFFD000  }
0x2c: {  	[bflag:$0x0] =	sbarrier.arrive $0xFFFF  }
0x2d: {  	s31 =	rddreg [dreg:$0xc]  }
0x2e: {  	s20 =	rddreg [dreg:$0xd]  }
0x2f: {  	s21 =	simm.s32 $0xD;
	s13 =	rddreg [dreg:$0xf]  }
0x30: {  	[hbm:s20], [sflag:s31] =	dma.local [spmem:s13], $0x2800  }
0x31: {  	_ =	swait.ge [sflag:s21], $0x2800  }
0x32: {  	s22 =	rddreg [dreg:$0x10]  }
0x33: {  	s23 =	rddreg [dreg:$0xe];
	s22 =	sadd.s32 $0x1, s22  }
0x34: {  	p0 =	sne.s32 s22, s23  }
.Ltmp1:
0x35: {  	_ = 	snop;
	(pc) =	sbr.rel @!p0 .LBB2_5-.Ltmp1, $3  }
0x36: {  	_ =	sdelay $0x1  }
0x37: {  	[sflag:s21] =	ssyncset.done $0x0  }
0x38: {  	s14 =	simm.s32 $0x400;
	[sflag:s21] =	ssyncadd.s32 $0xFFFFD800  }
.LBB2_1:
0x39: {  	[dreg:$0x10] =	wrdreg s22  }
0x3a: {  	s20 =	rddreg [dreg:$0x5]  }
0x3b: {  	[tilespmem:s5], [sflag:$0x7] =	stream.linear.gather [hbm4b:s20+s5], $0x80, $0x38;
	[tilespmem:$0x1D800] =	vst v63  }
0x3c: {  	s23 =	rddreg [dreg:$0x6]  }
0x3d: {  	[tilespmem:s14], [sflag:$0x7] =	stream.linear.gather [hbm4b:s23+s5], $0x80, $0x38;
	[tilespmem:$0x1D800] =	vst v63  }
0x3e: {  	s21 =	rddreg [dreg:$0x7];
	s14 =	simm.s32 $0x80  }
0x3f: {  	[tilespmem:s14], [sflag:$0x8] =	stream.linear.gather [hbm4b:s21+s5], $0x80, $0x38;
	[tilespmem:$0x1D800] =	vst v63  }
0x40: {  	s22 =	rddreg [dreg:$0x8]  }
0x41: {  	[tilespmem:s8], [sflag:$0x8] =	stream.linear.gather [hbm4b:s22+s5], $0x80, $0x38;
	[tilespmem:$0x1D800] =	vst v63  }
0x42: {  	s23 =	rddreg [dreg:$0x9]  }
0x43: {  	[tilespmem:s9], [sflag:$0x9] =	stream.linear.gather [hbm4b:s23+s5], $0x80, $0x38;
	[tilespmem:$0x1D800] =	vst v63  }
0x44: {  	s20 =	rddreg [dreg:$0xa];
	s21 =	smov.u32 s13;
	s13 =	simm.s32 $0x500  }
0x45: {  	[tilespmem:s13], [sflag:$0x9] =	stream.linear.gather [hbm4b:s20+s5], $0x80, $0x38;
	[tilespmem:$0x1D800] =	vst v63  }
0x46: {  	s23 =	simm.s32 $0xD;
	s13 =	rddreg [dreg:$0xb]  }
0x47: {  	[spmem:s21], [sflag:s31] =	dma.local [hbm:s13], $0x2800  }
0x48: {  	_ =	swait.ge [sflag:s23], $0x2800  }
0x49: {  	[sflag:s23] =	ssyncset.done $0x0  }
0x4a: {  	[sflag:s23] =	ssyncadd.s32 $0xFFFFD800  }
0x4b: {  	_ =	swait.ge [sflag:s24], $0x80  }
0x4c: {  	[sflag:s24] =	ssyncset.done $0x0  }
0x4d: {  	[sflag:s24] =	ssyncadd.s32 $0xFFFFFF80  }
0x4e: {  	_ =	swait.ge [sflag:s24], $0x80  }
0x4f: {  	[sflag:s24] =	ssyncset.done $0x0  }
0x50: {  	[sflag:s24] =	ssyncadd.s32 $0xFFFFFF80  }
0x51: {  	[tilespmem:s26], [sflag:$0x1] =	stream.indirect.gather [hbm4b:s6+s25], $0x80, s5, s25, $0xb8;
	[tilespmem:$0x1D800] =	vst v63  }
0x52: {  	_ =	swait.ge [sflag:s28], $0x80  }
0x53: {  	[sflag:s28] =	ssyncset.done $0x0  }
0x54: {  	[sflag:s28] =	ssyncadd.s32 $0xFFFFFF80  }
0x55: {  	_ =	swait.ge [sflag:s28], $0x80  }
0x56: {  	[sflag:s28] =	ssyncset.done $0x0  }
0x57: {  	s22 =	simm.s32 $0x400;
	s20 =	simm.s32 $0x400;
	[sflag:s28] =	ssyncadd.s32 $0xFFFFFF80  }
0x58: {  	[tilespmem:s29], [sflag:$0x2] =	stream.indirect.gather [hbm4b:s6+s25], $0x80, s14, s25, $0xb8;
	[tilespmem:$0x1D800] =	vst v63  }
0x59: {  	s13 =	simm.s32 $0x680;
	s14 =	simm.s32 $0x600;
	[bflag:$0x0] =	sbarrier.arrive $0xFFFF  }
.LBB2_2:
0x5a: {  	_ =	swait.ge [sflag:s30], $0x3000  }
0x5b: {  	p0 =	seq.s32 s20, $0x400;
	[sflag:s30] =	ssyncset.done $0x0  }
0x5c: {  	s21 =	simm.s32 @!p0 $0x6;
	[sflag:s30] =	ssyncadd.s32 $0xFFFFD000  }
0x5d: {  	[spmem:s4] =	stream.indirect.scatter.add.f32 [tilespmem:s26], [sflag:$0x4], $0x80, s22, s25, $0xb8;
	[tilespmem:$0x1D800] =	vst v63  }
0x5e: {  	_ =	swait.ge @!p0 [sflag:s21], $0x3000  }
0x5f: {  	[sflag:s21] =	ssyncset.done @!p0 $0x0  }
0x60: {  	[sflag:s21] =	ssyncadd.s32 @!p0 $0xFFFFD000  }
0x61: {  	_ =	swait.ge [sflag:s2], $0x80  }
0x62: {  	s22 =	sadd.s32 $0xFFFFFD80, s20;
	[sflag:s2] =	ssyncset.done $0x0  }
0x63: {  	s31 =	sand.u32 $0x1FC00, s22;
	[sflag:s2] =	ssyncadd.s32 $0xFFFFFF80  }
0x64: {  	s31 =	sadd.s32 s7, s31;
	s21 =	sand.u32 $0x380, s22;
	_ =	swait.ge [sflag:s2], $0x80  }
0x65: {  	s21 =	sor.u32 s21, s31;
	[sflag:s2] =	ssyncset.done $0x0  }
0x66: {  	s21 =	sshrl.u32 s21, $0x3;
	[sflag:s2] =	ssyncadd.s32 $0xFFFFFF80  }
0x67: {  	[tilespmem:s0], [sflag:$0x3] =	stream.indirect.gather [hbm4b:s6+s25], $0x80, s9, s25, $0xb8;
	[tilespmem:$0x1D800] =	vst v63  }
0x68: {  	s22 =	simm.s32 $0x180;
	s23 =	sadd.s32 s1, s21  }
0x69: {  	[tilespmem:s22], [sflag:$0xA] =	stream.linear.gather [hbm4b:s23+s5], $0x80, $0x38;
	[tilespmem:$0x1D800] =	vst v63  }
0x6a: {  	s21 =	sadd.s32 s3, s21;
	s23 =	simm.s32 $0x580  }
0x6b: {  	[tilespmem:s23], [sflag:$0xA] =	stream.linear.gather [hbm4b:s21+s5], $0x80, $0x38;
	[tilespmem:$0x1D800] =	vst v63  }
0x6c: {  	_ =	swait.ge [sflag:s10], $0x3000  }
0x6d: {  	[sflag:s10] =	ssyncset.done $0x0  }
0x6e: {  	[sflag:s10] =	ssyncadd.s32 $0xFFFFD000  }
0x6f: {  	[spmem:s4] =	stream.indirect.scatter.add.f32 [tilespmem:s29], [sflag:$0x5], $0x80, s8, s25, $0xb8;
	[tilespmem:$0x1D800] =	vst v63  }
0x70: {  	_ =	swait.ge [sflag:s11], $0x3000  }
0x71: {  	[sflag:s11] =	ssyncset.done $0x0  }
0x72: {  	[sflag:s11] =	ssyncadd.s32 $0xFFFFD000  }
0x73: {  	_ =	swait.ge [sflag:s12], $0x80  }
0x74: {  	[sflag:s12] =	ssyncset.done $0x0  }
0x75: {  	[sflag:s12] =	ssyncadd.s32 $0xFFFFFF80  }
0x76: {  	_ =	swait.ge [sflag:s12], $0x80  }
0x77: {  	[sflag:s12] =	ssyncset.done $0x0  }
0x78: {  	s21 =	sadd.s32 $0xFFFFFE00, s20;
	[sflag:s12] =	ssyncadd.s32 $0xFFFFFF80  }
0x79: {  	[tilespmem:s26], [sflag:$0x1] =	stream.indirect.gather [hbm4b:s6+s25], $0x80, s22, s25, $0xb8;
	[tilespmem:$0x1D800] =	vst v63  }
0x7a: {  	s22 =	sand.u32 $0x1FC00, s21  }
0x7b: {  	s21 =	sand.u32 $0x300, s21;
	s31 =	sadd.s32 s7, s22  }
0x7c: {  	s21 =	sor.u32 s21, s31  }
0x7d: {  	s21 =	sshrl.u32 s21, $0x3  }
0x7e: {  	s22 =	simm.s32 $0x200;
	s31 =	sadd.s32 s1, s21  }
0x7f: {  	[tilespmem:s22], [sflag:$0xB] =	stream.linear.gather [hbm4b:s31+s5], $0x80, $0x38;
	[tilespmem:$0x1D800] =	vst v63  }
0x80: {  	s21 =	sadd.s32 s3, s21  }
0x81: {  	[tilespmem:s14], [sflag:$0xB] =	stream.linear.gather [hbm4b:s21+s5], $0x80, $0x38;
	[tilespmem:$0x1D800] =	vst v63  }
0x82: {  	_ =	swait.ge [sflag:s16], $0x3000  }
0x83: {  	[sflag:s16] =	ssyncset.done $0x0  }
0x84: {  	s31 =	simm.s32 $0x500;
	[sflag:s16] =	ssyncadd.s32 $0xFFFFD000  }
0x85: {  	[spmem:s4] =	stream.indirect.scatter.add.f32 [tilespmem:s0], [sflag:$0x6], $0x80, s31, s25, $0xb8;
	[tilespmem:$0x1D800] =	vst v63  }
0x86: {  	_ =	swait.ge [sflag:s17], $0x3000  }
0x87: {  	[sflag:s17] =	ssyncset.done $0x0  }
0x88: {  	[sflag:s17] =	ssyncadd.s32 $0xFFFFD000  }
0x89: {  	_ =	swait.ge [sflag:s15], $0x80  }
0x8a: {  	[sflag:s15] =	ssyncset.done $0x0  }
0x8b: {  	[sflag:s15] =	ssyncadd.s32 $0xFFFFFF80  }
0x8c: {  	_ =	swait.ge [sflag:s15], $0x80  }
0x8d: {  	[sflag:s15] =	ssyncset.done $0x0  }
0x8e: {  	s21 =	sadd.s32 $0xFFFFFE80, s20;
	[sflag:s15] =	ssyncadd.s32 $0xFFFFFF80  }
0x8f: {  	[tilespmem:s29], [sflag:$0x2] =	stream.indirect.gather [hbm4b:s6+s25], $0x80, s22, s25, $0xb8;
	[tilespmem:$0x1D800] =	vst v63  }
0x90: {  	s22 =	sand.u32 $0x1FC00, s21  }
0x91: {  	s21 =	sand.u32 $0x380, s21;
	s31 =	sadd.s32 s7, s22  }
0x92: {  	s21 =	sor.u32 s21, s31  }
0x93: {  	s21 =	sshrl.u32 s21, $0x3  }
0x94: {  	s22 =	simm.s32 $0x280;
	s31 =	sadd.s32 s1, s21  }
0x95: {  	[tilespmem:s22], [sflag:$0xC] =	stream.linear.gather [hbm4b:s31+s5], $0x80, $0x38;
	[tilespmem:$0x1D800] =	vst v63  }
0x96: {  	s21 =	sadd.s32 s3, s21  }
0x97: {  	[tilespmem:s13], [sflag:$0xC] =	stream.linear.gather [hbm4b:s21+s5], $0x80, $0x38;
	[tilespmem:$0x1D800] =	vst v63  }
0x98: {  	_ =	swait.ge [sflag:s30], $0x3000  }
0x99: {  	[sflag:s30] =	ssyncset.done $0x0  }
0x9a: {  	[sflag:s30] =	ssyncadd.s32 $0xFFFFD000  }
0x9b: {  	[spmem:s4] =	stream.indirect.scatter.add.f32 [tilespmem:s26], [sflag:$0x4], $0x80, s23, s25, $0xb8;
	[tilespmem:$0x1D800] =	vst v63  }
0x9c: {  	_ =	swait.ge [sflag:s18], $0x3000  }
0x9d: {  	[sflag:s18] =	ssyncset.done $0x0  }
0x9e: {  	[sflag:s18] =	ssyncadd.s32 $0xFFFFD000  }
0x9f: {  	_ =	swait.ge [sflag:s19], $0x80  }
0xa0: {  	p0 =	seq.s32 s20, $0x6A00;
	[sflag:s19] =	ssyncset.done $0x0  }
.Ltmp2:
0xa1: {  	[sflag:s19] =	ssyncadd.s32 $0xFFFFFF80;
	(pc) =	sbr.rel @p0 .LBB2_4-.Ltmp2, $4  }
0xa2: {  	_ =	swait.ge [sflag:s19], $0x80  }
0xa3: {  	[sflag:s19] =	ssyncset.done $0x0  }
0xa4: {  	s13 =	simm.s32 $0x680;
	[sflag:s19] =	ssyncadd.s32 $0xFFFFFF80  }
0xa5: {  	[tilespmem:s0], [sflag:$0x3] =	stream.indirect.gather [hbm4b:s6+s25], $0x80, s22, s25, $0xb8;
	[tilespmem:$0x1D800] =	vst v63  }
0xa6: {  	s21 =	sadd.s32 $0xFFFFFF00, s20  }
0xa7: {  	s31 =	sand.u32 $0x1FC00, s21  }
0xa8: {  	s21 =	sand.u32 $0x300, s21;
	s31 =	sadd.s32 s7, s31  }
0xa9: {  	s21 =	sor.u32 s21, s31  }
0xaa: {  	s21 =	sshrl.u32 s21, $0x3  }
0xab: {  	s23 =	sadd.s32 s1, s21  }
0xac: {  	[tilespmem:s5], [sflag:$0x7] =	stream.linear.gather [hbm4b:s23+s5], $0x80, $0x38;
	[tilespmem:$0x1D800] =	vst v63  }
0xad: {  	s22 =	simm.s32 $0x400;
	s21 =	sadd.s32 s3, s21  }
0xae: {  	[tilespmem:s22], [sflag:$0x7] =	stream.linear.gather [hbm4b:s21+s5], $0x80, $0x38;
	[tilespmem:$0x1D800] =	vst v63  }
0xaf: {  	_ =	swait.ge [sflag:s10], $0x3000  }
0xb0: {  	[sflag:s10] =	ssyncset.done $0x0  }
0xb1: {  	[sflag:s10] =	ssyncadd.s32 $0xFFFFD000  }
0xb2: {  	[spmem:s4] =	stream.indirect.scatter.add.f32 [tilespmem:s29], [sflag:$0x5], $0x80, s14, s25, $0xb8;
	[tilespmem:$0x1D800] =	vst v63  }
0xb3: {  	_ =	swait.ge [sflag:s11], $0x3000  }
0xb4: {  	[sflag:s11] =	ssyncset.done $0x0  }
0xb5: {  	[sflag:s11] =	ssyncadd.s32 $0xFFFFD000  }
0xb6: {  	_ =	swait.ge [sflag:s24], $0x80  }
0xb7: {  	s8 =	sadd.s32 $0xFFFFFF80, s20;
	[sflag:s24] =	ssyncset.done $0x0  }
0xb8: {  	s9 =	sand.u32 $0x1FC00, s8;
	[sflag:s24] =	ssyncadd.s32 $0xFFFFFF80  }
0xb9: {  	s31 =	sadd.s32 s7, s9;
	s21 =	sand.u32 $0x380, s8;
	_ =	swait.ge [sflag:s24], $0x80  }
0xba: {  	s21 =	sor.u32 s21, s31;
	[sflag:s24] =	ssyncset.done $0x0  }
0xbb: {  	s21 =	sshrl.u32 s21, $0x3;
	[sflag:s24] =	ssyncadd.s32 $0xFFFFFF80  }
0xbc: {  	[tilespmem:s26], [sflag:$0x1] =	stream.indirect.gather [hbm4b:s6+s25], $0x80, s5, s25, $0xb8;
	[tilespmem:$0x1D800] =	vst v63  }
0xbd: {  	s8 =	simm.s32 $0x80;
	s23 =	sadd.s32 s1, s21  }
0xbe: {  	[tilespmem:s8], [sflag:$0x8] =	stream.linear.gather [hbm4b:s23+s5], $0x80, $0x38;
	[tilespmem:$0x1D800] =	vst v63  }
0xbf: {  	s9 =	simm.s32 $0x480;
	s21 =	sadd.s32 s3, s21  }
0xc0: {  	[tilespmem:s9], [sflag:$0x8] =	stream.linear.gather [hbm4b:s21+s5], $0x80, $0x38;
	[tilespmem:$0x1D800] =	vst v63  }
0xc1: {  	_ =	swait.ge [sflag:s16], $0x3000  }
0xc2: {  	[sflag:s16] =	ssyncset.done $0x0  }
0xc3: {  	s13 =	simm.s32 $0x680;
	[sflag:s16] =	ssyncadd.s32 $0xFFFFD000  }
0xc4: {  	[spmem:s4] =	stream.indirect.scatter.add.f32 [tilespmem:s0], [sflag:$0x6], $0x80, s13, s25, $0xb8;
	[tilespmem:$0x1D800] =	vst v63  }
0xc5: {  	_ =	swait.ge [sflag:s17], $0x3000  }
0xc6: {  	[sflag:s17] =	ssyncset.done $0x0  }
0xc7: {  	[sflag:s17] =	ssyncadd.s32 $0xFFFFD000  }
0xc8: {  	_ =	swait.ge [sflag:s28], $0x80  }
0xc9: {  	[sflag:s28] =	ssyncset.done $0x0  }
0xca: {  	[sflag:s28] =	ssyncadd.s32 $0xFFFFFF80  }
0xcb: {  	s23 =	sand.u32 $0x1FC00, s20;
	s21 =	sadd.s32 $0xFFFFFC00, s20;
	_ =	swait.ge [sflag:s28], $0x80  }
0xcc: {  	s31 =	sadd.s32 s7, s23;
	s21 =	sand.u32 $0x300, s21;
	[sflag:s28] =	ssyncset.done $0x0  }
0xcd: {  	s21 =	sor.u32 s21, s31;
	[sflag:s28] =	ssyncadd.s32 $0xFFFFFF80  }
0xce: {  	[tilespmem:s29], [sflag:$0x2] =	stream.indirect.gather [hbm4b:s6+s25], $0x80, s8, s25, $0xb8;
	[tilespmem:$0x1D800] =	vst v63  }
.Ltmp3:
0xcf: {  	s21 =	sshrl.u32 s21, $0x3;
	(pc) =	sbr.rel .LBB2_2-.Ltmp3, $4  }
0xd0: {  	s9 =	simm.s32 $0x100;
	s20 =	sadd.s32 $0x300, s20;
	s23 =	sadd.s32 s1, s21  }
0xd1: {  	[tilespmem:s9], [sflag:$0x9] =	stream.linear.gather [hbm4b:s23+s5], $0x80, $0x38;
	[tilespmem:$0x1D800] =	vst v63  }
0xd2: {  	s21 =	sadd.s32 s3, s21;
	s8 =	simm.s32 $0x480;
	s23 =	simm.s32 $0x500  }
0xd3: {  	[tilespmem:s23], [sflag:$0x9] =	stream.linear.gather [hbm4b:s21+s5], $0x80, $0x38;
	[tilespmem:$0x1D800] =	vst v63  }
.LBB2_5:
0xd4: {  	_ =	sfence.sel $0x180000  }
0xd5: {  	[bflag:$0x0] =	sbarrier.arrive $0xFFFF  }
0xd6: {  	_ =	strace $0x9000004A  }
0xd7: {  	s0 =	stileid.u32;
	[bflag:$0x2] =	sbarrier.arrive $0xFFFF  }
0xd8: {  	p0 =	sne.s32 s0, $0x0;
	s0 =	rddreg [dreg:$0x4]  }
0xd9: {  	s0 =	sadd.s32 @!p0 $0x100000, s0  }
0xda: {  	[sflag:s0] =	ssyncadd.tile.s32 @!p0 $0x1;
	_ =	shalt  }
.Lfunc_end2:
_tile_overlayer_lowered:
.L_overlay_start_2:
0xdb: {  	(tag) =	ssettag $0x2  }
0xdc: {  	s0 =	rddreg [dreg:$0x0];
	s2 =	stileid.u32  }
0xdd: {  	s1 =	rddreg [dreg:$0x1];
	p0 =	sne.s32 s2, $0x0  }
0xde: {  	s3 =	rddreg [dreg:$0x2];
	[bflag:$0x3] =	sbarrier.arrive $0xFFFF;
	s2 =	simm.s32 @!p0 $0x1C0D  }
0xdf: {  	[timem:s3], [sflag:s2] =	dma.local @!p0 [hbm:s0], s1  }
0xe0: {  	s0 =	simm.s32 @!p0 $0xD  }
0xe1: {  	_ =	swait.ge @!p0 [sflag:s0], s1  }
0xe2: {  	s1 =	ssub.s32 @!p0 $0x0, s1;
	[sflag:s0] =	ssyncset.done @!p0 $0x0  }
0xe3: {  	[sflag:s0] =	ssyncadd.s32 @!p0 s1  }
0xe4: {  	[bflag:$0x3] =	sbarrier.arrive $0xFFFF  }
0xe5: {  	_ =	shalt  }

</sc_bundles>
